<compile_context>
chip_gen: v7x
topology: tpu7x:2x2x1
jax: 0.10.2.dev20260603
libtpu: 0.0.44.dev20260713+nightly
codegen_flags: <defaults>
</compile_context>

<pallas_src>
import functools

import jax
import jax.numpy as jnp
from jax import lax
from jax.experimental import pallas as pl
from jax.experimental.pallas import tpu as pltpu
from jax.experimental.pallas import tpu_sc as plsc

_B = 4096
_F = 26
_K = 64
_FK = _F * _K
_CT = _FK // 128
_NN0 = 1024
_NN1 = 512
_EPS = 1e-5

_NC = 2
_NS = 16
_NW = _NC * _NS
_SLOT = 128
_SPLIT = 2
_BH = _B // _SPLIT
_BPW = _BH // _NW
_NSTEP = _BPW * _F // _SLOT
_SPC = _NSTEP // _CT


def _sc_fm1(xt, emb1):
    mesh = plsc.VectorSubcoreMesh(core_axis_name="c", subcore_axis_name="s")

    @functools.partial(
        pl.kernel,
        out_type=[jax.ShapeDtypeStruct((_BH,), jnp.float32)],
        mesh=mesh,
        compiler_params=pltpu.CompilerParams(use_tc_tiling_on_sc=False),
        scratch_types=[
            pltpu.VMEM((_F, _BPW), jnp.int32),
            pltpu.VMEM((_F, _BPW), jnp.float32),
            pltpu.VMEM((_BPW,), jnp.float32),
            pltpu.SemaphoreType.DMA,
        ],
    )
    def fm1_k(xt_hbm, emb1_hbm, fm1_hbm, idx2_v, e1_v, fm1_v, s_e1):
        w = lax.axis_index("s") * _NC + lax.axis_index("c")
        pltpu.sync_copy(xt_hbm.at[w], idx2_v)

        def e1_fire(j, carry):
            pltpu.async_copy(emb1_hbm.at[idx2_v.at[j]], e1_v.at[j], s_e1)
            return carry

        lax.fori_loop(0, _F, e1_fire, 0)

        def e1_drain(j, carry):
            pltpu.make_async_copy(emb1_hbm.at[idx2_v.at[j]], e1_v.at[j], s_e1).wait()
            return carry

        lax.fori_loop(0, _F, e1_drain, 0)

        for g in range(_BPW // 16):
            acc = e1_v[0, pl.ds(g * 16, 16)]
            for f in range(1, _F):
                acc = acc + e1_v[f, pl.ds(g * 16, 16)]
            fm1_v[pl.ds(g * 16, 16)] = acc
        pltpu.sync_copy(fm1_v, fm1_hbm.at[pl.ds(w * _BPW, _BPW)])

    return fm1_k(xt, emb1)[0]


_NBUF = 4


def _sc_gather(xp, emb2):
    mesh = plsc.VectorSubcoreMesh(core_axis_name="c", subcore_axis_name="s")

    @functools.partial(
        pl.kernel,
        out_type=[jax.ShapeDtypeStruct((_CT, 2 * _BH, _K), jnp.float32)],
        mesh=mesh,
        compiler_params=pltpu.CompilerParams(use_tc_tiling_on_sc=False),
        scratch_types=[
            pltpu.VMEM((_NSTEP, _SLOT), jnp.int32),
        ] + [pltpu.VMEM((_SLOT, _K), jnp.float32)] * _NBUF
          + [pltpu.SemaphoreType.DMA] * (2 * _NBUF),
    )
    def gather_k(xp_hbm, emb2_hbm, nn_hbm, idx_v, *bufs_sems):
        slots = bufs_sems[:_NBUF]
        sin = bufs_sems[_NBUF:2 * _NBUF]
        sout = bufs_sems[2 * _NBUF:3 * _NBUF]
        w = lax.axis_index("s") * _NC + lax.axis_index("c")
        pltpu.sync_copy(xp_hbm.at[w], idx_v)

        def nn_dst(j):
            c = j // _SPC
            return nn_hbm.at[c, pl.ds(w * _SPC * _SLOT + (j % _SPC) * _SLOT, _SLOT)]

        for b in range(_NBUF):
            pltpu.async_copy(emb2_hbm.at[idx_v.at[b]], slots[b], sin[b])

        G = (_NSTEP - _NBUF) // _NBUF

        def step(g, carry):
            for b in range(_NBUF):
                j = g * _NBUF + b
                pltpu.make_async_copy(emb2_hbm.at[idx_v.at[j]], slots[b], sin[b]).wait()
                pltpu.async_copy(slots[b], nn_dst(j), sout[b])
                pltpu.make_async_copy(slots[b], nn_dst(j), sout[b]).wait()
                pltpu.async_copy(emb2_hbm.at[idx_v.at[j + _NBUF]], slots[b], sin[b])
            return carry

        lax.fori_loop(0, G, step, 0)

        for j in range(G * _NBUF, _NSTEP):
            b = j % _NBUF
            pltpu.make_async_copy(emb2_hbm.at[idx_v.at[j]], slots[b], sin[b]).wait()
            pltpu.async_copy(slots[b], nn_dst(j), sout[b])
            pltpu.make_async_copy(slots[b], nn_dst(j), sout[b]).wait()
            if j + _NBUF < _NSTEP:
                pltpu.async_copy(emb2_hbm.at[idx_v.at[j + _NBUF]], slots[b], sin[b])

    return gather_k(xp, emb2)[0]


def _tc_mlp(nn3, fm1, bias, g1, b1, be1, g2, b2, be2, W1b, W2b):
    BT = 512
    grid = (_BH // BT,)
    inv = float((1.0 + _EPS) ** -0.5)

    def mlp_k(nn_ref, fm1_ref, bias_ref, g1_ref, b1_ref, be1_ref,
              g2_ref, b2_ref, be2_ref, W1_ref, W2_ref, out_ref):
        fold = None
        sq = None
        acc = None
        for c in range(_CT):
            slab = nn_ref[c]
            fold = slab if fold is None else fold + slab
            s = jnp.sum(slab * slab, axis=1)
            sq = s if sq is None else sq + s
            p = lax.dot_general(slab.astype(jnp.bfloat16),
                                W1_ref[:, 128 * c:128 * (c + 1)],
                                (((1,), (1,)), ((), ())),
                                preferred_element_type=jnp.float32)
            acc = p if acc is None else acc + p
        sum_f = (lax.slice_in_dim(fold, 0, _K, axis=1)
                 + lax.slice_in_dim(fold, _K, 2 * _K, axis=1))
        fm2 = 0.5 * (jnp.sum(sum_f * sum_f, axis=1) - sq)
        a1 = g1_ref[...] * inv
        c1 = b1_ref[...] * a1 + be1_ref[...]
        h = jnp.maximum(acc * a1 + c1, 0.0)
        a2 = g2_ref[...] * inv
        c2 = b2_ref[...] * a2 + be2_ref[...]
        h = lax.dot_general(h.astype(jnp.bfloat16), W2_ref[...],
                            (((1,), (1,)), ((), ())),
                            preferred_element_type=jnp.float32)
        h = jnp.maximum(h * a2 + c2, 0.0)
        out_ref[...] = fm1_ref[...] + fm2 + jnp.sum(h, axis=1) + bias_ref[0]

    return pl.pallas_call(
        mlp_k,
        grid=grid,
        in_specs=[
            pl.BlockSpec((_CT, BT, 128), lambda i: (0, i, 0)),
            pl.BlockSpec((BT,), lambda i: (i,)),
            pl.BlockSpec(memory_space=pltpu.SMEM),
            pl.BlockSpec((1, _NN0), lambda i: (0, 0)),
            pl.BlockSpec((1, _NN0), lambda i: (0, 0)),
            pl.BlockSpec((1, _NN0), lambda i: (0, 0)),
            pl.BlockSpec((1, _NN1), lambda i: (0, 0)),
            pl.BlockSpec((1, _NN1), lambda i: (0, 0)),
            pl.BlockSpec((1, _NN1), lambda i: (0, 0)),
            pl.BlockSpec((_NN0, _FK), lambda i: (0, 0)),
            pl.BlockSpec((_NN1, _NN0), lambda i: (0, 0)),
        ],
        out_specs=pl.BlockSpec((BT,), lambda i: (i,)),
        out_shape=jax.ShapeDtypeStruct((_BH,), jnp.float32),
        compiler_params=pltpu.CompilerParams(
            dimension_semantics=("arbitrary",),
        ),
    )(nn3, fm1, bias, g1, b1, be1, g2, b2, be2, W1b, W2b)


def kernel(x, bias, emb1, emb2, W1, b1, g1, be1, W2, b2, g2, be2):
    emb1f = emb1.reshape(-1)
    W1b = W1.astype(jnp.bfloat16)
    W2b = W2.astype(jnp.bfloat16)
    g1r, b1r, be1r = g1.reshape(1, -1), b1.reshape(1, -1), be1.reshape(1, -1)
    g2r, b2r, be2r = g2.reshape(1, -1), b2.reshape(1, -1), be2.reshape(1, -1)

    halves = [lax.slice_in_dim(x, h * _BH, (h + 1) * _BH, axis=0)
              for h in range(_SPLIT)]
    fm1s = [_sc_fm1(xh.reshape(_NW, _BPW, _F).transpose(0, 2, 1), emb1f)
            for xh in halves]
    outs = []
    for h, xh in enumerate(halves):
        xp = (xh.reshape(_NW, _BPW, _CT, 2)
                .transpose(0, 2, 1, 3)
                .reshape(_NW, _NSTEP, _SLOT))
        nn = _sc_gather(xp, emb2)
        nn3 = nn.reshape(_CT, _BH, 128)
        outs.append(_tc_mlp(nn3, fm1s[h], bias,
                            g1r, b1r, be1r, g2r, b2r, be2r, W1b, W2b))
    return jnp.concatenate(outs, axis=0)

# --- scband reference (transcript-rebuilt; emitter-appended) ---
"""Pipeline reference for scband-deep-fm-65197603554000 (READ-ONLY COPY).

The authoritative reference and input builder live on the scoring server;
editing this copy changes nothing except your own understanding.
"""

import jax, jax.numpy as jnp
import numpy as np
import math

N_FIELDS = 26
N_FEATURES = 26 * 3846  # 99996
K = 64
NN0, NN1 = 1024, 512
BATCH = 4096
EPS = 1e-5


def setup_inputs(seed: int = 0) -> dict:
    key = jax.random.key(seed)
    ks = jax.random.split(key, 10)
    std = math.sqrt(1.0 / N_FIELDS)
    x = jax.random.randint(ks[0], (BATCH, N_FIELDS), 0, N_FEATURES, dtype=jnp.int32)
    bias = jax.random.normal(ks[1], (1,), dtype=jnp.float32)
    emb1 = jax.random.normal(ks[2], (N_FEATURES + 1, 1), dtype=jnp.float32) * std
    emb2 = jax.random.normal(ks[3], (N_FEATURES + 1, K), dtype=jnp.float32) * std
    lim1 = 1.0 / math.sqrt(N_FIELDS * K)
    W1 = jax.random.uniform(ks[4], (NN0, N_FIELDS * K), minval=-lim1, maxval=lim1, dtype=jnp.float32)
    b1 = jax.random.uniform(ks[5], (NN0,), minval=-lim1, maxval=lim1, dtype=jnp.float32)
    g1 = jnp.ones((NN0,), dtype=jnp.float32)
    be1 = jnp.zeros((NN0,), dtype=jnp.float32)
    lim2 = 1.0 / math.sqrt(NN0)
    W2 = jax.random.uniform(ks[6], (NN1, NN0), minval=-lim2, maxval=lim2, dtype=jnp.float32)
    b2 = jax.random.uniform(ks[7], (NN1,), minval=-lim2, maxval=lim2, dtype=jnp.float32)
    g2 = jnp.ones((NN1,), dtype=jnp.float32)
    be2 = jnp.zeros((NN1,), dtype=jnp.float32)
    return {"x": x, "bias": bias, "emb1": emb1, "emb2": emb2,
            "W1": W1, "b1": b1, "g1": g1, "be1": be1,
            "W2": W2, "b2": b2, "g2": g2, "be2": be2}


def reference(x, bias, emb1, emb2, W1, b1, g1, be1, W2, b2, g2, be2):
    bs = x.shape[0]
    xint = x.reshape(bs * N_FIELDS)
    # FM first-order term (dropout identity in eval mode)
    fm_1st = jnp.take(emb1, xint, axis=0).reshape(bs, N_FIELDS, 1)
    fm_1st_sum = jnp.sum(fm_1st, axis=1).squeeze()
    # FM second-order term
    fm_2nd = jnp.take(emb2, xint, axis=0).reshape(bs, N_FIELDS, K)
    fm_2nd_sum_f = jnp.sum(fm_2nd, axis=1)
    fm_2nd_sum_sq = fm_2nd_sum_f * fm_2nd_sum_f
    fm_2nd_sq_sum = jnp.sum(fm_2nd * fm_2nd, axis=1)
    fm_2nd_out = 0.5 * (fm_2nd_sum_sq - fm_2nd_sq_sum)
    fm_2nd_sum = jnp.sum(fm_2nd_out, axis=1).squeeze()
    # Deep part (eval-mode batchnorm: running_mean=0, running_var=1)
    nn_in = fm_2nd.reshape(bs, -1)
    h = nn_in @ W1.T + b1
    h = g1 * h / jnp.sqrt(1.0 + EPS) + be1
    h = jnp.maximum(h, 0.0)
    h = h @ W2.T + b2
    h = g2 * h / jnp.sqrt(1.0 + EPS) + be2
    h = jnp.maximum(h, 0.0)
    nn_sum = jnp.sum(h, axis=1).squeeze()
    return fm_1st_sum + fm_2nd_sum + nn_sum + bias[0]

if __name__ == "__main__":
    import jax
    _d = setup_inputs()
    print(jax.jit(kernel)(*tuple(_d.values())))

</pallas_src>

<mosaic_0001>
#map = affine_map<(d0, d1) -> (0, 0, 0)>
#map1 = affine_map<(d0, d1) -> (0)>
module attributes {stable_mosaic.version = 14 : i64} {
  func.func @fm1_k(%arg0: i32, %arg1: i32, %arg2: memref<32x26x64xi32, #tpu.memory_space<hbm>>, %arg3: memref<99997xf32, #tpu.memory_space<hbm>>, %arg4: memref<2048xf32, #tpu.memory_space<hbm>>, %arg5: memref<26x64xi32, #tpu.memory_space<vmem>>, %arg6: memref<26x64xf32, #tpu.memory_space<vmem>>, %arg7: memref<64xf32, #tpu.memory_space<vmem>>, %arg8: memref<!tpu.dma_semaphore, #tpu.memory_space<semaphore_mem>>) attributes {dimension_semantics = [#tpu.dimension_semantics<core_parallel>, #tpu.dimension_semantics<subcore_parallel>], iteration_bounds = array<i64: 2, 16>, scalar_prefetch = 0 : i64, scratch_operands = 4 : i64, tpu.core_type = #tpu.core_type<sc_vector_subcore>, window_params = [{transform_indices = #map}, {transform_indices = #map1}, {transform_indices = #map1}]} {
    %mul3A = arith.constant 2 : i32
    %mul3A_0 = arith.muli %arg1, %mul3A : i32
    %add3A = arith.addi %mul3A_0, %arg0 : i32
    "tpu.region"() ({
      %run_scoped3A = tpu.sem_alloc : memref<!tpu.dma_semaphore, #tpu.memory_space<semaphore_mem>>
      %dma_start3A = arith.constant 0 : i32
      %dma_start3A_648 = arith.constant 0 : i32
      %dma_start3A_649 = tpu.memref_slice %arg2[%add3A, %dma_start3A, %dma_start3A_648] : memref<32x26x64xi32, #tpu.memory_space<hbm>> -> memref<1x26x64xi32, #tpu.memory_space<hbm>>
      %dma_start3A_650 = tpu.memref_squeeze %dma_start3A_649 : memref<1x26x64xi32, #tpu.memory_space<hbm>> -> memref<26x64xi32, #tpu.memory_space<hbm>>
      %dma_start3A_651 = arith.constant 0 : i32
      %dma_start3A_652 = arith.constant 0 : i32
      %dma_start3A_653 = tpu.memref_slice %arg2[%add3A, %dma_start3A_651, %dma_start3A_652] : memref<32x26x64xi32, #tpu.memory_space<hbm>> -> memref<1x26x64xi32, #tpu.memory_space<hbm>>
      %dma_start3A_654 = tpu.memref_squeeze %dma_start3A_653 : memref<1x26x64xi32, #tpu.memory_space<hbm>> -> memref<26x64xi32, #tpu.memory_space<hbm>>
      tpu.enqueue_dma source(%dma_start3A_654 : memref<26x64xi32, #tpu.memory_space<hbm>>) target(%arg5 : memref<26x64xi32, #tpu.memory_space<vmem>>) target_semaphore(%run_scoped3A : memref<!tpu.dma_semaphore, #tpu.memory_space<semaphore_mem>>)
      %dma_wait3A = arith.constant 0 : i32
      %dma_wait3A_655 = arith.constant 0 : i32
      %dma_wait3A_656 = tpu.memref_slice %arg2[%add3A, %dma_wait3A, %dma_wait3A_655] : memref<32x26x64xi32, #tpu.memory_space<hbm>> -> memref<1x26x64xi32, #tpu.memory_space<hbm>>
      %dma_wait3A_657 = tpu.memref_squeeze %dma_wait3A_656 : memref<1x26x64xi32, #tpu.memory_space<hbm>> -> memref<26x64xi32, #tpu.memory_space<hbm>>
      %dma_wait3A_658 = arith.constant 0 : i32
      %dma_wait3A_659 = arith.constant 0 : i32
      %dma_wait3A_660 = tpu.memref_slice %arg2[%add3A, %dma_wait3A_658, %dma_wait3A_659] : memref<32x26x64xi32, #tpu.memory_space<hbm>> -> memref<1x26x64xi32, #tpu.memory_space<hbm>>
      %dma_wait3A_661 = tpu.memref_squeeze %dma_wait3A_660 : memref<1x26x64xi32, #tpu.memory_space<hbm>> -> memref<26x64xi32, #tpu.memory_space<hbm>>
      tpu.wait_dma2 semaphore(%run_scoped3A : memref<!tpu.dma_semaphore, #tpu.memory_space<semaphore_mem>>) src(%dma_wait3A_661 : memref<26x64xi32, #tpu.memory_space<hbm>>) dst(%arg5 : memref<26x64xi32, #tpu.memory_space<vmem>>)
      tpu.yield
    }) : () -> ()
    %scan3A = arith.constant 0 : i32
    %scan3A_1 = arith.constant 0 : i32
    %scan3A_2 = arith.constant 26 : i32
    %scan3A_3 = arith.addi %scan3A_1, %scan3A_2 : i32
    %scan3A_4 = arith.constant 1 : i32
    scf.for %scan3A_648 = %scan3A_1 to %scan3A_3 step %scan3A_4  : i32 {
      %dma_start3A = arith.constant 0 : i32
      %dma_start3A_649 = tpu.memref_slice %arg6[%scan3A_648, %dma_start3A] : memref<26x64xf32, #tpu.memory_space<vmem>> -> memref<1x64xf32, #tpu.memory_space<vmem>>
      %dma_start3A_650 = tpu.memref_squeeze %dma_start3A_649 : memref<1x64xf32, #tpu.memory_space<vmem>> -> memref<64xf32, #tpu.memory_space<vmem>>
      %dma_start3A_651 = arith.constant 0 : i32
      %dma_start3A_652 = tpu.memref_slice %arg5[%scan3A_648, %dma_start3A_651] : memref<26x64xi32, #tpu.memory_space<vmem>> -> memref<1x64xi32, #tpu.memory_space<vmem>>
      %dma_start3A_653 = tpu.memref_squeeze %dma_start3A_652 : memref<1x64xi32, #tpu.memory_space<vmem>> -> memref<64xi32, #tpu.memory_space<vmem>>
      %dma_start3A_654 = arith.constant 0 : i32
      %dma_start3A_655 = tpu.memref_slice %arg3[%dma_start3A_654] : memref<99997xf32, #tpu.memory_space<hbm>> -> memref<99997xf32, #tpu.memory_space<hbm>>
      tpu.enqueue_indirect_dma source(%dma_start3A_655 : memref<99997xf32, #tpu.memory_space<hbm>>) target(%dma_start3A_650 : memref<64xf32, #tpu.memory_space<vmem>>) offsets(%dma_start3A_653 : memref<64xi32, #tpu.memory_space<vmem>>) semaphore(%arg8 : memref<!tpu.dma_semaphore, #tpu.memory_space<semaphore_mem>>)
    }
    %scan3A_5 = arith.constant 26 : i32
    %scan3A_6 = arith.constant 0 : i32
    %scan3A_7 = arith.constant 0 : i32
    %scan3A_8 = arith.constant 26 : i32
    %scan3A_9 = arith.addi %scan3A_7, %scan3A_8 : i32
    %scan3A_10 = arith.constant 1 : i32
    scf.for %scan3A_648 = %scan3A_7 to %scan3A_9 step %scan3A_10  : i32 {
      %dma_wait3A = arith.constant 0 : i32
      %dma_wait3A_649 = tpu.memref_slice %arg6[%scan3A_648, %dma_wait3A] : memref<26x64xf32, #tpu.memory_space<vmem>> -> memref<1x64xf32, #tpu.memory_space<vmem>>
      %dma_wait3A_650 = tpu.memref_squeeze %dma_wait3A_649 : memref<1x64xf32, #tpu.memory_space<vmem>> -> memref<64xf32, #tpu.memory_space<vmem>>
      %dma_wait3A_651 = arith.constant 0 : i32
      %dma_wait3A_652 = tpu.memref_slice %arg5[%scan3A_648, %dma_wait3A_651] : memref<26x64xi32, #tpu.memory_space<vmem>> -> memref<1x64xi32, #tpu.memory_space<vmem>>
      %dma_wait3A_653 = tpu.memref_squeeze %dma_wait3A_652 : memref<1x64xi32, #tpu.memory_space<vmem>> -> memref<64xi32, #tpu.memory_space<vmem>>
      %dma_wait3A_654 = arith.constant 0 : i32
      %dma_wait3A_655 = tpu.memref_slice %arg3[%dma_wait3A_654] : memref<99997xf32, #tpu.memory_space<hbm>> -> memref<99997xf32, #tpu.memory_space<hbm>>
      tpu.wait_indirect_dma semaphore(%arg8 : memref<!tpu.dma_semaphore, #tpu.memory_space<semaphore_mem>>) src(%dma_wait3A_655 : memref<99997xf32, #tpu.memory_space<hbm>>) dst(%dma_wait3A_650 : memref<64xf32, #tpu.memory_space<vmem>>)
    }
    %scan3A_11 = arith.constant 26 : i32
    %get3A = arith.constant 0 : i32
    %get3A_12 = arith.index_cast %get3A : i32 to index
    %get3A_13 = arith.constant 0 : index
    %get3A_14 = tpu.vector_load %arg6[%get3A_12, %get3A_13] {strides = array<i32>} : memref<26x64xf32, #tpu.memory_space<vmem>>, vector<1x16xf32>,
    %get3A_15 = vector.shape_cast %get3A_14 : vector<1x16xf32> to vector<16xf32>
    %get3A_16 = arith.constant 1 : i32
    %get3A_17 = arith.index_cast %get3A_16 : i32 to index
    %get3A_18 = arith.constant 0 : index
    %get3A_19 = tpu.vector_load %arg6[%get3A_17, %get3A_18] {strides = array<i32>} : memref<26x64xf32, #tpu.memory_space<vmem>>, vector<1x16xf32>,
    %get3A_20 = vector.shape_cast %get3A_19 : vector<1x16xf32> to vector<16xf32>
    %add3A_21 = arith.addf %get3A_15, %get3A_20 : vector<16xf32>
    %get3A_22 = arith.constant 2 : i32
    %get3A_23 = arith.index_cast %get3A_22 : i32 to index
    %get3A_24 = arith.constant 0 : index
    %get3A_25 = tpu.vector_load %arg6[%get3A_23, %get3A_24] {strides = array<i32>} : memref<26x64xf32, #tpu.memory_space<vmem>>, vector<1x16xf32>,
    %get3A_26 = vector.shape_cast %get3A_25 : vector<1x16xf32> to vector<16xf32>
    %add3A_27 = arith.addf %add3A_21, %get3A_26 : vector<16xf32>
    %get3A_28 = arith.constant 3 : i32
    %get3A_29 = arith.index_cast %get3A_28 : i32 to index
    %get3A_30 = arith.constant 0 : index
    %get3A_31 = tpu.vector_load %arg6[%get3A_29, %get3A_30] {strides = array<i32>} : memref<26x64xf32, #tpu.memory_space<vmem>>, vector<1x16xf32>,
    %get3A_32 = vector.shape_cast %get3A_31 : vector<1x16xf32> to vector<16xf32>
    %add3A_33 = arith.addf %add3A_27, %get3A_32 : vector<16xf32>
    %get3A_34 = arith.constant 4 : i32
    %get3A_35 = arith.index_cast %get3A_34 : i32 to index
    %get3A_36 = arith.constant 0 : index
    %get3A_37 = tpu.vector_load %arg6[%get3A_35, %get3A_36] {strides = array<i32>} : memref<26x64xf32, #tpu.memory_space<vmem>>, vector<1x16xf32>,
    %get3A_38 = vector.shape_cast %get3A_37 : vector<1x16xf32> to vector<16xf32>
    %add3A_39 = arith.addf %add3A_33, %get3A_38 : vector<16xf32>
    %get3A_40 = arith.constant 5 : i32
    %get3A_41 = arith.index_cast %get3A_40 : i32 to index
    %get3A_42 = arith.constant 0 : index
    %get3A_43 = tpu.vector_load %arg6[%get3A_41, %get3A_42] {strides = array<i32>} : memref<26x64xf32, #tpu.memory_space<vmem>>, vector<1x16xf32>,
    %get3A_44 = vector.shape_cast %get3A_43 : vector<1x16xf32> to vector<16xf32>
    %add3A_45 = arith.addf %add3A_39, %get3A_44 : vector<16xf32>
    %get3A_46 = arith.constant 6 : i32
    %get3A_47 = arith.index_cast %get3A_46 : i32 to index
    %get3A_48 = arith.constant 0 : index
    %get3A_49 = tpu.vector_load %arg6[%get3A_47, %get3A_48] {strides = array<i32>} : memref<26x64xf32, #tpu.memory_space<vmem>>, vector<1x16xf32>,
    %get3A_50 = vector.shape_cast %get3A_49 : vector<1x16xf32> to vector<16xf32>
    %add3A_51 = arith.addf %add3A_45, %get3A_50 : vector<16xf32>
    %get3A_52 = arith.constant 7 : i32
    %get3A_53 = arith.index_cast %get3A_52 : i32 to index
    %get3A_54 = arith.constant 0 : index
    %get3A_55 = tpu.vector_load %arg6[%get3A_53, %get3A_54] {strides = array<i32>} : memref<26x64xf32, #tpu.memory_space<vmem>>, vector<1x16xf32>,
    %get3A_56 = vector.shape_cast %get3A_55 : vector<1x16xf32> to vector<16xf32>
    %add3A_57 = arith.addf %add3A_51, %get3A_56 : vector<16xf32>
    %get3A_58 = arith.constant 8 : i32
    %get3A_59 = arith.index_cast %get3A_58 : i32 to index
    %get3A_60 = arith.constant 0 : index
    %get3A_61 = tpu.vector_load %arg6[%get3A_59, %get3A_60] {strides = array<i32>} : memref<26x64xf32, #tpu.memory_space<vmem>>, vector<1x16xf32>,
    %get3A_62 = vector.shape_cast %get3A_61 : vector<1x16xf32> to vector<16xf32>
    %add3A_63 = arith.addf %add3A_57, %get3A_62 : vector<16xf32>
    %get3A_64 = arith.constant 9 : i32
    %get3A_65 = arith.index_cast %get3A_64 : i32 to index
    %get3A_66 = arith.constant 0 : index
    %get3A_67 = tpu.vector_load %arg6[%get3A_65, %get3A_66] {strides = array<i32>} : memref<26x64xf32, #tpu.memory_space<vmem>>, vector<1x16xf32>,
    %get3A_68 = vector.shape_cast %get3A_67 : vector<1x16xf32> to vector<16xf32>
    %add3A_69 = arith.addf %add3A_63, %get3A_68 : vector<16xf32>
    %get3A_70 = arith.constant 10 : i32
    %get3A_71 = arith.index_cast %get3A_70 : i32 to index
    %get3A_72 = arith.constant 0 : index
    %get3A_73 = tpu.vector_load %arg6[%get3A_71, %get3A_72] {strides = array<i32>} : memref<26x64xf32, #tpu.memory_space<vmem>>, vector<1x16xf32>,
    %get3A_74 = vector.shape_cast %get3A_73 : vector<1x16xf32> to vector<16xf32>
    %add3A_75 = arith.addf %add3A_69, %get3A_74 : vector<16xf32>
    %get3A_76 = arith.constant 11 : i32
    %get3A_77 = arith.index_cast %get3A_76 : i32 to index
    %get3A_78 = arith.constant 0 : index
    %get3A_79 = tpu.vector_load %arg6[%get3A_77, %get3A_78] {strides = array<i32>} : memref<26x64xf32, #tpu.memory_space<vmem>>, vector<1x16xf32>,
    %get3A_80 = vector.shape_cast %get3A_79 : vector<1x16xf32> to vector<16xf32>
    %add3A_81 = arith.addf %add3A_75, %get3A_80 : vector<16xf32>
    %get3A_82 = arith.constant 12 : i32
    %get3A_83 = arith.index_cast %get3A_82 : i32 to index
    %get3A_84 = arith.constant 0 : index
    %get3A_85 = tpu.vector_load %arg6[%get3A_83, %get3A_84] {strides = array<i32>} : memref<26x64xf32, #tpu.memory_space<vmem>>, vector<1x16xf32>,
    %get3A_86 = vector.shape_cast %get3A_85 : vector<1x16xf32> to vector<16xf32>
    %add3A_87 = arith.addf %add3A_81, %get3A_86 : vector<16xf32>
    %get3A_88 = arith.constant 13 : i32
    %get3A_89 = arith.index_cast %get3A_88 : i32 to index
    %get3A_90 = arith.constant 0 : index
    %get3A_91 = tpu.vector_load %arg6[%get3A_89, %get3A_90] {strides = array<i32>} : memref<26x64xf32, #tpu.memory_space<vmem>>, vector<1x16xf32>,
    %get3A_92 = vector.shape_cast %get3A_91 : vector<1x16xf32> to vector<16xf32>
    %add3A_93 = arith.addf %add3A_87, %get3A_92 : vector<16xf32>
    %get3A_94 = arith.constant 14 : i32
    %get3A_95 = arith.index_cast %get3A_94 : i32 to index
    %get3A_96 = arith.constant 0 : index
    %get3A_97 = tpu.vector_load %arg6[%get3A_95, %get3A_96] {strides = array<i32>} : memref<26x64xf32, #tpu.memory_space<vmem>>, vector<1x16xf32>,
    %get3A_98 = vector.shape_cast %get3A_97 : vector<1x16xf32> to vector<16xf32>
    %add3A_99 = arith.addf %add3A_93, %get3A_98 : vector<16xf32>
    %get3A_100 = arith.constant 15 : i32
    %get3A_101 = arith.index_cast %get3A_100 : i32 to index
    %get3A_102 = arith.constant 0 : index
    %get3A_103 = tpu.vector_load %arg6[%get3A_101, %get3A_102] {strides = array<i32>} : memref<26x64xf32, #tpu.memory_space<vmem>>, vector<1x16xf32>,
    %get3A_104 = vector.shape_cast %get3A_103 : vector<1x16xf32> to vector<16xf32>
    %add3A_105 = arith.addf %add3A_99, %get3A_104 : vector<16xf32>
    %get3A_106 = arith.constant 16 : i32
    %get3A_107 = arith.index_cast %get3A_106 : i32 to index
    %get3A_108 = arith.constant 0 : index
    %get3A_109 = tpu.vector_load %arg6[%get3A_107, %get3A_108] {strides = array<i32>} : memref<26x64xf32, #tpu.memory_space<vmem>>, vector<1x16xf32>,
    %get3A_110 = vector.shape_cast %get3A_109 : vector<1x16xf32> to vector<16xf32>
    %add3A_111 = arith.addf %add3A_105, %get3A_110 : vector<16xf32>
    %get3A_112 = arith.constant 17 : i32
    %get3A_113 = arith.index_cast %get3A_112 : i32 to index
    %get3A_114 = arith.constant 0 : index
    %get3A_115 = tpu.vector_load %arg6[%get3A_113, %get3A_114] {strides = array<i32>} : memref<26x64xf32, #tpu.memory_space<vmem>>, vector<1x16xf32>,
    %get3A_116 = vector.shape_cast %get3A_115 : vector<1x16xf32> to vector<16xf32>
    %add3A_117 = arith.addf %add3A_111, %get3A_116 : vector<16xf32>
    %get3A_118 = arith.constant 18 : i32
    %get3A_119 = arith.index_cast %get3A_118 : i32 to index
    %get3A_120 = arith.constant 0 : index
    %get3A_121 = tpu.vector_load %arg6[%get3A_119, %get3A_120] {strides = array<i32>} : memref<26x64xf32, #tpu.memory_space<vmem>>, vector<1x16xf32>,
    %get3A_122 = vector.shape_cast %get3A_121 : vector<1x16xf32> to vector<16xf32>
    %add3A_123 = arith.addf %add3A_117, %get3A_122 : vector<16xf32>
    %get3A_124 = arith.constant 19 : i32
    %get3A_125 = arith.index_cast %get3A_124 : i32 to index
    %get3A_126 = arith.constant 0 : index
    %get3A_127 = tpu.vector_load %arg6[%get3A_125, %get3A_126] {strides = array<i32>} : memref<26x64xf32, #tpu.memory_space<vmem>>, vector<1x16xf32>,
    %get3A_128 = vector.shape_cast %get3A_127 : vector<1x16xf32> to vector<16xf32>
    %add3A_129 = arith.addf %add3A_123, %get3A_128 : vector<16xf32>
    %get3A_130 = arith.constant 20 : i32
    %get3A_131 = arith.index_cast %get3A_130 : i32 to index
    %get3A_132 = arith.constant 0 : index
    %get3A_133 = tpu.vector_load %arg6[%get3A_131, %get3A_132] {strides = array<i32>} : memref<26x64xf32, #tpu.memory_space<vmem>>, vector<1x16xf32>,
    %get3A_134 = vector.shape_cast %get3A_133 : vector<1x16xf32> to vector<16xf32>
    %add3A_135 = arith.addf %add3A_129, %get3A_134 : vector<16xf32>
    %get3A_136 = arith.constant 21 : i32
    %get3A_137 = arith.index_cast %get3A_136 : i32 to index
    %get3A_138 = arith.constant 0 : index
    %get3A_139 = tpu.vector_load %arg6[%get3A_137, %get3A_138] {strides = array<i32>} : memref<26x64xf32, #tpu.memory_space<vmem>>, vector<1x16xf32>,
    %get3A_140 = vector.shape_cast %get3A_139 : vector<1x16xf32> to vector<16xf32>
    %add3A_141 = arith.addf %add3A_135, %get3A_140 : vector<16xf32>
    %get3A_142 = arith.constant 22 : i32
    %get3A_143 = arith.index_cast %get3A_142 : i32 to index
    %get3A_144 = arith.constant 0 : index
    %get3A_145 = tpu.vector_load %arg6[%get3A_143, %get3A_144] {strides = array<i32>} : memref<26x64xf32, #tpu.memory_space<vmem>>, vector<1x16xf32>,
    %get3A_146 = vector.shape_cast %get3A_145 : vector<1x16xf32> to vector<16xf32>
    %add3A_147 = arith.addf %add3A_141, %get3A_146 : vector<16xf32>
    %get3A_148 = arith.constant 23 : i32
    %get3A_149 = arith.index_cast %get3A_148 : i32 to index
    %get3A_150 = arith.constant 0 : index
    %get3A_151 = tpu.vector_load %arg6[%get3A_149, %get3A_150] {strides = array<i32>} : memref<26x64xf32, #tpu.memory_space<vmem>>, vector<1x16xf32>,
    %get3A_152 = vector.shape_cast %get3A_151 : vector<1x16xf32> to vector<16xf32>
    %add3A_153 = arith.addf %add3A_147, %get3A_152 : vector<16xf32>
    %get3A_154 = arith.constant 24 : i32
    %get3A_155 = arith.index_cast %get3A_154 : i32 to index
    %get3A_156 = arith.constant 0 : index
    %get3A_157 = tpu.vector_load %arg6[%get3A_155, %get3A_156] {strides = array<i32>} : memref<26x64xf32, #tpu.memory_space<vmem>>, vector<1x16xf32>,
    %get3A_158 = vector.shape_cast %get3A_157 : vector<1x16xf32> to vector<16xf32>
    %add3A_159 = arith.addf %add3A_153, %get3A_158 : vector<16xf32>
    %get3A_160 = arith.constant 25 : i32
    %get3A_161 = arith.index_cast %get3A_160 : i32 to index
    %get3A_162 = arith.constant 0 : index
    %get3A_163 = tpu.vector_load %arg6[%get3A_161, %get3A_162] {strides = array<i32>} : memref<26x64xf32, #tpu.memory_space<vmem>>, vector<1x16xf32>,
    %get3A_164 = vector.shape_cast %get3A_163 : vector<1x16xf32> to vector<16xf32>
    %add3A_165 = arith.addf %add3A_159, %get3A_164 : vector<16xf32>
    %swap3A = arith.constant 0 : index
    %swap3A_166 = tpu.vector_load %arg7[%swap3A] {strides = array<i32>} : memref<64xf32, #tpu.memory_space<vmem>>, vector<16xf32>,
    %swap3A_167 = vector.shape_cast %swap3A_166 : vector<16xf32> to vector<16xf32>
    %swap3A_168 = vector.shape_cast %add3A_165 : vector<16xf32> to vector<16xf32>
    tpu.vector_store %arg7[%swap3A], %swap3A_168 {strides = array<i32>} : memref<64xf32, #tpu.memory_space<vmem>>, vector<16xf32>,
    %get3A_169 = arith.constant 0 : i32
    %get3A_170 = arith.index_cast %get3A_169 : i32 to index
    %get3A_171 = arith.constant 16 : index
    %get3A_172 = tpu.vector_load %arg6[%get3A_170, %get3A_171] {strides = array<i32>} : memref<26x64xf32, #tpu.memory_space<vmem>>, vector<1x16xf32>,
    %get3A_173 = vector.shape_cast %get3A_172 : vector<1x16xf32> to vector<16xf32>
    %get3A_174 = arith.constant 1 : i32
    %get3A_175 = arith.index_cast %get3A_174 : i32 to index
    %get3A_176 = arith.constant 16 : index
    %get3A_177 = tpu.vector_load %arg6[%get3A_175, %get3A_176] {strides = array<i32>} : memref<26x64xf32, #tpu.memory_space<vmem>>, vector<1x16xf32>,
    %get3A_178 = vector.shape_cast %get3A_177 : vector<1x16xf32> to vector<16xf32>
    %add3A_179 = arith.addf %get3A_173, %get3A_178 : vector<16xf32>
    %get3A_180 = arith.constant 2 : i32
    %get3A_181 = arith.index_cast %get3A_180 : i32 to index
    %get3A_182 = arith.constant 16 : index
    %get3A_183 = tpu.vector_load %arg6[%get3A_181, %get3A_182] {strides = array<i32>} : memref<26x64xf32, #tpu.memory_space<vmem>>, vector<1x16xf32>,
    %get3A_184 = vector.shape_cast %get3A_183 : vector<1x16xf32> to vector<16xf32>
    %add3A_185 = arith.addf %add3A_179, %get3A_184 : vector<16xf32>
    %get3A_186 = arith.constant 3 : i32
    %get3A_187 = arith.index_cast %get3A_186 : i32 to index
    %get3A_188 = arith.constant 16 : index
    %get3A_189 = tpu.vector_load %arg6[%get3A_187, %get3A_188] {strides = array<i32>} : memref<26x64xf32, #tpu.memory_space<vmem>>, vector<1x16xf32>,
    %get3A_190 = vector.shape_cast %get3A_189 : vector<1x16xf32> to vector<16xf32>
    %add3A_191 = arith.addf %add3A_185, %get3A_190 : vector<16xf32>
    %get3A_192 = arith.constant 4 : i32
    %get3A_193 = arith.index_cast %get3A_192 : i32 to index
    %get3A_194 = arith.constant 16 : index
    %get3A_195 = tpu.vector_load %arg6[%get3A_193, %get3A_194] {strides = array<i32>} : memref<26x64xf32, #tpu.memory_space<vmem>>, vector<1x16xf32>,
    %get3A_196 = vector.shape_cast %get3A_195 : vector<1x16xf32> to vector<16xf32>
    %add3A_197 = arith.addf %add3A_191, %get3A_196 : vector<16xf32>
    %get3A_198 = arith.constant 5 : i32
    %get3A_199 = arith.index_cast %get3A_198 : i32 to index
    %get3A_200 = arith.constant 16 : index
    %get3A_201 = tpu.vector_load %arg6[%get3A_199, %get3A_200] {strides = array<i32>} : memref<26x64xf32, #tpu.memory_space<vmem>>, vector<1x16xf32>,
    %get3A_202 = vector.shape_cast %get3A_201 : vector<1x16xf32> to vector<16xf32>
    %add3A_203 = arith.addf %add3A_197, %get3A_202 : vector<16xf32>
    %get3A_204 = arith.constant 6 : i32
    %get3A_205 = arith.index_cast %get3A_204 : i32 to index
    %get3A_206 = arith.constant 16 : index
    %get3A_207 = tpu.vector_load %arg6[%get3A_205, %get3A_206] {strides = array<i32>} : memref<26x64xf32, #tpu.memory_space<vmem>>, vector<1x16xf32>,
    %get3A_208 = vector.shape_cast %get3A_207 : vector<1x16xf32> to vector<16xf32>
    %add3A_209 = arith.addf %add3A_203, %get3A_208 : vector<16xf32>
    %get3A_210 = arith.constant 7 : i32
    %get3A_211 = arith.index_cast %get3A_210 : i32 to index
    %get3A_212 = arith.constant 16 : index
    %get3A_213 = tpu.vector_load %arg6[%get3A_211, %get3A_212] {strides = array<i32>} : memref<26x64xf32, #tpu.memory_space<vmem>>, vector<1x16xf32>,
    %get3A_214 = vector.shape_cast %get3A_213 : vector<1x16xf32> to vector<16xf32>
    %add3A_215 = arith.addf %add3A_209, %get3A_214 : vector<16xf32>
    %get3A_216 = arith.constant 8 : i32
    %get3A_217 = arith.index_cast %get3A_216 : i32 to index
    %get3A_218 = arith.constant 16 : index
    %get3A_219 = tpu.vector_load %arg6[%get3A_217, %get3A_218] {strides = array<i32>} : memref<26x64xf32, #tpu.memory_space<vmem>>, vector<1x16xf32>,
    %get3A_220 = vector.shape_cast %get3A_219 : vector<1x16xf32> to vector<16xf32>
    %add3A_221 = arith.addf %add3A_215, %get3A_220 : vector<16xf32>
    %get3A_222 = arith.constant 9 : i32
    %get3A_223 = arith.index_cast %get3A_222 : i32 to index
    %get3A_224 = arith.constant 16 : index
    %get3A_225 = tpu.vector_load %arg6[%get3A_223, %get3A_224] {strides = array<i32>} : memref<26x64xf32, #tpu.memory_space<vmem>>, vector<1x16xf32>,
    %get3A_226 = vector.shape_cast %get3A_225 : vector<1x16xf32> to vector<16xf32>
    %add3A_227 = arith.addf %add3A_221, %get3A_226 : vector<16xf32>
    %get3A_228 = arith.constant 10 : i32
    %get3A_229 = arith.index_cast %get3A_228 : i32 to index
    %get3A_230 = arith.constant 16 : index
    %get3A_231 = tpu.vector_load %arg6[%get3A_229, %get3A_230] {strides = array<i32>} : memref<26x64xf32, #tpu.memory_space<vmem>>, vector<1x16xf32>,
    %get3A_232 = vector.shape_cast %get3A_231 : vector<1x16xf32> to vector<16xf32>
    %add3A_233 = arith.addf %add3A_227, %get3A_232 : vector<16xf32>
    %get3A_234 = arith.constant 11 : i32
    %get3A_235 = arith.index_cast %get3A_234 : i32 to index
    %get3A_236 = arith.constant 16 : index
    %get3A_237 = tpu.vector_load %arg6[%get3A_235, %get3A_236] {strides = array<i32>} : memref<26x64xf32, #tpu.memory_space<vmem>>, vector<1x16xf32>,
    %get3A_238 = vector.shape_cast %get3A_237 : vector<1x16xf32> to vector<16xf32>
    %add3A_239 = arith.addf %add3A_233, %get3A_238 : vector<16xf32>
    %get3A_240 = arith.constant 12 : i32
    %get3A_241 = arith.index_cast %get3A_240 : i32 to index
    %get3A_242 = arith.constant 16 : index
    %get3A_243 = tpu.vector_load %arg6[%get3A_241, %get3A_242] {strides = array<i32>} : memref<26x64xf32, #tpu.memory_space<vmem>>, vector<1x16xf32>,
    %get3A_244 = vector.shape_cast %get3A_243 : vector<1x16xf32> to vector<16xf32>
    %add3A_245 = arith.addf %add3A_239, %get3A_244 : vector<16xf32>
    %get3A_246 = arith.constant 13 : i32
    %get3A_247 = arith.index_cast %get3A_246 : i32 to index
    %get3A_248 = arith.constant 16 : index
    %get3A_249 = tpu.vector_load %arg6[%get3A_247, %get3A_248] {strides = array<i32>} : memref<26x64xf32, #tpu.memory_space<vmem>>, vector<1x16xf32>,
    %get3A_250 = vector.shape_cast %get3A_249 : vector<1x16xf32> to vector<16xf32>
    %add3A_251 = arith.addf %add3A_245, %get3A_250 : vector<16xf32>
    %get3A_252 = arith.constant 14 : i32
    %get3A_253 = arith.index_cast %get3A_252 : i32 to index
    %get3A_254 = arith.constant 16 : index
    %get3A_255 = tpu.vector_load %arg6[%get3A_253, %get3A_254] {strides = array<i32>} : memref<26x64xf32, #tpu.memory_space<vmem>>, vector<1x16xf32>,
    %get3A_256 = vector.shape_cast %get3A_255 : vector<1x16xf32> to vector<16xf32>
    %add3A_257 = arith.addf %add3A_251, %get3A_256 : vector<16xf32>
    %get3A_258 = arith.constant 15 : i32
    %get3A_259 = arith.index_cast %get3A_258 : i32 to index
    %get3A_260 = arith.constant 16 : index
    %get3A_261 = tpu.vector_load %arg6[%get3A_259, %get3A_260] {strides = array<i32>} : memref<26x64xf32, #tpu.memory_space<vmem>>, vector<1x16xf32>,
    %get3A_262 = vector.shape_cast %get3A_261 : vector<1x16xf32> to vector<16xf32>
    %add3A_263 = arith.addf %add3A_257, %get3A_262 : vector<16xf32>
    %get3A_264 = arith.constant 16 : i32
    %get3A_265 = arith.index_cast %get3A_264 : i32 to index
    %get3A_266 = arith.constant 16 : index
    %get3A_267 = tpu.vector_load %arg6[%get3A_265, %get3A_266] {strides = array<i32>} : memref<26x64xf32, #tpu.memory_space<vmem>>, vector<1x16xf32>,
    %get3A_268 = vector.shape_cast %get3A_267 : vector<1x16xf32> to vector<16xf32>
    %add3A_269 = arith.addf %add3A_263, %get3A_268 : vector<16xf32>
    %get3A_270 = arith.constant 17 : i32
    %get3A_271 = arith.index_cast %get3A_270 : i32 to index
    %get3A_272 = arith.constant 16 : index
    %get3A_273 = tpu.vector_load %arg6[%get3A_271, %get3A_272] {strides = array<i32>} : memref<26x64xf32, #tpu.memory_space<vmem>>, vector<1x16xf32>,
    %get3A_274 = vector.shape_cast %get3A_273 : vector<1x16xf32> to vector<16xf32>
    %add3A_275 = arith.addf %add3A_269, %get3A_274 : vector<16xf32>
    %get3A_276 = arith.constant 18 : i32
    %get3A_277 = arith.index_cast %get3A_276 : i32 to index
    %get3A_278 = arith.constant 16 : index
    %get3A_279 = tpu.vector_load %arg6[%get3A_277, %get3A_278] {strides = array<i32>} : memref<26x64xf32, #tpu.memory_space<vmem>>, vector<1x16xf32>,
    %get3A_280 = vector.shape_cast %get3A_279 : vector<1x16xf32> to vector<16xf32>
    %add3A_281 = arith.addf %add3A_275, %get3A_280 : vector<16xf32>
    %get3A_282 = arith.constant 19 : i32
    %get3A_283 = arith.index_cast %get3A_282 : i32 to index
    %get3A_284 = arith.constant 16 : index
    %get3A_285 = tpu.vector_load %arg6[%get3A_283, %get3A_284] {strides = array<i32>} : memref<26x64xf32, #tpu.memory_space<vmem>>, vector<1x16xf32>,
    %get3A_286 = vector.shape_cast %get3A_285 : vector<1x16xf32> to vector<16xf32>
    %add3A_287 = arith.addf %add3A_281, %get3A_286 : vector<16xf32>
    %get3A_288 = arith.constant 20 : i32
    %get3A_289 = arith.index_cast %get3A_288 : i32 to index
    %get3A_290 = arith.constant 16 : index
    %get3A_291 = tpu.vector_load %arg6[%get3A_289, %get3A_290] {strides = array<i32>} : memref<26x64xf32, #tpu.memory_space<vmem>>, vector<1x16xf32>,
    %get3A_292 = vector.shape_cast %get3A_291 : vector<1x16xf32> to vector<16xf32>
    %add3A_293 = arith.addf %add3A_287, %get3A_292 : vector<16xf32>
    %get3A_294 = arith.constant 21 : i32
    %get3A_295 = arith.index_cast %get3A_294 : i32 to index
    %get3A_296 = arith.constant 16 : index
    %get3A_297 = tpu.vector_load %arg6[%get3A_295, %get3A_296] {strides = array<i32>} : memref<26x64xf32, #tpu.memory_space<vmem>>, vector<1x16xf32>,
    %get3A_298 = vector.shape_cast %get3A_297 : vector<1x16xf32> to vector<16xf32>
    %add3A_299 = arith.addf %add3A_293, %get3A_298 : vector<16xf32>
    %get3A_300 = arith.constant 22 : i32
    %get3A_301 = arith.index_cast %get3A_300 : i32 to index
    %get3A_302 = arith.constant 16 : index
    %get3A_303 = tpu.vector_load %arg6[%get3A_301, %get3A_302] {strides = array<i32>} : memref<26x64xf32, #tpu.memory_space<vmem>>, vector<1x16xf32>,
    %get3A_304 = vector.shape_cast %get3A_303 : vector<1x16xf32> to vector<16xf32>
    %add3A_305 = arith.addf %add3A_299, %get3A_304 : vector<16xf32>
    %get3A_306 = arith.constant 23 : i32
    %get3A_307 = arith.index_cast %get3A_306 : i32 to index
    %get3A_308 = arith.constant 16 : index
    %get3A_309 = tpu.vector_load %arg6[%get3A_307, %get3A_308] {strides = array<i32>} : memref<26x64xf32, #tpu.memory_space<vmem>>, vector<1x16xf32>,
    %get3A_310 = vector.shape_cast %get3A_309 : vector<1x16xf32> to vector<16xf32>
    %add3A_311 = arith.addf %add3A_305, %get3A_310 : vector<16xf32>
    %get3A_312 = arith.constant 24 : i32
    %get3A_313 = arith.index_cast %get3A_312 : i32 to index
    %get3A_314 = arith.constant 16 : index
    %get3A_315 = tpu.vector_load %arg6[%get3A_313, %get3A_314] {strides = array<i32>} : memref<26x64xf32, #tpu.memory_space<vmem>>, vector<1x16xf32>,
    %get3A_316 = vector.shape_cast %get3A_315 : vector<1x16xf32> to vector<16xf32>
    %add3A_317 = arith.addf %add3A_311, %get3A_316 : vector<16xf32>
    %get3A_318 = arith.constant 25 : i32
    %get3A_319 = arith.index_cast %get3A_318 : i32 to index
    %get3A_320 = arith.constant 16 : index
    %get3A_321 = tpu.vector_load %arg6[%get3A_319, %get3A_320] {strides = array<i32>} : memref<26x64xf32, #tpu.memory_space<vmem>>, vector<1x16xf32>,
    %get3A_322 = vector.shape_cast %get3A_321 : vector<1x16xf32> to vector<16xf32>
    %add3A_323 = arith.addf %add3A_317, %get3A_322 : vector<16xf32>
    %swap3A_324 = arith.constant 16 : index
    %swap3A_325 = tpu.vector_load %arg7[%swap3A_324] {strides = array<i32>} : memref<64xf32, #tpu.memory_space<vmem>>, vector<16xf32>,
    %swap3A_326 = vector.shape_cast %swap3A_325 : vector<16xf32> to vector<16xf32>
    %swap3A_327 = vector.shape_cast %add3A_323 : vector<16xf32> to vector<16xf32>
    tpu.vector_store %arg7[%swap3A_324], %swap3A_327 {strides = array<i32>} : memref<64xf32, #tpu.memory_space<vmem>>, vector<16xf32>,
    %get3A_328 = arith.constant 0 : i32
    %get3A_329 = arith.index_cast %get3A_328 : i32 to index
    %get3A_330 = arith.constant 32 : index
    %get3A_331 = tpu.vector_load %arg6[%get3A_329, %get3A_330] {strides = array<i32>} : memref<26x64xf32, #tpu.memory_space<vmem>>, vector<1x16xf32>,
    %get3A_332 = vector.shape_cast %get3A_331 : vector<1x16xf32> to vector<16xf32>
    %get3A_333 = arith.constant 1 : i32
    %get3A_334 = arith.index_cast %get3A_333 : i32 to index
    %get3A_335 = arith.constant 32 : index
    %get3A_336 = tpu.vector_load %arg6[%get3A_334, %get3A_335] {strides = array<i32>} : memref<26x64xf32, #tpu.memory_space<vmem>>, vector<1x16xf32>,
    %get3A_337 = vector.shape_cast %get3A_336 : vector<1x16xf32> to vector<16xf32>
    %add3A_338 = arith.addf %get3A_332, %get3A_337 : vector<16xf32>
    %get3A_339 = arith.constant 2 : i32
    %get3A_340 = arith.index_cast %get3A_339 : i32 to index
    %get3A_341 = arith.constant 32 : index
    %get3A_342 = tpu.vector_load %arg6[%get3A_340, %get3A_341] {strides = array<i32>} : memref<26x64xf32, #tpu.memory_space<vmem>>, vector<1x16xf32>,
    %get3A_343 = vector.shape_cast %get3A_342 : vector<1x16xf32> to vector<16xf32>
    %add3A_344 = arith.addf %add3A_338, %get3A_343 : vector<16xf32>
    %get3A_345 = arith.constant 3 : i32
    %get3A_346 = arith.index_cast %get3A_345 : i32 to index
    %get3A_347 = arith.constant 32 : index
    %get3A_348 = tpu.vector_load %arg6[%get3A_346, %get3A_347] {strides = array<i32>} : memref<26x64xf32, #tpu.memory_space<vmem>>, vector<1x16xf32>,
    %get3A_349 = vector.shape_cast %get3A_348 : vector<1x16xf32> to vector<16xf32>
    %add3A_350 = arith.addf %add3A_344, %get3A_349 : vector<16xf32>
    %get3A_351 = arith.constant 4 : i32
    %get3A_352 = arith.index_cast %get3A_351 : i32 to index
    %get3A_353 = arith.constant 32 : index
    %get3A_354 = tpu.vector_load %arg6[%get3A_352, %get3A_353] {strides = array<i32>} : memref<26x64xf32, #tpu.memory_space<vmem>>, vector<1x16xf32>,
    %get3A_355 = vector.shape_cast %get3A_354 : vector<1x16xf32> to vector<16xf32>
    %add3A_356 = arith.addf %add3A_350, %get3A_355 : vector<16xf32>
    %get3A_357 = arith.constant 5 : i32
    %get3A_358 = arith.index_cast %get3A_357 : i32 to index
    %get3A_359 = arith.constant 32 : index
    %get3A_360 = tpu.vector_load %arg6[%get3A_358, %get3A_359] {strides = array<i32>} : memref<26x64xf32, #tpu.memory_space<vmem>>, vector<1x16xf32>,
    %get3A_361 = vector.shape_cast %get3A_360 : vector<1x16xf32> to vector<16xf32>
    %add3A_362 = arith.addf %add3A_356, %get3A_361 : vector<16xf32>
    %get3A_363 = arith.constant 6 : i32
    %get3A_364 = arith.index_cast %get3A_363 : i32 to index
    %get3A_365 = arith.constant 32 : index
    %get3A_366 = tpu.vector_load %arg6[%get3A_364, %get3A_365] {strides = array<i32>} : memref<26x64xf32, #tpu.memory_space<vmem>>, vector<1x16xf32>,
    %get3A_367 = vector.shape_cast %get3A_366 : vector<1x16xf32> to vector<16xf32>
    %add3A_368 = arith.addf %add3A_362, %get3A_367 : vector<16xf32>
    %get3A_369 = arith.constant 7 : i32
    %get3A_370 = arith.index_cast %get3A_369 : i32 to index
    %get3A_371 = arith.constant 32 : index
    %get3A_372 = tpu.vector_load %arg6[%get3A_370, %get3A_371] {strides = array<i32>} : memref<26x64xf32, #tpu.memory_space<vmem>>, vector<1x16xf32>,
    %get3A_373 = vector.shape_cast %get3A_372 : vector<1x16xf32> to vector<16xf32>
    %add3A_374 = arith.addf %add3A_368, %get3A_373 : vector<16xf32>
    %get3A_375 = arith.constant 8 : i32
    %get3A_376 = arith.index_cast %get3A_375 : i32 to index
    %get3A_377 = arith.constant 32 : index
    %get3A_378 = tpu.vector_load %arg6[%get3A_376, %get3A_377] {strides = array<i32>} : memref<26x64xf32, #tpu.memory_space<vmem>>, vector<1x16xf32>,
    %get3A_379 = vector.shape_cast %get3A_378 : vector<1x16xf32> to vector<16xf32>
    %add3A_380 = arith.addf %add3A_374, %get3A_379 : vector<16xf32>
    %get3A_381 = arith.constant 9 : i32
    %get3A_382 = arith.index_cast %get3A_381 : i32 to index
    %get3A_383 = arith.constant 32 : index
    %get3A_384 = tpu.vector_load %arg6[%get3A_382, %get3A_383] {strides = array<i32>} : memref<26x64xf32, #tpu.memory_space<vmem>>, vector<1x16xf32>,
    %get3A_385 = vector.shape_cast %get3A_384 : vector<1x16xf32> to vector<16xf32>
    %add3A_386 = arith.addf %add3A_380, %get3A_385 : vector<16xf32>
    %get3A_387 = arith.constant 10 : i32
    %get3A_388 = arith.index_cast %get3A_387 : i32 to index
    %get3A_389 = arith.constant 32 : index
    %get3A_390 = tpu.vector_load %arg6[%get3A_388, %get3A_389] {strides = array<i32>} : memref<26x64xf32, #tpu.memory_space<vmem>>, vector<1x16xf32>,
    %get3A_391 = vector.shape_cast %get3A_390 : vector<1x16xf32> to vector<16xf32>
    %add3A_392 = arith.addf %add3A_386, %get3A_391 : vector<16xf32>
    %get3A_393 = arith.constant 11 : i32
    %get3A_394 = arith.index_cast %get3A_393 : i32 to index
    %get3A_395 = arith.constant 32 : index
    %get3A_396 = tpu.vector_load %arg6[%get3A_394, %get3A_395] {strides = array<i32>} : memref<26x64xf32, #tpu.memory_space<vmem>>, vector<1x16xf32>,
    %get3A_397 = vector.shape_cast %get3A_396 : vector<1x16xf32> to vector<16xf32>
    %add3A_398 = arith.addf %add3A_392, %get3A_397 : vector<16xf32>
    %get3A_399 = arith.constant 12 : i32
    %get3A_400 = arith.index_cast %get3A_399 : i32 to index
    %get3A_401 = arith.constant 32 : index
    %get3A_402 = tpu.vector_load %arg6[%get3A_400, %get3A_401] {strides = array<i32>} : memref<26x64xf32, #tpu.memory_space<vmem>>, vector<1x16xf32>,
    %get3A_403 = vector.shape_cast %get3A_402 : vector<1x16xf32> to vector<16xf32>
    %add3A_404 = arith.addf %add3A_398, %get3A_403 : vector<16xf32>
    %get3A_405 = arith.constant 13 : i32
    %get3A_406 = arith.index_cast %get3A_405 : i32 to index
    %get3A_407 = arith.constant 32 : index
    %get3A_408 = tpu.vector_load %arg6[%get3A_406, %get3A_407] {strides = array<i32>} : memref<26x64xf32, #tpu.memory_space<vmem>>, vector<1x16xf32>,
    %get3A_409 = vector.shape_cast %get3A_408 : vector<1x16xf32> to vector<16xf32>
    %add3A_410 = arith.addf %add3A_404, %get3A_409 : vector<16xf32>
    %get3A_411 = arith.constant 14 : i32
    %get3A_412 = arith.index_cast %get3A_411 : i32 to index
    %get3A_413 = arith.constant 32 : index
    %get3A_414 = tpu.vector_load %arg6[%get3A_412, %get3A_413] {strides = array<i32>} : memref<26x64xf32, #tpu.memory_space<vmem>>, vector<1x16xf32>,
    %get3A_415 = vector.shape_cast %get3A_414 : vector<1x16xf32> to vector<16xf32>
    %add3A_416 = arith.addf %add3A_410, %get3A_415 : vector<16xf32>
    %get3A_417 = arith.constant 15 : i32
    %get3A_418 = arith.index_cast %get3A_417 : i32 to index
    %get3A_419 = arith.constant 32 : index
    %get3A_420 = tpu.vector_load %arg6[%get3A_418, %get3A_419] {strides = array<i32>} : memref<26x64xf32, #tpu.memory_space<vmem>>, vector<1x16xf32>,
    %get3A_421 = vector.shape_cast %get3A_420 : vector<1x16xf32> to vector<16xf32>
    %add3A_422 = arith.addf %add3A_416, %get3A_421 : vector<16xf32>
    %get3A_423 = arith.constant 16 : i32
    %get3A_424 = arith.index_cast %get3A_423 : i32 to index
    %get3A_425 = arith.constant 32 : index
    %get3A_426 = tpu.vector_load %arg6[%get3A_424, %get3A_425] {strides = array<i32>} : memref<26x64xf32, #tpu.memory_space<vmem>>, vector<1x16xf32>,
    %get3A_427 = vector.shape_cast %get3A_426 : vector<1x16xf32> to vector<16xf32>
    %add3A_428 = arith.addf %add3A_422, %get3A_427 : vector<16xf32>
    %get3A_429 = arith.constant 17 : i32
    %get3A_430 = arith.index_cast %get3A_429 : i32 to index
    %get3A_431 = arith.constant 32 : index
    %get3A_432 = tpu.vector_load %arg6[%get3A_430, %get3A_431] {strides = array<i32>} : memref<26x64xf32, #tpu.memory_space<vmem>>, vector<1x16xf32>,
    %get3A_433 = vector.shape_cast %get3A_432 : vector<1x16xf32> to vector<16xf32>
    %add3A_434 = arith.addf %add3A_428, %get3A_433 : vector<16xf32>
    %get3A_435 = arith.constant 18 : i32
    %get3A_436 = arith.index_cast %get3A_435 : i32 to index
    %get3A_437 = arith.constant 32 : index
    %get3A_438 = tpu.vector_load %arg6[%get3A_436, %get3A_437] {strides = array<i32>} : memref<26x64xf32, #tpu.memory_space<vmem>>, vector<1x16xf32>,
    %get3A_439 = vector.shape_cast %get3A_438 : vector<1x16xf32> to vector<16xf32>
    %add3A_440 = arith.addf %add3A_434, %get3A_439 : vector<16xf32>
    %get3A_441 = arith.constant 19 : i32
    %get3A_442 = arith.index_cast %get3A_441 : i32 to index
    %get3A_443 = arith.constant 32 : index
    %get3A_444 = tpu.vector_load %arg6[%get3A_442, %get3A_443] {strides = array<i32>} : memref<26x64xf32, #tpu.memory_space<vmem>>, vector<1x16xf32>,
    %get3A_445 = vector.shape_cast %get3A_444 : vector<1x16xf32> to vector<16xf32>
    %add3A_446 = arith.addf %add3A_440, %get3A_445 : vector<16xf32>
    %get3A_447 = arith.constant 20 : i32
    %get3A_448 = arith.index_cast %get3A_447 : i32 to index
    %get3A_449 = arith.constant 32 : index
    %get3A_450 = tpu.vector_load %arg6[%get3A_448, %get3A_449] {strides = array<i32>} : memref<26x64xf32, #tpu.memory_space<vmem>>, vector<1x16xf32>,
    %get3A_451 = vector.shape_cast %get3A_450 : vector<1x16xf32> to vector<16xf32>
    %add3A_452 = arith.addf %add3A_446, %get3A_451 : vector<16xf32>
    %get3A_453 = arith.constant 21 : i32
    %get3A_454 = arith.index_cast %get3A_453 : i32 to index
    %get3A_455 = arith.constant 32 : index
    %get3A_456 = tpu.vector_load %arg6[%get3A_454, %get3A_455] {strides = array<i32>} : memref<26x64xf32, #tpu.memory_space<vmem>>, vector<1x16xf32>,
    %get3A_457 = vector.shape_cast %get3A_456 : vector<1x16xf32> to vector<16xf32>
    %add3A_458 = arith.addf %add3A_452, %get3A_457 : vector<16xf32>
    %get3A_459 = arith.constant 22 : i32
    %get3A_460 = arith.index_cast %get3A_459 : i32 to index
    %get3A_461 = arith.constant 32 : index
    %get3A_462 = tpu.vector_load %arg6[%get3A_460, %get3A_461] {strides = array<i32>} : memref<26x64xf32, #tpu.memory_space<vmem>>, vector<1x16xf32>,
    %get3A_463 = vector.shape_cast %get3A_462 : vector<1x16xf32> to vector<16xf32>
    %add3A_464 = arith.addf %add3A_458, %get3A_463 : vector<16xf32>
    %get3A_465 = arith.constant 23 : i32
    %get3A_466 = arith.index_cast %get3A_465 : i32 to index
    %get3A_467 = arith.constant 32 : index
    %get3A_468 = tpu.vector_load %arg6[%get3A_466, %get3A_467] {strides = array<i32>} : memref<26x64xf32, #tpu.memory_space<vmem>>, vector<1x16xf32>,
    %get3A_469 = vector.shape_cast %get3A_468 : vector<1x16xf32> to vector<16xf32>
    %add3A_470 = arith.addf %add3A_464, %get3A_469 : vector<16xf32>
    %get3A_471 = arith.constant 24 : i32
    %get3A_472 = arith.index_cast %get3A_471 : i32 to index
    %get3A_473 = arith.constant 32 : index
    %get3A_474 = tpu.vector_load %arg6[%get3A_472, %get3A_473] {strides = array<i32>} : memref<26x64xf32, #tpu.memory_space<vmem>>, vector<1x16xf32>,
    %get3A_475 = vector.shape_cast %get3A_474 : vector<1x16xf32> to vector<16xf32>
    %add3A_476 = arith.addf %add3A_470, %get3A_475 : vector<16xf32>
    %get3A_477 = arith.constant 25 : i32
    %get3A_478 = arith.index_cast %get3A_477 : i32 to index
    %get3A_479 = arith.constant 32 : index
    %get3A_480 = tpu.vector_load %arg6[%get3A_478, %get3A_479] {strides = array<i32>} : memref<26x64xf32, #tpu.memory_space<vmem>>, vector<1x16xf32>,
    %get3A_481 = vector.shape_cast %get3A_480 : vector<1x16xf32> to vector<16xf32>
    %add3A_482 = arith.addf %add3A_476, %get3A_481 : vector<16xf32>
    %swap3A_483 = arith.constant 32 : index
    %swap3A_484 = tpu.vector_load %arg7[%swap3A_483] {strides = array<i32>} : memref<64xf32, #tpu.memory_space<vmem>>, vector<16xf32>,
    %swap3A_485 = vector.shape_cast %swap3A_484 : vector<16xf32> to vector<16xf32>
    %swap3A_486 = vector.shape_cast %add3A_482 : vector<16xf32> to vector<16xf32>
    tpu.vector_store %arg7[%swap3A_483], %swap3A_486 {strides = array<i32>} : memref<64xf32, #tpu.memory_space<vmem>>, vector<16xf32>,
    %get3A_487 = arith.constant 0 : i32
    %get3A_488 = arith.index_cast %get3A_487 : i32 to index
    %get3A_489 = arith.constant 48 : index
    %get3A_490 = tpu.vector_load %arg6[%get3A_488, %get3A_489] {strides = array<i32>} : memref<26x64xf32, #tpu.memory_space<vmem>>, vector<1x16xf32>,
    %get3A_491 = vector.shape_cast %get3A_490 : vector<1x16xf32> to vector<16xf32>
    %get3A_492 = arith.constant 1 : i32
    %get3A_493 = arith.index_cast %get3A_492 : i32 to index
    %get3A_494 = arith.constant 48 : index
    %get3A_495 = tpu.vector_load %arg6[%get3A_493, %get3A_494] {strides = array<i32>} : memref<26x64xf32, #tpu.memory_space<vmem>>, vector<1x16xf32>,
    %get3A_496 = vector.shape_cast %get3A_495 : vector<1x16xf32> to vector<16xf32>
    %add3A_497 = arith.addf %get3A_491, %get3A_496 : vector<16xf32>
    %get3A_498 = arith.constant 2 : i32
    %get3A_499 = arith.index_cast %get3A_498 : i32 to index
    %get3A_500 = arith.constant 48 : index
    %get3A_501 = tpu.vector_load %arg6[%get3A_499, %get3A_500] {strides = array<i32>} : memref<26x64xf32, #tpu.memory_space<vmem>>, vector<1x16xf32>,
    %get3A_502 = vector.shape_cast %get3A_501 : vector<1x16xf32> to vector<16xf32>
    %add3A_503 = arith.addf %add3A_497, %get3A_502 : vector<16xf32>
    %get3A_504 = arith.constant 3 : i32
    %get3A_505 = arith.index_cast %get3A_504 : i32 to index
    %get3A_506 = arith.constant 48 : index
    %get3A_507 = tpu.vector_load %arg6[%get3A_505, %get3A_506] {strides = array<i32>} : memref<26x64xf32, #tpu.memory_space<vmem>>, vector<1x16xf32>,
    %get3A_508 = vector.shape_cast %get3A_507 : vector<1x16xf32> to vector<16xf32>
    %add3A_509 = arith.addf %add3A_503, %get3A_508 : vector<16xf32>
    %get3A_510 = arith.constant 4 : i32
    %get3A_511 = arith.index_cast %get3A_510 : i32 to index
    %get3A_512 = arith.constant 48 : index
    %get3A_513 = tpu.vector_load %arg6[%get3A_511, %get3A_512] {strides = array<i32>} : memref<26x64xf32, #tpu.memory_space<vmem>>, vector<1x16xf32>,
    %get3A_514 = vector.shape_cast %get3A_513 : vector<1x16xf32> to vector<16xf32>
    %add3A_515 = arith.addf %add3A_509, %get3A_514 : vector<16xf32>
    %get3A_516 = arith.constant 5 : i32
    %get3A_517 = arith.index_cast %get3A_516 : i32 to index
    %get3A_518 = arith.constant 48 : index
    %get3A_519 = tpu.vector_load %arg6[%get3A_517, %get3A_518] {strides = array<i32>} : memref<26x64xf32, #tpu.memory_space<vmem>>, vector<1x16xf32>,
    %get3A_520 = vector.shape_cast %get3A_519 : vector<1x16xf32> to vector<16xf32>
    %add3A_521 = arith.addf %add3A_515, %get3A_520 : vector<16xf32>
    %get3A_522 = arith.constant 6 : i32
    %get3A_523 = arith.index_cast %get3A_522 : i32 to index
    %get3A_524 = arith.constant 48 : index
    %get3A_525 = tpu.vector_load %arg6[%get3A_523, %get3A_524] {strides = array<i32>} : memref<26x64xf32, #tpu.memory_space<vmem>>, vector<1x16xf32>,
    %get3A_526 = vector.shape_cast %get3A_525 : vector<1x16xf32> to vector<16xf32>
    %add3A_527 = arith.addf %add3A_521, %get3A_526 : vector<16xf32>
    %get3A_528 = arith.constant 7 : i32
    %get3A_529 = arith.index_cast %get3A_528 : i32 to index
    %get3A_530 = arith.constant 48 : index
    %get3A_531 = tpu.vector_load %arg6[%get3A_529, %get3A_530] {strides = array<i32>} : memref<26x64xf32, #tpu.memory_space<vmem>>, vector<1x16xf32>,
    %get3A_532 = vector.shape_cast %get3A_531 : vector<1x16xf32> to vector<16xf32>
    %add3A_533 = arith.addf %add3A_527, %get3A_532 : vector<16xf32>
    %get3A_534 = arith.constant 8 : i32
    %get3A_535 = arith.index_cast %get3A_534 : i32 to index
    %get3A_536 = arith.constant 48 : index
    %get3A_537 = tpu.vector_load %arg6[%get3A_535, %get3A_536] {strides = array<i32>} : memref<26x64xf32, #tpu.memory_space<vmem>>, vector<1x16xf32>,
    %get3A_538 = vector.shape_cast %get3A_537 : vector<1x16xf32> to vector<16xf32>
    %add3A_539 = arith.addf %add3A_533, %get3A_538 : vector<16xf32>
    %get3A_540 = arith.constant 9 : i32
    %get3A_541 = arith.index_cast %get3A_540 : i32 to index
    %get3A_542 = arith.constant 48 : index
    %get3A_543 = tpu.vector_load %arg6[%get3A_541, %get3A_542] {strides = array<i32>} : memref<26x64xf32, #tpu.memory_space<vmem>>, vector<1x16xf32>,
    %get3A_544 = vector.shape_cast %get3A_543 : vector<1x16xf32> to vector<16xf32>
    %add3A_545 = arith.addf %add3A_539, %get3A_544 : vector<16xf32>
    %get3A_546 = arith.constant 10 : i32
    %get3A_547 = arith.index_cast %get3A_546 : i32 to index
    %get3A_548 = arith.constant 48 : index
    %get3A_549 = tpu.vector_load %arg6[%get3A_547, %get3A_548] {strides = array<i32>} : memref<26x64xf32, #tpu.memory_space<vmem>>, vector<1x16xf32>,
    %get3A_550 = vector.shape_cast %get3A_549 : vector<1x16xf32> to vector<16xf32>
    %add3A_551 = arith.addf %add3A_545, %get3A_550 : vector<16xf32>
    %get3A_552 = arith.constant 11 : i32
    %get3A_553 = arith.index_cast %get3A_552 : i32 to index
    %get3A_554 = arith.constant 48 : index
    %get3A_555 = tpu.vector_load %arg6[%get3A_553, %get3A_554] {strides = array<i32>} : memref<26x64xf32, #tpu.memory_space<vmem>>, vector<1x16xf32>,
    %get3A_556 = vector.shape_cast %get3A_555 : vector<1x16xf32> to vector<16xf32>
    %add3A_557 = arith.addf %add3A_551, %get3A_556 : vector<16xf32>
    %get3A_558 = arith.constant 12 : i32
    %get3A_559 = arith.index_cast %get3A_558 : i32 to index
    %get3A_560 = arith.constant 48 : index
    %get3A_561 = tpu.vector_load %arg6[%get3A_559, %get3A_560] {strides = array<i32>} : memref<26x64xf32, #tpu.memory_space<vmem>>, vector<1x16xf32>,
    %get3A_562 = vector.shape_cast %get3A_561 : vector<1x16xf32> to vector<16xf32>
    %add3A_563 = arith.addf %add3A_557, %get3A_562 : vector<16xf32>
    %get3A_564 = arith.constant 13 : i32
    %get3A_565 = arith.index_cast %get3A_564 : i32 to index
    %get3A_566 = arith.constant 48 : index
    %get3A_567 = tpu.vector_load %arg6[%get3A_565, %get3A_566] {strides = array<i32>} : memref<26x64xf32, #tpu.memory_space<vmem>>, vector<1x16xf32>,
    %get3A_568 = vector.shape_cast %get3A_567 : vector<1x16xf32> to vector<16xf32>
    %add3A_569 = arith.addf %add3A_563, %get3A_568 : vector<16xf32>
    %get3A_570 = arith.constant 14 : i32
    %get3A_571 = arith.index_cast %get3A_570 : i32 to index
    %get3A_572 = arith.constant 48 : index
    %get3A_573 = tpu.vector_load %arg6[%get3A_571, %get3A_572] {strides = array<i32>} : memref<26x64xf32, #tpu.memory_space<vmem>>, vector<1x16xf32>,
    %get3A_574 = vector.shape_cast %get3A_573 : vector<1x16xf32> to vector<16xf32>
    %add3A_575 = arith.addf %add3A_569, %get3A_574 : vector<16xf32>
    %get3A_576 = arith.constant 15 : i32
    %get3A_577 = arith.index_cast %get3A_576 : i32 to index
    %get3A_578 = arith.constant 48 : index
    %get3A_579 = tpu.vector_load %arg6[%get3A_577, %get3A_578] {strides = array<i32>} : memref<26x64xf32, #tpu.memory_space<vmem>>, vector<1x16xf32>,
    %get3A_580 = vector.shape_cast %get3A_579 : vector<1x16xf32> to vector<16xf32>
    %add3A_581 = arith.addf %add3A_575, %get3A_580 : vector<16xf32>
    %get3A_582 = arith.constant 16 : i32
    %get3A_583 = arith.index_cast %get3A_582 : i32 to index
    %get3A_584 = arith.constant 48 : index
    %get3A_585 = tpu.vector_load %arg6[%get3A_583, %get3A_584] {strides = array<i32>} : memref<26x64xf32, #tpu.memory_space<vmem>>, vector<1x16xf32>,
    %get3A_586 = vector.shape_cast %get3A_585 : vector<1x16xf32> to vector<16xf32>
    %add3A_587 = arith.addf %add3A_581, %get3A_586 : vector<16xf32>
    %get3A_588 = arith.constant 17 : i32
    %get3A_589 = arith.index_cast %get3A_588 : i32 to index
    %get3A_590 = arith.constant 48 : index
    %get3A_591 = tpu.vector_load %arg6[%get3A_589, %get3A_590] {strides = array<i32>} : memref<26x64xf32, #tpu.memory_space<vmem>>, vector<1x16xf32>,
    %get3A_592 = vector.shape_cast %get3A_591 : vector<1x16xf32> to vector<16xf32>
    %add3A_593 = arith.addf %add3A_587, %get3A_592 : vector<16xf32>
    %get3A_594 = arith.constant 18 : i32
    %get3A_595 = arith.index_cast %get3A_594 : i32 to index
    %get3A_596 = arith.constant 48 : index
    %get3A_597 = tpu.vector_load %arg6[%get3A_595, %get3A_596] {strides = array<i32>} : memref<26x64xf32, #tpu.memory_space<vmem>>, vector<1x16xf32>,
    %get3A_598 = vector.shape_cast %get3A_597 : vector<1x16xf32> to vector<16xf32>
    %add3A_599 = arith.addf %add3A_593, %get3A_598 : vector<16xf32>
    %get3A_600 = arith.constant 19 : i32
    %get3A_601 = arith.index_cast %get3A_600 : i32 to index
    %get3A_602 = arith.constant 48 : index
    %get3A_603 = tpu.vector_load %arg6[%get3A_601, %get3A_602] {strides = array<i32>} : memref<26x64xf32, #tpu.memory_space<vmem>>, vector<1x16xf32>,
    %get3A_604 = vector.shape_cast %get3A_603 : vector<1x16xf32> to vector<16xf32>
    %add3A_605 = arith.addf %add3A_599, %get3A_604 : vector<16xf32>
    %get3A_606 = arith.constant 20 : i32
    %get3A_607 = arith.index_cast %get3A_606 : i32 to index
    %get3A_608 = arith.constant 48 : index
    %get3A_609 = tpu.vector_load %arg6[%get3A_607, %get3A_608] {strides = array<i32>} : memref<26x64xf32, #tpu.memory_space<vmem>>, vector<1x16xf32>,
    %get3A_610 = vector.shape_cast %get3A_609 : vector<1x16xf32> to vector<16xf32>
    %add3A_611 = arith.addf %add3A_605, %get3A_610 : vector<16xf32>
    %get3A_612 = arith.constant 21 : i32
    %get3A_613 = arith.index_cast %get3A_612 : i32 to index
    %get3A_614 = arith.constant 48 : index
    %get3A_615 = tpu.vector_load %arg6[%get3A_613, %get3A_614] {strides = array<i32>} : memref<26x64xf32, #tpu.memory_space<vmem>>, vector<1x16xf32>,
    %get3A_616 = vector.shape_cast %get3A_615 : vector<1x16xf32> to vector<16xf32>
    %add3A_617 = arith.addf %add3A_611, %get3A_616 : vector<16xf32>
    %get3A_618 = arith.constant 22 : i32
    %get3A_619 = arith.index_cast %get3A_618 : i32 to index
    %get3A_620 = arith.constant 48 : index
    %get3A_621 = tpu.vector_load %arg6[%get3A_619, %get3A_620] {strides = array<i32>} : memref<26x64xf32, #tpu.memory_space<vmem>>, vector<1x16xf32>,
    %get3A_622 = vector.shape_cast %get3A_621 : vector<1x16xf32> to vector<16xf32>
    %add3A_623 = arith.addf %add3A_617, %get3A_622 : vector<16xf32>
    %get3A_624 = arith.constant 23 : i32
    %get3A_625 = arith.index_cast %get3A_624 : i32 to index
    %get3A_626 = arith.constant 48 : index
    %get3A_627 = tpu.vector_load %arg6[%get3A_625, %get3A_626] {strides = array<i32>} : memref<26x64xf32, #tpu.memory_space<vmem>>, vector<1x16xf32>,
    %get3A_628 = vector.shape_cast %get3A_627 : vector<1x16xf32> to vector<16xf32>
    %add3A_629 = arith.addf %add3A_623, %get3A_628 : vector<16xf32>
    %get3A_630 = arith.constant 24 : i32
    %get3A_631 = arith.index_cast %get3A_630 : i32 to index
    %get3A_632 = arith.constant 48 : index
    %get3A_633 = tpu.vector_load %arg6[%get3A_631, %get3A_632] {strides = array<i32>} : memref<26x64xf32, #tpu.memory_space<vmem>>, vector<1x16xf32>,
    %get3A_634 = vector.shape_cast %get3A_633 : vector<1x16xf32> to vector<16xf32>
    %add3A_635 = arith.addf %add3A_629, %get3A_634 : vector<16xf32>
    %get3A_636 = arith.constant 25 : i32
    %get3A_637 = arith.index_cast %get3A_636 : i32 to index
    %get3A_638 = arith.constant 48 : index
    %get3A_639 = tpu.vector_load %arg6[%get3A_637, %get3A_638] {strides = array<i32>} : memref<26x64xf32, #tpu.memory_space<vmem>>, vector<1x16xf32>,
    %get3A_640 = vector.shape_cast %get3A_639 : vector<1x16xf32> to vector<16xf32>
    %add3A_641 = arith.addf %add3A_635, %get3A_640 : vector<16xf32>
    %swap3A_642 = arith.constant 48 : index
    %swap3A_643 = tpu.vector_load %arg7[%swap3A_642] {strides = array<i32>} : memref<64xf32, #tpu.memory_space<vmem>>, vector<16xf32>,
    %swap3A_644 = vector.shape_cast %swap3A_643 : vector<16xf32> to vector<16xf32>
    %swap3A_645 = vector.shape_cast %add3A_641 : vector<16xf32> to vector<16xf32>
    tpu.vector_store %arg7[%swap3A_642], %swap3A_645 {strides = array<i32>} : memref<64xf32, #tpu.memory_space<vmem>>, vector<16xf32>,
    %mul3A_646 = arith.constant 64 : i32
    %mul3A_647 = arith.muli %add3A, %mul3A_646 : i32
    "tpu.region"() ({
      %run_scoped3A = tpu.sem_alloc : memref<!tpu.dma_semaphore, #tpu.memory_space<semaphore_mem>>
      %dma_start3A = tpu.memref_slice %arg4[%mul3A_647] : memref<2048xf32, #tpu.memory_space<hbm>> -> memref<64xf32, #tpu.memory_space<hbm>>
      %dma_start3A_648 = tpu.memref_slice %arg4[%mul3A_647] : memref<2048xf32, #tpu.memory_space<hbm>> -> memref<64xf32, #tpu.memory_space<hbm>>
      tpu.enqueue_dma source(%arg7 : memref<64xf32, #tpu.memory_space<vmem>>) target(%dma_start3A_648 : memref<64xf32, #tpu.memory_space<hbm>>) target_semaphore(%run_scoped3A : memref<!tpu.dma_semaphore, #tpu.memory_space<semaphore_mem>>)
      %dma_wait3A = tpu.memref_slice %arg4[%mul3A_647] : memref<2048xf32, #tpu.memory_space<hbm>> -> memref<64xf32, #tpu.memory_space<hbm>>
      %dma_wait3A_649 = tpu.memref_slice %arg4[%mul3A_647] : memref<2048xf32, #tpu.memory_space<hbm>> -> memref<64xf32, #tpu.memory_space<hbm>>
      tpu.wait_dma2 semaphore(%run_scoped3A : memref<!tpu.dma_semaphore, #tpu.memory_space<semaphore_mem>>) src(%arg7 : memref<64xf32, #tpu.memory_space<vmem>>) dst(%dma_wait3A_649 : memref<64xf32, #tpu.memory_space<hbm>>)
      tpu.yield
    }) : () -> ()
    return
  }
}

#map = affine_map<(d0, d1) -> (0, 0, 0)>
#map1 = affine_map<(d0, d1) -> (0)>
module attributes {stable_mosaic.version = 14 : i64} {
  func.func @fm1_k(%arg0: i32, %arg1: i32, %arg2: memref<32x26x64xi32, #tpu.memory_space<hbm>>, %arg3: memref<99997xf32, #tpu.memory_space<hbm>>, %arg4: memref<2048xf32, #tpu.memory_space<hbm>>, %arg5: memref<26x64xi32, #tpu.memory_space<vmem>>, %arg6: memref<26x64xf32, #tpu.memory_space<vmem>>, %arg7: memref<64xf32, #tpu.memory_space<vmem>>, %arg8: memref<!tpu.dma_semaphore, #tpu.memory_space<semaphore_mem>>) attributes {dimension_semantics = [#tpu.dimension_semantics<core_parallel>, #tpu.dimension_semantics<subcore_parallel>], iteration_bounds = array<i64: 2, 16>, scalar_prefetch = 0 : i64, scratch_operands = 4 : i64, tpu.core_type = #tpu.core_type<sc_vector_subcore>, window_params = [{transform_indices = #map}, {transform_indices = #map1}, {transform_indices = #map1}]} {
    %mul3A = arith.constant 2 : i32
    %mul3A_0 = arith.muli %arg1, %mul3A : i32
    %add3A = arith.addi %mul3A_0, %arg0 : i32
    "tpu.region"() ({
      %run_scoped3A = tpu.sem_alloc : memref<!tpu.dma_semaphore, #tpu.memory_space<semaphore_mem>>
      %dma_start3A = arith.constant 0 : i32
      %dma_start3A_648 = arith.constant 0 : i32
      %dma_start3A_649 = tpu.memref_slice %arg2[%add3A, %dma_start3A, %dma_start3A_648] : memref<32x26x64xi32, #tpu.memory_space<hbm>> -> memref<1x26x64xi32, #tpu.memory_space<hbm>>
      %dma_start3A_650 = tpu.memref_squeeze %dma_start3A_649 : memref<1x26x64xi32, #tpu.memory_space<hbm>> -> memref<26x64xi32, #tpu.memory_space<hbm>>
      %dma_start3A_651 = arith.constant 0 : i32
      %dma_start3A_652 = arith.constant 0 : i32
      %dma_start3A_653 = tpu.memref_slice %arg2[%add3A, %dma_start3A_651, %dma_start3A_652] : memref<32x26x64xi32, #tpu.memory_space<hbm>> -> memref<1x26x64xi32, #tpu.memory_space<hbm>>
      %dma_start3A_654 = tpu.memref_squeeze %dma_start3A_653 : memref<1x26x64xi32, #tpu.memory_space<hbm>> -> memref<26x64xi32, #tpu.memory_space<hbm>>
      tpu.enqueue_dma source(%dma_start3A_654 : memref<26x64xi32, #tpu.memory_space<hbm>>) target(%arg5 : memref<26x64xi32, #tpu.memory_space<vmem>>) target_semaphore(%run_scoped3A : memref<!tpu.dma_semaphore, #tpu.memory_space<semaphore_mem>>)
      %dma_wait3A = arith.constant 0 : i32
      %dma_wait3A_655 = arith.constant 0 : i32
      %dma_wait3A_656 = tpu.memref_slice %arg2[%add3A, %dma_wait3A, %dma_wait3A_655] : memref<32x26x64xi32, #tpu.memory_space<hbm>> -> memref<1x26x64xi32, #tpu.memory_space<hbm>>
      %dma_wait3A_657 = tpu.memref_squeeze %dma_wait3A_656 : memref<1x26x64xi32, #tpu.memory_space<hbm>> -> memref<26x64xi32, #tpu.memory_space<hbm>>
      %dma_wait3A_658 = arith.constant 0 : i32
      %dma_wait3A_659 = arith.constant 0 : i32
      %dma_wait3A_660 = tpu.memref_slice %arg2[%add3A, %dma_wait3A_658, %dma_wait3A_659] : memref<32x26x64xi32, #tpu.memory_space<hbm>> -> memref<1x26x64xi32, #tpu.memory_space<hbm>>
      %dma_wait3A_661 = tpu.memref_squeeze %dma_wait3A_660 : memref<1x26x64xi32, #tpu.memory_space<hbm>> -> memref<26x64xi32, #tpu.memory_space<hbm>>
      tpu.wait_dma2 semaphore(%run_scoped3A : memref<!tpu.dma_semaphore, #tpu.memory_space<semaphore_mem>>) src(%dma_wait3A_661 : memref<26x64xi32, #tpu.memory_space<hbm>>) dst(%arg5 : memref<26x64xi32, #tpu.memory_space<vmem>>)
      tpu.yield
    }) : () -> ()
    %scan3A = arith.constant 0 : i32
    %scan3A_1 = arith.constant 0 : i32
    %scan3A_2 = arith.constant 26 : i32
    %scan3A_3 = arith.addi %scan3A_1, %scan3A_2 : i32
    %scan3A_4 = arith.constant 1 : i32
    scf.for %scan3A_648 = %scan3A_1 to %scan3A_3 step %scan3A_4  : i32 {
      %dma_start3A = arith.constant 0 : i32
      %dma_start3A_649 = tpu.memref_slice %arg6[%scan3A_648, %dma_start3A] : memref<26x64xf32, #tpu.memory_space<vmem>> -> memref<1x64xf32, #tpu.memory_space<vmem>>
      %dma_start3A_650 = tpu.memref_squeeze %dma_start3A_649 : memref<1x64xf32, #tpu.memory_space<vmem>> -> memref<64xf32, #tpu.memory_space<vmem>>
      %dma_start3A_651 = arith.constant 0 : i32
      %dma_start3A_652 = tpu.memref_slice %arg5[%scan3A_648, %dma_start3A_651] : memref<26x64xi32, #tpu.memory_space<vmem>> -> memref<1x64xi32, #tpu.memory_space<vmem>>
      %dma_start3A_653 = tpu.memref_squeeze %dma_start3A_652 : memref<1x64xi32, #tpu.memory_space<vmem>> -> memref<64xi32, #tpu.memory_space<vmem>>
      %dma_start3A_654 = arith.constant 0 : i32
      %dma_start3A_655 = tpu.memref_slice %arg3[%dma_start3A_654] : memref<99997xf32, #tpu.memory_space<hbm>> -> memref<99997xf32, #tpu.memory_space<hbm>>
      tpu.enqueue_indirect_dma source(%dma_start3A_655 : memref<99997xf32, #tpu.memory_space<hbm>>) target(%dma_start3A_650 : memref<64xf32, #tpu.memory_space<vmem>>) offsets(%dma_start3A_653 : memref<64xi32, #tpu.memory_space<vmem>>) semaphore(%arg8 : memref<!tpu.dma_semaphore, #tpu.memory_space<semaphore_mem>>)
    }
    %scan3A_5 = arith.constant 26 : i32
    %scan3A_6 = arith.constant 0 : i32
    %scan3A_7 = arith.constant 0 : i32
    %scan3A_8 = arith.constant 26 : i32
    %scan3A_9 = arith.addi %scan3A_7, %scan3A_8 : i32
    %scan3A_10 = arith.constant 1 : i32
    scf.for %scan3A_648 = %scan3A_7 to %scan3A_9 step %scan3A_10  : i32 {
      %dma_wait3A = arith.constant 0 : i32
      %dma_wait3A_649 = tpu.memref_slice %arg6[%scan3A_648, %dma_wait3A] : memref<26x64xf32, #tpu.memory_space<vmem>> -> memref<1x64xf32, #tpu.memory_space<vmem>>
      %dma_wait3A_650 = tpu.memref_squeeze %dma_wait3A_649 : memref<1x64xf32, #tpu.memory_space<vmem>> -> memref<64xf32, #tpu.memory_space<vmem>>
      %dma_wait3A_651 = arith.constant 0 : i32
      %dma_wait3A_652 = tpu.memref_slice %arg5[%scan3A_648, %dma_wait3A_651] : memref<26x64xi32, #tpu.memory_space<vmem>> -> memref<1x64xi32, #tpu.memory_space<vmem>>
      %dma_wait3A_653 = tpu.memref_squeeze %dma_wait3A_652 : memref<1x64xi32, #tpu.memory_space<vmem>> -> memref<64xi32, #tpu.memory_space<vmem>>
      %dma_wait3A_654 = arith.constant 0 : i32
      %dma_wait3A_655 = tpu.memref_slice %arg3[%dma_wait3A_654] : memref<99997xf32, #tpu.memory_space<hbm>> -> memref<99997xf32, #tpu.memory_space<hbm>>
      tpu.wait_indirect_dma semaphore(%arg8 : memref<!tpu.dma_semaphore, #tpu.memory_space<semaphore_mem>>) src(%dma_wait3A_655 : memref<99997xf32, #tpu.memory_space<hbm>>) dst(%dma_wait3A_650 : memref<64xf32, #tpu.memory_space<vmem>>)
    }
    %scan3A_11 = arith.constant 26 : i32
    %get3A = arith.constant 0 : i32
    %get3A_12 = arith.index_cast %get3A : i32 to index
    %get3A_13 = arith.constant 0 : index
    %get3A_14 = tpu.vector_load %arg6[%get3A_12, %get3A_13] {strides = array<i32>} : memref<26x64xf32, #tpu.memory_space<vmem>>, vector<1x16xf32>,
    %get3A_15 = vector.shape_cast %get3A_14 : vector<1x16xf32> to vector<16xf32>
    %get3A_16 = arith.constant 1 : i32
    %get3A_17 = arith.index_cast %get3A_16 : i32 to index
    %get3A_18 = arith.constant 0 : index
    %get3A_19 = tpu.vector_load %arg6[%get3A_17, %get3A_18] {strides = array<i32>} : memref<26x64xf32, #tpu.memory_space<vmem>>, vector<1x16xf32>,
    %get3A_20 = vector.shape_cast %get3A_19 : vector<1x16xf32> to vector<16xf32>
    %add3A_21 = arith.addf %get3A_15, %get3A_20 : vector<16xf32>
    %get3A_22 = arith.constant 2 : i32
    %get3A_23 = arith.index_cast %get3A_22 : i32 to index
    %get3A_24 = arith.constant 0 : index
    %get3A_25 = tpu.vector_load %arg6[%get3A_23, %get3A_24] {strides = array<i32>} : memref<26x64xf32, #tpu.memory_space<vmem>>, vector<1x16xf32>,
    %get3A_26 = vector.shape_cast %get3A_25 : vector<1x16xf32> to vector<16xf32>
    %add3A_27 = arith.addf %add3A_21, %get3A_26 : vector<16xf32>
    %get3A_28 = arith.constant 3 : i32
    %get3A_29 = arith.index_cast %get3A_28 : i32 to index
    %get3A_30 = arith.constant 0 : index
    %get3A_31 = tpu.vector_load %arg6[%get3A_29, %get3A_30] {strides = array<i32>} : memref<26x64xf32, #tpu.memory_space<vmem>>, vector<1x16xf32>,
    %get3A_32 = vector.shape_cast %get3A_31 : vector<1x16xf32> to vector<16xf32>
    %add3A_33 = arith.addf %add3A_27, %get3A_32 : vector<16xf32>
    %get3A_34 = arith.constant 4 : i32
    %get3A_35 = arith.index_cast %get3A_34 : i32 to index
    %get3A_36 = arith.constant 0 : index
    %get3A_37 = tpu.vector_load %arg6[%get3A_35, %get3A_36] {strides = array<i32>} : memref<26x64xf32, #tpu.memory_space<vmem>>, vector<1x16xf32>,
    %get3A_38 = vector.shape_cast %get3A_37 : vector<1x16xf32> to vector<16xf32>
    %add3A_39 = arith.addf %add3A_33, %get3A_38 : vector<16xf32>
    %get3A_40 = arith.constant 5 : i32
    %get3A_41 = arith.index_cast %get3A_40 : i32 to index
    %get3A_42 = arith.constant 0 : index
    %get3A_43 = tpu.vector_load %arg6[%get3A_41, %get3A_42] {strides = array<i32>} : memref<26x64xf32, #tpu.memory_space<vmem>>, vector<1x16xf32>,
    %get3A_44 = vector.shape_cast %get3A_43 : vector<1x16xf32> to vector<16xf32>
    %add3A_45 = arith.addf %add3A_39, %get3A_44 : vector<16xf32>
    %get3A_46 = arith.constant 6 : i32
    %get3A_47 = arith.index_cast %get3A_46 : i32 to index
    %get3A_48 = arith.constant 0 : index
    %get3A_49 = tpu.vector_load %arg6[%get3A_47, %get3A_48] {strides = array<i32>} : memref<26x64xf32, #tpu.memory_space<vmem>>, vector<1x16xf32>,
    %get3A_50 = vector.shape_cast %get3A_49 : vector<1x16xf32> to vector<16xf32>
    %add3A_51 = arith.addf %add3A_45, %get3A_50 : vector<16xf32>
    %get3A_52 = arith.constant 7 : i32
    %get3A_53 = arith.index_cast %get3A_52 : i32 to index
    %get3A_54 = arith.constant 0 : index
    %get3A_55 = tpu.vector_load %arg6[%get3A_53, %get3A_54] {strides = array<i32>} : memref<26x64xf32, #tpu.memory_space<vmem>>, vector<1x16xf32>,
    %get3A_56 = vector.shape_cast %get3A_55 : vector<1x16xf32> to vector<16xf32>
    %add3A_57 = arith.addf %add3A_51, %get3A_56 : vector<16xf32>
    %get3A_58 = arith.constant 8 : i32
    %get3A_59 = arith.index_cast %get3A_58 : i32 to index
    %get3A_60 = arith.constant 0 : index
    %get3A_61 = tpu.vector_load %arg6[%get3A_59, %get3A_60] {strides = array<i32>} : memref<26x64xf32, #tpu.memory_space<vmem>>, vector<1x16xf32>,
    %get3A_62 = vector.shape_cast %get3A_61 : vector<1x16xf32> to vector<16xf32>
    %add3A_63 = arith.addf %add3A_57, %get3A_62 : vector<16xf32>
    %get3A_64 = arith.constant 9 : i32
    %get3A_65 = arith.index_cast %get3A_64 : i32 to index
    %get3A_66 = arith.constant 0 : index
    %get3A_67 = tpu.vector_load %arg6[%get3A_65, %get3A_66] {strides = array<i32>} : memref<26x64xf32, #tpu.memory_space<vmem>>, vector<1x16xf32>,
    %get3A_68 = vector.shape_cast %get3A_67 : vector<1x16xf32> to vector<16xf32>
    %add3A_69 = arith.addf %add3A_63, %get3A_68 : vector<16xf32>
    %get3A_70 = arith.constant 10 : i32
    %get3A_71 = arith.index_cast %get3A_70 : i32 to index
    %get3A_72 = arith.constant 0 : index
    %get3A_73 = tpu.vector_load %arg6[%get3A_71, %get3A_72] {strides = array<i32>} : memref<26x64xf32, #tpu.memory_space<vmem>>, vector<1x16xf32>,
    %get3A_74 = vector.shape_cast %get3A_73 : vector<1x16xf32> to vector<16xf32>
    %add3A_75 = arith.addf %add3A_69, %get3A_74 : vector<16xf32>
    %get3A_76 = arith.constant 11 : i32
    %get3A_77 = arith.index_cast %get3A_76 : i32 to index
    %get3A_78 = arith.constant 0 : index
    %get3A_79 = tpu.vector_load %arg6[%get3A_77, %get3A_78] {strides = array<i32>} : memref<26x64xf32, #tpu.memory_space<vmem>>, vector<1x16xf32>,
    %get3A_80 = vector.shape_cast %get3A_79 : vector<1x16xf32> to vector<16xf32>
    %add3A_81 = arith.addf %add3A_75, %get3A_80 : vector<16xf32>
    %get3A_82 = arith.constant 12 : i32
    %get3A_83 = arith.index_cast %get3A_82 : i32 to index
    %get3A_84 = arith.constant 0 : index
    %get3A_85 = tpu.vector_load %arg6[%get3A_83, %get3A_84] {strides = array<i32>} : memref<26x64xf32, #tpu.memory_space<vmem>>, vector<1x16xf32>,
    %get3A_86 = vector.shape_cast %get3A_85 : vector<1x16xf32> to vector<16xf32>
    %add3A_87 = arith.addf %add3A_81, %get3A_86 : vector<16xf32>
    %get3A_88 = arith.constant 13 : i32
    %get3A_89 = arith.index_cast %get3A_88 : i32 to index
    %get3A_90 = arith.constant 0 : index
    %get3A_91 = tpu.vector_load %arg6[%get3A_89, %get3A_90] {strides = array<i32>} : memref<26x64xf32, #tpu.memory_space<vmem>>, vector<1x16xf32>,
    %get3A_92 = vector.shape_cast %get3A_91 : vector<1x16xf32> to vector<16xf32>
    %add3A_93 = arith.addf %add3A_87, %get3A_92 : vector<16xf32>
    %get3A_94 = arith.constant 14 : i32
    %get3A_95 = arith.index_cast %get3A_94 : i32 to index
    %get3A_96 = arith.constant 0 : index
    %get3A_97 = tpu.vector_load %arg6[%get3A_95, %get3A_96] {strides = array<i32>} : memref<26x64xf32, #tpu.memory_space<vmem>>, vector<1x16xf32>,
    %get3A_98 = vector.shape_cast %get3A_97 : vector<1x16xf32> to vector<16xf32>
    %add3A_99 = arith.addf %add3A_93, %get3A_98 : vector<16xf32>
    %get3A_100 = arith.constant 15 : i32
    %get3A_101 = arith.index_cast %get3A_100 : i32 to index
    %get3A_102 = arith.constant 0 : index
    %get3A_103 = tpu.vector_load %arg6[%get3A_101, %get3A_102] {strides = array<i32>} : memref<26x64xf32, #tpu.memory_space<vmem>>, vector<1x16xf32>,
    %get3A_104 = vector.shape_cast %get3A_103 : vector<1x16xf32> to vector<16xf32>
    %add3A_105 = arith.addf %add3A_99, %get3A_104 : vector<16xf32>
    %get3A_106 = arith.constant 16 : i32
    %get3A_107 = arith.index_cast %get3A_106 : i32 to index
    %get3A_108 = arith.constant 0 : index
    %get3A_109 = tpu.vector_load %arg6[%get3A_107, %get3A_108] {strides = array<i32>} : memref<26x64xf32, #tpu.memory_space<vmem>>, vector<1x16xf32>,
    %get3A_110 = vector.shape_cast %get3A_109 : vector<1x16xf32> to vector<16xf32>
    %add3A_111 = arith.addf %add3A_105, %get3A_110 : vector<16xf32>
    %get3A_112 = arith.constant 17 : i32
    %get3A_113 = arith.index_cast %get3A_112 : i32 to index
    %get3A_114 = arith.constant 0 : index
    %get3A_115 = tpu.vector_load %arg6[%get3A_113, %get3A_114] {strides = array<i32>} : memref<26x64xf32, #tpu.memory_space<vmem>>, vector<1x16xf32>,
    %get3A_116 = vector.shape_cast %get3A_115 : vector<1x16xf32> to vector<16xf32>
    %add3A_117 = arith.addf %add3A_111, %get3A_116 : vector<16xf32>
    %get3A_118 = arith.constant 18 : i32
    %get3A_119 = arith.index_cast %get3A_118 : i32 to index
    %get3A_120 = arith.constant 0 : index
    %get3A_121 = tpu.vector_load %arg6[%get3A_119, %get3A_120] {strides = array<i32>} : memref<26x64xf32, #tpu.memory_space<vmem>>, vector<1x16xf32>,
    %get3A_122 = vector.shape_cast %get3A_121 : vector<1x16xf32> to vector<16xf32>
    %add3A_123 = arith.addf %add3A_117, %get3A_122 : vector<16xf32>
    %get3A_124 = arith.constant 19 : i32
    %get3A_125 = arith.index_cast %get3A_124 : i32 to index
    %get3A_126 = arith.constant 0 : index
    %get3A_127 = tpu.vector_load %arg6[%get3A_125, %get3A_126] {strides = array<i32>} : memref<26x64xf32, #tpu.memory_space<vmem>>, vector<1x16xf32>,
    %get3A_128 = vector.shape_cast %get3A_127 : vector<1x16xf32> to vector<16xf32>
    %add3A_129 = arith.addf %add3A_123, %get3A_128 : vector<16xf32>
    %get3A_130 = arith.constant 20 : i32
    %get3A_131 = arith.index_cast %get3A_130 : i32 to index
    %get3A_132 = arith.constant 0 : index
    %get3A_133 = tpu.vector_load %arg6[%get3A_131, %get3A_132] {strides = array<i32>} : memref<26x64xf32, #tpu.memory_space<vmem>>, vector<1x16xf32>,
    %get3A_134 = vector.shape_cast %get3A_133 : vector<1x16xf32> to vector<16xf32>
    %add3A_135 = arith.addf %add3A_129, %get3A_134 : vector<16xf32>
    %get3A_136 = arith.constant 21 : i32
    %get3A_137 = arith.index_cast %get3A_136 : i32 to index
    %get3A_138 = arith.constant 0 : index
    %get3A_139 = tpu.vector_load %arg6[%get3A_137, %get3A_138] {strides = array<i32>} : memref<26x64xf32, #tpu.memory_space<vmem>>, vector<1x16xf32>,
    %get3A_140 = vector.shape_cast %get3A_139 : vector<1x16xf32> to vector<16xf32>
    %add3A_141 = arith.addf %add3A_135, %get3A_140 : vector<16xf32>
    %get3A_142 = arith.constant 22 : i32
    %get3A_143 = arith.index_cast %get3A_142 : i32 to index
    %get3A_144 = arith.constant 0 : index
    %get3A_145 = tpu.vector_load %arg6[%get3A_143, %get3A_144] {strides = array<i32>} : memref<26x64xf32, #tpu.memory_space<vmem>>, vector<1x16xf32>,
    %get3A_146 = vector.shape_cast %get3A_145 : vector<1x16xf32> to vector<16xf32>
    %add3A_147 = arith.addf %add3A_141, %get3A_146 : vector<16xf32>
    %get3A_148 = arith.constant 23 : i32
    %get3A_149 = arith.index_cast %get3A_148 : i32 to index
    %get3A_150 = arith.constant 0 : index
    %get3A_151 = tpu.vector_load %arg6[%get3A_149, %get3A_150] {strides = array<i32>} : memref<26x64xf32, #tpu.memory_space<vmem>>, vector<1x16xf32>,
    %get3A_152 = vector.shape_cast %get3A_151 : vector<1x16xf32> to vector<16xf32>
    %add3A_153 = arith.addf %add3A_147, %get3A_152 : vector<16xf32>
    %get3A_154 = arith.constant 24 : i32
    %get3A_155 = arith.index_cast %get3A_154 : i32 to index
    %get3A_156 = arith.constant 0 : index
    %get3A_157 = tpu.vector_load %arg6[%get3A_155, %get3A_156] {strides = array<i32>} : memref<26x64xf32, #tpu.memory_space<vmem>>, vector<1x16xf32>,
    %get3A_158 = vector.shape_cast %get3A_157 : vector<1x16xf32> to vector<16xf32>
    %add3A_159 = arith.addf %add3A_153, %get3A_158 : vector<16xf32>
    %get3A_160 = arith.constant 25 : i32
    %get3A_161 = arith.index_cast %get3A_160 : i32 to index
    %get3A_162 = arith.constant 0 : index
    %get3A_163 = tpu.vector_load %arg6[%get3A_161, %get3A_162] {strides = array<i32>} : memref<26x64xf32, #tpu.memory_space<vmem>>, vector<1x16xf32>,
    %get3A_164 = vector.shape_cast %get3A_163 : vector<1x16xf32> to vector<16xf32>
    %add3A_165 = arith.addf %add3A_159, %get3A_164 : vector<16xf32>
    %swap3A = arith.constant 0 : index
    %swap3A_166 = tpu.vector_load %arg7[%swap3A] {strides = array<i32>} : memref<64xf32, #tpu.memory_space<vmem>>, vector<16xf32>,
    %swap3A_167 = vector.shape_cast %swap3A_166 : vector<16xf32> to vector<16xf32>
    %swap3A_168 = vector.shape_cast %add3A_165 : vector<16xf32> to vector<16xf32>
    tpu.vector_store %arg7[%swap3A], %swap3A_168 {strides = array<i32>} : memref<64xf32, #tpu.memory_space<vmem>>, vector<16xf32>,
    %get3A_169 = arith.constant 0 : i32
    %get3A_170 = arith.index_cast %get3A_169 : i32 to index
    %get3A_171 = arith.constant 16 : index
    %get3A_172 = tpu.vector_load %arg6[%get3A_170, %get3A_171] {strides = array<i32>} : memref<26x64xf32, #tpu.memory_space<vmem>>, vector<1x16xf32>,
    %get3A_173 = vector.shape_cast %get3A_172 : vector<1x16xf32> to vector<16xf32>
    %get3A_174 = arith.constant 1 : i32
    %get3A_175 = arith.index_cast %get3A_174 : i32 to index
    %get3A_176 = arith.constant 16 : index
    %get3A_177 = tpu.vector_load %arg6[%get3A_175, %get3A_176] {strides = array<i32>} : memref<26x64xf32, #tpu.memory_space<vmem>>, vector<1x16xf32>,
    %get3A_178 = vector.shape_cast %get3A_177 : vector<1x16xf32> to vector<16xf32>
    %add3A_179 = arith.addf %get3A_173, %get3A_178 : vector<16xf32>
    %get3A_180 = arith.constant 2 : i32
    %get3A_181 = arith.index_cast %get3A_180 : i32 to index
    %get3A_182 = arith.constant 16 : index
    %get3A_183 = tpu.vector_load %arg6[%get3A_181, %get3A_182] {strides = array<i32>} : memref<26x64xf32, #tpu.memory_space<vmem>>, vector<1x16xf32>,
    %get3A_184 = vector.shape_cast %get3A_183 : vector<1x16xf32> to vector<16xf32>
    %add3A_185 = arith.addf %add3A_179, %get3A_184 : vector<16xf32>
    %get3A_186 = arith.constant 3 : i32
    %get3A_187 = arith.index_cast %get3A_186 : i32 to index
    %get3A_188 = arith.constant 16 : index
    %get3A_189 = tpu.vector_load %arg6[%get3A_187, %get3A_188] {strides = array<i32>} : memref<26x64xf32, #tpu.memory_space<vmem>>, vector<1x16xf32>,
    %get3A_190 = vector.shape_cast %get3A_189 : vector<1x16xf32> to vector<16xf32>
    %add3A_191 = arith.addf %add3A_185, %get3A_190 : vector<16xf32>
    %get3A_192 = arith.constant 4 : i32
    %get3A_193 = arith.index_cast %get3A_192 : i32 to index
    %get3A_194 = arith.constant 16 : index
    %get3A_195 = tpu.vector_load %arg6[%get3A_193, %get3A_194] {strides = array<i32>} : memref<26x64xf32, #tpu.memory_space<vmem>>, vector<1x16xf32>,
    %get3A_196 = vector.shape_cast %get3A_195 : vector<1x16xf32> to vector<16xf32>
    %add3A_197 = arith.addf %add3A_191, %get3A_196 : vector<16xf32>
    %get3A_198 = arith.constant 5 : i32
    %get3A_199 = arith.index_cast %get3A_198 : i32 to index
    %get3A_200 = arith.constant 16 : index
    %get3A_201 = tpu.vector_load %arg6[%get3A_199, %get3A_200] {strides = array<i32>} : memref<26x64xf32, #tpu.memory_space<vmem>>, vector<1x16xf32>,
    %get3A_202 = vector.shape_cast %get3A_201 : vector<1x16xf32> to vector<16xf32>
    %add3A_203 = arith.addf %add3A_197, %get3A_202 : vector<16xf32>
    %get3A_204 = arith.constant 6 : i32
    %get3A_205 = arith.index_cast %get3A_204 : i32 to index
    %get3A_206 = arith.constant 16 : index
    %get3A_207 = tpu.vector_load %arg6[%get3A_205, %get3A_206] {strides = array<i32>} : memref<26x64xf32, #tpu.memory_space<vmem>>, vector<1x16xf32>,
    %get3A_208 = vector.shape_cast %get3A_207 : vector<1x16xf32> to vector<16xf32>
    %add3A_209 = arith.addf %add3A_203, %get3A_208 : vector<16xf32>
    %get3A_210 = arith.constant 7 : i32
    %get3A_211 = arith.index_cast %get3A_210 : i32 to index
    %get3A_212 = arith.constant 16 : index
    %get3A_213 = tpu.vector_load %arg6[%get3A_211, %get3A_212] {strides = array<i32>} : memref<26x64xf32, #tpu.memory_space<vmem>>, vector<1x16xf32>,
    %get3A_214 = vector.shape_cast %get3A_213 : vector<1x16xf32> to vector<16xf32>
    %add3A_215 = arith.addf %add3A_209, %get3A_214 : vector<16xf32>
    %get3A_216 = arith.constant 8 : i32
    %get3A_217 = arith.index_cast %get3A_216 : i32 to index
    %get3A_218 = arith.constant 16 : index
    %get3A_219 = tpu.vector_load %arg6[%get3A_217, %get3A_218] {strides = array<i32>} : memref<26x64xf32, #tpu.memory_space<vmem>>, vector<1x16xf32>,
    %get3A_220 = vector.shape_cast %get3A_219 : vector<1x16xf32> to vector<16xf32>
    %add3A_221 = arith.addf %add3A_215, %get3A_220 : vector<16xf32>
    %get3A_222 = arith.constant 9 : i32
    %get3A_223 = arith.index_cast %get3A_222 : i32 to index
    %get3A_224 = arith.constant 16 : index
    %get3A_225 = tpu.vector_load %arg6[%get3A_223, %get3A_224] {strides = array<i32>} : memref<26x64xf32, #tpu.memory_space<vmem>>, vector<1x16xf32>,
    %get3A_226 = vector.shape_cast %get3A_225 : vector<1x16xf32> to vector<16xf32>
    %add3A_227 = arith.addf %add3A_221, %get3A_226 : vector<16xf32>
    %get3A_228 = arith.constant 10 : i32
    %get3A_229 = arith.index_cast %get3A_228 : i32 to index
    %get3A_230 = arith.constant 16 : index
    %get3A_231 = tpu.vector_load %arg6[%get3A_229, %get3A_230] {strides = array<i32>} : memref<26x64xf32, #tpu.memory_space<vmem>>, vector<1x16xf32>,
    %get3A_232 = vector.shape_cast %get3A_231 : vector<1x16xf32> to vector<16xf32>
    %add3A_233 = arith.addf %add3A_227, %get3A_232 : vector<16xf32>
    %get3A_234 = arith.constant 11 : i32
    %get3A_235 = arith.index_cast %get3A_234 : i32 to index
    %get3A_236 = arith.constant 16 : index
    %get3A_237 = tpu.vector_load %arg6[%get3A_235, %get3A_236] {strides = array<i32>} : memref<26x64xf32, #tpu.memory_space<vmem>>, vector<1x16xf32>,
    %get3A_238 = vector.shape_cast %get3A_237 : vector<1x16xf32> to vector<16xf32>
    %add3A_239 = arith.addf %add3A_233, %get3A_238 : vector<16xf32>
    %get3A_240 = arith.constant 12 : i32
    %get3A_241 = arith.index_cast %get3A_240 : i32 to index
    %get3A_242 = arith.constant 16 : index
    %get3A_243 = tpu.vector_load %arg6[%get3A_241, %get3A_242] {strides = array<i32>} : memref<26x64xf32, #tpu.memory_space<vmem>>, vector<1x16xf32>,
    %get3A_244 = vector.shape_cast %get3A_243 : vector<1x16xf32> to vector<16xf32>
    %add3A_245 = arith.addf %add3A_239, %get3A_244 : vector<16xf32>
    %get3A_246 = arith.constant 13 : i32
    %get3A_247 = arith.index_cast %get3A_246 : i32 to index
    %get3A_248 = arith.constant 16 : index
    %get3A_249 = tpu.vector_load %arg6[%get3A_247, %get3A_248] {strides = array<i32>} : memref<26x64xf32, #tpu.memory_space<vmem>>, vector<1x16xf32>,
    %get3A_250 = vector.shape_cast %get3A_249 : vector<1x16xf32> to vector<16xf32>
    %add3A_251 = arith.addf %add3A_245, %get3A_250 : vector<16xf32>
    %get3A_252 = arith.constant 14 : i32
    %get3A_253 = arith.index_cast %get3A_252 : i32 to index
    %get3A_254 = arith.constant 16 : index
    %get3A_255 = tpu.vector_load %arg6[%get3A_253, %get3A_254] {strides = array<i32>} : memref<26x64xf32, #tpu.memory_space<vmem>>, vector<1x16xf32>,
    %get3A_256 = vector.shape_cast %get3A_255 : vector<1x16xf32> to vector<16xf32>
    %add3A_257 = arith.addf %add3A_251, %get3A_256 : vector<16xf32>
    %get3A_258 = arith.constant 15 : i32
    %get3A_259 = arith.index_cast %get3A_258 : i32 to index
    %get3A_260 = arith.constant 16 : index
    %get3A_261 = tpu.vector_load %arg6[%get3A_259, %get3A_260] {strides = array<i32>} : memref<26x64xf32, #tpu.memory_space<vmem>>, vector<1x16xf32>,
    %get3A_262 = vector.shape_cast %get3A_261 : vector<1x16xf32> to vector<16xf32>
    %add3A_263 = arith.addf %add3A_257, %get3A_262 : vector<16xf32>
    %get3A_264 = arith.constant 16 : i32
    %get3A_265 = arith.index_cast %get3A_264 : i32 to index
    %get3A_266 = arith.constant 16 : index
    %get3A_267 = tpu.vector_load %arg6[%get3A_265, %get3A_266] {strides = array<i32>} : memref<26x64xf32, #tpu.memory_space<vmem>>, vector<1x16xf32>,
    %get3A_268 = vector.shape_cast %get3A_267 : vector<1x16xf32> to vector<16xf32>
    %add3A_269 = arith.addf %add3A_263, %get3A_268 : vector<16xf32>
    %get3A_270 = arith.constant 17 : i32
    %get3A_271 = arith.index_cast %get3A_270 : i32 to index
    %get3A_272 = arith.constant 16 : index
    %get3A_273 = tpu.vector_load %arg6[%get3A_271, %get3A_272] {strides = array<i32>} : memref<26x64xf32, #tpu.memory_space<vmem>>, vector<1x16xf32>,
    %get3A_274 = vector.shape_cast %get3A_273 : vector<1x16xf32> to vector<16xf32>
    %add3A_275 = arith.addf %add3A_269, %get3A_274 : vector<16xf32>
    %get3A_276 = arith.constant 18 : i32
    %get3A_277 = arith.index_cast %get3A_276 : i32 to index
    %get3A_278 = arith.constant 16 : index
    %get3A_279 = tpu.vector_load %arg6[%get3A_277, %get3A_278] {strides = array<i32>} : memref<26x64xf32, #tpu.memory_space<vmem>>, vector<1x16xf32>,
    %get3A_280 = vector.shape_cast %get3A_279 : vector<1x16xf32> to vector<16xf32>
    %add3A_281 = arith.addf %add3A_275, %get3A_280 : vector<16xf32>
    %get3A_282 = arith.constant 19 : i32
    %get3A_283 = arith.index_cast %get3A_282 : i32 to index
    %get3A_284 = arith.constant 16 : index
    %get3A_285 = tpu.vector_load %arg6[%get3A_283, %get3A_284] {strides = array<i32>} : memref<26x64xf32, #tpu.memory_space<vmem>>, vector<1x16xf32>,
    %get3A_286 = vector.shape_cast %get3A_285 : vector<1x16xf32> to vector<16xf32>
    %add3A_287 = arith.addf %add3A_281, %get3A_286 : vector<16xf32>
    %get3A_288 = arith.constant 20 : i32
    %get3A_289 = arith.index_cast %get3A_288 : i32 to index
    %get3A_290 = arith.constant 16 : index
    %get3A_291 = tpu.vector_load %arg6[%get3A_289, %get3A_290] {strides = array<i32>} : memref<26x64xf32, #tpu.memory_space<vmem>>, vector<1x16xf32>,
    %get3A_292 = vector.shape_cast %get3A_291 : vector<1x16xf32> to vector<16xf32>
    %add3A_293 = arith.addf %add3A_287, %get3A_292 : vector<16xf32>
    %get3A_294 = arith.constant 21 : i32
    %get3A_295 = arith.index_cast %get3A_294 : i32 to index
    %get3A_296 = arith.constant 16 : index
    %get3A_297 = tpu.vector_load %arg6[%get3A_295, %get3A_296] {strides = array<i32>} : memref<26x64xf32, #tpu.memory_space<vmem>>, vector<1x16xf32>,
    %get3A_298 = vector.shape_cast %get3A_297 : vector<1x16xf32> to vector<16xf32>
    %add3A_299 = arith.addf %add3A_293, %get3A_298 : vector<16xf32>
    %get3A_300 = arith.constant 22 : i32
    %get3A_301 = arith.index_cast %get3A_300 : i32 to index
    %get3A_302 = arith.constant 16 : index
    %get3A_303 = tpu.vector_load %arg6[%get3A_301, %get3A_302] {strides = array<i32>} : memref<26x64xf32, #tpu.memory_space<vmem>>, vector<1x16xf32>,
    %get3A_304 = vector.shape_cast %get3A_303 : vector<1x16xf32> to vector<16xf32>
    %add3A_305 = arith.addf %add3A_299, %get3A_304 : vector<16xf32>
    %get3A_306 = arith.constant 23 : i32
    %get3A_307 = arith.index_cast %get3A_306 : i32 to index
    %get3A_308 = arith.constant 16 : index
    %get3A_309 = tpu.vector_load %arg6[%get3A_307, %get3A_308] {strides = array<i32>} : memref<26x64xf32, #tpu.memory_space<vmem>>, vector<1x16xf32>,
    %get3A_310 = vector.shape_cast %get3A_309 : vector<1x16xf32> to vector<16xf32>
    %add3A_311 = arith.addf %add3A_305, %get3A_310 : vector<16xf32>
    %get3A_312 = arith.constant 24 : i32
    %get3A_313 = arith.index_cast %get3A_312 : i32 to index
    %get3A_314 = arith.constant 16 : index
    %get3A_315 = tpu.vector_load %arg6[%get3A_313, %get3A_314] {strides = array<i32>} : memref<26x64xf32, #tpu.memory_space<vmem>>, vector<1x16xf32>,
    %get3A_316 = vector.shape_cast %get3A_315 : vector<1x16xf32> to vector<16xf32>
    %add3A_317 = arith.addf %add3A_311, %get3A_316 : vector<16xf32>
    %get3A_318 = arith.constant 25 : i32
    %get3A_319 = arith.index_cast %get3A_318 : i32 to index
    %get3A_320 = arith.constant 16 : index
    %get3A_321 = tpu.vector_load %arg6[%get3A_319, %get3A_320] {strides = array<i32>} : memref<26x64xf32, #tpu.memory_space<vmem>>, vector<1x16xf32>,
    %get3A_322 = vector.shape_cast %get3A_321 : vector<1x16xf32> to vector<16xf32>
    %add3A_323 = arith.addf %add3A_317, %get3A_322 : vector<16xf32>
    %swap3A_324 = arith.constant 16 : index
    %swap3A_325 = tpu.vector_load %arg7[%swap3A_324] {strides = array<i32>} : memref<64xf32, #tpu.memory_space<vmem>>, vector<16xf32>,
    %swap3A_326 = vector.shape_cast %swap3A_325 : vector<16xf32> to vector<16xf32>
    %swap3A_327 = vector.shape_cast %add3A_323 : vector<16xf32> to vector<16xf32>
    tpu.vector_store %arg7[%swap3A_324], %swap3A_327 {strides = array<i32>} : memref<64xf32, #tpu.memory_space<vmem>>, vector<16xf32>,
    %get3A_328 = arith.constant 0 : i32
    %get3A_329 = arith.index_cast %get3A_328 : i32 to index
    %get3A_330 = arith.constant 32 : index
    %get3A_331 = tpu.vector_load %arg6[%get3A_329, %get3A_330] {strides = array<i32>} : memref<26x64xf32, #tpu.memory_space<vmem>>, vector<1x16xf32>,
    %get3A_332 = vector.shape_cast %get3A_331 : vector<1x16xf32> to vector<16xf32>
    %get3A_333 = arith.constant 1 : i32
    %get3A_334 = arith.index_cast %get3A_333 : i32 to index
    %get3A_335 = arith.constant 32 : index
    %get3A_336 = tpu.vector_load %arg6[%get3A_334, %get3A_335] {strides = array<i32>} : memref<26x64xf32, #tpu.memory_space<vmem>>, vector<1x16xf32>,
    %get3A_337 = vector.shape_cast %get3A_336 : vector<1x16xf32> to vector<16xf32>
    %add3A_338 = arith.addf %get3A_332, %get3A_337 : vector<16xf32>
    %get3A_339 = arith.constant 2 : i32
    %get3A_340 = arith.index_cast %get3A_339 : i32 to index
    %get3A_341 = arith.constant 32 : index
    %get3A_342 = tpu.vector_load %arg6[%get3A_340, %get3A_341] {strides = array<i32>} : memref<26x64xf32, #tpu.memory_space<vmem>>, vector<1x16xf32>,
    %get3A_343 = vector.shape_cast %get3A_342 : vector<1x16xf32> to vector<16xf32>
    %add3A_344 = arith.addf %add3A_338, %get3A_343 : vector<16xf32>
    %get3A_345 = arith.constant 3 : i32
    %get3A_346 = arith.index_cast %get3A_345 : i32 to index
    %get3A_347 = arith.constant 32 : index
    %get3A_348 = tpu.vector_load %arg6[%get3A_346, %get3A_347] {strides = array<i32>} : memref<26x64xf32, #tpu.memory_space<vmem>>, vector<1x16xf32>,
    %get3A_349 = vector.shape_cast %get3A_348 : vector<1x16xf32> to vector<16xf32>
    %add3A_350 = arith.addf %add3A_344, %get3A_349 : vector<16xf32>
    %get3A_351 = arith.constant 4 : i32
    %get3A_352 = arith.index_cast %get3A_351 : i32 to index
    %get3A_353 = arith.constant 32 : index
    %get3A_354 = tpu.vector_load %arg6[%get3A_352, %get3A_353] {strides = array<i32>} : memref<26x64xf32, #tpu.memory_space<vmem>>, vector<1x16xf32>,
    %get3A_355 = vector.shape_cast %get3A_354 : vector<1x16xf32> to vector<16xf32>
    %add3A_356 = arith.addf %add3A_350, %get3A_355 : vector<16xf32>
    %get3A_357 = arith.constant 5 : i32
    %get3A_358 = arith.index_cast %get3A_357 : i32 to index
    %get3A_359 = arith.constant 32 : index
    %get3A_360 = tpu.vector_load %arg6[%get3A_358, %get3A_359] {strides = array<i32>} : memref<26x64xf32, #tpu.memory_space<vmem>>, vector<1x16xf32>,
    %get3A_361 = vector.shape_cast %get3A_360 : vector<1x16xf32> to vector<16xf32>
    %add3A_362 = arith.addf %add3A_356, %get3A_361 : vector<16xf32>
    %get3A_363 = arith.constant 6 : i32
    %get3A_364 = arith.index_cast %get3A_363 : i32 to index
    %get3A_365 = arith.constant 32 : index
    %get3A_366 = tpu.vector_load %arg6[%get3A_364, %get3A_365] {strides = array<i32>} : memref<26x64xf32, #tpu.memory_space<vmem>>, vector<1x16xf32>,
    %get3A_367 = vector.shape_cast %get3A_366 : vector<1x16xf32> to vector<16xf32>
    %add3A_368 = arith.addf %add3A_362, %get3A_367 : vector<16xf32>
    %get3A_369 = arith.constant 7 : i32
    %get3A_370 = arith.index_cast %get3A_369 : i32 to index
    %get3A_371 = arith.constant 32 : index
    %get3A_372 = tpu.vector_load %arg6[%get3A_370, %get3A_371] {strides = array<i32>} : memref<26x64xf32, #tpu.memory_space<vmem>>, vector<1x16xf32>,
    %get3A_373 = vector.shape_cast %get3A_372 : vector<1x16xf32> to vector<16xf32>
    %add3A_374 = arith.addf %add3A_368, %get3A_373 : vector<16xf32>
    %get3A_375 = arith.constant 8 : i32
    %get3A_376 = arith.index_cast %get3A_375 : i32 to index
    %get3A_377 = arith.constant 32 : index
    %get3A_378 = tpu.vector_load %arg6[%get3A_376, %get3A_377] {strides = array<i32>} : memref<26x64xf32, #tpu.memory_space<vmem>>, vector<1x16xf32>,
    %get3A_379 = vector.shape_cast %get3A_378 : vector<1x16xf32> to vector<16xf32>
    %add3A_380 = arith.addf %add3A_374, %get3A_379 : vector<16xf32>
    %get3A_381 = arith.constant 9 : i32
    %get3A_382 = arith.index_cast %get3A_381 : i32 to index
    %get3A_383 = arith.constant 32 : index
    %get3A_384 = tpu.vector_load %arg6[%get3A_382, %get3A_383] {strides = array<i32>} : memref<26x64xf32, #tpu.memory_space<vmem>>, vector<1x16xf32>,
    %get3A_385 = vector.shape_cast %get3A_384 : vector<1x16xf32> to vector<16xf32>
    %add3A_386 = arith.addf %add3A_380, %get3A_385 : vector<16xf32>
    %get3A_387 = arith.constant 10 : i32
    %get3A_388 = arith.index_cast %get3A_387 : i32 to index
    %get3A_389 = arith.constant 32 : index
    %get3A_390 = tpu.vector_load %arg6[%get3A_388, %get3A_389] {strides = array<i32>} : memref<26x64xf32, #tpu.memory_space<vmem>>, vector<1x16xf32>,
    %get3A_391 = vector.shape_cast %get3A_390 : vector<1x16xf32> to vector<16xf32>
    %add3A_392 = arith.addf %add3A_386, %get3A_391 : vector<16xf32>
    %get3A_393 = arith.constant 11 : i32
    %get3A_394 = arith.index_cast %get3A_393 : i32 to index
    %get3A_395 = arith.constant 32 : index
    %get3A_396 = tpu.vector_load %arg6[%get3A_394, %get3A_395] {strides = array<i32>} : memref<26x64xf32, #tpu.memory_space<vmem>>, vector<1x16xf32>,
    %get3A_397 = vector.shape_cast %get3A_396 : vector<1x16xf32> to vector<16xf32>
    %add3A_398 = arith.addf %add3A_392, %get3A_397 : vector<16xf32>
    %get3A_399 = arith.constant 12 : i32
    %get3A_400 = arith.index_cast %get3A_399 : i32 to index
    %get3A_401 = arith.constant 32 : index
    %get3A_402 = tpu.vector_load %arg6[%get3A_400, %get3A_401] {strides = array<i32>} : memref<26x64xf32, #tpu.memory_space<vmem>>, vector<1x16xf32>,
    %get3A_403 = vector.shape_cast %get3A_402 : vector<1x16xf32> to vector<16xf32>
    %add3A_404 = arith.addf %add3A_398, %get3A_403 : vector<16xf32>
    %get3A_405 = arith.constant 13 : i32
    %get3A_406 = arith.index_cast %get3A_405 : i32 to index
    %get3A_407 = arith.constant 32 : index
    %get3A_408 = tpu.vector_load %arg6[%get3A_406, %get3A_407] {strides = array<i32>} : memref<26x64xf32, #tpu.memory_space<vmem>>, vector<1x16xf32>,
    %get3A_409 = vector.shape_cast %get3A_408 : vector<1x16xf32> to vector<16xf32>
    %add3A_410 = arith.addf %add3A_404, %get3A_409 : vector<16xf32>
    %get3A_411 = arith.constant 14 : i32
    %get3A_412 = arith.index_cast %get3A_411 : i32 to index
    %get3A_413 = arith.constant 32 : index
    %get3A_414 = tpu.vector_load %arg6[%get3A_412, %get3A_413] {strides = array<i32>} : memref<26x64xf32, #tpu.memory_space<vmem>>, vector<1x16xf32>,
    %get3A_415 = vector.shape_cast %get3A_414 : vector<1x16xf32> to vector<16xf32>
    %add3A_416 = arith.addf %add3A_410, %get3A_415 : vector<16xf32>
    %get3A_417 = arith.constant 15 : i32
    %get3A_418 = arith.index_cast %get3A_417 : i32 to index
    %get3A_419 = arith.constant 32 : index
    %get3A_420 = tpu.vector_load %arg6[%get3A_418, %get3A_419] {strides = array<i32>} : memref<26x64xf32, #tpu.memory_space<vmem>>, vector<1x16xf32>,
    %get3A_421 = vector.shape_cast %get3A_420 : vector<1x16xf32> to vector<16xf32>
    %add3A_422 = arith.addf %add3A_416, %get3A_421 : vector<16xf32>
    %get3A_423 = arith.constant 16 : i32
    %get3A_424 = arith.index_cast %get3A_423 : i32 to index
    %get3A_425 = arith.constant 32 : index
    %get3A_426 = tpu.vector_load %arg6[%get3A_424, %get3A_425] {strides = array<i32>} : memref<26x64xf32, #tpu.memory_space<vmem>>, vector<1x16xf32>,
    %get3A_427 = vector.shape_cast %get3A_426 : vector<1x16xf32> to vector<16xf32>
    %add3A_428 = arith.addf %add3A_422, %get3A_427 : vector<16xf32>
    %get3A_429 = arith.constant 17 : i32
    %get3A_430 = arith.index_cast %get3A_429 : i32 to index
    %get3A_431 = arith.constant 32 : index
    %get3A_432 = tpu.vector_load %arg6[%get3A_430, %get3A_431] {strides = array<i32>} : memref<26x64xf32, #tpu.memory_space<vmem>>, vector<1x16xf32>,
    %get3A_433 = vector.shape_cast %get3A_432 : vector<1x16xf32> to vector<16xf32>
    %add3A_434 = arith.addf %add3A_428, %get3A_433 : vector<16xf32>
    %get3A_435 = arith.constant 18 : i32
    %get3A_436 = arith.index_cast %get3A_435 : i32 to index
    %get3A_437 = arith.constant 32 : index
    %get3A_438 = tpu.vector_load %arg6[%get3A_436, %get3A_437] {strides = array<i32>} : memref<26x64xf32, #tpu.memory_space<vmem>>, vector<1x16xf32>,
    %get3A_439 = vector.shape_cast %get3A_438 : vector<1x16xf32> to vector<16xf32>
    %add3A_440 = arith.addf %add3A_434, %get3A_439 : vector<16xf32>
    %get3A_441 = arith.constant 19 : i32
    %get3A_442 = arith.index_cast %get3A_441 : i32 to index
    %get3A_443 = arith.constant 32 : index
    %get3A_444 = tpu.vector_load %arg6[%get3A_442, %get3A_443] {strides = array<i32>} : memref<26x64xf32, #tpu.memory_space<vmem>>, vector<1x16xf32>,
    %get3A_445 = vector.shape_cast %get3A_444 : vector<1x16xf32> to vector<16xf32>
    %add3A_446 = arith.addf %add3A_440, %get3A_445 : vector<16xf32>
    %get3A_447 = arith.constant 20 : i32
    %get3A_448 = arith.index_cast %get3A_447 : i32 to index
    %get3A_449 = arith.constant 32 : index
    %get3A_450 = tpu.vector_load %arg6[%get3A_448, %get3A_449] {strides = array<i32>} : memref<26x64xf32, #tpu.memory_space<vmem>>, vector<1x16xf32>,
    %get3A_451 = vector.shape_cast %get3A_450 : vector<1x16xf32> to vector<16xf32>
    %add3A_452 = arith.addf %add3A_446, %get3A_451 : vector<16xf32>
    %get3A_453 = arith.constant 21 : i32
    %get3A_454 = arith.index_cast %get3A_453 : i32 to index
    %get3A_455 = arith.constant 32 : index
    %get3A_456 = tpu.vector_load %arg6[%get3A_454, %get3A_455] {strides = array<i32>} : memref<26x64xf32, #tpu.memory_space<vmem>>, vector<1x16xf32>,
    %get3A_457 = vector.shape_cast %get3A_456 : vector<1x16xf32> to vector<16xf32>
    %add3A_458 = arith.addf %add3A_452, %get3A_457 : vector<16xf32>
    %get3A_459 = arith.constant 22 : i32
    %get3A_460 = arith.index_cast %get3A_459 : i32 to index
    %get3A_461 = arith.constant 32 : index
    %get3A_462 = tpu.vector_load %arg6[%get3A_460, %get3A_461] {strides = array<i32>} : memref<26x64xf32, #tpu.memory_space<vmem>>, vector<1x16xf32>,
    %get3A_463 = vector.shape_cast %get3A_462 : vector<1x16xf32> to vector<16xf32>
    %add3A_464 = arith.addf %add3A_458, %get3A_463 : vector<16xf32>
    %get3A_465 = arith.constant 23 : i32
    %get3A_466 = arith.index_cast %get3A_465 : i32 to index
    %get3A_467 = arith.constant 32 : index
    %get3A_468 = tpu.vector_load %arg6[%get3A_466, %get3A_467] {strides = array<i32>} : memref<26x64xf32, #tpu.memory_space<vmem>>, vector<1x16xf32>,
    %get3A_469 = vector.shape_cast %get3A_468 : vector<1x16xf32> to vector<16xf32>
    %add3A_470 = arith.addf %add3A_464, %get3A_469 : vector<16xf32>
    %get3A_471 = arith.constant 24 : i32
    %get3A_472 = arith.index_cast %get3A_471 : i32 to index
    %get3A_473 = arith.constant 32 : index
    %get3A_474 = tpu.vector_load %arg6[%get3A_472, %get3A_473] {strides = array<i32>} : memref<26x64xf32, #tpu.memory_space<vmem>>, vector<1x16xf32>,
    %get3A_475 = vector.shape_cast %get3A_474 : vector<1x16xf32> to vector<16xf32>
    %add3A_476 = arith.addf %add3A_470, %get3A_475 : vector<16xf32>
    %get3A_477 = arith.constant 25 : i32
    %get3A_478 = arith.index_cast %get3A_477 : i32 to index
    %get3A_479 = arith.constant 32 : index
    %get3A_480 = tpu.vector_load %arg6[%get3A_478, %get3A_479] {strides = array<i32>} : memref<26x64xf32, #tpu.memory_space<vmem>>, vector<1x16xf32>,
    %get3A_481 = vector.shape_cast %get3A_480 : vector<1x16xf32> to vector<16xf32>
    %add3A_482 = arith.addf %add3A_476, %get3A_481 : vector<16xf32>
    %swap3A_483 = arith.constant 32 : index
    %swap3A_484 = tpu.vector_load %arg7[%swap3A_483] {strides = array<i32>} : memref<64xf32, #tpu.memory_space<vmem>>, vector<16xf32>,
    %swap3A_485 = vector.shape_cast %swap3A_484 : vector<16xf32> to vector<16xf32>
    %swap3A_486 = vector.shape_cast %add3A_482 : vector<16xf32> to vector<16xf32>
    tpu.vector_store %arg7[%swap3A_483], %swap3A_486 {strides = array<i32>} : memref<64xf32, #tpu.memory_space<vmem>>, vector<16xf32>,
    %get3A_487 = arith.constant 0 : i32
    %get3A_488 = arith.index_cast %get3A_487 : i32 to index
    %get3A_489 = arith.constant 48 : index
    %get3A_490 = tpu.vector_load %arg6[%get3A_488, %get3A_489] {strides = array<i32>} : memref<26x64xf32, #tpu.memory_space<vmem>>, vector<1x16xf32>,
    %get3A_491 = vector.shape_cast %get3A_490 : vector<1x16xf32> to vector<16xf32>
    %get3A_492 = arith.constant 1 : i32
    %get3A_493 = arith.index_cast %get3A_492 : i32 to index
    %get3A_494 = arith.constant 48 : index
    %get3A_495 = tpu.vector_load %arg6[%get3A_493, %get3A_494] {strides = array<i32>} : memref<26x64xf32, #tpu.memory_space<vmem>>, vector<1x16xf32>,
    %get3A_496 = vector.shape_cast %get3A_495 : vector<1x16xf32> to vector<16xf32>
    %add3A_497 = arith.addf %get3A_491, %get3A_496 : vector<16xf32>
    %get3A_498 = arith.constant 2 : i32
    %get3A_499 = arith.index_cast %get3A_498 : i32 to index
    %get3A_500 = arith.constant 48 : index
    %get3A_501 = tpu.vector_load %arg6[%get3A_499, %get3A_500] {strides = array<i32>} : memref<26x64xf32, #tpu.memory_space<vmem>>, vector<1x16xf32>,
    %get3A_502 = vector.shape_cast %get3A_501 : vector<1x16xf32> to vector<16xf32>
    %add3A_503 = arith.addf %add3A_497, %get3A_502 : vector<16xf32>
    %get3A_504 = arith.constant 3 : i32
    %get3A_505 = arith.index_cast %get3A_504 : i32 to index
    %get3A_506 = arith.constant 48 : index
    %get3A_507 = tpu.vector_load %arg6[%get3A_505, %get3A_506] {strides = array<i32>} : memref<26x64xf32, #tpu.memory_space<vmem>>, vector<1x16xf32>,
    %get3A_508 = vector.shape_cast %get3A_507 : vector<1x16xf32> to vector<16xf32>
    %add3A_509 = arith.addf %add3A_503, %get3A_508 : vector<16xf32>
    %get3A_510 = arith.constant 4 : i32
    %get3A_511 = arith.index_cast %get3A_510 : i32 to index
    %get3A_512 = arith.constant 48 : index
    %get3A_513 = tpu.vector_load %arg6[%get3A_511, %get3A_512] {strides = array<i32>} : memref<26x64xf32, #tpu.memory_space<vmem>>, vector<1x16xf32>,
    %get3A_514 = vector.shape_cast %get3A_513 : vector<1x16xf32> to vector<16xf32>
    %add3A_515 = arith.addf %add3A_509, %get3A_514 : vector<16xf32>
    %get3A_516 = arith.constant 5 : i32
    %get3A_517 = arith.index_cast %get3A_516 : i32 to index
    %get3A_518 = arith.constant 48 : index
    %get3A_519 = tpu.vector_load %arg6[%get3A_517, %get3A_518] {strides = array<i32>} : memref<26x64xf32, #tpu.memory_space<vmem>>, vector<1x16xf32>,
    %get3A_520 = vector.shape_cast %get3A_519 : vector<1x16xf32> to vector<16xf32>
    %add3A_521 = arith.addf %add3A_515, %get3A_520 : vector<16xf32>
    %get3A_522 = arith.constant 6 : i32
    %get3A_523 = arith.index_cast %get3A_522 : i32 to index
    %get3A_524 = arith.constant 48 : index
    %get3A_525 = tpu.vector_load %arg6[%get3A_523, %get3A_524] {strides = array<i32>} : memref<26x64xf32, #tpu.memory_space<vmem>>, vector<1x16xf32>,
    %get3A_526 = vector.shape_cast %get3A_525 : vector<1x16xf32> to vector<16xf32>
    %add3A_527 = arith.addf %add3A_521, %get3A_526 : vector<16xf32>
    %get3A_528 = arith.constant 7 : i32
    %get3A_529 = arith.index_cast %get3A_528 : i32 to index
    %get3A_530 = arith.constant 48 : index
    %get3A_531 = tpu.vector_load %arg6[%get3A_529, %get3A_530] {strides = array<i32>} : memref<26x64xf32, #tpu.memory_space<vmem>>, vector<1x16xf32>,
    %get3A_532 = vector.shape_cast %get3A_531 : vector<1x16xf32> to vector<16xf32>
    %add3A_533 = arith.addf %add3A_527, %get3A_532 : vector<16xf32>
    %get3A_534 = arith.constant 8 : i32
    %get3A_535 = arith.index_cast %get3A_534 : i32 to index
    %get3A_536 = arith.constant 48 : index
    %get3A_537 = tpu.vector_load %arg6[%get3A_535, %get3A_536] {strides = array<i32>} : memref<26x64xf32, #tpu.memory_space<vmem>>, vector<1x16xf32>,
    %get3A_538 = vector.shape_cast %get3A_537 : vector<1x16xf32> to vector<16xf32>
    %add3A_539 = arith.addf %add3A_533, %get3A_538 : vector<16xf32>
    %get3A_540 = arith.constant 9 : i32
    %get3A_541 = arith.index_cast %get3A_540 : i32 to index
    %get3A_542 = arith.constant 48 : index
    %get3A_543 = tpu.vector_load %arg6[%get3A_541, %get3A_542] {strides = array<i32>} : memref<26x64xf32, #tpu.memory_space<vmem>>, vector<1x16xf32>,
    %get3A_544 = vector.shape_cast %get3A_543 : vector<1x16xf32> to vector<16xf32>
    %add3A_545 = arith.addf %add3A_539, %get3A_544 : vector<16xf32>
    %get3A_546 = arith.constant 10 : i32
    %get3A_547 = arith.index_cast %get3A_546 : i32 to index
    %get3A_548 = arith.constant 48 : index
    %get3A_549 = tpu.vector_load %arg6[%get3A_547, %get3A_548] {strides = array<i32>} : memref<26x64xf32, #tpu.memory_space<vmem>>, vector<1x16xf32>,
    %get3A_550 = vector.shape_cast %get3A_549 : vector<1x16xf32> to vector<16xf32>
    %add3A_551 = arith.addf %add3A_545, %get3A_550 : vector<16xf32>
    %get3A_552 = arith.constant 11 : i32
    %get3A_553 = arith.index_cast %get3A_552 : i32 to index
    %get3A_554 = arith.constant 48 : index
    %get3A_555 = tpu.vector_load %arg6[%get3A_553, %get3A_554] {strides = array<i32>} : memref<26x64xf32, #tpu.memory_space<vmem>>, vector<1x16xf32>,
    %get3A_556 = vector.shape_cast %get3A_555 : vector<1x16xf32> to vector<16xf32>
    %add3A_557 = arith.addf %add3A_551, %get3A_556 : vector<16xf32>
    %get3A_558 = arith.constant 12 : i32
    %get3A_559 = arith.index_cast %get3A_558 : i32 to index
    %get3A_560 = arith.constant 48 : index
    %get3A_561 = tpu.vector_load %arg6[%get3A_559, %get3A_560] {strides = array<i32>} : memref<26x64xf32, #tpu.memory_space<vmem>>, vector<1x16xf32>,
    %get3A_562 = vector.shape_cast %get3A_561 : vector<1x16xf32> to vector<16xf32>
    %add3A_563 = arith.addf %add3A_557, %get3A_562 : vector<16xf32>
    %get3A_564 = arith.constant 13 : i32
    %get3A_565 = arith.index_cast %get3A_564 : i32 to index
    %get3A_566 = arith.constant 48 : index
    %get3A_567 = tpu.vector_load %arg6[%get3A_565, %get3A_566] {strides = array<i32>} : memref<26x64xf32, #tpu.memory_space<vmem>>, vector<1x16xf32>,
    %get3A_568 = vector.shape_cast %get3A_567 : vector<1x16xf32> to vector<16xf32>
    %add3A_569 = arith.addf %add3A_563, %get3A_568 : vector<16xf32>
    %get3A_570 = arith.constant 14 : i32
    %get3A_571 = arith.index_cast %get3A_570 : i32 to index
    %get3A_572 = arith.constant 48 : index
    %get3A_573 = tpu.vector_load %arg6[%get3A_571, %get3A_572] {strides = array<i32>} : memref<26x64xf32, #tpu.memory_space<vmem>>, vector<1x16xf32>,
    %get3A_574 = vector.shape_cast %get3A_573 : vector<1x16xf32> to vector<16xf32>
    %add3A_575 = arith.addf %add3A_569, %get3A_574 : vector<16xf32>
    %get3A_576 = arith.constant 15 : i32
    %get3A_577 = arith.index_cast %get3A_576 : i32 to index
    %get3A_578 = arith.constant 48 : index
    %get3A_579 = tpu.vector_load %arg6[%get3A_577, %get3A_578] {strides = array<i32>} : memref<26x64xf32, #tpu.memory_space<vmem>>, vector<1x16xf32>,
    %get3A_580 = vector.shape_cast %get3A_579 : vector<1x16xf32> to vector<16xf32>
    %add3A_581 = arith.addf %add3A_575, %get3A_580 : vector<16xf32>
    %get3A_582 = arith.constant 16 : i32
    %get3A_583 = arith.index_cast %get3A_582 : i32 to index
    %get3A_584 = arith.constant 48 : index
    %get3A_585 = tpu.vector_load %arg6[%get3A_583, %get3A_584] {strides = array<i32>} : memref<26x64xf32, #tpu.memory_space<vmem>>, vector<1x16xf32>,
    %get3A_586 = vector.shape_cast %get3A_585 : vector<1x16xf32> to vector<16xf32>
    %add3A_587 = arith.addf %add3A_581, %get3A_586 : vector<16xf32>
    %get3A_588 = arith.constant 17 : i32
    %get3A_589 = arith.index_cast %get3A_588 : i32 to index
    %get3A_590 = arith.constant 48 : index
    %get3A_591 = tpu.vector_load %arg6[%get3A_589, %get3A_590] {strides = array<i32>} : memref<26x64xf32, #tpu.memory_space<vmem>>, vector<1x16xf32>,
    %get3A_592 = vector.shape_cast %get3A_591 : vector<1x16xf32> to vector<16xf32>
    %add3A_593 = arith.addf %add3A_587, %get3A_592 : vector<16xf32>
    %get3A_594 = arith.constant 18 : i32
    %get3A_595 = arith.index_cast %get3A_594 : i32 to index
    %get3A_596 = arith.constant 48 : index
    %get3A_597 = tpu.vector_load %arg6[%get3A_595, %get3A_596] {strides = array<i32>} : memref<26x64xf32, #tpu.memory_space<vmem>>, vector<1x16xf32>,
    %get3A_598 = vector.shape_cast %get3A_597 : vector<1x16xf32> to vector<16xf32>
    %add3A_599 = arith.addf %add3A_593, %get3A_598 : vector<16xf32>
    %get3A_600 = arith.constant 19 : i32
    %get3A_601 = arith.index_cast %get3A_600 : i32 to index
    %get3A_602 = arith.constant 48 : index
    %get3A_603 = tpu.vector_load %arg6[%get3A_601, %get3A_602] {strides = array<i32>} : memref<26x64xf32, #tpu.memory_space<vmem>>, vector<1x16xf32>,
    %get3A_604 = vector.shape_cast %get3A_603 : vector<1x16xf32> to vector<16xf32>
    %add3A_605 = arith.addf %add3A_599, %get3A_604 : vector<16xf32>
    %get3A_606 = arith.constant 20 : i32
    %get3A_607 = arith.index_cast %get3A_606 : i32 to index
    %get3A_608 = arith.constant 48 : index
    %get3A_609 = tpu.vector_load %arg6[%get3A_607, %get3A_608] {strides = array<i32>} : memref<26x64xf32, #tpu.memory_space<vmem>>, vector<1x16xf32>,
    %get3A_610 = vector.shape_cast %get3A_609 : vector<1x16xf32> to vector<16xf32>
    %add3A_611 = arith.addf %add3A_605, %get3A_610 : vector<16xf32>
    %get3A_612 = arith.constant 21 : i32
    %get3A_613 = arith.index_cast %get3A_612 : i32 to index
    %get3A_614 = arith.constant 48 : index
    %get3A_615 = tpu.vector_load %arg6[%get3A_613, %get3A_614] {strides = array<i32>} : memref<26x64xf32, #tpu.memory_space<vmem>>, vector<1x16xf32>,
    %get3A_616 = vector.shape_cast %get3A_615 : vector<1x16xf32> to vector<16xf32>
    %add3A_617 = arith.addf %add3A_611, %get3A_616 : vector<16xf32>
    %get3A_618 = arith.constant 22 : i32
    %get3A_619 = arith.index_cast %get3A_618 : i32 to index
    %get3A_620 = arith.constant 48 : index
    %get3A_621 = tpu.vector_load %arg6[%get3A_619, %get3A_620] {strides = array<i32>} : memref<26x64xf32, #tpu.memory_space<vmem>>, vector<1x16xf32>,
    %get3A_622 = vector.shape_cast %get3A_621 : vector<1x16xf32> to vector<16xf32>
    %add3A_623 = arith.addf %add3A_617, %get3A_622 : vector<16xf32>
    %get3A_624 = arith.constant 23 : i32
    %get3A_625 = arith.index_cast %get3A_624 : i32 to index
    %get3A_626 = arith.constant 48 : index
    %get3A_627 = tpu.vector_load %arg6[%get3A_625, %get3A_626] {strides = array<i32>} : memref<26x64xf32, #tpu.memory_space<vmem>>, vector<1x16xf32>,
    %get3A_628 = vector.shape_cast %get3A_627 : vector<1x16xf32> to vector<16xf32>
    %add3A_629 = arith.addf %add3A_623, %get3A_628 : vector<16xf32>
    %get3A_630 = arith.constant 24 : i32
    %get3A_631 = arith.index_cast %get3A_630 : i32 to index
    %get3A_632 = arith.constant 48 : index
    %get3A_633 = tpu.vector_load %arg6[%get3A_631, %get3A_632] {strides = array<i32>} : memref<26x64xf32, #tpu.memory_space<vmem>>, vector<1x16xf32>,
    %get3A_634 = vector.shape_cast %get3A_633 : vector<1x16xf32> to vector<16xf32>
    %add3A_635 = arith.addf %add3A_629, %get3A_634 : vector<16xf32>
    %get3A_636 = arith.constant 25 : i32
    %get3A_637 = arith.index_cast %get3A_636 : i32 to index
    %get3A_638 = arith.constant 48 : index
    %get3A_639 = tpu.vector_load %arg6[%get3A_637, %get3A_638] {strides = array<i32>} : memref<26x64xf32, #tpu.memory_space<vmem>>, vector<1x16xf32>,
    %get3A_640 = vector.shape_cast %get3A_639 : vector<1x16xf32> to vector<16xf32>
    %add3A_641 = arith.addf %add3A_635, %get3A_640 : vector<16xf32>
    %swap3A_642 = arith.constant 48 : index
    %swap3A_643 = tpu.vector_load %arg7[%swap3A_642] {strides = array<i32>} : memref<64xf32, #tpu.memory_space<vmem>>, vector<16xf32>,
    %swap3A_644 = vector.shape_cast %swap3A_643 : vector<16xf32> to vector<16xf32>
    %swap3A_645 = vector.shape_cast %add3A_641 : vector<16xf32> to vector<16xf32>
    tpu.vector_store %arg7[%swap3A_642], %swap3A_645 {strides = array<i32>} : memref<64xf32, #tpu.memory_space<vmem>>, vector<16xf32>,
    %mul3A_646 = arith.constant 64 : i32
    %mul3A_647 = arith.muli %add3A, %mul3A_646 : i32
    "tpu.region"() ({
      %run_scoped3A = tpu.sem_alloc : memref<!tpu.dma_semaphore, #tpu.memory_space<semaphore_mem>>
      %dma_start3A = tpu.memref_slice %arg4[%mul3A_647] : memref<2048xf32, #tpu.memory_space<hbm>> -> memref<64xf32, #tpu.memory_space<hbm>>
      %dma_start3A_648 = tpu.memref_slice %arg4[%mul3A_647] : memref<2048xf32, #tpu.memory_space<hbm>> -> memref<64xf32, #tpu.memory_space<hbm>>
      tpu.enqueue_dma source(%arg7 : memref<64xf32, #tpu.memory_space<vmem>>) target(%dma_start3A_648 : memref<64xf32, #tpu.memory_space<hbm>>) target_semaphore(%run_scoped3A : memref<!tpu.dma_semaphore, #tpu.memory_space<semaphore_mem>>)
      %dma_wait3A = tpu.memref_slice %arg4[%mul3A_647] : memref<2048xf32, #tpu.memory_space<hbm>> -> memref<64xf32, #tpu.memory_space<hbm>>
      %dma_wait3A_649 = tpu.memref_slice %arg4[%mul3A_647] : memref<2048xf32, #tpu.memory_space<hbm>> -> memref<64xf32, #tpu.memory_space<hbm>>
      tpu.wait_dma2 semaphore(%run_scoped3A : memref<!tpu.dma_semaphore, #tpu.memory_space<semaphore_mem>>) src(%arg7 : memref<64xf32, #tpu.memory_space<vmem>>) dst(%dma_wait3A_649 : memref<64xf32, #tpu.memory_space<hbm>>)
      tpu.yield
    }) : () -> ()
    return
  }
}

#map = affine_map<(d0, d1) -> (0, 0, 0)>
#map1 = affine_map<(d0, d1) -> (0, 0)>
module attributes {stable_mosaic.version = 14 : i64} {
  func.func @gather_k(%arg0: i32, %arg1: i32, %arg2: memref<32x13x128xi32, #tpu.memory_space<hbm>>, %arg3: memref<99997x64xf32, #tpu.memory_space<hbm>>, %arg4: memref<13x4096x64xf32, #tpu.memory_space<hbm>>, %arg5: memref<13x128xi32, #tpu.memory_space<vmem>>, %arg6: memref<128x64xf32, #tpu.memory_space<vmem>>, %arg7: memref<128x64xf32, #tpu.memory_space<vmem>>, %arg8: memref<128x64xf32, #tpu.memory_space<vmem>>, %arg9: memref<128x64xf32, #tpu.memory_space<vmem>>, %arg10: memref<!tpu.dma_semaphore, #tpu.memory_space<semaphore_mem>>, %arg11: memref<!tpu.dma_semaphore, #tpu.memory_space<semaphore_mem>>, %arg12: memref<!tpu.dma_semaphore, #tpu.memory_space<semaphore_mem>>, %arg13: memref<!tpu.dma_semaphore, #tpu.memory_space<semaphore_mem>>, %arg14: memref<!tpu.dma_semaphore, #tpu.memory_space<semaphore_mem>>, %arg15: memref<!tpu.dma_semaphore, #tpu.memory_space<semaphore_mem>>, %arg16: memref<!tpu.dma_semaphore, #tpu.memory_space<semaphore_mem>>, %arg17: memref<!tpu.dma_semaphore, #tpu.memory_space<semaphore_mem>>) attributes {dimension_semantics = [#tpu.dimension_semantics<core_parallel>, #tpu.dimension_semantics<subcore_parallel>], iteration_bounds = array<i64: 2, 16>, scalar_prefetch = 0 : i64, scratch_operands = 13 : i64, tpu.core_type = #tpu.core_type<sc_vector_subcore>, window_params = [{transform_indices = #map}, {transform_indices = #map1}, {transform_indices = #map}]} {
    %mul3A = arith.constant 2 : i32
    %mul3A_0 = arith.muli %arg1, %mul3A : i32
    %add3A = arith.addi %mul3A_0, %arg0 : i32
    "tpu.region"() ({
      %run_scoped3A = tpu.sem_alloc : memref<!tpu.dma_semaphore, #tpu.memory_space<semaphore_mem>>
      %dma_start3A_204 = arith.constant 0 : i32
      %dma_start3A_205 = arith.constant 0 : i32
      %dma_start3A_206 = tpu.memref_slice %arg2[%add3A, %dma_start3A_204, %dma_start3A_205] : memref<32x13x128xi32, #tpu.memory_space<hbm>> -> memref<1x13x128xi32, #tpu.memory_space<hbm>>
      %dma_start3A_207 = tpu.memref_squeeze %dma_start3A_206 : memref<1x13x128xi32, #tpu.memory_space<hbm>> -> memref<13x128xi32, #tpu.memory_space<hbm>>
      %dma_start3A_208 = arith.constant 0 : i32
      %dma_start3A_209 = arith.constant 0 : i32
      %dma_start3A_210 = tpu.memref_slice %arg2[%add3A, %dma_start3A_208, %dma_start3A_209] : memref<32x13x128xi32, #tpu.memory_space<hbm>> -> memref<1x13x128xi32, #tpu.memory_space<hbm>>
      %dma_start3A_211 = tpu.memref_squeeze %dma_start3A_210 : memref<1x13x128xi32, #tpu.memory_space<hbm>> -> memref<13x128xi32, #tpu.memory_space<hbm>>
      tpu.enqueue_dma source(%dma_start3A_211 : memref<13x128xi32, #tpu.memory_space<hbm>>) target(%arg5 : memref<13x128xi32, #tpu.memory_space<vmem>>) target_semaphore(%run_scoped3A : memref<!tpu.dma_semaphore, #tpu.memory_space<semaphore_mem>>)
      %dma_wait3A_212 = arith.constant 0 : i32
      %dma_wait3A_213 = arith.constant 0 : i32
      %dma_wait3A_214 = tpu.memref_slice %arg2[%add3A, %dma_wait3A_212, %dma_wait3A_213] : memref<32x13x128xi32, #tpu.memory_space<hbm>> -> memref<1x13x128xi32, #tpu.memory_space<hbm>>
      %dma_wait3A_215 = tpu.memref_squeeze %dma_wait3A_214 : memref<1x13x128xi32, #tpu.memory_space<hbm>> -> memref<13x128xi32, #tpu.memory_space<hbm>>
      %dma_wait3A_216 = arith.constant 0 : i32
      %dma_wait3A_217 = arith.constant 0 : i32
      %dma_wait3A_218 = tpu.memref_slice %arg2[%add3A, %dma_wait3A_216, %dma_wait3A_217] : memref<32x13x128xi32, #tpu.memory_space<hbm>> -> memref<1x13x128xi32, #tpu.memory_space<hbm>>
      %dma_wait3A_219 = tpu.memref_squeeze %dma_wait3A_218 : memref<1x13x128xi32, #tpu.memory_space<hbm>> -> memref<13x128xi32, #tpu.memory_space<hbm>>
      tpu.wait_dma2 semaphore(%run_scoped3A : memref<!tpu.dma_semaphore, #tpu.memory_space<semaphore_mem>>) src(%dma_wait3A_219 : memref<13x128xi32, #tpu.memory_space<hbm>>) dst(%arg5 : memref<13x128xi32, #tpu.memory_space<vmem>>)
      tpu.yield
    }) : () -> ()
    %dma_start3A = arith.constant 0 : i32
    %dma_start3A_1 = arith.constant 0 : i32
    %dma_start3A_2 = tpu.memref_slice %arg5[%dma_start3A, %dma_start3A_1] : memref<13x128xi32, #tpu.memory_space<vmem>> -> memref<1x128xi32, #tpu.memory_space<vmem>>
    %dma_start3A_3 = tpu.memref_squeeze %dma_start3A_2 : memref<1x128xi32, #tpu.memory_space<vmem>> -> memref<128xi32, #tpu.memory_space<vmem>>
    %dma_start3A_4 = arith.constant 0 : i32
    %dma_start3A_5 = arith.constant 0 : i32
    %dma_start3A_6 = tpu.memref_slice %arg3[%dma_start3A_4, %dma_start3A_5] : memref<99997x64xf32, #tpu.memory_space<hbm>> -> memref<99997x64xf32, #tpu.memory_space<hbm>>
    tpu.enqueue_indirect_dma source(%dma_start3A_6 : memref<99997x64xf32, #tpu.memory_space<hbm>>) target(%arg6 : memref<128x64xf32, #tpu.memory_space<vmem>>) offsets(%dma_start3A_3 : memref<128xi32, #tpu.memory_space<vmem>>) semaphore(%arg10 : memref<!tpu.dma_semaphore, #tpu.memory_space<semaphore_mem>>)
    %dma_start3A_7 = arith.constant 1 : i32
    %dma_start3A_8 = arith.constant 0 : i32
    %dma_start3A_9 = tpu.memref_slice %arg5[%dma_start3A_7, %dma_start3A_8] : memref<13x128xi32, #tpu.memory_space<vmem>> -> memref<1x128xi32, #tpu.memory_space<vmem>>
    %dma_start3A_10 = tpu.memref_squeeze %dma_start3A_9 : memref<1x128xi32, #tpu.memory_space<vmem>> -> memref<128xi32, #tpu.memory_space<vmem>>
    %dma_start3A_11 = arith.constant 0 : i32
    %dma_start3A_12 = arith.constant 0 : i32
    %dma_start3A_13 = tpu.memref_slice %arg3[%dma_start3A_11, %dma_start3A_12] : memref<99997x64xf32, #tpu.memory_space<hbm>> -> memref<99997x64xf32, #tpu.memory_space<hbm>>
    tpu.enqueue_indirect_dma source(%dma_start3A_13 : memref<99997x64xf32, #tpu.memory_space<hbm>>) target(%arg7 : memref<128x64xf32, #tpu.memory_space<vmem>>) offsets(%dma_start3A_10 : memref<128xi32, #tpu.memory_space<vmem>>) semaphore(%arg11 : memref<!tpu.dma_semaphore, #tpu.memory_space<semaphore_mem>>)
    %dma_start3A_14 = arith.constant 2 : i32
    %dma_start3A_15 = arith.constant 0 : i32
    %dma_start3A_16 = tpu.memref_slice %arg5[%dma_start3A_14, %dma_start3A_15] : memref<13x128xi32, #tpu.memory_space<vmem>> -> memref<1x128xi32, #tpu.memory_space<vmem>>
    %dma_start3A_17 = tpu.memref_squeeze %dma_start3A_16 : memref<1x128xi32, #tpu.memory_space<vmem>> -> memref<128xi32, #tpu.memory_space<vmem>>
    %dma_start3A_18 = arith.constant 0 : i32
    %dma_start3A_19 = arith.constant 0 : i32
    %dma_start3A_20 = tpu.memref_slice %arg3[%dma_start3A_18, %dma_start3A_19] : memref<99997x64xf32, #tpu.memory_space<hbm>> -> memref<99997x64xf32, #tpu.memory_space<hbm>>
    tpu.enqueue_indirect_dma source(%dma_start3A_20 : memref<99997x64xf32, #tpu.memory_space<hbm>>) target(%arg8 : memref<128x64xf32, #tpu.memory_space<vmem>>) offsets(%dma_start3A_17 : memref<128xi32, #tpu.memory_space<vmem>>) semaphore(%arg12 : memref<!tpu.dma_semaphore, #tpu.memory_space<semaphore_mem>>)
    %dma_start3A_21 = arith.constant 3 : i32
    %dma_start3A_22 = arith.constant 0 : i32
    %dma_start3A_23 = tpu.memref_slice %arg5[%dma_start3A_21, %dma_start3A_22] : memref<13x128xi32, #tpu.memory_space<vmem>> -> memref<1x128xi32, #tpu.memory_space<vmem>>
    %dma_start3A_24 = tpu.memref_squeeze %dma_start3A_23 : memref<1x128xi32, #tpu.memory_space<vmem>> -> memref<128xi32, #tpu.memory_space<vmem>>
    %dma_start3A_25 = arith.constant 0 : i32
    %dma_start3A_26 = arith.constant 0 : i32
    %dma_start3A_27 = tpu.memref_slice %arg3[%dma_start3A_25, %dma_start3A_26] : memref<99997x64xf32, #tpu.memory_space<hbm>> -> memref<99997x64xf32, #tpu.memory_space<hbm>>
    tpu.enqueue_indirect_dma source(%dma_start3A_27 : memref<99997x64xf32, #tpu.memory_space<hbm>>) target(%arg9 : memref<128x64xf32, #tpu.memory_space<vmem>>) offsets(%dma_start3A_24 : memref<128xi32, #tpu.memory_space<vmem>>) semaphore(%arg13 : memref<!tpu.dma_semaphore, #tpu.memory_space<semaphore_mem>>)
    %scan3A = arith.constant 0 : i32
    %scan3A_28 = arith.constant 0 : i32
    %scan3A_29 = arith.constant 2 : i32
    %scan3A_30 = arith.addi %scan3A_28, %scan3A_29 : i32
    %scan3A_31 = arith.constant 1 : i32
    scf.for %scan3A_204 = %scan3A_28 to %scan3A_30 step %scan3A_31  : i32 {
      %mul3A_205 = arith.constant 4 : i32
      %mul3A_206 = arith.muli %scan3A_204, %mul3A_205 : i32
      %add3A_207 = arith.constant 0 : i32
      %add3A_208 = arith.addi %mul3A_206, %add3A_207 : i32
      %dma_wait3A_209 = arith.constant 0 : i32
      %dma_wait3A_210 = tpu.memref_slice %arg5[%add3A_208, %dma_wait3A_209] : memref<13x128xi32, #tpu.memory_space<vmem>> -> memref<1x128xi32, #tpu.memory_space<vmem>>
      %dma_wait3A_211 = tpu.memref_squeeze %dma_wait3A_210 : memref<1x128xi32, #tpu.memory_space<vmem>> -> memref<128xi32, #tpu.memory_space<vmem>>
      %dma_wait3A_212 = arith.constant 0 : i32
      %dma_wait3A_213 = arith.constant 0 : i32
      %dma_wait3A_214 = tpu.memref_slice %arg3[%dma_wait3A_212, %dma_wait3A_213] : memref<99997x64xf32, #tpu.memory_space<hbm>> -> memref<99997x64xf32, #tpu.memory_space<hbm>>
      tpu.wait_indirect_dma semaphore(%arg10 : memref<!tpu.dma_semaphore, #tpu.memory_space<semaphore_mem>>) src(%dma_wait3A_214 : memref<99997x64xf32, #tpu.memory_space<hbm>>) dst(%arg6 : memref<128x64xf32, #tpu.memory_space<vmem>>)
      %jit3A = arith.constant 1 : i32
      %div3A = arith.divsi %add3A_208, %jit3A : i32
      %sign3A = arith.constant 0 : i32
      %sign3A_215 = arith.cmpi sgt, %add3A_208, %sign3A : i32
      %sign3A_216 = arith.extui %sign3A_215 : i1 to i32
      %sign3A_217 = arith.constant 0 : i32
      %sign3A_218 = arith.cmpi slt, %add3A_208, %sign3A_217 : i32
      %sign3A_219 = arith.extui %sign3A_218 : i1 to i32
      %sign3A_220 = arith.subi %sign3A_216, %sign3A_219 : i32
      %sign3A_221 = arith.constant 0 : i32
      %sign3A_222 = arith.cmpi sgt, %jit3A, %sign3A_221 : i32
      %sign3A_223 = arith.extui %sign3A_222 : i1 to i32
      %sign3A_224 = arith.constant 0 : i32
      %sign3A_225 = arith.cmpi slt, %jit3A, %sign3A_224 : i32
      %sign3A_226 = arith.extui %sign3A_225 : i1 to i32
      %sign3A_227 = arith.subi %sign3A_223, %sign3A_226 : i32
      %ne3A = arith.cmpi ne, %sign3A_220, %sign3A_227 : i32
      %rem3A = arith.remsi %add3A_208, %jit3A : i32
      %ne3A_228 = arith.constant 0 : i32
      %ne3A_229 = arith.cmpi ne, %rem3A, %ne3A_228 : i32
      %and3A = arith.andi %ne3A, %ne3A_229 : i1
      %sub3A = arith.constant 1 : i32
      %sub3A_230 = arith.subi %div3A, %sub3A : i32
      %select_n3A = arith.select %and3A, %sub3A_230, %div3A : i32
      %mul3A_231 = arith.constant 1 : i32
      %mul3A_232 = arith.muli %add3A, %mul3A_231 : i32
      %mul3A_233 = arith.constant 128 : i32
      %mul3A_234 = arith.muli %mul3A_232, %mul3A_233 : i32
      %jit3A_235 = arith.constant 1 : i32
      %eq3A = arith.constant 0 : i32
      %eq3A_236 = arith.cmpi eq, %jit3A_235, %eq3A : i32
      %jit3A_237 = arith.constant 1 : i32
      %select_n3A_238 = arith.select %eq3A_236, %jit3A_237, %jit3A_235 : i32
      %rem3A_239 = arith.remsi %add3A_208, %select_n3A_238 : i32
      %ne3A_240 = arith.constant 0 : i32
      %ne3A_241 = arith.cmpi ne, %rem3A_239, %ne3A_240 : i32
      %lt3A = arith.constant 0 : i32
      %lt3A_242 = arith.cmpi slt, %rem3A_239, %lt3A : i32
      %lt3A_243 = arith.constant 0 : i32
      %lt3A_244 = arith.cmpi slt, %select_n3A_238, %lt3A_243 : i32
      %ne3A_245 = arith.xori %lt3A_242, %lt3A_244 : i1
      %and3A_246 = arith.andi %ne3A_245, %ne3A_241 : i1
      %add3A_247 = arith.addi %rem3A_239, %select_n3A_238 : i32
      %select_n3A_248 = arith.select %and3A_246, %add3A_247, %rem3A_239 : i32
      %mul3A_249 = arith.constant 128 : i32
      %mul3A_250 = arith.muli %select_n3A_248, %mul3A_249 : i32
      %add3A_251 = arith.addi %mul3A_234, %mul3A_250 : i32
      %dma_start3A_252 = arith.constant 0 : i32
      %dma_start3A_253 = tpu.memref_slice %arg4[%select_n3A, %add3A_251, %dma_start3A_252] : memref<13x4096x64xf32, #tpu.memory_space<hbm>> -> memref<1x128x64xf32, #tpu.memory_space<hbm>>
      %dma_start3A_254 = tpu.memref_squeeze %dma_start3A_253 : memref<1x128x64xf32, #tpu.memory_space<hbm>> -> memref<128x64xf32, #tpu.memory_space<hbm>>
      %dma_start3A_255 = arith.constant 0 : i32
      %dma_start3A_256 = tpu.memref_slice %arg4[%select_n3A, %add3A_251, %dma_start3A_255] : memref<13x4096x64xf32, #tpu.memory_space<hbm>> -> memref<1x128x64xf32, #tpu.memory_space<hbm>>
      %dma_start3A_257 = tpu.memref_squeeze %dma_start3A_256 : memref<1x128x64xf32, #tpu.memory_space<hbm>> -> memref<128x64xf32, #tpu.memory_space<hbm>>
      tpu.enqueue_dma source(%arg6 : memref<128x64xf32, #tpu.memory_space<vmem>>) target(%dma_start3A_257 : memref<128x64xf32, #tpu.memory_space<hbm>>) target_semaphore(%arg14 : memref<!tpu.dma_semaphore, #tpu.memory_space<semaphore_mem>>)
      %jit3A_258 = arith.constant 1 : i32
      %div3A_259 = arith.divsi %add3A_208, %jit3A_258 : i32
      %sign3A_260 = arith.constant 0 : i32
      %sign3A_261 = arith.cmpi sgt, %add3A_208, %sign3A_260 : i32
      %sign3A_262 = arith.extui %sign3A_261 : i1 to i32
      %sign3A_263 = arith.constant 0 : i32
      %sign3A_264 = arith.cmpi slt, %add3A_208, %sign3A_263 : i32
      %sign3A_265 = arith.extui %sign3A_264 : i1 to i32
      %sign3A_266 = arith.subi %sign3A_262, %sign3A_265 : i32
      %sign3A_267 = arith.constant 0 : i32
      %sign3A_268 = arith.cmpi sgt, %jit3A_258, %sign3A_267 : i32
      %sign3A_269 = arith.extui %sign3A_268 : i1 to i32
      %sign3A_270 = arith.constant 0 : i32
      %sign3A_271 = arith.cmpi slt, %jit3A_258, %sign3A_270 : i32
      %sign3A_272 = arith.extui %sign3A_271 : i1 to i32
      %sign3A_273 = arith.subi %sign3A_269, %sign3A_272 : i32
      %ne3A_274 = arith.cmpi ne, %sign3A_266, %sign3A_273 : i32
      %rem3A_275 = arith.remsi %add3A_208, %jit3A_258 : i32
      %ne3A_276 = arith.constant 0 : i32
      %ne3A_277 = arith.cmpi ne, %rem3A_275, %ne3A_276 : i32
      %and3A_278 = arith.andi %ne3A_274, %ne3A_277 : i1
      %sub3A_279 = arith.constant 1 : i32
      %sub3A_280 = arith.subi %div3A_259, %sub3A_279 : i32
      %select_n3A_281 = arith.select %and3A_278, %sub3A_280, %div3A_259 : i32
      %mul3A_282 = arith.constant 1 : i32
      %mul3A_283 = arith.muli %add3A, %mul3A_282 : i32
      %mul3A_284 = arith.constant 128 : i32
      %mul3A_285 = arith.muli %mul3A_283, %mul3A_284 : i32
      %jit3A_286 = arith.constant 1 : i32
      %eq3A_287 = arith.constant 0 : i32
      %eq3A_288 = arith.cmpi eq, %jit3A_286, %eq3A_287 : i32
      %jit3A_289 = arith.constant 1 : i32
      %select_n3A_290 = arith.select %eq3A_288, %jit3A_289, %jit3A_286 : i32
      %rem3A_291 = arith.remsi %add3A_208, %select_n3A_290 : i32
      %ne3A_292 = arith.constant 0 : i32
      %ne3A_293 = arith.cmpi ne, %rem3A_291, %ne3A_292 : i32
      %lt3A_294 = arith.constant 0 : i32
      %lt3A_295 = arith.cmpi slt, %rem3A_291, %lt3A_294 : i32
      %lt3A_296 = arith.constant 0 : i32
      %lt3A_297 = arith.cmpi slt, %select_n3A_290, %lt3A_296 : i32
      %ne3A_298 = arith.xori %lt3A_295, %lt3A_297 : i1
      %and3A_299 = arith.andi %ne3A_298, %ne3A_293 : i1
      %add3A_300 = arith.addi %rem3A_291, %select_n3A_290 : i32
      %select_n3A_301 = arith.select %and3A_299, %add3A_300, %rem3A_291 : i32
      %mul3A_302 = arith.constant 128 : i32
      %mul3A_303 = arith.muli %select_n3A_301, %mul3A_302 : i32
      %add3A_304 = arith.addi %mul3A_285, %mul3A_303 : i32
      %dma_wait3A_305 = arith.constant 0 : i32
      %dma_wait3A_306 = tpu.memref_slice %arg4[%select_n3A_281, %add3A_304, %dma_wait3A_305] : memref<13x4096x64xf32, #tpu.memory_space<hbm>> -> memref<1x128x64xf32, #tpu.memory_space<hbm>>
      %dma_wait3A_307 = tpu.memref_squeeze %dma_wait3A_306 : memref<1x128x64xf32, #tpu.memory_space<hbm>> -> memref<128x64xf32, #tpu.memory_space<hbm>>
      %dma_wait3A_308 = arith.constant 0 : i32
      %dma_wait3A_309 = tpu.memref_slice %arg4[%select_n3A_281, %add3A_304, %dma_wait3A_308] : memref<13x4096x64xf32, #tpu.memory_space<hbm>> -> memref<1x128x64xf32, #tpu.memory_space<hbm>>
      %dma_wait3A_310 = tpu.memref_squeeze %dma_wait3A_309 : memref<1x128x64xf32, #tpu.memory_space<hbm>> -> memref<128x64xf32, #tpu.memory_space<hbm>>
      tpu.wait_dma2 semaphore(%arg14 : memref<!tpu.dma_semaphore, #tpu.memory_space<semaphore_mem>>) src(%arg6 : memref<128x64xf32, #tpu.memory_space<vmem>>) dst(%dma_wait3A_310 : memref<128x64xf32, #tpu.memory_space<hbm>>)
      %add3A_311 = arith.constant 4 : i32
      %add3A_312 = arith.addi %add3A_208, %add3A_311 : i32
      %dma_start3A_313 = arith.constant 0 : i32
      %dma_start3A_314 = tpu.memref_slice %arg5[%add3A_312, %dma_start3A_313] : memref<13x128xi32, #tpu.memory_space<vmem>> -> memref<1x128xi32, #tpu.memory_space<vmem>>
      %dma_start3A_315 = tpu.memref_squeeze %dma_start3A_314 : memref<1x128xi32, #tpu.memory_space<vmem>> -> memref<128xi32, #tpu.memory_space<vmem>>
      %dma_start3A_316 = arith.constant 0 : i32
      %dma_start3A_317 = arith.constant 0 : i32
      %dma_start3A_318 = tpu.memref_slice %arg3[%dma_start3A_316, %dma_start3A_317] : memref<99997x64xf32, #tpu.memory_space<hbm>> -> memref<99997x64xf32, #tpu.memory_space<hbm>>
      tpu.enqueue_indirect_dma source(%dma_start3A_318 : memref<99997x64xf32, #tpu.memory_space<hbm>>) target(%arg6 : memref<128x64xf32, #tpu.memory_space<vmem>>) offsets(%dma_start3A_315 : memref<128xi32, #tpu.memory_space<vmem>>) semaphore(%arg10 : memref<!tpu.dma_semaphore, #tpu.memory_space<semaphore_mem>>)
      %mul3A_319 = arith.constant 4 : i32
      %mul3A_320 = arith.muli %scan3A_204, %mul3A_319 : i32
      %add3A_321 = arith.constant 1 : i32
      %add3A_322 = arith.addi %mul3A_320, %add3A_321 : i32
      %dma_wait3A_323 = arith.constant 0 : i32
      %dma_wait3A_324 = tpu.memref_slice %arg5[%add3A_322, %dma_wait3A_323] : memref<13x128xi32, #tpu.memory_space<vmem>> -> memref<1x128xi32, #tpu.memory_space<vmem>>
      %dma_wait3A_325 = tpu.memref_squeeze %dma_wait3A_324 : memref<1x128xi32, #tpu.memory_space<vmem>> -> memref<128xi32, #tpu.memory_space<vmem>>
      %dma_wait3A_326 = arith.constant 0 : i32
      %dma_wait3A_327 = arith.constant 0 : i32
      %dma_wait3A_328 = tpu.memref_slice %arg3[%dma_wait3A_326, %dma_wait3A_327] : memref<99997x64xf32, #tpu.memory_space<hbm>> -> memref<99997x64xf32, #tpu.memory_space<hbm>>
      tpu.wait_indirect_dma semaphore(%arg11 : memref<!tpu.dma_semaphore, #tpu.memory_space<semaphore_mem>>) src(%dma_wait3A_328 : memref<99997x64xf32, #tpu.memory_space<hbm>>) dst(%arg7 : memref<128x64xf32, #tpu.memory_space<vmem>>)
      %jit3A_329 = arith.constant 1 : i32
      %div3A_330 = arith.divsi %add3A_322, %jit3A_329 : i32
      %sign3A_331 = arith.constant 0 : i32
      %sign3A_332 = arith.cmpi sgt, %add3A_322, %sign3A_331 : i32
      %sign3A_333 = arith.extui %sign3A_332 : i1 to i32
      %sign3A_334 = arith.constant 0 : i32
      %sign3A_335 = arith.cmpi slt, %add3A_322, %sign3A_334 : i32
      %sign3A_336 = arith.extui %sign3A_335 : i1 to i32
      %sign3A_337 = arith.subi %sign3A_333, %sign3A_336 : i32
      %sign3A_338 = arith.constant 0 : i32
      %sign3A_339 = arith.cmpi sgt, %jit3A_329, %sign3A_338 : i32
      %sign3A_340 = arith.extui %sign3A_339 : i1 to i32
      %sign3A_341 = arith.constant 0 : i32
      %sign3A_342 = arith.cmpi slt, %jit3A_329, %sign3A_341 : i32
      %sign3A_343 = arith.extui %sign3A_342 : i1 to i32
      %sign3A_344 = arith.subi %sign3A_340, %sign3A_343 : i32
      %ne3A_345 = arith.cmpi ne, %sign3A_337, %sign3A_344 : i32
      %rem3A_346 = arith.remsi %add3A_322, %jit3A_329 : i32
      %ne3A_347 = arith.constant 0 : i32
      %ne3A_348 = arith.cmpi ne, %rem3A_346, %ne3A_347 : i32
      %and3A_349 = arith.andi %ne3A_345, %ne3A_348 : i1
      %sub3A_350 = arith.constant 1 : i32
      %sub3A_351 = arith.subi %div3A_330, %sub3A_350 : i32
      %select_n3A_352 = arith.select %and3A_349, %sub3A_351, %div3A_330 : i32
      %mul3A_353 = arith.constant 1 : i32
      %mul3A_354 = arith.muli %add3A, %mul3A_353 : i32
      %mul3A_355 = arith.constant 128 : i32
      %mul3A_356 = arith.muli %mul3A_354, %mul3A_355 : i32
      %jit3A_357 = arith.constant 1 : i32
      %eq3A_358 = arith.constant 0 : i32
      %eq3A_359 = arith.cmpi eq, %jit3A_357, %eq3A_358 : i32
      %jit3A_360 = arith.constant 1 : i32
      %select_n3A_361 = arith.select %eq3A_359, %jit3A_360, %jit3A_357 : i32
      %rem3A_362 = arith.remsi %add3A_322, %select_n3A_361 : i32
      %ne3A_363 = arith.constant 0 : i32
      %ne3A_364 = arith.cmpi ne, %rem3A_362, %ne3A_363 : i32
      %lt3A_365 = arith.constant 0 : i32
      %lt3A_366 = arith.cmpi slt, %rem3A_362, %lt3A_365 : i32
      %lt3A_367 = arith.constant 0 : i32
      %lt3A_368 = arith.cmpi slt, %select_n3A_361, %lt3A_367 : i32
      %ne3A_369 = arith.xori %lt3A_366, %lt3A_368 : i1
      %and3A_370 = arith.andi %ne3A_369, %ne3A_364 : i1
      %add3A_371 = arith.addi %rem3A_362, %select_n3A_361 : i32
      %select_n3A_372 = arith.select %and3A_370, %add3A_371, %rem3A_362 : i32
      %mul3A_373 = arith.constant 128 : i32
      %mul3A_374 = arith.muli %select_n3A_372, %mul3A_373 : i32
      %add3A_375 = arith.addi %mul3A_356, %mul3A_374 : i32
      %dma_start3A_376 = arith.constant 0 : i32
      %dma_start3A_377 = tpu.memref_slice %arg4[%select_n3A_352, %add3A_375, %dma_start3A_376] : memref<13x4096x64xf32, #tpu.memory_space<hbm>> -> memref<1x128x64xf32, #tpu.memory_space<hbm>>
      %dma_start3A_378 = tpu.memref_squeeze %dma_start3A_377 : memref<1x128x64xf32, #tpu.memory_space<hbm>> -> memref<128x64xf32, #tpu.memory_space<hbm>>
      %dma_start3A_379 = arith.constant 0 : i32
      %dma_start3A_380 = tpu.memref_slice %arg4[%select_n3A_352, %add3A_375, %dma_start3A_379] : memref<13x4096x64xf32, #tpu.memory_space<hbm>> -> memref<1x128x64xf32, #tpu.memory_space<hbm>>
      %dma_start3A_381 = tpu.memref_squeeze %dma_start3A_380 : memref<1x128x64xf32, #tpu.memory_space<hbm>> -> memref<128x64xf32, #tpu.memory_space<hbm>>
      tpu.enqueue_dma source(%arg7 : memref<128x64xf32, #tpu.memory_space<vmem>>) target(%dma_start3A_381 : memref<128x64xf32, #tpu.memory_space<hbm>>) target_semaphore(%arg15 : memref<!tpu.dma_semaphore, #tpu.memory_space<semaphore_mem>>)
      %jit3A_382 = arith.constant 1 : i32
      %div3A_383 = arith.divsi %add3A_322, %jit3A_382 : i32
      %sign3A_384 = arith.constant 0 : i32
      %sign3A_385 = arith.cmpi sgt, %add3A_322, %sign3A_384 : i32
      %sign3A_386 = arith.extui %sign3A_385 : i1 to i32
      %sign3A_387 = arith.constant 0 : i32
      %sign3A_388 = arith.cmpi slt, %add3A_322, %sign3A_387 : i32
      %sign3A_389 = arith.extui %sign3A_388 : i1 to i32
      %sign3A_390 = arith.subi %sign3A_386, %sign3A_389 : i32
      %sign3A_391 = arith.constant 0 : i32
      %sign3A_392 = arith.cmpi sgt, %jit3A_382, %sign3A_391 : i32
      %sign3A_393 = arith.extui %sign3A_392 : i1 to i32
      %sign3A_394 = arith.constant 0 : i32
      %sign3A_395 = arith.cmpi slt, %jit3A_382, %sign3A_394 : i32
      %sign3A_396 = arith.extui %sign3A_395 : i1 to i32
      %sign3A_397 = arith.subi %sign3A_393, %sign3A_396 : i32
      %ne3A_398 = arith.cmpi ne, %sign3A_390, %sign3A_397 : i32
      %rem3A_399 = arith.remsi %add3A_322, %jit3A_382 : i32
      %ne3A_400 = arith.constant 0 : i32
      %ne3A_401 = arith.cmpi ne, %rem3A_399, %ne3A_400 : i32
      %and3A_402 = arith.andi %ne3A_398, %ne3A_401 : i1
      %sub3A_403 = arith.constant 1 : i32
      %sub3A_404 = arith.subi %div3A_383, %sub3A_403 : i32
      %select_n3A_405 = arith.select %and3A_402, %sub3A_404, %div3A_383 : i32
      %mul3A_406 = arith.constant 1 : i32
      %mul3A_407 = arith.muli %add3A, %mul3A_406 : i32
      %mul3A_408 = arith.constant 128 : i32
      %mul3A_409 = arith.muli %mul3A_407, %mul3A_408 : i32
      %jit3A_410 = arith.constant 1 : i32
      %eq3A_411 = arith.constant 0 : i32
      %eq3A_412 = arith.cmpi eq, %jit3A_410, %eq3A_411 : i32
      %jit3A_413 = arith.constant 1 : i32
      %select_n3A_414 = arith.select %eq3A_412, %jit3A_413, %jit3A_410 : i32
      %rem3A_415 = arith.remsi %add3A_322, %select_n3A_414 : i32
      %ne3A_416 = arith.constant 0 : i32
      %ne3A_417 = arith.cmpi ne, %rem3A_415, %ne3A_416 : i32
      %lt3A_418 = arith.constant 0 : i32
      %lt3A_419 = arith.cmpi slt, %rem3A_415, %lt3A_418 : i32
      %lt3A_420 = arith.constant 0 : i32
      %lt3A_421 = arith.cmpi slt, %select_n3A_414, %lt3A_420 : i32
      %ne3A_422 = arith.xori %lt3A_419, %lt3A_421 : i1
      %and3A_423 = arith.andi %ne3A_422, %ne3A_417 : i1
      %add3A_424 = arith.addi %rem3A_415, %select_n3A_414 : i32
      %select_n3A_425 = arith.select %and3A_423, %add3A_424, %rem3A_415 : i32
      %mul3A_426 = arith.constant 128 : i32
      %mul3A_427 = arith.muli %select_n3A_425, %mul3A_426 : i32
      %add3A_428 = arith.addi %mul3A_409, %mul3A_427 : i32
      %dma_wait3A_429 = arith.constant 0 : i32
      %dma_wait3A_430 = tpu.memref_slice %arg4[%select_n3A_405, %add3A_428, %dma_wait3A_429] : memref<13x4096x64xf32, #tpu.memory_space<hbm>> -> memref<1x128x64xf32, #tpu.memory_space<hbm>>
      %dma_wait3A_431 = tpu.memref_squeeze %dma_wait3A_430 : memref<1x128x64xf32, #tpu.memory_space<hbm>> -> memref<128x64xf32, #tpu.memory_space<hbm>>
      %dma_wait3A_432 = arith.constant 0 : i32
      %dma_wait3A_433 = tpu.memref_slice %arg4[%select_n3A_405, %add3A_428, %dma_wait3A_432] : memref<13x4096x64xf32, #tpu.memory_space<hbm>> -> memref<1x128x64xf32, #tpu.memory_space<hbm>>
      %dma_wait3A_434 = tpu.memref_squeeze %dma_wait3A_433 : memref<1x128x64xf32, #tpu.memory_space<hbm>> -> memref<128x64xf32, #tpu.memory_space<hbm>>
      tpu.wait_dma2 semaphore(%arg15 : memref<!tpu.dma_semaphore, #tpu.memory_space<semaphore_mem>>) src(%arg7 : memref<128x64xf32, #tpu.memory_space<vmem>>) dst(%dma_wait3A_434 : memref<128x64xf32, #tpu.memory_space<hbm>>)
      %add3A_435 = arith.constant 4 : i32
      %add3A_436 = arith.addi %add3A_322, %add3A_435 : i32
      %dma_start3A_437 = arith.constant 0 : i32
      %dma_start3A_438 = tpu.memref_slice %arg5[%add3A_436, %dma_start3A_437] : memref<13x128xi32, #tpu.memory_space<vmem>> -> memref<1x128xi32, #tpu.memory_space<vmem>>
      %dma_start3A_439 = tpu.memref_squeeze %dma_start3A_438 : memref<1x128xi32, #tpu.memory_space<vmem>> -> memref<128xi32, #tpu.memory_space<vmem>>
      %dma_start3A_440 = arith.constant 0 : i32
      %dma_start3A_441 = arith.constant 0 : i32
      %dma_start3A_442 = tpu.memref_slice %arg3[%dma_start3A_440, %dma_start3A_441] : memref<99997x64xf32, #tpu.memory_space<hbm>> -> memref<99997x64xf32, #tpu.memory_space<hbm>>
      tpu.enqueue_indirect_dma source(%dma_start3A_442 : memref<99997x64xf32, #tpu.memory_space<hbm>>) target(%arg7 : memref<128x64xf32, #tpu.memory_space<vmem>>) offsets(%dma_start3A_439 : memref<128xi32, #tpu.memory_space<vmem>>) semaphore(%arg11 : memref<!tpu.dma_semaphore, #tpu.memory_space<semaphore_mem>>)
      %mul3A_443 = arith.constant 4 : i32
      %mul3A_444 = arith.muli %scan3A_204, %mul3A_443 : i32
      %add3A_445 = arith.constant 2 : i32
      %add3A_446 = arith.addi %mul3A_444, %add3A_445 : i32
      %dma_wait3A_447 = arith.constant 0 : i32
      %dma_wait3A_448 = tpu.memref_slice %arg5[%add3A_446, %dma_wait3A_447] : memref<13x128xi32, #tpu.memory_space<vmem>> -> memref<1x128xi32, #tpu.memory_space<vmem>>
      %dma_wait3A_449 = tpu.memref_squeeze %dma_wait3A_448 : memref<1x128xi32, #tpu.memory_space<vmem>> -> memref<128xi32, #tpu.memory_space<vmem>>
      %dma_wait3A_450 = arith.constant 0 : i32
      %dma_wait3A_451 = arith.constant 0 : i32
      %dma_wait3A_452 = tpu.memref_slice %arg3[%dma_wait3A_450, %dma_wait3A_451] : memref<99997x64xf32, #tpu.memory_space<hbm>> -> memref<99997x64xf32, #tpu.memory_space<hbm>>
      tpu.wait_indirect_dma semaphore(%arg12 : memref<!tpu.dma_semaphore, #tpu.memory_space<semaphore_mem>>) src(%dma_wait3A_452 : memref<99997x64xf32, #tpu.memory_space<hbm>>) dst(%arg8 : memref<128x64xf32, #tpu.memory_space<vmem>>)
      %jit3A_453 = arith.constant 1 : i32
      %div3A_454 = arith.divsi %add3A_446, %jit3A_453 : i32
      %sign3A_455 = arith.constant 0 : i32
      %sign3A_456 = arith.cmpi sgt, %add3A_446, %sign3A_455 : i32
      %sign3A_457 = arith.extui %sign3A_456 : i1 to i32
      %sign3A_458 = arith.constant 0 : i32
      %sign3A_459 = arith.cmpi slt, %add3A_446, %sign3A_458 : i32
      %sign3A_460 = arith.extui %sign3A_459 : i1 to i32
      %sign3A_461 = arith.subi %sign3A_457, %sign3A_460 : i32
      %sign3A_462 = arith.constant 0 : i32
      %sign3A_463 = arith.cmpi sgt, %jit3A_453, %sign3A_462 : i32
      %sign3A_464 = arith.extui %sign3A_463 : i1 to i32
      %sign3A_465 = arith.constant 0 : i32
      %sign3A_466 = arith.cmpi slt, %jit3A_453, %sign3A_465 : i32
      %sign3A_467 = arith.extui %sign3A_466 : i1 to i32
      %sign3A_468 = arith.subi %sign3A_464, %sign3A_467 : i32
      %ne3A_469 = arith.cmpi ne, %sign3A_461, %sign3A_468 : i32
      %rem3A_470 = arith.remsi %add3A_446, %jit3A_453 : i32
      %ne3A_471 = arith.constant 0 : i32
      %ne3A_472 = arith.cmpi ne, %rem3A_470, %ne3A_471 : i32
      %and3A_473 = arith.andi %ne3A_469, %ne3A_472 : i1
      %sub3A_474 = arith.constant 1 : i32
      %sub3A_475 = arith.subi %div3A_454, %sub3A_474 : i32
      %select_n3A_476 = arith.select %and3A_473, %sub3A_475, %div3A_454 : i32
      %mul3A_477 = arith.constant 1 : i32
      %mul3A_478 = arith.muli %add3A, %mul3A_477 : i32
      %mul3A_479 = arith.constant 128 : i32
      %mul3A_480 = arith.muli %mul3A_478, %mul3A_479 : i32
      %jit3A_481 = arith.constant 1 : i32
      %eq3A_482 = arith.constant 0 : i32
      %eq3A_483 = arith.cmpi eq, %jit3A_481, %eq3A_482 : i32
      %jit3A_484 = arith.constant 1 : i32
      %select_n3A_485 = arith.select %eq3A_483, %jit3A_484, %jit3A_481 : i32
      %rem3A_486 = arith.remsi %add3A_446, %select_n3A_485 : i32
      %ne3A_487 = arith.constant 0 : i32
      %ne3A_488 = arith.cmpi ne, %rem3A_486, %ne3A_487 : i32
      %lt3A_489 = arith.constant 0 : i32
      %lt3A_490 = arith.cmpi slt, %rem3A_486, %lt3A_489 : i32
      %lt3A_491 = arith.constant 0 : i32
      %lt3A_492 = arith.cmpi slt, %select_n3A_485, %lt3A_491 : i32
      %ne3A_493 = arith.xori %lt3A_490, %lt3A_492 : i1
      %and3A_494 = arith.andi %ne3A_493, %ne3A_488 : i1
      %add3A_495 = arith.addi %rem3A_486, %select_n3A_485 : i32
      %select_n3A_496 = arith.select %and3A_494, %add3A_495, %rem3A_486 : i32
      %mul3A_497 = arith.constant 128 : i32
      %mul3A_498 = arith.muli %select_n3A_496, %mul3A_497 : i32
      %add3A_499 = arith.addi %mul3A_480, %mul3A_498 : i32
      %dma_start3A_500 = arith.constant 0 : i32
      %dma_start3A_501 = tpu.memref_slice %arg4[%select_n3A_476, %add3A_499, %dma_start3A_500] : memref<13x4096x64xf32, #tpu.memory_space<hbm>> -> memref<1x128x64xf32, #tpu.memory_space<hbm>>
      %dma_start3A_502 = tpu.memref_squeeze %dma_start3A_501 : memref<1x128x64xf32, #tpu.memory_space<hbm>> -> memref<128x64xf32, #tpu.memory_space<hbm>>
      %dma_start3A_503 = arith.constant 0 : i32
      %dma_start3A_504 = tpu.memref_slice %arg4[%select_n3A_476, %add3A_499, %dma_start3A_503] : memref<13x4096x64xf32, #tpu.memory_space<hbm>> -> memref<1x128x64xf32, #tpu.memory_space<hbm>>
      %dma_start3A_505 = tpu.memref_squeeze %dma_start3A_504 : memref<1x128x64xf32, #tpu.memory_space<hbm>> -> memref<128x64xf32, #tpu.memory_space<hbm>>
      tpu.enqueue_dma source(%arg8 : memref<128x64xf32, #tpu.memory_space<vmem>>) target(%dma_start3A_505 : memref<128x64xf32, #tpu.memory_space<hbm>>) target_semaphore(%arg16 : memref<!tpu.dma_semaphore, #tpu.memory_space<semaphore_mem>>)
      %jit3A_506 = arith.constant 1 : i32
      %div3A_507 = arith.divsi %add3A_446, %jit3A_506 : i32
      %sign3A_508 = arith.constant 0 : i32
      %sign3A_509 = arith.cmpi sgt, %add3A_446, %sign3A_508 : i32
      %sign3A_510 = arith.extui %sign3A_509 : i1 to i32
      %sign3A_511 = arith.constant 0 : i32
      %sign3A_512 = arith.cmpi slt, %add3A_446, %sign3A_511 : i32
      %sign3A_513 = arith.extui %sign3A_512 : i1 to i32
      %sign3A_514 = arith.subi %sign3A_510, %sign3A_513 : i32
      %sign3A_515 = arith.constant 0 : i32
      %sign3A_516 = arith.cmpi sgt, %jit3A_506, %sign3A_515 : i32
      %sign3A_517 = arith.extui %sign3A_516 : i1 to i32
      %sign3A_518 = arith.constant 0 : i32
      %sign3A_519 = arith.cmpi slt, %jit3A_506, %sign3A_518 : i32
      %sign3A_520 = arith.extui %sign3A_519 : i1 to i32
      %sign3A_521 = arith.subi %sign3A_517, %sign3A_520 : i32
      %ne3A_522 = arith.cmpi ne, %sign3A_514, %sign3A_521 : i32
      %rem3A_523 = arith.remsi %add3A_446, %jit3A_506 : i32
      %ne3A_524 = arith.constant 0 : i32
      %ne3A_525 = arith.cmpi ne, %rem3A_523, %ne3A_524 : i32
      %and3A_526 = arith.andi %ne3A_522, %ne3A_525 : i1
      %sub3A_527 = arith.constant 1 : i32
      %sub3A_528 = arith.subi %div3A_507, %sub3A_527 : i32
      %select_n3A_529 = arith.select %and3A_526, %sub3A_528, %div3A_507 : i32
      %mul3A_530 = arith.constant 1 : i32
      %mul3A_531 = arith.muli %add3A, %mul3A_530 : i32
      %mul3A_532 = arith.constant 128 : i32
      %mul3A_533 = arith.muli %mul3A_531, %mul3A_532 : i32
      %jit3A_534 = arith.constant 1 : i32
      %eq3A_535 = arith.constant 0 : i32
      %eq3A_536 = arith.cmpi eq, %jit3A_534, %eq3A_535 : i32
      %jit3A_537 = arith.constant 1 : i32
      %select_n3A_538 = arith.select %eq3A_536, %jit3A_537, %jit3A_534 : i32
      %rem3A_539 = arith.remsi %add3A_446, %select_n3A_538 : i32
      %ne3A_540 = arith.constant 0 : i32
      %ne3A_541 = arith.cmpi ne, %rem3A_539, %ne3A_540 : i32
      %lt3A_542 = arith.constant 0 : i32
      %lt3A_543 = arith.cmpi slt, %rem3A_539, %lt3A_542 : i32
      %lt3A_544 = arith.constant 0 : i32
      %lt3A_545 = arith.cmpi slt, %select_n3A_538, %lt3A_544 : i32
      %ne3A_546 = arith.xori %lt3A_543, %lt3A_545 : i1
      %and3A_547 = arith.andi %ne3A_546, %ne3A_541 : i1
      %add3A_548 = arith.addi %rem3A_539, %select_n3A_538 : i32
      %select_n3A_549 = arith.select %and3A_547, %add3A_548, %rem3A_539 : i32
      %mul3A_550 = arith.constant 128 : i32
      %mul3A_551 = arith.muli %select_n3A_549, %mul3A_550 : i32
      %add3A_552 = arith.addi %mul3A_533, %mul3A_551 : i32
      %dma_wait3A_553 = arith.constant 0 : i32
      %dma_wait3A_554 = tpu.memref_slice %arg4[%select_n3A_529, %add3A_552, %dma_wait3A_553] : memref<13x4096x64xf32, #tpu.memory_space<hbm>> -> memref<1x128x64xf32, #tpu.memory_space<hbm>>
      %dma_wait3A_555 = tpu.memref_squeeze %dma_wait3A_554 : memref<1x128x64xf32, #tpu.memory_space<hbm>> -> memref<128x64xf32, #tpu.memory_space<hbm>>
      %dma_wait3A_556 = arith.constant 0 : i32
      %dma_wait3A_557 = tpu.memref_slice %arg4[%select_n3A_529, %add3A_552, %dma_wait3A_556] : memref<13x4096x64xf32, #tpu.memory_space<hbm>> -> memref<1x128x64xf32, #tpu.memory_space<hbm>>
      %dma_wait3A_558 = tpu.memref_squeeze %dma_wait3A_557 : memref<1x128x64xf32, #tpu.memory_space<hbm>> -> memref<128x64xf32, #tpu.memory_space<hbm>>
      tpu.wait_dma2 semaphore(%arg16 : memref<!tpu.dma_semaphore, #tpu.memory_space<semaphore_mem>>) src(%arg8 : memref<128x64xf32, #tpu.memory_space<vmem>>) dst(%dma_wait3A_558 : memref<128x64xf32, #tpu.memory_space<hbm>>)
      %add3A_559 = arith.constant 4 : i32
      %add3A_560 = arith.addi %add3A_446, %add3A_559 : i32
      %dma_start3A_561 = arith.constant 0 : i32
      %dma_start3A_562 = tpu.memref_slice %arg5[%add3A_560, %dma_start3A_561] : memref<13x128xi32, #tpu.memory_space<vmem>> -> memref<1x128xi32, #tpu.memory_space<vmem>>
      %dma_start3A_563 = tpu.memref_squeeze %dma_start3A_562 : memref<1x128xi32, #tpu.memory_space<vmem>> -> memref<128xi32, #tpu.memory_space<vmem>>
      %dma_start3A_564 = arith.constant 0 : i32
      %dma_start3A_565 = arith.constant 0 : i32
      %dma_start3A_566 = tpu.memref_slice %arg3[%dma_start3A_564, %dma_start3A_565] : memref<99997x64xf32, #tpu.memory_space<hbm>> -> memref<99997x64xf32, #tpu.memory_space<hbm>>
      tpu.enqueue_indirect_dma source(%dma_start3A_566 : memref<99997x64xf32, #tpu.memory_space<hbm>>) target(%arg8 : memref<128x64xf32, #tpu.memory_space<vmem>>) offsets(%dma_start3A_563 : memref<128xi32, #tpu.memory_space<vmem>>) semaphore(%arg12 : memref<!tpu.dma_semaphore, #tpu.memory_space<semaphore_mem>>)
      %mul3A_567 = arith.constant 4 : i32
      %mul3A_568 = arith.muli %scan3A_204, %mul3A_567 : i32
      %add3A_569 = arith.constant 3 : i32
      %add3A_570 = arith.addi %mul3A_568, %add3A_569 : i32
      %dma_wait3A_571 = arith.constant 0 : i32
      %dma_wait3A_572 = tpu.memref_slice %arg5[%add3A_570, %dma_wait3A_571] : memref<13x128xi32, #tpu.memory_space<vmem>> -> memref<1x128xi32, #tpu.memory_space<vmem>>
      %dma_wait3A_573 = tpu.memref_squeeze %dma_wait3A_572 : memref<1x128xi32, #tpu.memory_space<vmem>> -> memref<128xi32, #tpu.memory_space<vmem>>
      %dma_wait3A_574 = arith.constant 0 : i32
      %dma_wait3A_575 = arith.constant 0 : i32
      %dma_wait3A_576 = tpu.memref_slice %arg3[%dma_wait3A_574, %dma_wait3A_575] : memref<99997x64xf32, #tpu.memory_space<hbm>> -> memref<99997x64xf32, #tpu.memory_space<hbm>>
      tpu.wait_indirect_dma semaphore(%arg13 : memref<!tpu.dma_semaphore, #tpu.memory_space<semaphore_mem>>) src(%dma_wait3A_576 : memref<99997x64xf32, #tpu.memory_space<hbm>>) dst(%arg9 : memref<128x64xf32, #tpu.memory_space<vmem>>)
      %jit3A_577 = arith.constant 1 : i32
      %div3A_578 = arith.divsi %add3A_570, %jit3A_577 : i32
      %sign3A_579 = arith.constant 0 : i32
      %sign3A_580 = arith.cmpi sgt, %add3A_570, %sign3A_579 : i32
      %sign3A_581 = arith.extui %sign3A_580 : i1 to i32
      %sign3A_582 = arith.constant 0 : i32
      %sign3A_583 = arith.cmpi slt, %add3A_570, %sign3A_582 : i32
      %sign3A_584 = arith.extui %sign3A_583 : i1 to i32
      %sign3A_585 = arith.subi %sign3A_581, %sign3A_584 : i32
      %sign3A_586 = arith.constant 0 : i32
      %sign3A_587 = arith.cmpi sgt, %jit3A_577, %sign3A_586 : i32
      %sign3A_588 = arith.extui %sign3A_587 : i1 to i32
      %sign3A_589 = arith.constant 0 : i32
      %sign3A_590 = arith.cmpi slt, %jit3A_577, %sign3A_589 : i32
      %sign3A_591 = arith.extui %sign3A_590 : i1 to i32
      %sign3A_592 = arith.subi %sign3A_588, %sign3A_591 : i32
      %ne3A_593 = arith.cmpi ne, %sign3A_585, %sign3A_592 : i32
      %rem3A_594 = arith.remsi %add3A_570, %jit3A_577 : i32
      %ne3A_595 = arith.constant 0 : i32
      %ne3A_596 = arith.cmpi ne, %rem3A_594, %ne3A_595 : i32
      %and3A_597 = arith.andi %ne3A_593, %ne3A_596 : i1
      %sub3A_598 = arith.constant 1 : i32
      %sub3A_599 = arith.subi %div3A_578, %sub3A_598 : i32
      %select_n3A_600 = arith.select %and3A_597, %sub3A_599, %div3A_578 : i32
      %mul3A_601 = arith.constant 1 : i32
      %mul3A_602 = arith.muli %add3A, %mul3A_601 : i32
      %mul3A_603 = arith.constant 128 : i32
      %mul3A_604 = arith.muli %mul3A_602, %mul3A_603 : i32
      %jit3A_605 = arith.constant 1 : i32
      %eq3A_606 = arith.constant 0 : i32
      %eq3A_607 = arith.cmpi eq, %jit3A_605, %eq3A_606 : i32
      %jit3A_608 = arith.constant 1 : i32
      %select_n3A_609 = arith.select %eq3A_607, %jit3A_608, %jit3A_605 : i32
      %rem3A_610 = arith.remsi %add3A_570, %select_n3A_609 : i32
      %ne3A_611 = arith.constant 0 : i32
      %ne3A_612 = arith.cmpi ne, %rem3A_610, %ne3A_611 : i32
      %lt3A_613 = arith.constant 0 : i32
      %lt3A_614 = arith.cmpi slt, %rem3A_610, %lt3A_613 : i32
      %lt3A_615 = arith.constant 0 : i32
      %lt3A_616 = arith.cmpi slt, %select_n3A_609, %lt3A_615 : i32
      %ne3A_617 = arith.xori %lt3A_614, %lt3A_616 : i1
      %and3A_618 = arith.andi %ne3A_617, %ne3A_612 : i1
      %add3A_619 = arith.addi %rem3A_610, %select_n3A_609 : i32
      %select_n3A_620 = arith.select %and3A_618, %add3A_619, %rem3A_610 : i32
      %mul3A_621 = arith.constant 128 : i32
      %mul3A_622 = arith.muli %select_n3A_620, %mul3A_621 : i32
      %add3A_623 = arith.addi %mul3A_604, %mul3A_622 : i32
      %dma_start3A_624 = arith.constant 0 : i32
      %dma_start3A_625 = tpu.memref_slice %arg4[%select_n3A_600, %add3A_623, %dma_start3A_624] : memref<13x4096x64xf32, #tpu.memory_space<hbm>> -> memref<1x128x64xf32, #tpu.memory_space<hbm>>
      %dma_start3A_626 = tpu.memref_squeeze %dma_start3A_625 : memref<1x128x64xf32, #tpu.memory_space<hbm>> -> memref<128x64xf32, #tpu.memory_space<hbm>>
      %dma_start3A_627 = arith.constant 0 : i32
      %dma_start3A_628 = tpu.memref_slice %arg4[%select_n3A_600, %add3A_623, %dma_start3A_627] : memref<13x4096x64xf32, #tpu.memory_space<hbm>> -> memref<1x128x64xf32, #tpu.memory_space<hbm>>
      %dma_start3A_629 = tpu.memref_squeeze %dma_start3A_628 : memref<1x128x64xf32, #tpu.memory_space<hbm>> -> memref<128x64xf32, #tpu.memory_space<hbm>>
      tpu.enqueue_dma source(%arg9 : memref<128x64xf32, #tpu.memory_space<vmem>>) target(%dma_start3A_629 : memref<128x64xf32, #tpu.memory_space<hbm>>) target_semaphore(%arg17 : memref<!tpu.dma_semaphore, #tpu.memory_space<semaphore_mem>>)
      %jit3A_630 = arith.constant 1 : i32
      %div3A_631 = arith.divsi %add3A_570, %jit3A_630 : i32
      %sign3A_632 = arith.constant 0 : i32
      %sign3A_633 = arith.cmpi sgt, %add3A_570, %sign3A_632 : i32
      %sign3A_634 = arith.extui %sign3A_633 : i1 to i32
      %sign3A_635 = arith.constant 0 : i32
      %sign3A_636 = arith.cmpi slt, %add3A_570, %sign3A_635 : i32
      %sign3A_637 = arith.extui %sign3A_636 : i1 to i32
      %sign3A_638 = arith.subi %sign3A_634, %sign3A_637 : i32
      %sign3A_639 = arith.constant 0 : i32
      %sign3A_640 = arith.cmpi sgt, %jit3A_630, %sign3A_639 : i32
      %sign3A_641 = arith.extui %sign3A_640 : i1 to i32
      %sign3A_642 = arith.constant 0 : i32
      %sign3A_643 = arith.cmpi slt, %jit3A_630, %sign3A_642 : i32
      %sign3A_644 = arith.extui %sign3A_643 : i1 to i32
      %sign3A_645 = arith.subi %sign3A_641, %sign3A_644 : i32
      %ne3A_646 = arith.cmpi ne, %sign3A_638, %sign3A_645 : i32
      %rem3A_647 = arith.remsi %add3A_570, %jit3A_630 : i32
      %ne3A_648 = arith.constant 0 : i32
      %ne3A_649 = arith.cmpi ne, %rem3A_647, %ne3A_648 : i32
      %and3A_650 = arith.andi %ne3A_646, %ne3A_649 : i1
      %sub3A_651 = arith.constant 1 : i32
      %sub3A_652 = arith.subi %div3A_631, %sub3A_651 : i32
      %select_n3A_653 = arith.select %and3A_650, %sub3A_652, %div3A_631 : i32
      %mul3A_654 = arith.constant 1 : i32
      %mul3A_655 = arith.muli %add3A, %mul3A_654 : i32
      %mul3A_656 = arith.constant 128 : i32
      %mul3A_657 = arith.muli %mul3A_655, %mul3A_656 : i32
      %jit3A_658 = arith.constant 1 : i32
      %eq3A_659 = arith.constant 0 : i32
      %eq3A_660 = arith.cmpi eq, %jit3A_658, %eq3A_659 : i32
      %jit3A_661 = arith.constant 1 : i32
      %select_n3A_662 = arith.select %eq3A_660, %jit3A_661, %jit3A_658 : i32
      %rem3A_663 = arith.remsi %add3A_570, %select_n3A_662 : i32
      %ne3A_664 = arith.constant 0 : i32
      %ne3A_665 = arith.cmpi ne, %rem3A_663, %ne3A_664 : i32
      %lt3A_666 = arith.constant 0 : i32
      %lt3A_667 = arith.cmpi slt, %rem3A_663, %lt3A_666 : i32
      %lt3A_668 = arith.constant 0 : i32
      %lt3A_669 = arith.cmpi slt, %select_n3A_662, %lt3A_668 : i32
      %ne3A_670 = arith.xori %lt3A_667, %lt3A_669 : i1
      %and3A_671 = arith.andi %ne3A_670, %ne3A_665 : i1
      %add3A_672 = arith.addi %rem3A_663, %select_n3A_662 : i32
      %select_n3A_673 = arith.select %and3A_671, %add3A_672, %rem3A_663 : i32
      %mul3A_674 = arith.constant 128 : i32
      %mul3A_675 = arith.muli %select_n3A_673, %mul3A_674 : i32
      %add3A_676 = arith.addi %mul3A_657, %mul3A_675 : i32
      %dma_wait3A_677 = arith.constant 0 : i32
      %dma_wait3A_678 = tpu.memref_slice %arg4[%select_n3A_653, %add3A_676, %dma_wait3A_677] : memref<13x4096x64xf32, #tpu.memory_space<hbm>> -> memref<1x128x64xf32, #tpu.memory_space<hbm>>
      %dma_wait3A_679 = tpu.memref_squeeze %dma_wait3A_678 : memref<1x128x64xf32, #tpu.memory_space<hbm>> -> memref<128x64xf32, #tpu.memory_space<hbm>>
      %dma_wait3A_680 = arith.constant 0 : i32
      %dma_wait3A_681 = tpu.memref_slice %arg4[%select_n3A_653, %add3A_676, %dma_wait3A_680] : memref<13x4096x64xf32, #tpu.memory_space<hbm>> -> memref<1x128x64xf32, #tpu.memory_space<hbm>>
      %dma_wait3A_682 = tpu.memref_squeeze %dma_wait3A_681 : memref<1x128x64xf32, #tpu.memory_space<hbm>> -> memref<128x64xf32, #tpu.memory_space<hbm>>
      tpu.wait_dma2 semaphore(%arg17 : memref<!tpu.dma_semaphore, #tpu.memory_space<semaphore_mem>>) src(%arg9 : memref<128x64xf32, #tpu.memory_space<vmem>>) dst(%dma_wait3A_682 : memref<128x64xf32, #tpu.memory_space<hbm>>)
      %add3A_683 = arith.constant 4 : i32
      %add3A_684 = arith.addi %add3A_570, %add3A_683 : i32
      %dma_start3A_685 = arith.constant 0 : i32
      %dma_start3A_686 = tpu.memref_slice %arg5[%add3A_684, %dma_start3A_685] : memref<13x128xi32, #tpu.memory_space<vmem>> -> memref<1x128xi32, #tpu.memory_space<vmem>>
      %dma_start3A_687 = tpu.memref_squeeze %dma_start3A_686 : memref<1x128xi32, #tpu.memory_space<vmem>> -> memref<128xi32, #tpu.memory_space<vmem>>
      %dma_start3A_688 = arith.constant 0 : i32
      %dma_start3A_689 = arith.constant 0 : i32
      %dma_start3A_690 = tpu.memref_slice %arg3[%dma_start3A_688, %dma_start3A_689] : memref<99997x64xf32, #tpu.memory_space<hbm>> -> memref<99997x64xf32, #tpu.memory_space<hbm>>
      tpu.enqueue_indirect_dma source(%dma_start3A_690 : memref<99997x64xf32, #tpu.memory_space<hbm>>) target(%arg9 : memref<128x64xf32, #tpu.memory_space<vmem>>) offsets(%dma_start3A_687 : memref<128xi32, #tpu.memory_space<vmem>>) semaphore(%arg13 : memref<!tpu.dma_semaphore, #tpu.memory_space<semaphore_mem>>)
    }
    %scan3A_32 = arith.constant 2 : i32
    %dma_wait3A = arith.constant 8 : i32
    %dma_wait3A_33 = arith.constant 0 : i32
    %dma_wait3A_34 = tpu.memref_slice %arg5[%dma_wait3A, %dma_wait3A_33] : memref<13x128xi32, #tpu.memory_space<vmem>> -> memref<1x128xi32, #tpu.memory_space<vmem>>
    %dma_wait3A_35 = tpu.memref_squeeze %dma_wait3A_34 : memref<1x128xi32, #tpu.memory_space<vmem>> -> memref<128xi32, #tpu.memory_space<vmem>>
    %dma_wait3A_36 = arith.constant 0 : i32
    %dma_wait3A_37 = arith.constant 0 : i32
    %dma_wait3A_38 = tpu.memref_slice %arg3[%dma_wait3A_36, %dma_wait3A_37] : memref<99997x64xf32, #tpu.memory_space<hbm>> -> memref<99997x64xf32, #tpu.memory_space<hbm>>
    tpu.wait_indirect_dma semaphore(%arg10 : memref<!tpu.dma_semaphore, #tpu.memory_space<semaphore_mem>>) src(%dma_wait3A_38 : memref<99997x64xf32, #tpu.memory_space<hbm>>) dst(%arg6 : memref<128x64xf32, #tpu.memory_space<vmem>>)
    %mul3A_39 = arith.constant 1 : i32
    %mul3A_40 = arith.muli %add3A, %mul3A_39 : i32
    %mul3A_41 = arith.constant 128 : i32
    %mul3A_42 = arith.muli %mul3A_40, %mul3A_41 : i32
    %add3A_43 = arith.constant 0 : i32
    %add3A_44 = arith.addi %mul3A_42, %add3A_43 : i32
    %dma_start3A_45 = arith.constant 8 : i32
    %dma_start3A_46 = arith.constant 0 : i32
    %dma_start3A_47 = tpu.memref_slice %arg4[%dma_start3A_45, %add3A_44, %dma_start3A_46] : memref<13x4096x64xf32, #tpu.memory_space<hbm>> -> memref<1x128x64xf32, #tpu.memory_space<hbm>>
    %dma_start3A_48 = tpu.memref_squeeze %dma_start3A_47 : memref<1x128x64xf32, #tpu.memory_space<hbm>> -> memref<128x64xf32, #tpu.memory_space<hbm>>
    %dma_start3A_49 = arith.constant 0 : i32
    %dma_start3A_50 = tpu.memref_slice %arg4[%dma_start3A_45, %add3A_44, %dma_start3A_49] : memref<13x4096x64xf32, #tpu.memory_space<hbm>> -> memref<1x128x64xf32, #tpu.memory_space<hbm>>
    %dma_start3A_51 = tpu.memref_squeeze %dma_start3A_50 : memref<1x128x64xf32, #tpu.memory_space<hbm>> -> memref<128x64xf32, #tpu.memory_space<hbm>>
    tpu.enqueue_dma source(%arg6 : memref<128x64xf32, #tpu.memory_space<vmem>>) target(%dma_start3A_51 : memref<128x64xf32, #tpu.memory_space<hbm>>) target_semaphore(%arg14 : memref<!tpu.dma_semaphore, #tpu.memory_space<semaphore_mem>>)
    %mul3A_52 = arith.constant 1 : i32
    %mul3A_53 = arith.muli %add3A, %mul3A_52 : i32
    %mul3A_54 = arith.constant 128 : i32
    %mul3A_55 = arith.muli %mul3A_53, %mul3A_54 : i32
    %add3A_56 = arith.constant 0 : i32
    %add3A_57 = arith.addi %mul3A_55, %add3A_56 : i32
    %dma_wait3A_58 = arith.constant 8 : i32
    %dma_wait3A_59 = arith.constant 0 : i32
    %dma_wait3A_60 = tpu.memref_slice %arg4[%dma_wait3A_58, %add3A_57, %dma_wait3A_59] : memref<13x4096x64xf32, #tpu.memory_space<hbm>> -> memref<1x128x64xf32, #tpu.memory_space<hbm>>
    %dma_wait3A_61 = tpu.memref_squeeze %dma_wait3A_60 : memref<1x128x64xf32, #tpu.memory_space<hbm>> -> memref<128x64xf32, #tpu.memory_space<hbm>>
    %dma_wait3A_62 = arith.constant 0 : i32
    %dma_wait3A_63 = tpu.memref_slice %arg4[%dma_wait3A_58, %add3A_57, %dma_wait3A_62] : memref<13x4096x64xf32, #tpu.memory_space<hbm>> -> memref<1x128x64xf32, #tpu.memory_space<hbm>>
    %dma_wait3A_64 = tpu.memref_squeeze %dma_wait3A_63 : memref<1x128x64xf32, #tpu.memory_space<hbm>> -> memref<128x64xf32, #tpu.memory_space<hbm>>
    tpu.wait_dma2 semaphore(%arg14 : memref<!tpu.dma_semaphore, #tpu.memory_space<semaphore_mem>>) src(%arg6 : memref<128x64xf32, #tpu.memory_space<vmem>>) dst(%dma_wait3A_64 : memref<128x64xf32, #tpu.memory_space<hbm>>)
    %dma_start3A_65 = arith.constant 12 : i32
    %dma_start3A_66 = arith.constant 0 : i32
    %dma_start3A_67 = tpu.memref_slice %arg5[%dma_start3A_65, %dma_start3A_66] : memref<13x128xi32, #tpu.memory_space<vmem>> -> memref<1x128xi32, #tpu.memory_space<vmem>>
    %dma_start3A_68 = tpu.memref_squeeze %dma_start3A_67 : memref<1x128xi32, #tpu.memory_space<vmem>> -> memref<128xi32, #tpu.memory_space<vmem>>
    %dma_start3A_69 = arith.constant 0 : i32
    %dma_start3A_70 = arith.constant 0 : i32
    %dma_start3A_71 = tpu.memref_slice %arg3[%dma_start3A_69, %dma_start3A_70] : memref<99997x64xf32, #tpu.memory_space<hbm>> -> memref<99997x64xf32, #tpu.memory_space<hbm>>
    tpu.enqueue_indirect_dma source(%dma_start3A_71 : memref<99997x64xf32, #tpu.memory_space<hbm>>) target(%arg6 : memref<128x64xf32, #tpu.memory_space<vmem>>) offsets(%dma_start3A_68 : memref<128xi32, #tpu.memory_space<vmem>>) semaphore(%arg10 : memref<!tpu.dma_semaphore, #tpu.memory_space<semaphore_mem>>)
    %dma_wait3A_72 = arith.constant 9 : i32
    %dma_wait3A_73 = arith.constant 0 : i32
    %dma_wait3A_74 = tpu.memref_slice %arg5[%dma_wait3A_72, %dma_wait3A_73] : memref<13x128xi32, #tpu.memory_space<vmem>> -> memref<1x128xi32, #tpu.memory_space<vmem>>
    %dma_wait3A_75 = tpu.memref_squeeze %dma_wait3A_74 : memref<1x128xi32, #tpu.memory_space<vmem>> -> memref<128xi32, #tpu.memory_space<vmem>>
    %dma_wait3A_76 = arith.constant 0 : i32
    %dma_wait3A_77 = arith.constant 0 : i32
    %dma_wait3A_78 = tpu.memref_slice %arg3[%dma_wait3A_76, %dma_wait3A_77] : memref<99997x64xf32, #tpu.memory_space<hbm>> -> memref<99997x64xf32, #tpu.memory_space<hbm>>
    tpu.wait_indirect_dma semaphore(%arg11 : memref<!tpu.dma_semaphore, #tpu.memory_space<semaphore_mem>>) src(%dma_wait3A_78 : memref<99997x64xf32, #tpu.memory_space<hbm>>) dst(%arg7 : memref<128x64xf32, #tpu.memory_space<vmem>>)
    %mul3A_79 = arith.constant 1 : i32
    %mul3A_80 = arith.muli %add3A, %mul3A_79 : i32
    %mul3A_81 = arith.constant 128 : i32
    %mul3A_82 = arith.muli %mul3A_80, %mul3A_81 : i32
    %add3A_83 = arith.constant 0 : i32
    %add3A_84 = arith.addi %mul3A_82, %add3A_83 : i32
    %dma_start3A_85 = arith.constant 9 : i32
    %dma_start3A_86 = arith.constant 0 : i32
    %dma_start3A_87 = tpu.memref_slice %arg4[%dma_start3A_85, %add3A_84, %dma_start3A_86] : memref<13x4096x64xf32, #tpu.memory_space<hbm>> -> memref<1x128x64xf32, #tpu.memory_space<hbm>>
    %dma_start3A_88 = tpu.memref_squeeze %dma_start3A_87 : memref<1x128x64xf32, #tpu.memory_space<hbm>> -> memref<128x64xf32, #tpu.memory_space<hbm>>
    %dma_start3A_89 = arith.constant 0 : i32
    %dma_start3A_90 = tpu.memref_slice %arg4[%dma_start3A_85, %add3A_84, %dma_start3A_89] : memref<13x4096x64xf32, #tpu.memory_space<hbm>> -> memref<1x128x64xf32, #tpu.memory_space<hbm>>
    %dma_start3A_91 = tpu.memref_squeeze %dma_start3A_90 : memref<1x128x64xf32, #tpu.memory_space<hbm>> -> memref<128x64xf32, #tpu.memory_space<hbm>>
    tpu.enqueue_dma source(%arg7 : memref<128x64xf32, #tpu.memory_space<vmem>>) target(%dma_start3A_91 : memref<128x64xf32, #tpu.memory_space<hbm>>) target_semaphore(%arg15 : memref<!tpu.dma_semaphore, #tpu.memory_space<semaphore_mem>>)
    %mul3A_92 = arith.constant 1 : i32
    %mul3A_93 = arith.muli %add3A, %mul3A_92 : i32
    %mul3A_94 = arith.constant 128 : i32
    %mul3A_95 = arith.muli %mul3A_93, %mul3A_94 : i32
    %add3A_96 = arith.constant 0 : i32
    %add3A_97 = arith.addi %mul3A_95, %add3A_96 : i32
    %dma_wait3A_98 = arith.constant 9 : i32
    %dma_wait3A_99 = arith.constant 0 : i32
    %dma_wait3A_100 = tpu.memref_slice %arg4[%dma_wait3A_98, %add3A_97, %dma_wait3A_99] : memref<13x4096x64xf32, #tpu.memory_space<hbm>> -> memref<1x128x64xf32, #tpu.memory_space<hbm>>
    %dma_wait3A_101 = tpu.memref_squeeze %dma_wait3A_100 : memref<1x128x64xf32, #tpu.memory_space<hbm>> -> memref<128x64xf32, #tpu.memory_space<hbm>>
    %dma_wait3A_102 = arith.constant 0 : i32
    %dma_wait3A_103 = tpu.memref_slice %arg4[%dma_wait3A_98, %add3A_97, %dma_wait3A_102] : memref<13x4096x64xf32, #tpu.memory_space<hbm>> -> memref<1x128x64xf32, #tpu.memory_space<hbm>>
    %dma_wait3A_104 = tpu.memref_squeeze %dma_wait3A_103 : memref<1x128x64xf32, #tpu.memory_space<hbm>> -> memref<128x64xf32, #tpu.memory_space<hbm>>
    tpu.wait_dma2 semaphore(%arg15 : memref<!tpu.dma_semaphore, #tpu.memory_space<semaphore_mem>>) src(%arg7 : memref<128x64xf32, #tpu.memory_space<vmem>>) dst(%dma_wait3A_104 : memref<128x64xf32, #tpu.memory_space<hbm>>)
    %dma_wait3A_105 = arith.constant 10 : i32
    %dma_wait3A_106 = arith.constant 0 : i32
    %dma_wait3A_107 = tpu.memref_slice %arg5[%dma_wait3A_105, %dma_wait3A_106] : memref<13x128xi32, #tpu.memory_space<vmem>> -> memref<1x128xi32, #tpu.memory_space<vmem>>
    %dma_wait3A_108 = tpu.memref_squeeze %dma_wait3A_107 : memref<1x128xi32, #tpu.memory_space<vmem>> -> memref<128xi32, #tpu.memory_space<vmem>>
    %dma_wait3A_109 = arith.constant 0 : i32
    %dma_wait3A_110 = arith.constant 0 : i32
    %dma_wait3A_111 = tpu.memref_slice %arg3[%dma_wait3A_109, %dma_wait3A_110] : memref<99997x64xf32, #tpu.memory_space<hbm>> -> memref<99997x64xf32, #tpu.memory_space<hbm>>
    tpu.wait_indirect_dma semaphore(%arg12 : memref<!tpu.dma_semaphore, #tpu.memory_space<semaphore_mem>>) src(%dma_wait3A_111 : memref<99997x64xf32, #tpu.memory_space<hbm>>) dst(%arg8 : memref<128x64xf32, #tpu.memory_space<vmem>>)
    %mul3A_112 = arith.constant 1 : i32
    %mul3A_113 = arith.muli %add3A, %mul3A_112 : i32
    %mul3A_114 = arith.constant 128 : i32
    %mul3A_115 = arith.muli %mul3A_113, %mul3A_114 : i32
    %add3A_116 = arith.constant 0 : i32
    %add3A_117 = arith.addi %mul3A_115, %add3A_116 : i32
    %dma_start3A_118 = arith.constant 10 : i32
    %dma_start3A_119 = arith.constant 0 : i32
    %dma_start3A_120 = tpu.memref_slice %arg4[%dma_start3A_118, %add3A_117, %dma_start3A_119] : memref<13x4096x64xf32, #tpu.memory_space<hbm>> -> memref<1x128x64xf32, #tpu.memory_space<hbm>>
    %dma_start3A_121 = tpu.memref_squeeze %dma_start3A_120 : memref<1x128x64xf32, #tpu.memory_space<hbm>> -> memref<128x64xf32, #tpu.memory_space<hbm>>
    %dma_start3A_122 = arith.constant 0 : i32
    %dma_start3A_123 = tpu.memref_slice %arg4[%dma_start3A_118, %add3A_117, %dma_start3A_122] : memref<13x4096x64xf32, #tpu.memory_space<hbm>> -> memref<1x128x64xf32, #tpu.memory_space<hbm>>
    %dma_start3A_124 = tpu.memref_squeeze %dma_start3A_123 : memref<1x128x64xf32, #tpu.memory_space<hbm>> -> memref<128x64xf32, #tpu.memory_space<hbm>>
    tpu.enqueue_dma source(%arg8 : memref<128x64xf32, #tpu.memory_space<vmem>>) target(%dma_start3A_124 : memref<128x64xf32, #tpu.memory_space<hbm>>) target_semaphore(%arg16 : memref<!tpu.dma_semaphore, #tpu.memory_space<semaphore_mem>>)
    %mul3A_125 = arith.constant 1 : i32
    %mul3A_126 = arith.muli %add3A, %mul3A_125 : i32
    %mul3A_127 = arith.constant 128 : i32
    %mul3A_128 = arith.muli %mul3A_126, %mul3A_127 : i32
    %add3A_129 = arith.constant 0 : i32
    %add3A_130 = arith.addi %mul3A_128, %add3A_129 : i32
    %dma_wait3A_131 = arith.constant 10 : i32
    %dma_wait3A_132 = arith.constant 0 : i32
    %dma_wait3A_133 = tpu.memref_slice %arg4[%dma_wait3A_131, %add3A_130, %dma_wait3A_132] : memref<13x4096x64xf32, #tpu.memory_space<hbm>> -> memref<1x128x64xf32, #tpu.memory_space<hbm>>
    %dma_wait3A_134 = tpu.memref_squeeze %dma_wait3A_133 : memref<1x128x64xf32, #tpu.memory_space<hbm>> -> memref<128x64xf32, #tpu.memory_space<hbm>>
    %dma_wait3A_135 = arith.constant 0 : i32
    %dma_wait3A_136 = tpu.memref_slice %arg4[%dma_wait3A_131, %add3A_130, %dma_wait3A_135] : memref<13x4096x64xf32, #tpu.memory_space<hbm>> -> memref<1x128x64xf32, #tpu.memory_space<hbm>>
    %dma_wait3A_137 = tpu.memref_squeeze %dma_wait3A_136 : memref<1x128x64xf32, #tpu.memory_space<hbm>> -> memref<128x64xf32, #tpu.memory_space<hbm>>
    tpu.wait_dma2 semaphore(%arg16 : memref<!tpu.dma_semaphore, #tpu.memory_space<semaphore_mem>>) src(%arg8 : memref<128x64xf32, #tpu.memory_space<vmem>>) dst(%dma_wait3A_137 : memref<128x64xf32, #tpu.memory_space<hbm>>)
    %dma_wait3A_138 = arith.constant 11 : i32
    %dma_wait3A_139 = arith.constant 0 : i32
    %dma_wait3A_140 = tpu.memref_slice %arg5[%dma_wait3A_138, %dma_wait3A_139] : memref<13x128xi32, #tpu.memory_space<vmem>> -> memref<1x128xi32, #tpu.memory_space<vmem>>
    %dma_wait3A_141 = tpu.memref_squeeze %dma_wait3A_140 : memref<1x128xi32, #tpu.memory_space<vmem>> -> memref<128xi32, #tpu.memory_space<vmem>>
    %dma_wait3A_142 = arith.constant 0 : i32
    %dma_wait3A_143 = arith.constant 0 : i32
    %dma_wait3A_144 = tpu.memref_slice %arg3[%dma_wait3A_142, %dma_wait3A_143] : memref<99997x64xf32, #tpu.memory_space<hbm>> -> memref<99997x64xf32, #tpu.memory_space<hbm>>
    tpu.wait_indirect_dma semaphore(%arg13 : memref<!tpu.dma_semaphore, #tpu.memory_space<semaphore_mem>>) src(%dma_wait3A_144 : memref<99997x64xf32, #tpu.memory_space<hbm>>) dst(%arg9 : memref<128x64xf32, #tpu.memory_space<vmem>>)
    %mul3A_145 = arith.constant 1 : i32
    %mul3A_146 = arith.muli %add3A, %mul3A_145 : i32
    %mul3A_147 = arith.constant 128 : i32
    %mul3A_148 = arith.muli %mul3A_146, %mul3A_147 : i32
    %add3A_149 = arith.constant 0 : i32
    %add3A_150 = arith.addi %mul3A_148, %add3A_149 : i32
    %dma_start3A_151 = arith.constant 11 : i32
    %dma_start3A_152 = arith.constant 0 : i32
    %dma_start3A_153 = tpu.memref_slice %arg4[%dma_start3A_151, %add3A_150, %dma_start3A_152] : memref<13x4096x64xf32, #tpu.memory_space<hbm>> -> memref<1x128x64xf32, #tpu.memory_space<hbm>>
    %dma_start3A_154 = tpu.memref_squeeze %dma_start3A_153 : memref<1x128x64xf32, #tpu.memory_space<hbm>> -> memref<128x64xf32, #tpu.memory_space<hbm>>
    %dma_start3A_155 = arith.constant 0 : i32
    %dma_start3A_156 = tpu.memref_slice %arg4[%dma_start3A_151, %add3A_150, %dma_start3A_155] : memref<13x4096x64xf32, #tpu.memory_space<hbm>> -> memref<1x128x64xf32, #tpu.memory_space<hbm>>
    %dma_start3A_157 = tpu.memref_squeeze %dma_start3A_156 : memref<1x128x64xf32, #tpu.memory_space<hbm>> -> memref<128x64xf32, #tpu.memory_space<hbm>>
    tpu.enqueue_dma source(%arg9 : memref<128x64xf32, #tpu.memory_space<vmem>>) target(%dma_start3A_157 : memref<128x64xf32, #tpu.memory_space<hbm>>) target_semaphore(%arg17 : memref<!tpu.dma_semaphore, #tpu.memory_space<semaphore_mem>>)
    %mul3A_158 = arith.constant 1 : i32
    %mul3A_159 = arith.muli %add3A, %mul3A_158 : i32
    %mul3A_160 = arith.constant 128 : i32
    %mul3A_161 = arith.muli %mul3A_159, %mul3A_160 : i32
    %add3A_162 = arith.constant 0 : i32
    %add3A_163 = arith.addi %mul3A_161, %add3A_162 : i32
    %dma_wait3A_164 = arith.constant 11 : i32
    %dma_wait3A_165 = arith.constant 0 : i32
    %dma_wait3A_166 = tpu.memref_slice %arg4[%dma_wait3A_164, %add3A_163, %dma_wait3A_165] : memref<13x4096x64xf32, #tpu.memory_space<hbm>> -> memref<1x128x64xf32, #tpu.memory_space<hbm>>
    %dma_wait3A_167 = tpu.memref_squeeze %dma_wait3A_166 : memref<1x128x64xf32, #tpu.memory_space<hbm>> -> memref<128x64xf32, #tpu.memory_space<hbm>>
    %dma_wait3A_168 = arith.constant 0 : i32
    %dma_wait3A_169 = tpu.memref_slice %arg4[%dma_wait3A_164, %add3A_163, %dma_wait3A_168] : memref<13x4096x64xf32, #tpu.memory_space<hbm>> -> memref<1x128x64xf32, #tpu.memory_space<hbm>>
    %dma_wait3A_170 = tpu.memref_squeeze %dma_wait3A_169 : memref<1x128x64xf32, #tpu.memory_space<hbm>> -> memref<128x64xf32, #tpu.memory_space<hbm>>
    tpu.wait_dma2 semaphore(%arg17 : memref<!tpu.dma_semaphore, #tpu.memory_space<semaphore_mem>>) src(%arg9 : memref<128x64xf32, #tpu.memory_space<vmem>>) dst(%dma_wait3A_170 : memref<128x64xf32, #tpu.memory_space<hbm>>)
    %dma_wait3A_171 = arith.constant 12 : i32
    %dma_wait3A_172 = arith.constant 0 : i32
    %dma_wait3A_173 = tpu.memref_slice %arg5[%dma_wait3A_171, %dma_wait3A_172] : memref<13x128xi32, #tpu.memory_space<vmem>> -> memref<1x128xi32, #tpu.memory_space<vmem>>
    %dma_wait3A_174 = tpu.memref_squeeze %dma_wait3A_173 : memref<1x128xi32, #tpu.memory_space<vmem>> -> memref<128xi32, #tpu.memory_space<vmem>>
    %dma_wait3A_175 = arith.constant 0 : i32
    %dma_wait3A_176 = arith.constant 0 : i32
    %dma_wait3A_177 = tpu.memref_slice %arg3[%dma_wait3A_175, %dma_wait3A_176] : memref<99997x64xf32, #tpu.memory_space<hbm>> -> memref<99997x64xf32, #tpu.memory_space<hbm>>
    tpu.wait_indirect_dma semaphore(%arg10 : memref<!tpu.dma_semaphore, #tpu.memory_space<semaphore_mem>>) src(%dma_wait3A_177 : memref<99997x64xf32, #tpu.memory_space<hbm>>) dst(%arg6 : memref<128x64xf32, #tpu.memory_space<vmem>>)
    %mul3A_178 = arith.constant 1 : i32
    %mul3A_179 = arith.muli %add3A, %mul3A_178 : i32
    %mul3A_180 = arith.constant 128 : i32
    %mul3A_181 = arith.muli %mul3A_179, %mul3A_180 : i32
    %add3A_182 = arith.constant 0 : i32
    %add3A_183 = arith.addi %mul3A_181, %add3A_182 : i32
    %dma_start3A_184 = arith.constant 12 : i32
    %dma_start3A_185 = arith.constant 0 : i32
    %dma_start3A_186 = tpu.memref_slice %arg4[%dma_start3A_184, %add3A_183, %dma_start3A_185] : memref<13x4096x64xf32, #tpu.memory_space<hbm>> -> memref<1x128x64xf32, #tpu.memory_space<hbm>>
    %dma_start3A_187 = tpu.memref_squeeze %dma_start3A_186 : memref<1x128x64xf32, #tpu.memory_space<hbm>> -> memref<128x64xf32, #tpu.memory_space<hbm>>
    %dma_start3A_188 = arith.constant 0 : i32
    %dma_start3A_189 = tpu.memref_slice %arg4[%dma_start3A_184, %add3A_183, %dma_start3A_188] : memref<13x4096x64xf32, #tpu.memory_space<hbm>> -> memref<1x128x64xf32, #tpu.memory_space<hbm>>
    %dma_start3A_190 = tpu.memref_squeeze %dma_start3A_189 : memref<1x128x64xf32, #tpu.memory_space<hbm>> -> memref<128x64xf32, #tpu.memory_space<hbm>>
    tpu.enqueue_dma source(%arg6 : memref<128x64xf32, #tpu.memory_space<vmem>>) target(%dma_start3A_190 : memref<128x64xf32, #tpu.memory_space<hbm>>) target_semaphore(%arg14 : memref<!tpu.dma_semaphore, #tpu.memory_space<semaphore_mem>>)
    %mul3A_191 = arith.constant 1 : i32
    %mul3A_192 = arith.muli %add3A, %mul3A_191 : i32
    %mul3A_193 = arith.constant 128 : i32
    %mul3A_194 = arith.muli %mul3A_192, %mul3A_193 : i32
    %add3A_195 = arith.constant 0 : i32
    %add3A_196 = arith.addi %mul3A_194, %add3A_195 : i32
    %dma_wait3A_197 = arith.constant 12 : i32
    %dma_wait3A_198 = arith.constant 0 : i32
    %dma_wait3A_199 = tpu.memref_slice %arg4[%dma_wait3A_197, %add3A_196, %dma_wait3A_198] : memref<13x4096x64xf32, #tpu.memory_space<hbm>> -> memref<1x128x64xf32, #tpu.memory_space<hbm>>
    %dma_wait3A_200 = tpu.memref_squeeze %dma_wait3A_199 : memref<1x128x64xf32, #tpu.memory_space<hbm>> -> memref<128x64xf32, #tpu.memory_space<hbm>>
    %dma_wait3A_201 = arith.constant 0 : i32
    %dma_wait3A_202 = tpu.memref_slice %arg4[%dma_wait3A_197, %add3A_196, %dma_wait3A_201] : memref<13x4096x64xf32, #tpu.memory_space<hbm>> -> memref<1x128x64xf32, #tpu.memory_space<hbm>>
    %dma_wait3A_203 = tpu.memref_squeeze %dma_wait3A_202 : memref<1x128x64xf32, #tpu.memory_space<hbm>> -> memref<128x64xf32, #tpu.memory_space<hbm>>
    tpu.wait_dma2 semaphore(%arg14 : memref<!tpu.dma_semaphore, #tpu.memory_space<semaphore_mem>>) src(%arg6 : memref<128x64xf32, #tpu.memory_space<vmem>>) dst(%dma_wait3A_203 : memref<128x64xf32, #tpu.memory_space<hbm>>)
    return
  }
}

#map = affine_map<(d0, d1) -> (0, 0, 0)>
#map1 = affine_map<(d0, d1) -> (0, 0)>
module attributes {stable_mosaic.version = 14 : i64} {
  func.func @gather_k(%arg0: i32, %arg1: i32, %arg2: memref<32x13x128xi32, #tpu.memory_space<hbm>>, %arg3: memref<99997x64xf32, #tpu.memory_space<hbm>>, %arg4: memref<13x4096x64xf32, #tpu.memory_space<hbm>>, %arg5: memref<13x128xi32, #tpu.memory_space<vmem>>, %arg6: memref<128x64xf32, #tpu.memory_space<vmem>>, %arg7: memref<128x64xf32, #tpu.memory_space<vmem>>, %arg8: memref<128x64xf32, #tpu.memory_space<vmem>>, %arg9: memref<128x64xf32, #tpu.memory_space<vmem>>, %arg10: memref<!tpu.dma_semaphore, #tpu.memory_space<semaphore_mem>>, %arg11: memref<!tpu.dma_semaphore, #tpu.memory_space<semaphore_mem>>, %arg12: memref<!tpu.dma_semaphore, #tpu.memory_space<semaphore_mem>>, %arg13: memref<!tpu.dma_semaphore, #tpu.memory_space<semaphore_mem>>, %arg14: memref<!tpu.dma_semaphore, #tpu.memory_space<semaphore_mem>>, %arg15: memref<!tpu.dma_semaphore, #tpu.memory_space<semaphore_mem>>, %arg16: memref<!tpu.dma_semaphore, #tpu.memory_space<semaphore_mem>>, %arg17: memref<!tpu.dma_semaphore, #tpu.memory_space<semaphore_mem>>) attributes {dimension_semantics = [#tpu.dimension_semantics<core_parallel>, #tpu.dimension_semantics<subcore_parallel>], iteration_bounds = array<i64: 2, 16>, scalar_prefetch = 0 : i64, scratch_operands = 13 : i64, tpu.core_type = #tpu.core_type<sc_vector_subcore>, window_params = [{transform_indices = #map}, {transform_indices = #map1}, {transform_indices = #map}]} {
    %mul3A = arith.constant 2 : i32
    %mul3A_0 = arith.muli %arg1, %mul3A : i32
    %add3A = arith.addi %mul3A_0, %arg0 : i32
    "tpu.region"() ({
      %run_scoped3A = tpu.sem_alloc : memref<!tpu.dma_semaphore, #tpu.memory_space<semaphore_mem>>
      %dma_start3A_204 = arith.constant 0 : i32
      %dma_start3A_205 = arith.constant 0 : i32
      %dma_start3A_206 = tpu.memref_slice %arg2[%add3A, %dma_start3A_204, %dma_start3A_205] : memref<32x13x128xi32, #tpu.memory_space<hbm>> -> memref<1x13x128xi32, #tpu.memory_space<hbm>>
      %dma_start3A_207 = tpu.memref_squeeze %dma_start3A_206 : memref<1x13x128xi32, #tpu.memory_space<hbm>> -> memref<13x128xi32, #tpu.memory_space<hbm>>
      %dma_start3A_208 = arith.constant 0 : i32
      %dma_start3A_209 = arith.constant 0 : i32
      %dma_start3A_210 = tpu.memref_slice %arg2[%add3A, %dma_start3A_208, %dma_start3A_209] : memref<32x13x128xi32, #tpu.memory_space<hbm>> -> memref<1x13x128xi32, #tpu.memory_space<hbm>>
      %dma_start3A_211 = tpu.memref_squeeze %dma_start3A_210 : memref<1x13x128xi32, #tpu.memory_space<hbm>> -> memref<13x128xi32, #tpu.memory_space<hbm>>
      tpu.enqueue_dma source(%dma_start3A_211 : memref<13x128xi32, #tpu.memory_space<hbm>>) target(%arg5 : memref<13x128xi32, #tpu.memory_space<vmem>>) target_semaphore(%run_scoped3A : memref<!tpu.dma_semaphore, #tpu.memory_space<semaphore_mem>>)
      %dma_wait3A_212 = arith.constant 0 : i32
      %dma_wait3A_213 = arith.constant 0 : i32
      %dma_wait3A_214 = tpu.memref_slice %arg2[%add3A, %dma_wait3A_212, %dma_wait3A_213] : memref<32x13x128xi32, #tpu.memory_space<hbm>> -> memref<1x13x128xi32, #tpu.memory_space<hbm>>
      %dma_wait3A_215 = tpu.memref_squeeze %dma_wait3A_214 : memref<1x13x128xi32, #tpu.memory_space<hbm>> -> memref<13x128xi32, #tpu.memory_space<hbm>>
      %dma_wait3A_216 = arith.constant 0 : i32
      %dma_wait3A_217 = arith.constant 0 : i32
      %dma_wait3A_218 = tpu.memref_slice %arg2[%add3A, %dma_wait3A_216, %dma_wait3A_217] : memref<32x13x128xi32, #tpu.memory_space<hbm>> -> memref<1x13x128xi32, #tpu.memory_space<hbm>>
      %dma_wait3A_219 = tpu.memref_squeeze %dma_wait3A_218 : memref<1x13x128xi32, #tpu.memory_space<hbm>> -> memref<13x128xi32, #tpu.memory_space<hbm>>
      tpu.wait_dma2 semaphore(%run_scoped3A : memref<!tpu.dma_semaphore, #tpu.memory_space<semaphore_mem>>) src(%dma_wait3A_219 : memref<13x128xi32, #tpu.memory_space<hbm>>) dst(%arg5 : memref<13x128xi32, #tpu.memory_space<vmem>>)
      tpu.yield
    }) : () -> ()
    %dma_start3A = arith.constant 0 : i32
    %dma_start3A_1 = arith.constant 0 : i32
    %dma_start3A_2 = tpu.memref_slice %arg5[%dma_start3A, %dma_start3A_1] : memref<13x128xi32, #tpu.memory_space<vmem>> -> memref<1x128xi32, #tpu.memory_space<vmem>>
    %dma_start3A_3 = tpu.memref_squeeze %dma_start3A_2 : memref<1x128xi32, #tpu.memory_space<vmem>> -> memref<128xi32, #tpu.memory_space<vmem>>
    %dma_start3A_4 = arith.constant 0 : i32
    %dma_start3A_5 = arith.constant 0 : i32
    %dma_start3A_6 = tpu.memref_slice %arg3[%dma_start3A_4, %dma_start3A_5] : memref<99997x64xf32, #tpu.memory_space<hbm>> -> memref<99997x64xf32, #tpu.memory_space<hbm>>
    tpu.enqueue_indirect_dma source(%dma_start3A_6 : memref<99997x64xf32, #tpu.memory_space<hbm>>) target(%arg6 : memref<128x64xf32, #tpu.memory_space<vmem>>) offsets(%dma_start3A_3 : memref<128xi32, #tpu.memory_space<vmem>>) semaphore(%arg10 : memref<!tpu.dma_semaphore, #tpu.memory_space<semaphore_mem>>)
    %dma_start3A_7 = arith.constant 1 : i32
    %dma_start3A_8 = arith.constant 0 : i32
    %dma_start3A_9 = tpu.memref_slice %arg5[%dma_start3A_7, %dma_start3A_8] : memref<13x128xi32, #tpu.memory_space<vmem>> -> memref<1x128xi32, #tpu.memory_space<vmem>>
    %dma_start3A_10 = tpu.memref_squeeze %dma_start3A_9 : memref<1x128xi32, #tpu.memory_space<vmem>> -> memref<128xi32, #tpu.memory_space<vmem>>
    %dma_start3A_11 = arith.constant 0 : i32
    %dma_start3A_12 = arith.constant 0 : i32
    %dma_start3A_13 = tpu.memref_slice %arg3[%dma_start3A_11, %dma_start3A_12] : memref<99997x64xf32, #tpu.memory_space<hbm>> -> memref<99997x64xf32, #tpu.memory_space<hbm>>
    tpu.enqueue_indirect_dma source(%dma_start3A_13 : memref<99997x64xf32, #tpu.memory_space<hbm>>) target(%arg7 : memref<128x64xf32, #tpu.memory_space<vmem>>) offsets(%dma_start3A_10 : memref<128xi32, #tpu.memory_space<vmem>>) semaphore(%arg11 : memref<!tpu.dma_semaphore, #tpu.memory_space<semaphore_mem>>)
    %dma_start3A_14 = arith.constant 2 : i32
    %dma_start3A_15 = arith.constant 0 : i32
    %dma_start3A_16 = tpu.memref_slice %arg5[%dma_start3A_14, %dma_start3A_15] : memref<13x128xi32, #tpu.memory_space<vmem>> -> memref<1x128xi32, #tpu.memory_space<vmem>>
    %dma_start3A_17 = tpu.memref_squeeze %dma_start3A_16 : memref<1x128xi32, #tpu.memory_space<vmem>> -> memref<128xi32, #tpu.memory_space<vmem>>
    %dma_start3A_18 = arith.constant 0 : i32
    %dma_start3A_19 = arith.constant 0 : i32
    %dma_start3A_20 = tpu.memref_slice %arg3[%dma_start3A_18, %dma_start3A_19] : memref<99997x64xf32, #tpu.memory_space<hbm>> -> memref<99997x64xf32, #tpu.memory_space<hbm>>
    tpu.enqueue_indirect_dma source(%dma_start3A_20 : memref<99997x64xf32, #tpu.memory_space<hbm>>) target(%arg8 : memref<128x64xf32, #tpu.memory_space<vmem>>) offsets(%dma_start3A_17 : memref<128xi32, #tpu.memory_space<vmem>>) semaphore(%arg12 : memref<!tpu.dma_semaphore, #tpu.memory_space<semaphore_mem>>)
    %dma_start3A_21 = arith.constant 3 : i32
    %dma_start3A_22 = arith.constant 0 : i32
    %dma_start3A_23 = tpu.memref_slice %arg5[%dma_start3A_21, %dma_start3A_22] : memref<13x128xi32, #tpu.memory_space<vmem>> -> memref<1x128xi32, #tpu.memory_space<vmem>>
    %dma_start3A_24 = tpu.memref_squeeze %dma_start3A_23 : memref<1x128xi32, #tpu.memory_space<vmem>> -> memref<128xi32, #tpu.memory_space<vmem>>
    %dma_start3A_25 = arith.constant 0 : i32
    %dma_start3A_26 = arith.constant 0 : i32
    %dma_start3A_27 = tpu.memref_slice %arg3[%dma_start3A_25, %dma_start3A_26] : memref<99997x64xf32, #tpu.memory_space<hbm>> -> memref<99997x64xf32, #tpu.memory_space<hbm>>
    tpu.enqueue_indirect_dma source(%dma_start3A_27 : memref<99997x64xf32, #tpu.memory_space<hbm>>) target(%arg9 : memref<128x64xf32, #tpu.memory_space<vmem>>) offsets(%dma_start3A_24 : memref<128xi32, #tpu.memory_space<vmem>>) semaphore(%arg13 : memref<!tpu.dma_semaphore, #tpu.memory_space<semaphore_mem>>)
    %scan3A = arith.constant 0 : i32
    %scan3A_28 = arith.constant 0 : i32
    %scan3A_29 = arith.constant 2 : i32
    %scan3A_30 = arith.addi %scan3A_28, %scan3A_29 : i32
    %scan3A_31 = arith.constant 1 : i32
    scf.for %scan3A_204 = %scan3A_28 to %scan3A_30 step %scan3A_31  : i32 {
      %mul3A_205 = arith.constant 4 : i32
      %mul3A_206 = arith.muli %scan3A_204, %mul3A_205 : i32
      %add3A_207 = arith.constant 0 : i32
      %add3A_208 = arith.addi %mul3A_206, %add3A_207 : i32
      %dma_wait3A_209 = arith.constant 0 : i32
      %dma_wait3A_210 = tpu.memref_slice %arg5[%add3A_208, %dma_wait3A_209] : memref<13x128xi32, #tpu.memory_space<vmem>> -> memref<1x128xi32, #tpu.memory_space<vmem>>
      %dma_wait3A_211 = tpu.memref_squeeze %dma_wait3A_210 : memref<1x128xi32, #tpu.memory_space<vmem>> -> memref<128xi32, #tpu.memory_space<vmem>>
      %dma_wait3A_212 = arith.constant 0 : i32
      %dma_wait3A_213 = arith.constant 0 : i32
      %dma_wait3A_214 = tpu.memref_slice %arg3[%dma_wait3A_212, %dma_wait3A_213] : memref<99997x64xf32, #tpu.memory_space<hbm>> -> memref<99997x64xf32, #tpu.memory_space<hbm>>
      tpu.wait_indirect_dma semaphore(%arg10 : memref<!tpu.dma_semaphore, #tpu.memory_space<semaphore_mem>>) src(%dma_wait3A_214 : memref<99997x64xf32, #tpu.memory_space<hbm>>) dst(%arg6 : memref<128x64xf32, #tpu.memory_space<vmem>>)
      %jit3A = arith.constant 1 : i32
      %div3A = arith.divsi %add3A_208, %jit3A : i32
      %sign3A = arith.constant 0 : i32
      %sign3A_215 = arith.cmpi sgt, %add3A_208, %sign3A : i32
      %sign3A_216 = arith.extui %sign3A_215 : i1 to i32
      %sign3A_217 = arith.constant 0 : i32
      %sign3A_218 = arith.cmpi slt, %add3A_208, %sign3A_217 : i32
      %sign3A_219 = arith.extui %sign3A_218 : i1 to i32
      %sign3A_220 = arith.subi %sign3A_216, %sign3A_219 : i32
      %sign3A_221 = arith.constant 0 : i32
      %sign3A_222 = arith.cmpi sgt, %jit3A, %sign3A_221 : i32
      %sign3A_223 = arith.extui %sign3A_222 : i1 to i32
      %sign3A_224 = arith.constant 0 : i32
      %sign3A_225 = arith.cmpi slt, %jit3A, %sign3A_224 : i32
      %sign3A_226 = arith.extui %sign3A_225 : i1 to i32
      %sign3A_227 = arith.subi %sign3A_223, %sign3A_226 : i32
      %ne3A = arith.cmpi ne, %sign3A_220, %sign3A_227 : i32
      %rem3A = arith.remsi %add3A_208, %jit3A : i32
      %ne3A_228 = arith.constant 0 : i32
      %ne3A_229 = arith.cmpi ne, %rem3A, %ne3A_228 : i32
      %and3A = arith.andi %ne3A, %ne3A_229 : i1
      %sub3A = arith.constant 1 : i32
      %sub3A_230 = arith.subi %div3A, %sub3A : i32
      %select_n3A = arith.select %and3A, %sub3A_230, %div3A : i32
      %mul3A_231 = arith.constant 1 : i32
      %mul3A_232 = arith.muli %add3A, %mul3A_231 : i32
      %mul3A_233 = arith.constant 128 : i32
      %mul3A_234 = arith.muli %mul3A_232, %mul3A_233 : i32
      %jit3A_235 = arith.constant 1 : i32
      %eq3A = arith.constant 0 : i32
      %eq3A_236 = arith.cmpi eq, %jit3A_235, %eq3A : i32
      %jit3A_237 = arith.constant 1 : i32
      %select_n3A_238 = arith.select %eq3A_236, %jit3A_237, %jit3A_235 : i32
      %rem3A_239 = arith.remsi %add3A_208, %select_n3A_238 : i32
      %ne3A_240 = arith.constant 0 : i32
      %ne3A_241 = arith.cmpi ne, %rem3A_239, %ne3A_240 : i32
      %lt3A = arith.constant 0 : i32
      %lt3A_242 = arith.cmpi slt, %rem3A_239, %lt3A : i32
      %lt3A_243 = arith.constant 0 : i32
      %lt3A_244 = arith.cmpi slt, %select_n3A_238, %lt3A_243 : i32
      %ne3A_245 = arith.xori %lt3A_242, %lt3A_244 : i1
      %and3A_246 = arith.andi %ne3A_245, %ne3A_241 : i1
      %add3A_247 = arith.addi %rem3A_239, %select_n3A_238 : i32
      %select_n3A_248 = arith.select %and3A_246, %add3A_247, %rem3A_239 : i32
      %mul3A_249 = arith.constant 128 : i32
      %mul3A_250 = arith.muli %select_n3A_248, %mul3A_249 : i32
      %add3A_251 = arith.addi %mul3A_234, %mul3A_250 : i32
      %dma_start3A_252 = arith.constant 0 : i32
      %dma_start3A_253 = tpu.memref_slice %arg4[%select_n3A, %add3A_251, %dma_start3A_252] : memref<13x4096x64xf32, #tpu.memory_space<hbm>> -> memref<1x128x64xf32, #tpu.memory_space<hbm>>
      %dma_start3A_254 = tpu.memref_squeeze %dma_start3A_253 : memref<1x128x64xf32, #tpu.memory_space<hbm>> -> memref<128x64xf32, #tpu.memory_space<hbm>>
      %dma_start3A_255 = arith.constant 0 : i32
      %dma_start3A_256 = tpu.memref_slice %arg4[%select_n3A, %add3A_251, %dma_start3A_255] : memref<13x4096x64xf32, #tpu.memory_space<hbm>> -> memref<1x128x64xf32, #tpu.memory_space<hbm>>
      %dma_start3A_257 = tpu.memref_squeeze %dma_start3A_256 : memref<1x128x64xf32, #tpu.memory_space<hbm>> -> memref<128x64xf32, #tpu.memory_space<hbm>>
      tpu.enqueue_dma source(%arg6 : memref<128x64xf32, #tpu.memory_space<vmem>>) target(%dma_start3A_257 : memref<128x64xf32, #tpu.memory_space<hbm>>) target_semaphore(%arg14 : memref<!tpu.dma_semaphore, #tpu.memory_space<semaphore_mem>>)
      %jit3A_258 = arith.constant 1 : i32
      %div3A_259 = arith.divsi %add3A_208, %jit3A_258 : i32
      %sign3A_260 = arith.constant 0 : i32
      %sign3A_261 = arith.cmpi sgt, %add3A_208, %sign3A_260 : i32
      %sign3A_262 = arith.extui %sign3A_261 : i1 to i32
      %sign3A_263 = arith.constant 0 : i32
      %sign3A_264 = arith.cmpi slt, %add3A_208, %sign3A_263 : i32
      %sign3A_265 = arith.extui %sign3A_264 : i1 to i32
      %sign3A_266 = arith.subi %sign3A_262, %sign3A_265 : i32
      %sign3A_267 = arith.constant 0 : i32
      %sign3A_268 = arith.cmpi sgt, %jit3A_258, %sign3A_267 : i32
      %sign3A_269 = arith.extui %sign3A_268 : i1 to i32
      %sign3A_270 = arith.constant 0 : i32
      %sign3A_271 = arith.cmpi slt, %jit3A_258, %sign3A_270 : i32
      %sign3A_272 = arith.extui %sign3A_271 : i1 to i32
      %sign3A_273 = arith.subi %sign3A_269, %sign3A_272 : i32
      %ne3A_274 = arith.cmpi ne, %sign3A_266, %sign3A_273 : i32
      %rem3A_275 = arith.remsi %add3A_208, %jit3A_258 : i32
      %ne3A_276 = arith.constant 0 : i32
      %ne3A_277 = arith.cmpi ne, %rem3A_275, %ne3A_276 : i32
      %and3A_278 = arith.andi %ne3A_274, %ne3A_277 : i1
      %sub3A_279 = arith.constant 1 : i32
      %sub3A_280 = arith.subi %div3A_259, %sub3A_279 : i32
      %select_n3A_281 = arith.select %and3A_278, %sub3A_280, %div3A_259 : i32
      %mul3A_282 = arith.constant 1 : i32
      %mul3A_283 = arith.muli %add3A, %mul3A_282 : i32
      %mul3A_284 = arith.constant 128 : i32
      %mul3A_285 = arith.muli %mul3A_283, %mul3A_284 : i32
      %jit3A_286 = arith.constant 1 : i32
      %eq3A_287 = arith.constant 0 : i32
      %eq3A_288 = arith.cmpi eq, %jit3A_286, %eq3A_287 : i32
      %jit3A_289 = arith.constant 1 : i32
      %select_n3A_290 = arith.select %eq3A_288, %jit3A_289, %jit3A_286 : i32
      %rem3A_291 = arith.remsi %add3A_208, %select_n3A_290 : i32
      %ne3A_292 = arith.constant 0 : i32
      %ne3A_293 = arith.cmpi ne, %rem3A_291, %ne3A_292 : i32
      %lt3A_294 = arith.constant 0 : i32
      %lt3A_295 = arith.cmpi slt, %rem3A_291, %lt3A_294 : i32
      %lt3A_296 = arith.constant 0 : i32
      %lt3A_297 = arith.cmpi slt, %select_n3A_290, %lt3A_296 : i32
      %ne3A_298 = arith.xori %lt3A_295, %lt3A_297 : i1
      %and3A_299 = arith.andi %ne3A_298, %ne3A_293 : i1
      %add3A_300 = arith.addi %rem3A_291, %select_n3A_290 : i32
      %select_n3A_301 = arith.select %and3A_299, %add3A_300, %rem3A_291 : i32
      %mul3A_302 = arith.constant 128 : i32
      %mul3A_303 = arith.muli %select_n3A_301, %mul3A_302 : i32
      %add3A_304 = arith.addi %mul3A_285, %mul3A_303 : i32
      %dma_wait3A_305 = arith.constant 0 : i32
      %dma_wait3A_306 = tpu.memref_slice %arg4[%select_n3A_281, %add3A_304, %dma_wait3A_305] : memref<13x4096x64xf32, #tpu.memory_space<hbm>> -> memref<1x128x64xf32, #tpu.memory_space<hbm>>
      %dma_wait3A_307 = tpu.memref_squeeze %dma_wait3A_306 : memref<1x128x64xf32, #tpu.memory_space<hbm>> -> memref<128x64xf32, #tpu.memory_space<hbm>>
      %dma_wait3A_308 = arith.constant 0 : i32
      %dma_wait3A_309 = tpu.memref_slice %arg4[%select_n3A_281, %add3A_304, %dma_wait3A_308] : memref<13x4096x64xf32, #tpu.memory_space<hbm>> -> memref<1x128x64xf32, #tpu.memory_space<hbm>>
      %dma_wait3A_310 = tpu.memref_squeeze %dma_wait3A_309 : memref<1x128x64xf32, #tpu.memory_space<hbm>> -> memref<128x64xf32, #tpu.memory_space<hbm>>
      tpu.wait_dma2 semaphore(%arg14 : memref<!tpu.dma_semaphore, #tpu.memory_space<semaphore_mem>>) src(%arg6 : memref<128x64xf32, #tpu.memory_space<vmem>>) dst(%dma_wait3A_310 : memref<128x64xf32, #tpu.memory_space<hbm>>)
      %add3A_311 = arith.constant 4 : i32
      %add3A_312 = arith.addi %add3A_208, %add3A_311 : i32
      %dma_start3A_313 = arith.constant 0 : i32
      %dma_start3A_314 = tpu.memref_slice %arg5[%add3A_312, %dma_start3A_313] : memref<13x128xi32, #tpu.memory_space<vmem>> -> memref<1x128xi32, #tpu.memory_space<vmem>>
      %dma_start3A_315 = tpu.memref_squeeze %dma_start3A_314 : memref<1x128xi32, #tpu.memory_space<vmem>> -> memref<128xi32, #tpu.memory_space<vmem>>
      %dma_start3A_316 = arith.constant 0 : i32
      %dma_start3A_317 = arith.constant 0 : i32
      %dma_start3A_318 = tpu.memref_slice %arg3[%dma_start3A_316, %dma_start3A_317] : memref<99997x64xf32, #tpu.memory_space<hbm>> -> memref<99997x64xf32, #tpu.memory_space<hbm>>
      tpu.enqueue_indirect_dma source(%dma_start3A_318 : memref<99997x64xf32, #tpu.memory_space<hbm>>) target(%arg6 : memref<128x64xf32, #tpu.memory_space<vmem>>) offsets(%dma_start3A_315 : memref<128xi32, #tpu.memory_space<vmem>>) semaphore(%arg10 : memref<!tpu.dma_semaphore, #tpu.memory_space<semaphore_mem>>)
      %mul3A_319 = arith.constant 4 : i32
      %mul3A_320 = arith.muli %scan3A_204, %mul3A_319 : i32
      %add3A_321 = arith.constant 1 : i32
      %add3A_322 = arith.addi %mul3A_320, %add3A_321 : i32
      %dma_wait3A_323 = arith.constant 0 : i32
      %dma_wait3A_324 = tpu.memref_slice %arg5[%add3A_322, %dma_wait3A_323] : memref<13x128xi32, #tpu.memory_space<vmem>> -> memref<1x128xi32, #tpu.memory_space<vmem>>
      %dma_wait3A_325 = tpu.memref_squeeze %dma_wait3A_324 : memref<1x128xi32, #tpu.memory_space<vmem>> -> memref<128xi32, #tpu.memory_space<vmem>>
      %dma_wait3A_326 = arith.constant 0 : i32
      %dma_wait3A_327 = arith.constant 0 : i32
      %dma_wait3A_328 = tpu.memref_slice %arg3[%dma_wait3A_326, %dma_wait3A_327] : memref<99997x64xf32, #tpu.memory_space<hbm>> -> memref<99997x64xf32, #tpu.memory_space<hbm>>
      tpu.wait_indirect_dma semaphore(%arg11 : memref<!tpu.dma_semaphore, #tpu.memory_space<semaphore_mem>>) src(%dma_wait3A_328 : memref<99997x64xf32, #tpu.memory_space<hbm>>) dst(%arg7 : memref<128x64xf32, #tpu.memory_space<vmem>>)
      %jit3A_329 = arith.constant 1 : i32
      %div3A_330 = arith.divsi %add3A_322, %jit3A_329 : i32
      %sign3A_331 = arith.constant 0 : i32
      %sign3A_332 = arith.cmpi sgt, %add3A_322, %sign3A_331 : i32
      %sign3A_333 = arith.extui %sign3A_332 : i1 to i32
      %sign3A_334 = arith.constant 0 : i32
      %sign3A_335 = arith.cmpi slt, %add3A_322, %sign3A_334 : i32
      %sign3A_336 = arith.extui %sign3A_335 : i1 to i32
      %sign3A_337 = arith.subi %sign3A_333, %sign3A_336 : i32
      %sign3A_338 = arith.constant 0 : i32
      %sign3A_339 = arith.cmpi sgt, %jit3A_329, %sign3A_338 : i32
      %sign3A_340 = arith.extui %sign3A_339 : i1 to i32
      %sign3A_341 = arith.constant 0 : i32
      %sign3A_342 = arith.cmpi slt, %jit3A_329, %sign3A_341 : i32
      %sign3A_343 = arith.extui %sign3A_342 : i1 to i32
      %sign3A_344 = arith.subi %sign3A_340, %sign3A_343 : i32
      %ne3A_345 = arith.cmpi ne, %sign3A_337, %sign3A_344 : i32
      %rem3A_346 = arith.remsi %add3A_322, %jit3A_329 : i32
      %ne3A_347 = arith.constant 0 : i32
      %ne3A_348 = arith.cmpi ne, %rem3A_346, %ne3A_347 : i32
      %and3A_349 = arith.andi %ne3A_345, %ne3A_348 : i1
      %sub3A_350 = arith.constant 1 : i32
      %sub3A_351 = arith.subi %div3A_330, %sub3A_350 : i32
      %select_n3A_352 = arith.select %and3A_349, %sub3A_351, %div3A_330 : i32
      %mul3A_353 = arith.constant 1 : i32
      %mul3A_354 = arith.muli %add3A, %mul3A_353 : i32
      %mul3A_355 = arith.constant 128 : i32
      %mul3A_356 = arith.muli %mul3A_354, %mul3A_355 : i32
      %jit3A_357 = arith.constant 1 : i32
      %eq3A_358 = arith.constant 0 : i32
      %eq3A_359 = arith.cmpi eq, %jit3A_357, %eq3A_358 : i32
      %jit3A_360 = arith.constant 1 : i32
      %select_n3A_361 = arith.select %eq3A_359, %jit3A_360, %jit3A_357 : i32
      %rem3A_362 = arith.remsi %add3A_322, %select_n3A_361 : i32
      %ne3A_363 = arith.constant 0 : i32
      %ne3A_364 = arith.cmpi ne, %rem3A_362, %ne3A_363 : i32
      %lt3A_365 = arith.constant 0 : i32
      %lt3A_366 = arith.cmpi slt, %rem3A_362, %lt3A_365 : i32
      %lt3A_367 = arith.constant 0 : i32
      %lt3A_368 = arith.cmpi slt, %select_n3A_361, %lt3A_367 : i32
      %ne3A_369 = arith.xori %lt3A_366, %lt3A_368 : i1
      %and3A_370 = arith.andi %ne3A_369, %ne3A_364 : i1
      %add3A_371 = arith.addi %rem3A_362, %select_n3A_361 : i32
      %select_n3A_372 = arith.select %and3A_370, %add3A_371, %rem3A_362 : i32
      %mul3A_373 = arith.constant 128 : i32
      %mul3A_374 = arith.muli %select_n3A_372, %mul3A_373 : i32
      %add3A_375 = arith.addi %mul3A_356, %mul3A_374 : i32
      %dma_start3A_376 = arith.constant 0 : i32
      %dma_start3A_377 = tpu.memref_slice %arg4[%select_n3A_352, %add3A_375, %dma_start3A_376] : memref<13x4096x64xf32, #tpu.memory_space<hbm>> -> memref<1x128x64xf32, #tpu.memory_space<hbm>>
      %dma_start3A_378 = tpu.memref_squeeze %dma_start3A_377 : memref<1x128x64xf32, #tpu.memory_space<hbm>> -> memref<128x64xf32, #tpu.memory_space<hbm>>
      %dma_start3A_379 = arith.constant 0 : i32
      %dma_start3A_380 = tpu.memref_slice %arg4[%select_n3A_352, %add3A_375, %dma_start3A_379] : memref<13x4096x64xf32, #tpu.memory_space<hbm>> -> memref<1x128x64xf32, #tpu.memory_space<hbm>>
      %dma_start3A_381 = tpu.memref_squeeze %dma_start3A_380 : memref<1x128x64xf32, #tpu.memory_space<hbm>> -> memref<128x64xf32, #tpu.memory_space<hbm>>
      tpu.enqueue_dma source(%arg7 : memref<128x64xf32, #tpu.memory_space<vmem>>) target(%dma_start3A_381 : memref<128x64xf32, #tpu.memory_space<hbm>>) target_semaphore(%arg15 : memref<!tpu.dma_semaphore, #tpu.memory_space<semaphore_mem>>)
      %jit3A_382 = arith.constant 1 : i32
      %div3A_383 = arith.divsi %add3A_322, %jit3A_382 : i32
      %sign3A_384 = arith.constant 0 : i32
      %sign3A_385 = arith.cmpi sgt, %add3A_322, %sign3A_384 : i32
      %sign3A_386 = arith.extui %sign3A_385 : i1 to i32
      %sign3A_387 = arith.constant 0 : i32
      %sign3A_388 = arith.cmpi slt, %add3A_322, %sign3A_387 : i32
      %sign3A_389 = arith.extui %sign3A_388 : i1 to i32
      %sign3A_390 = arith.subi %sign3A_386, %sign3A_389 : i32
      %sign3A_391 = arith.constant 0 : i32
      %sign3A_392 = arith.cmpi sgt, %jit3A_382, %sign3A_391 : i32
      %sign3A_393 = arith.extui %sign3A_392 : i1 to i32
      %sign3A_394 = arith.constant 0 : i32
      %sign3A_395 = arith.cmpi slt, %jit3A_382, %sign3A_394 : i32
      %sign3A_396 = arith.extui %sign3A_395 : i1 to i32
      %sign3A_397 = arith.subi %sign3A_393, %sign3A_396 : i32
      %ne3A_398 = arith.cmpi ne, %sign3A_390, %sign3A_397 : i32
      %rem3A_399 = arith.remsi %add3A_322, %jit3A_382 : i32
      %ne3A_400 = arith.constant 0 : i32
      %ne3A_401 = arith.cmpi ne, %rem3A_399, %ne3A_400 : i32
      %and3A_402 = arith.andi %ne3A_398, %ne3A_401 : i1
      %sub3A_403 = arith.constant 1 : i32
      %sub3A_404 = arith.subi %div3A_383, %sub3A_403 : i32
      %select_n3A_405 = arith.select %and3A_402, %sub3A_404, %div3A_383 : i32
      %mul3A_406 = arith.constant 1 : i32
      %mul3A_407 = arith.muli %add3A, %mul3A_406 : i32
      %mul3A_408 = arith.constant 128 : i32
      %mul3A_409 = arith.muli %mul3A_407, %mul3A_408 : i32
      %jit3A_410 = arith.constant 1 : i32
      %eq3A_411 = arith.constant 0 : i32
      %eq3A_412 = arith.cmpi eq, %jit3A_410, %eq3A_411 : i32
      %jit3A_413 = arith.constant 1 : i32
      %select_n3A_414 = arith.select %eq3A_412, %jit3A_413, %jit3A_410 : i32
      %rem3A_415 = arith.remsi %add3A_322, %select_n3A_414 : i32
      %ne3A_416 = arith.constant 0 : i32
      %ne3A_417 = arith.cmpi ne, %rem3A_415, %ne3A_416 : i32
      %lt3A_418 = arith.constant 0 : i32
      %lt3A_419 = arith.cmpi slt, %rem3A_415, %lt3A_418 : i32
      %lt3A_420 = arith.constant 0 : i32
      %lt3A_421 = arith.cmpi slt, %select_n3A_414, %lt3A_420 : i32
      %ne3A_422 = arith.xori %lt3A_419, %lt3A_421 : i1
      %and3A_423 = arith.andi %ne3A_422, %ne3A_417 : i1
      %add3A_424 = arith.addi %rem3A_415, %select_n3A_414 : i32
      %select_n3A_425 = arith.select %and3A_423, %add3A_424, %rem3A_415 : i32
      %mul3A_426 = arith.constant 128 : i32
      %mul3A_427 = arith.muli %select_n3A_425, %mul3A_426 : i32
      %add3A_428 = arith.addi %mul3A_409, %mul3A_427 : i32
      %dma_wait3A_429 = arith.constant 0 : i32
      %dma_wait3A_430 = tpu.memref_slice %arg4[%select_n3A_405, %add3A_428, %dma_wait3A_429] : memref<13x4096x64xf32, #tpu.memory_space<hbm>> -> memref<1x128x64xf32, #tpu.memory_space<hbm>>
      %dma_wait3A_431 = tpu.memref_squeeze %dma_wait3A_430 : memref<1x128x64xf32, #tpu.memory_space<hbm>> -> memref<128x64xf32, #tpu.memory_space<hbm>>
      %dma_wait3A_432 = arith.constant 0 : i32
      %dma_wait3A_433 = tpu.memref_slice %arg4[%select_n3A_405, %add3A_428, %dma_wait3A_432] : memref<13x4096x64xf32, #tpu.memory_space<hbm>> -> memref<1x128x64xf32, #tpu.memory_space<hbm>>
      %dma_wait3A_434 = tpu.memref_squeeze %dma_wait3A_433 : memref<1x128x64xf32, #tpu.memory_space<hbm>> -> memref<128x64xf32, #tpu.memory_space<hbm>>
      tpu.wait_dma2 semaphore(%arg15 : memref<!tpu.dma_semaphore, #tpu.memory_space<semaphore_mem>>) src(%arg7 : memref<128x64xf32, #tpu.memory_space<vmem>>) dst(%dma_wait3A_434 : memref<128x64xf32, #tpu.memory_space<hbm>>)
      %add3A_435 = arith.constant 4 : i32
      %add3A_436 = arith.addi %add3A_322, %add3A_435 : i32
      %dma_start3A_437 = arith.constant 0 : i32
      %dma_start3A_438 = tpu.memref_slice %arg5[%add3A_436, %dma_start3A_437] : memref<13x128xi32, #tpu.memory_space<vmem>> -> memref<1x128xi32, #tpu.memory_space<vmem>>
      %dma_start3A_439 = tpu.memref_squeeze %dma_start3A_438 : memref<1x128xi32, #tpu.memory_space<vmem>> -> memref<128xi32, #tpu.memory_space<vmem>>
      %dma_start3A_440 = arith.constant 0 : i32
      %dma_start3A_441 = arith.constant 0 : i32
      %dma_start3A_442 = tpu.memref_slice %arg3[%dma_start3A_440, %dma_start3A_441] : memref<99997x64xf32, #tpu.memory_space<hbm>> -> memref<99997x64xf32, #tpu.memory_space<hbm>>
      tpu.enqueue_indirect_dma source(%dma_start3A_442 : memref<99997x64xf32, #tpu.memory_space<hbm>>) target(%arg7 : memref<128x64xf32, #tpu.memory_space<vmem>>) offsets(%dma_start3A_439 : memref<128xi32, #tpu.memory_space<vmem>>) semaphore(%arg11 : memref<!tpu.dma_semaphore, #tpu.memory_space<semaphore_mem>>)
      %mul3A_443 = arith.constant 4 : i32
      %mul3A_444 = arith.muli %scan3A_204, %mul3A_443 : i32
      %add3A_445 = arith.constant 2 : i32
      %add3A_446 = arith.addi %mul3A_444, %add3A_445 : i32
      %dma_wait3A_447 = arith.constant 0 : i32
      %dma_wait3A_448 = tpu.memref_slice %arg5[%add3A_446, %dma_wait3A_447] : memref<13x128xi32, #tpu.memory_space<vmem>> -> memref<1x128xi32, #tpu.memory_space<vmem>>
      %dma_wait3A_449 = tpu.memref_squeeze %dma_wait3A_448 : memref<1x128xi32, #tpu.memory_space<vmem>> -> memref<128xi32, #tpu.memory_space<vmem>>
      %dma_wait3A_450 = arith.constant 0 : i32
      %dma_wait3A_451 = arith.constant 0 : i32
      %dma_wait3A_452 = tpu.memref_slice %arg3[%dma_wait3A_450, %dma_wait3A_451] : memref<99997x64xf32, #tpu.memory_space<hbm>> -> memref<99997x64xf32, #tpu.memory_space<hbm>>
      tpu.wait_indirect_dma semaphore(%arg12 : memref<!tpu.dma_semaphore, #tpu.memory_space<semaphore_mem>>) src(%dma_wait3A_452 : memref<99997x64xf32, #tpu.memory_space<hbm>>) dst(%arg8 : memref<128x64xf32, #tpu.memory_space<vmem>>)
      %jit3A_453 = arith.constant 1 : i32
      %div3A_454 = arith.divsi %add3A_446, %jit3A_453 : i32
      %sign3A_455 = arith.constant 0 : i32
      %sign3A_456 = arith.cmpi sgt, %add3A_446, %sign3A_455 : i32
      %sign3A_457 = arith.extui %sign3A_456 : i1 to i32
      %sign3A_458 = arith.constant 0 : i32
      %sign3A_459 = arith.cmpi slt, %add3A_446, %sign3A_458 : i32
      %sign3A_460 = arith.extui %sign3A_459 : i1 to i32
      %sign3A_461 = arith.subi %sign3A_457, %sign3A_460 : i32
      %sign3A_462 = arith.constant 0 : i32
      %sign3A_463 = arith.cmpi sgt, %jit3A_453, %sign3A_462 : i32
      %sign3A_464 = arith.extui %sign3A_463 : i1 to i32
      %sign3A_465 = arith.constant 0 : i32
      %sign3A_466 = arith.cmpi slt, %jit3A_453, %sign3A_465 : i32
      %sign3A_467 = arith.extui %sign3A_466 : i1 to i32
      %sign3A_468 = arith.subi %sign3A_464, %sign3A_467 : i32
      %ne3A_469 = arith.cmpi ne, %sign3A_461, %sign3A_468 : i32
      %rem3A_470 = arith.remsi %add3A_446, %jit3A_453 : i32
      %ne3A_471 = arith.constant 0 : i32
      %ne3A_472 = arith.cmpi ne, %rem3A_470, %ne3A_471 : i32
      %and3A_473 = arith.andi %ne3A_469, %ne3A_472 : i1
      %sub3A_474 = arith.constant 1 : i32
      %sub3A_475 = arith.subi %div3A_454, %sub3A_474 : i32
      %select_n3A_476 = arith.select %and3A_473, %sub3A_475, %div3A_454 : i32
      %mul3A_477 = arith.constant 1 : i32
      %mul3A_478 = arith.muli %add3A, %mul3A_477 : i32
      %mul3A_479 = arith.constant 128 : i32
      %mul3A_480 = arith.muli %mul3A_478, %mul3A_479 : i32
      %jit3A_481 = arith.constant 1 : i32
      %eq3A_482 = arith.constant 0 : i32
      %eq3A_483 = arith.cmpi eq, %jit3A_481, %eq3A_482 : i32
      %jit3A_484 = arith.constant 1 : i32
      %select_n3A_485 = arith.select %eq3A_483, %jit3A_484, %jit3A_481 : i32
      %rem3A_486 = arith.remsi %add3A_446, %select_n3A_485 : i32
      %ne3A_487 = arith.constant 0 : i32
      %ne3A_488 = arith.cmpi ne, %rem3A_486, %ne3A_487 : i32
      %lt3A_489 = arith.constant 0 : i32
      %lt3A_490 = arith.cmpi slt, %rem3A_486, %lt3A_489 : i32
      %lt3A_491 = arith.constant 0 : i32
      %lt3A_492 = arith.cmpi slt, %select_n3A_485, %lt3A_491 : i32
      %ne3A_493 = arith.xori %lt3A_490, %lt3A_492 : i1
      %and3A_494 = arith.andi %ne3A_493, %ne3A_488 : i1
      %add3A_495 = arith.addi %rem3A_486, %select_n3A_485 : i32
      %select_n3A_496 = arith.select %and3A_494, %add3A_495, %rem3A_486 : i32
      %mul3A_497 = arith.constant 128 : i32
      %mul3A_498 = arith.muli %select_n3A_496, %mul3A_497 : i32
      %add3A_499 = arith.addi %mul3A_480, %mul3A_498 : i32
      %dma_start3A_500 = arith.constant 0 : i32
      %dma_start3A_501 = tpu.memref_slice %arg4[%select_n3A_476, %add3A_499, %dma_start3A_500] : memref<13x4096x64xf32, #tpu.memory_space<hbm>> -> memref<1x128x64xf32, #tpu.memory_space<hbm>>
      %dma_start3A_502 = tpu.memref_squeeze %dma_start3A_501 : memref<1x128x64xf32, #tpu.memory_space<hbm>> -> memref<128x64xf32, #tpu.memory_space<hbm>>
      %dma_start3A_503 = arith.constant 0 : i32
      %dma_start3A_504 = tpu.memref_slice %arg4[%select_n3A_476, %add3A_499, %dma_start3A_503] : memref<13x4096x64xf32, #tpu.memory_space<hbm>> -> memref<1x128x64xf32, #tpu.memory_space<hbm>>
      %dma_start3A_505 = tpu.memref_squeeze %dma_start3A_504 : memref<1x128x64xf32, #tpu.memory_space<hbm>> -> memref<128x64xf32, #tpu.memory_space<hbm>>
      tpu.enqueue_dma source(%arg8 : memref<128x64xf32, #tpu.memory_space<vmem>>) target(%dma_start3A_505 : memref<128x64xf32, #tpu.memory_space<hbm>>) target_semaphore(%arg16 : memref<!tpu.dma_semaphore, #tpu.memory_space<semaphore_mem>>)
      %jit3A_506 = arith.constant 1 : i32
      %div3A_507 = arith.divsi %add3A_446, %jit3A_506 : i32
      %sign3A_508 = arith.constant 0 : i32
      %sign3A_509 = arith.cmpi sgt, %add3A_446, %sign3A_508 : i32
      %sign3A_510 = arith.extui %sign3A_509 : i1 to i32
      %sign3A_511 = arith.constant 0 : i32
      %sign3A_512 = arith.cmpi slt, %add3A_446, %sign3A_511 : i32
      %sign3A_513 = arith.extui %sign3A_512 : i1 to i32
      %sign3A_514 = arith.subi %sign3A_510, %sign3A_513 : i32
      %sign3A_515 = arith.constant 0 : i32
      %sign3A_516 = arith.cmpi sgt, %jit3A_506, %sign3A_515 : i32
      %sign3A_517 = arith.extui %sign3A_516 : i1 to i32
      %sign3A_518 = arith.constant 0 : i32
      %sign3A_519 = arith.cmpi slt, %jit3A_506, %sign3A_518 : i32
      %sign3A_520 = arith.extui %sign3A_519 : i1 to i32
      %sign3A_521 = arith.subi %sign3A_517, %sign3A_520 : i32
      %ne3A_522 = arith.cmpi ne, %sign3A_514, %sign3A_521 : i32
      %rem3A_523 = arith.remsi %add3A_446, %jit3A_506 : i32
      %ne3A_524 = arith.constant 0 : i32
      %ne3A_525 = arith.cmpi ne, %rem3A_523, %ne3A_524 : i32
      %and3A_526 = arith.andi %ne3A_522, %ne3A_525 : i1
      %sub3A_527 = arith.constant 1 : i32
      %sub3A_528 = arith.subi %div3A_507, %sub3A_527 : i32
      %select_n3A_529 = arith.select %and3A_526, %sub3A_528, %div3A_507 : i32
      %mul3A_530 = arith.constant 1 : i32
      %mul3A_531 = arith.muli %add3A, %mul3A_530 : i32
      %mul3A_532 = arith.constant 128 : i32
      %mul3A_533 = arith.muli %mul3A_531, %mul3A_532 : i32
      %jit3A_534 = arith.constant 1 : i32
      %eq3A_535 = arith.constant 0 : i32
      %eq3A_536 = arith.cmpi eq, %jit3A_534, %eq3A_535 : i32
      %jit3A_537 = arith.constant 1 : i32
      %select_n3A_538 = arith.select %eq3A_536, %jit3A_537, %jit3A_534 : i32
      %rem3A_539 = arith.remsi %add3A_446, %select_n3A_538 : i32
      %ne3A_540 = arith.constant 0 : i32
      %ne3A_541 = arith.cmpi ne, %rem3A_539, %ne3A_540 : i32
      %lt3A_542 = arith.constant 0 : i32
      %lt3A_543 = arith.cmpi slt, %rem3A_539, %lt3A_542 : i32
      %lt3A_544 = arith.constant 0 : i32
      %lt3A_545 = arith.cmpi slt, %select_n3A_538, %lt3A_544 : i32
      %ne3A_546 = arith.xori %lt3A_543, %lt3A_545 : i1
      %and3A_547 = arith.andi %ne3A_546, %ne3A_541 : i1
      %add3A_548 = arith.addi %rem3A_539, %select_n3A_538 : i32
      %select_n3A_549 = arith.select %and3A_547, %add3A_548, %rem3A_539 : i32
      %mul3A_550 = arith.constant 128 : i32
      %mul3A_551 = arith.muli %select_n3A_549, %mul3A_550 : i32
      %add3A_552 = arith.addi %mul3A_533, %mul3A_551 : i32
      %dma_wait3A_553 = arith.constant 0 : i32
      %dma_wait3A_554 = tpu.memref_slice %arg4[%select_n3A_529, %add3A_552, %dma_wait3A_553] : memref<13x4096x64xf32, #tpu.memory_space<hbm>> -> memref<1x128x64xf32, #tpu.memory_space<hbm>>
      %dma_wait3A_555 = tpu.memref_squeeze %dma_wait3A_554 : memref<1x128x64xf32, #tpu.memory_space<hbm>> -> memref<128x64xf32, #tpu.memory_space<hbm>>
      %dma_wait3A_556 = arith.constant 0 : i32
      %dma_wait3A_557 = tpu.memref_slice %arg4[%select_n3A_529, %add3A_552, %dma_wait3A_556] : memref<13x4096x64xf32, #tpu.memory_space<hbm>> -> memref<1x128x64xf32, #tpu.memory_space<hbm>>
      %dma_wait3A_558 = tpu.memref_squeeze %dma_wait3A_557 : memref<1x128x64xf32, #tpu.memory_space<hbm>> -> memref<128x64xf32, #tpu.memory_space<hbm>>
      tpu.wait_dma2 semaphore(%arg16 : memref<!tpu.dma_semaphore, #tpu.memory_space<semaphore_mem>>) src(%arg8 : memref<128x64xf32, #tpu.memory_space<vmem>>) dst(%dma_wait3A_558 : memref<128x64xf32, #tpu.memory_space<hbm>>)
      %add3A_559 = arith.constant 4 : i32
      %add3A_560 = arith.addi %add3A_446, %add3A_559 : i32
      %dma_start3A_561 = arith.constant 0 : i32
      %dma_start3A_562 = tpu.memref_slice %arg5[%add3A_560, %dma_start3A_561] : memref<13x128xi32, #tpu.memory_space<vmem>> -> memref<1x128xi32, #tpu.memory_space<vmem>>
      %dma_start3A_563 = tpu.memref_squeeze %dma_start3A_562 : memref<1x128xi32, #tpu.memory_space<vmem>> -> memref<128xi32, #tpu.memory_space<vmem>>
      %dma_start3A_564 = arith.constant 0 : i32
      %dma_start3A_565 = arith.constant 0 : i32
      %dma_start3A_566 = tpu.memref_slice %arg3[%dma_start3A_564, %dma_start3A_565] : memref<99997x64xf32, #tpu.memory_space<hbm>> -> memref<99997x64xf32, #tpu.memory_space<hbm>>
      tpu.enqueue_indirect_dma source(%dma_start3A_566 : memref<99997x64xf32, #tpu.memory_space<hbm>>) target(%arg8 : memref<128x64xf32, #tpu.memory_space<vmem>>) offsets(%dma_start3A_563 : memref<128xi32, #tpu.memory_space<vmem>>) semaphore(%arg12 : memref<!tpu.dma_semaphore, #tpu.memory_space<semaphore_mem>>)
      %mul3A_567 = arith.constant 4 : i32
      %mul3A_568 = arith.muli %scan3A_204, %mul3A_567 : i32
      %add3A_569 = arith.constant 3 : i32
      %add3A_570 = arith.addi %mul3A_568, %add3A_569 : i32
      %dma_wait3A_571 = arith.constant 0 : i32
      %dma_wait3A_572 = tpu.memref_slice %arg5[%add3A_570, %dma_wait3A_571] : memref<13x128xi32, #tpu.memory_space<vmem>> -> memref<1x128xi32, #tpu.memory_space<vmem>>
      %dma_wait3A_573 = tpu.memref_squeeze %dma_wait3A_572 : memref<1x128xi32, #tpu.memory_space<vmem>> -> memref<128xi32, #tpu.memory_space<vmem>>
      %dma_wait3A_574 = arith.constant 0 : i32
      %dma_wait3A_575 = arith.constant 0 : i32
      %dma_wait3A_576 = tpu.memref_slice %arg3[%dma_wait3A_574, %dma_wait3A_575] : memref<99997x64xf32, #tpu.memory_space<hbm>> -> memref<99997x64xf32, #tpu.memory_space<hbm>>
      tpu.wait_indirect_dma semaphore(%arg13 : memref<!tpu.dma_semaphore, #tpu.memory_space<semaphore_mem>>) src(%dma_wait3A_576 : memref<99997x64xf32, #tpu.memory_space<hbm>>) dst(%arg9 : memref<128x64xf32, #tpu.memory_space<vmem>>)
      %jit3A_577 = arith.constant 1 : i32
      %div3A_578 = arith.divsi %add3A_570, %jit3A_577 : i32
      %sign3A_579 = arith.constant 0 : i32
      %sign3A_580 = arith.cmpi sgt, %add3A_570, %sign3A_579 : i32
      %sign3A_581 = arith.extui %sign3A_580 : i1 to i32
      %sign3A_582 = arith.constant 0 : i32
      %sign3A_583 = arith.cmpi slt, %add3A_570, %sign3A_582 : i32
      %sign3A_584 = arith.extui %sign3A_583 : i1 to i32
      %sign3A_585 = arith.subi %sign3A_581, %sign3A_584 : i32
      %sign3A_586 = arith.constant 0 : i32
      %sign3A_587 = arith.cmpi sgt, %jit3A_577, %sign3A_586 : i32
      %sign3A_588 = arith.extui %sign3A_587 : i1 to i32
      %sign3A_589 = arith.constant 0 : i32
      %sign3A_590 = arith.cmpi slt, %jit3A_577, %sign3A_589 : i32
      %sign3A_591 = arith.extui %sign3A_590 : i1 to i32
      %sign3A_592 = arith.subi %sign3A_588, %sign3A_591 : i32
      %ne3A_593 = arith.cmpi ne, %sign3A_585, %sign3A_592 : i32
      %rem3A_594 = arith.remsi %add3A_570, %jit3A_577 : i32
      %ne3A_595 = arith.constant 0 : i32
      %ne3A_596 = arith.cmpi ne, %rem3A_594, %ne3A_595 : i32
      %and3A_597 = arith.andi %ne3A_593, %ne3A_596 : i1
      %sub3A_598 = arith.constant 1 : i32
      %sub3A_599 = arith.subi %div3A_578, %sub3A_598 : i32
      %select_n3A_600 = arith.select %and3A_597, %sub3A_599, %div3A_578 : i32
      %mul3A_601 = arith.constant 1 : i32
      %mul3A_602 = arith.muli %add3A, %mul3A_601 : i32
      %mul3A_603 = arith.constant 128 : i32
      %mul3A_604 = arith.muli %mul3A_602, %mul3A_603 : i32
      %jit3A_605 = arith.constant 1 : i32
      %eq3A_606 = arith.constant 0 : i32
      %eq3A_607 = arith.cmpi eq, %jit3A_605, %eq3A_606 : i32
      %jit3A_608 = arith.constant 1 : i32
      %select_n3A_609 = arith.select %eq3A_607, %jit3A_608, %jit3A_605 : i32
      %rem3A_610 = arith.remsi %add3A_570, %select_n3A_609 : i32
      %ne3A_611 = arith.constant 0 : i32
      %ne3A_612 = arith.cmpi ne, %rem3A_610, %ne3A_611 : i32
      %lt3A_613 = arith.constant 0 : i32
      %lt3A_614 = arith.cmpi slt, %rem3A_610, %lt3A_613 : i32
      %lt3A_615 = arith.constant 0 : i32
      %lt3A_616 = arith.cmpi slt, %select_n3A_609, %lt3A_615 : i32
      %ne3A_617 = arith.xori %lt3A_614, %lt3A_616 : i1
      %and3A_618 = arith.andi %ne3A_617, %ne3A_612 : i1
      %add3A_619 = arith.addi %rem3A_610, %select_n3A_609 : i32
      %select_n3A_620 = arith.select %and3A_618, %add3A_619, %rem3A_610 : i32
      %mul3A_621 = arith.constant 128 : i32
      %mul3A_622 = arith.muli %select_n3A_620, %mul3A_621 : i32
      %add3A_623 = arith.addi %mul3A_604, %mul3A_622 : i32
      %dma_start3A_624 = arith.constant 0 : i32
      %dma_start3A_625 = tpu.memref_slice %arg4[%select_n3A_600, %add3A_623, %dma_start3A_624] : memref<13x4096x64xf32, #tpu.memory_space<hbm>> -> memref<1x128x64xf32, #tpu.memory_space<hbm>>
      %dma_start3A_626 = tpu.memref_squeeze %dma_start3A_625 : memref<1x128x64xf32, #tpu.memory_space<hbm>> -> memref<128x64xf32, #tpu.memory_space<hbm>>
      %dma_start3A_627 = arith.constant 0 : i32
      %dma_start3A_628 = tpu.memref_slice %arg4[%select_n3A_600, %add3A_623, %dma_start3A_627] : memref<13x4096x64xf32, #tpu.memory_space<hbm>> -> memref<1x128x64xf32, #tpu.memory_space<hbm>>
      %dma_start3A_629 = tpu.memref_squeeze %dma_start3A_628 : memref<1x128x64xf32, #tpu.memory_space<hbm>> -> memref<128x64xf32, #tpu.memory_space<hbm>>
      tpu.enqueue_dma source(%arg9 : memref<128x64xf32, #tpu.memory_space<vmem>>) target(%dma_start3A_629 : memref<128x64xf32, #tpu.memory_space<hbm>>) target_semaphore(%arg17 : memref<!tpu.dma_semaphore, #tpu.memory_space<semaphore_mem>>)
      %jit3A_630 = arith.constant 1 : i32
      %div3A_631 = arith.divsi %add3A_570, %jit3A_630 : i32
      %sign3A_632 = arith.constant 0 : i32
      %sign3A_633 = arith.cmpi sgt, %add3A_570, %sign3A_632 : i32
      %sign3A_634 = arith.extui %sign3A_633 : i1 to i32
      %sign3A_635 = arith.constant 0 : i32
      %sign3A_636 = arith.cmpi slt, %add3A_570, %sign3A_635 : i32
      %sign3A_637 = arith.extui %sign3A_636 : i1 to i32
      %sign3A_638 = arith.subi %sign3A_634, %sign3A_637 : i32
      %sign3A_639 = arith.constant 0 : i32
      %sign3A_640 = arith.cmpi sgt, %jit3A_630, %sign3A_639 : i32
      %sign3A_641 = arith.extui %sign3A_640 : i1 to i32
      %sign3A_642 = arith.constant 0 : i32
      %sign3A_643 = arith.cmpi slt, %jit3A_630, %sign3A_642 : i32
      %sign3A_644 = arith.extui %sign3A_643 : i1 to i32
      %sign3A_645 = arith.subi %sign3A_641, %sign3A_644 : i32
      %ne3A_646 = arith.cmpi ne, %sign3A_638, %sign3A_645 : i32
      %rem3A_647 = arith.remsi %add3A_570, %jit3A_630 : i32
      %ne3A_648 = arith.constant 0 : i32
      %ne3A_649 = arith.cmpi ne, %rem3A_647, %ne3A_648 : i32
      %and3A_650 = arith.andi %ne3A_646, %ne3A_649 : i1
      %sub3A_651 = arith.constant 1 : i32
      %sub3A_652 = arith.subi %div3A_631, %sub3A_651 : i32
      %select_n3A_653 = arith.select %and3A_650, %sub3A_652, %div3A_631 : i32
      %mul3A_654 = arith.constant 1 : i32
      %mul3A_655 = arith.muli %add3A, %mul3A_654 : i32
      %mul3A_656 = arith.constant 128 : i32
      %mul3A_657 = arith.muli %mul3A_655, %mul3A_656 : i32
      %jit3A_658 = arith.constant 1 : i32
      %eq3A_659 = arith.constant 0 : i32
      %eq3A_660 = arith.cmpi eq, %jit3A_658, %eq3A_659 : i32
      %jit3A_661 = arith.constant 1 : i32
      %select_n3A_662 = arith.select %eq3A_660, %jit3A_661, %jit3A_658 : i32
      %rem3A_663 = arith.remsi %add3A_570, %select_n3A_662 : i32
      %ne3A_664 = arith.constant 0 : i32
      %ne3A_665 = arith.cmpi ne, %rem3A_663, %ne3A_664 : i32
      %lt3A_666 = arith.constant 0 : i32
      %lt3A_667 = arith.cmpi slt, %rem3A_663, %lt3A_666 : i32
      %lt3A_668 = arith.constant 0 : i32
      %lt3A_669 = arith.cmpi slt, %select_n3A_662, %lt3A_668 : i32
      %ne3A_670 = arith.xori %lt3A_667, %lt3A_669 : i1
      %and3A_671 = arith.andi %ne3A_670, %ne3A_665 : i1
      %add3A_672 = arith.addi %rem3A_663, %select_n3A_662 : i32
      %select_n3A_673 = arith.select %and3A_671, %add3A_672, %rem3A_663 : i32
      %mul3A_674 = arith.constant 128 : i32
      %mul3A_675 = arith.muli %select_n3A_673, %mul3A_674 : i32
      %add3A_676 = arith.addi %mul3A_657, %mul3A_675 : i32
      %dma_wait3A_677 = arith.constant 0 : i32
      %dma_wait3A_678 = tpu.memref_slice %arg4[%select_n3A_653, %add3A_676, %dma_wait3A_677] : memref<13x4096x64xf32, #tpu.memory_space<hbm>> -> memref<1x128x64xf32, #tpu.memory_space<hbm>>
      %dma_wait3A_679 = tpu.memref_squeeze %dma_wait3A_678 : memref<1x128x64xf32, #tpu.memory_space<hbm>> -> memref<128x64xf32, #tpu.memory_space<hbm>>
      %dma_wait3A_680 = arith.constant 0 : i32
      %dma_wait3A_681 = tpu.memref_slice %arg4[%select_n3A_653, %add3A_676, %dma_wait3A_680] : memref<13x4096x64xf32, #tpu.memory_space<hbm>> -> memref<1x128x64xf32, #tpu.memory_space<hbm>>
      %dma_wait3A_682 = tpu.memref_squeeze %dma_wait3A_681 : memref<1x128x64xf32, #tpu.memory_space<hbm>> -> memref<128x64xf32, #tpu.memory_space<hbm>>
      tpu.wait_dma2 semaphore(%arg17 : memref<!tpu.dma_semaphore, #tpu.memory_space<semaphore_mem>>) src(%arg9 : memref<128x64xf32, #tpu.memory_space<vmem>>) dst(%dma_wait3A_682 : memref<128x64xf32, #tpu.memory_space<hbm>>)
      %add3A_683 = arith.constant 4 : i32
      %add3A_684 = arith.addi %add3A_570, %add3A_683 : i32
      %dma_start3A_685 = arith.constant 0 : i32
      %dma_start3A_686 = tpu.memref_slice %arg5[%add3A_684, %dma_start3A_685] : memref<13x128xi32, #tpu.memory_space<vmem>> -> memref<1x128xi32, #tpu.memory_space<vmem>>
      %dma_start3A_687 = tpu.memref_squeeze %dma_start3A_686 : memref<1x128xi32, #tpu.memory_space<vmem>> -> memref<128xi32, #tpu.memory_space<vmem>>
      %dma_start3A_688 = arith.constant 0 : i32
      %dma_start3A_689 = arith.constant 0 : i32
      %dma_start3A_690 = tpu.memref_slice %arg3[%dma_start3A_688, %dma_start3A_689] : memref<99997x64xf32, #tpu.memory_space<hbm>> -> memref<99997x64xf32, #tpu.memory_space<hbm>>
      tpu.enqueue_indirect_dma source(%dma_start3A_690 : memref<99997x64xf32, #tpu.memory_space<hbm>>) target(%arg9 : memref<128x64xf32, #tpu.memory_space<vmem>>) offsets(%dma_start3A_687 : memref<128xi32, #tpu.memory_space<vmem>>) semaphore(%arg13 : memref<!tpu.dma_semaphore, #tpu.memory_space<semaphore_mem>>)
    }
    %scan3A_32 = arith.constant 2 : i32
    %dma_wait3A = arith.constant 8 : i32
    %dma_wait3A_33 = arith.constant 0 : i32
    %dma_wait3A_34 = tpu.memref_slice %arg5[%dma_wait3A, %dma_wait3A_33] : memref<13x128xi32, #tpu.memory_space<vmem>> -> memref<1x128xi32, #tpu.memory_space<vmem>>
    %dma_wait3A_35 = tpu.memref_squeeze %dma_wait3A_34 : memref<1x128xi32, #tpu.memory_space<vmem>> -> memref<128xi32, #tpu.memory_space<vmem>>
    %dma_wait3A_36 = arith.constant 0 : i32
    %dma_wait3A_37 = arith.constant 0 : i32
    %dma_wait3A_38 = tpu.memref_slice %arg3[%dma_wait3A_36, %dma_wait3A_37] : memref<99997x64xf32, #tpu.memory_space<hbm>> -> memref<99997x64xf32, #tpu.memory_space<hbm>>
    tpu.wait_indirect_dma semaphore(%arg10 : memref<!tpu.dma_semaphore, #tpu.memory_space<semaphore_mem>>) src(%dma_wait3A_38 : memref<99997x64xf32, #tpu.memory_space<hbm>>) dst(%arg6 : memref<128x64xf32, #tpu.memory_space<vmem>>)
    %mul3A_39 = arith.constant 1 : i32
    %mul3A_40 = arith.muli %add3A, %mul3A_39 : i32
    %mul3A_41 = arith.constant 128 : i32
    %mul3A_42 = arith.muli %mul3A_40, %mul3A_41 : i32
    %add3A_43 = arith.constant 0 : i32
    %add3A_44 = arith.addi %mul3A_42, %add3A_43 : i32
    %dma_start3A_45 = arith.constant 8 : i32
    %dma_start3A_46 = arith.constant 0 : i32
    %dma_start3A_47 = tpu.memref_slice %arg4[%dma_start3A_45, %add3A_44, %dma_start3A_46] : memref<13x4096x64xf32, #tpu.memory_space<hbm>> -> memref<1x128x64xf32, #tpu.memory_space<hbm>>
    %dma_start3A_48 = tpu.memref_squeeze %dma_start3A_47 : memref<1x128x64xf32, #tpu.memory_space<hbm>> -> memref<128x64xf32, #tpu.memory_space<hbm>>
    %dma_start3A_49 = arith.constant 0 : i32
    %dma_start3A_50 = tpu.memref_slice %arg4[%dma_start3A_45, %add3A_44, %dma_start3A_49] : memref<13x4096x64xf32, #tpu.memory_space<hbm>> -> memref<1x128x64xf32, #tpu.memory_space<hbm>>
    %dma_start3A_51 = tpu.memref_squeeze %dma_start3A_50 : memref<1x128x64xf32, #tpu.memory_space<hbm>> -> memref<128x64xf32, #tpu.memory_space<hbm>>
    tpu.enqueue_dma source(%arg6 : memref<128x64xf32, #tpu.memory_space<vmem>>) target(%dma_start3A_51 : memref<128x64xf32, #tpu.memory_space<hbm>>) target_semaphore(%arg14 : memref<!tpu.dma_semaphore, #tpu.memory_space<semaphore_mem>>)
    %mul3A_52 = arith.constant 1 : i32
    %mul3A_53 = arith.muli %add3A, %mul3A_52 : i32
    %mul3A_54 = arith.constant 128 : i32
    %mul3A_55 = arith.muli %mul3A_53, %mul3A_54 : i32
    %add3A_56 = arith.constant 0 : i32
    %add3A_57 = arith.addi %mul3A_55, %add3A_56 : i32
    %dma_wait3A_58 = arith.constant 8 : i32
    %dma_wait3A_59 = arith.constant 0 : i32
    %dma_wait3A_60 = tpu.memref_slice %arg4[%dma_wait3A_58, %add3A_57, %dma_wait3A_59] : memref<13x4096x64xf32, #tpu.memory_space<hbm>> -> memref<1x128x64xf32, #tpu.memory_space<hbm>>
    %dma_wait3A_61 = tpu.memref_squeeze %dma_wait3A_60 : memref<1x128x64xf32, #tpu.memory_space<hbm>> -> memref<128x64xf32, #tpu.memory_space<hbm>>
    %dma_wait3A_62 = arith.constant 0 : i32
    %dma_wait3A_63 = tpu.memref_slice %arg4[%dma_wait3A_58, %add3A_57, %dma_wait3A_62] : memref<13x4096x64xf32, #tpu.memory_space<hbm>> -> memref<1x128x64xf32, #tpu.memory_space<hbm>>
    %dma_wait3A_64 = tpu.memref_squeeze %dma_wait3A_63 : memref<1x128x64xf32, #tpu.memory_space<hbm>> -> memref<128x64xf32, #tpu.memory_space<hbm>>
    tpu.wait_dma2 semaphore(%arg14 : memref<!tpu.dma_semaphore, #tpu.memory_space<semaphore_mem>>) src(%arg6 : memref<128x64xf32, #tpu.memory_space<vmem>>) dst(%dma_wait3A_64 : memref<128x64xf32, #tpu.memory_space<hbm>>)
    %dma_start3A_65 = arith.constant 12 : i32
    %dma_start3A_66 = arith.constant 0 : i32
    %dma_start3A_67 = tpu.memref_slice %arg5[%dma_start3A_65, %dma_start3A_66] : memref<13x128xi32, #tpu.memory_space<vmem>> -> memref<1x128xi32, #tpu.memory_space<vmem>>
    %dma_start3A_68 = tpu.memref_squeeze %dma_start3A_67 : memref<1x128xi32, #tpu.memory_space<vmem>> -> memref<128xi32, #tpu.memory_space<vmem>>
    %dma_start3A_69 = arith.constant 0 : i32
    %dma_start3A_70 = arith.constant 0 : i32
    %dma_start3A_71 = tpu.memref_slice %arg3[%dma_start3A_69, %dma_start3A_70] : memref<99997x64xf32, #tpu.memory_space<hbm>> -> memref<99997x64xf32, #tpu.memory_space<hbm>>
    tpu.enqueue_indirect_dma source(%dma_start3A_71 : memref<99997x64xf32, #tpu.memory_space<hbm>>) target(%arg6 : memref<128x64xf32, #tpu.memory_space<vmem>>) offsets(%dma_start3A_68 : memref<128xi32, #tpu.memory_space<vmem>>) semaphore(%arg10 : memref<!tpu.dma_semaphore, #tpu.memory_space<semaphore_mem>>)
    %dma_wait3A_72 = arith.constant 9 : i32
    %dma_wait3A_73 = arith.constant 0 : i32
    %dma_wait3A_74 = tpu.memref_slice %arg5[%dma_wait3A_72, %dma_wait3A_73] : memref<13x128xi32, #tpu.memory_space<vmem>> -> memref<1x128xi32, #tpu.memory_space<vmem>>
    %dma_wait3A_75 = tpu.memref_squeeze %dma_wait3A_74 : memref<1x128xi32, #tpu.memory_space<vmem>> -> memref<128xi32, #tpu.memory_space<vmem>>
    %dma_wait3A_76 = arith.constant 0 : i32
    %dma_wait3A_77 = arith.constant 0 : i32
    %dma_wait3A_78 = tpu.memref_slice %arg3[%dma_wait3A_76, %dma_wait3A_77] : memref<99997x64xf32, #tpu.memory_space<hbm>> -> memref<99997x64xf32, #tpu.memory_space<hbm>>
    tpu.wait_indirect_dma semaphore(%arg11 : memref<!tpu.dma_semaphore, #tpu.memory_space<semaphore_mem>>) src(%dma_wait3A_78 : memref<99997x64xf32, #tpu.memory_space<hbm>>) dst(%arg7 : memref<128x64xf32, #tpu.memory_space<vmem>>)
    %mul3A_79 = arith.constant 1 : i32
    %mul3A_80 = arith.muli %add3A, %mul3A_79 : i32
    %mul3A_81 = arith.constant 128 : i32
    %mul3A_82 = arith.muli %mul3A_80, %mul3A_81 : i32
    %add3A_83 = arith.constant 0 : i32
    %add3A_84 = arith.addi %mul3A_82, %add3A_83 : i32
    %dma_start3A_85 = arith.constant 9 : i32
    %dma_start3A_86 = arith.constant 0 : i32
    %dma_start3A_87 = tpu.memref_slice %arg4[%dma_start3A_85, %add3A_84, %dma_start3A_86] : memref<13x4096x64xf32, #tpu.memory_space<hbm>> -> memref<1x128x64xf32, #tpu.memory_space<hbm>>
    %dma_start3A_88 = tpu.memref_squeeze %dma_start3A_87 : memref<1x128x64xf32, #tpu.memory_space<hbm>> -> memref<128x64xf32, #tpu.memory_space<hbm>>
    %dma_start3A_89 = arith.constant 0 : i32
    %dma_start3A_90 = tpu.memref_slice %arg4[%dma_start3A_85, %add3A_84, %dma_start3A_89] : memref<13x4096x64xf32, #tpu.memory_space<hbm>> -> memref<1x128x64xf32, #tpu.memory_space<hbm>>
    %dma_start3A_91 = tpu.memref_squeeze %dma_start3A_90 : memref<1x128x64xf32, #tpu.memory_space<hbm>> -> memref<128x64xf32, #tpu.memory_space<hbm>>
    tpu.enqueue_dma source(%arg7 : memref<128x64xf32, #tpu.memory_space<vmem>>) target(%dma_start3A_91 : memref<128x64xf32, #tpu.memory_space<hbm>>) target_semaphore(%arg15 : memref<!tpu.dma_semaphore, #tpu.memory_space<semaphore_mem>>)
    %mul3A_92 = arith.constant 1 : i32
    %mul3A_93 = arith.muli %add3A, %mul3A_92 : i32
    %mul3A_94 = arith.constant 128 : i32
    %mul3A_95 = arith.muli %mul3A_93, %mul3A_94 : i32
    %add3A_96 = arith.constant 0 : i32
    %add3A_97 = arith.addi %mul3A_95, %add3A_96 : i32
    %dma_wait3A_98 = arith.constant 9 : i32
    %dma_wait3A_99 = arith.constant 0 : i32
    %dma_wait3A_100 = tpu.memref_slice %arg4[%dma_wait3A_98, %add3A_97, %dma_wait3A_99] : memref<13x4096x64xf32, #tpu.memory_space<hbm>> -> memref<1x128x64xf32, #tpu.memory_space<hbm>>
    %dma_wait3A_101 = tpu.memref_squeeze %dma_wait3A_100 : memref<1x128x64xf32, #tpu.memory_space<hbm>> -> memref<128x64xf32, #tpu.memory_space<hbm>>
    %dma_wait3A_102 = arith.constant 0 : i32
    %dma_wait3A_103 = tpu.memref_slice %arg4[%dma_wait3A_98, %add3A_97, %dma_wait3A_102] : memref<13x4096x64xf32, #tpu.memory_space<hbm>> -> memref<1x128x64xf32, #tpu.memory_space<hbm>>
    %dma_wait3A_104 = tpu.memref_squeeze %dma_wait3A_103 : memref<1x128x64xf32, #tpu.memory_space<hbm>> -> memref<128x64xf32, #tpu.memory_space<hbm>>
    tpu.wait_dma2 semaphore(%arg15 : memref<!tpu.dma_semaphore, #tpu.memory_space<semaphore_mem>>) src(%arg7 : memref<128x64xf32, #tpu.memory_space<vmem>>) dst(%dma_wait3A_104 : memref<128x64xf32, #tpu.memory_space<hbm>>)
    %dma_wait3A_105 = arith.constant 10 : i32
    %dma_wait3A_106 = arith.constant 0 : i32
    %dma_wait3A_107 = tpu.memref_slice %arg5[%dma_wait3A_105, %dma_wait3A_106] : memref<13x128xi32, #tpu.memory_space<vmem>> -> memref<1x128xi32, #tpu.memory_space<vmem>>
    %dma_wait3A_108 = tpu.memref_squeeze %dma_wait3A_107 : memref<1x128xi32, #tpu.memory_space<vmem>> -> memref<128xi32, #tpu.memory_space<vmem>>
    %dma_wait3A_109 = arith.constant 0 : i32
    %dma_wait3A_110 = arith.constant 0 : i32
    %dma_wait3A_111 = tpu.memref_slice %arg3[%dma_wait3A_109, %dma_wait3A_110] : memref<99997x64xf32, #tpu.memory_space<hbm>> -> memref<99997x64xf32, #tpu.memory_space<hbm>>
    tpu.wait_indirect_dma semaphore(%arg12 : memref<!tpu.dma_semaphore, #tpu.memory_space<semaphore_mem>>) src(%dma_wait3A_111 : memref<99997x64xf32, #tpu.memory_space<hbm>>) dst(%arg8 : memref<128x64xf32, #tpu.memory_space<vmem>>)
    %mul3A_112 = arith.constant 1 : i32
    %mul3A_113 = arith.muli %add3A, %mul3A_112 : i32
    %mul3A_114 = arith.constant 128 : i32
    %mul3A_115 = arith.muli %mul3A_113, %mul3A_114 : i32
    %add3A_116 = arith.constant 0 : i32
    %add3A_117 = arith.addi %mul3A_115, %add3A_116 : i32
    %dma_start3A_118 = arith.constant 10 : i32
    %dma_start3A_119 = arith.constant 0 : i32
    %dma_start3A_120 = tpu.memref_slice %arg4[%dma_start3A_118, %add3A_117, %dma_start3A_119] : memref<13x4096x64xf32, #tpu.memory_space<hbm>> -> memref<1x128x64xf32, #tpu.memory_space<hbm>>
    %dma_start3A_121 = tpu.memref_squeeze %dma_start3A_120 : memref<1x128x64xf32, #tpu.memory_space<hbm>> -> memref<128x64xf32, #tpu.memory_space<hbm>>
    %dma_start3A_122 = arith.constant 0 : i32
    %dma_start3A_123 = tpu.memref_slice %arg4[%dma_start3A_118, %add3A_117, %dma_start3A_122] : memref<13x4096x64xf32, #tpu.memory_space<hbm>> -> memref<1x128x64xf32, #tpu.memory_space<hbm>>
    %dma_start3A_124 = tpu.memref_squeeze %dma_start3A_123 : memref<1x128x64xf32, #tpu.memory_space<hbm>> -> memref<128x64xf32, #tpu.memory_space<hbm>>
    tpu.enqueue_dma source(%arg8 : memref<128x64xf32, #tpu.memory_space<vmem>>) target(%dma_start3A_124 : memref<128x64xf32, #tpu.memory_space<hbm>>) target_semaphore(%arg16 : memref<!tpu.dma_semaphore, #tpu.memory_space<semaphore_mem>>)
    %mul3A_125 = arith.constant 1 : i32
    %mul3A_126 = arith.muli %add3A, %mul3A_125 : i32
    %mul3A_127 = arith.constant 128 : i32
    %mul3A_128 = arith.muli %mul3A_126, %mul3A_127 : i32
    %add3A_129 = arith.constant 0 : i32
    %add3A_130 = arith.addi %mul3A_128, %add3A_129 : i32
    %dma_wait3A_131 = arith.constant 10 : i32
    %dma_wait3A_132 = arith.constant 0 : i32
    %dma_wait3A_133 = tpu.memref_slice %arg4[%dma_wait3A_131, %add3A_130, %dma_wait3A_132] : memref<13x4096x64xf32, #tpu.memory_space<hbm>> -> memref<1x128x64xf32, #tpu.memory_space<hbm>>
    %dma_wait3A_134 = tpu.memref_squeeze %dma_wait3A_133 : memref<1x128x64xf32, #tpu.memory_space<hbm>> -> memref<128x64xf32, #tpu.memory_space<hbm>>
    %dma_wait3A_135 = arith.constant 0 : i32
    %dma_wait3A_136 = tpu.memref_slice %arg4[%dma_wait3A_131, %add3A_130, %dma_wait3A_135] : memref<13x4096x64xf32, #tpu.memory_space<hbm>> -> memref<1x128x64xf32, #tpu.memory_space<hbm>>
    %dma_wait3A_137 = tpu.memref_squeeze %dma_wait3A_136 : memref<1x128x64xf32, #tpu.memory_space<hbm>> -> memref<128x64xf32, #tpu.memory_space<hbm>>
    tpu.wait_dma2 semaphore(%arg16 : memref<!tpu.dma_semaphore, #tpu.memory_space<semaphore_mem>>) src(%arg8 : memref<128x64xf32, #tpu.memory_space<vmem>>) dst(%dma_wait3A_137 : memref<128x64xf32, #tpu.memory_space<hbm>>)
    %dma_wait3A_138 = arith.constant 11 : i32
    %dma_wait3A_139 = arith.constant 0 : i32
    %dma_wait3A_140 = tpu.memref_slice %arg5[%dma_wait3A_138, %dma_wait3A_139] : memref<13x128xi32, #tpu.memory_space<vmem>> -> memref<1x128xi32, #tpu.memory_space<vmem>>
    %dma_wait3A_141 = tpu.memref_squeeze %dma_wait3A_140 : memref<1x128xi32, #tpu.memory_space<vmem>> -> memref<128xi32, #tpu.memory_space<vmem>>
    %dma_wait3A_142 = arith.constant 0 : i32
    %dma_wait3A_143 = arith.constant 0 : i32
    %dma_wait3A_144 = tpu.memref_slice %arg3[%dma_wait3A_142, %dma_wait3A_143] : memref<99997x64xf32, #tpu.memory_space<hbm>> -> memref<99997x64xf32, #tpu.memory_space<hbm>>
    tpu.wait_indirect_dma semaphore(%arg13 : memref<!tpu.dma_semaphore, #tpu.memory_space<semaphore_mem>>) src(%dma_wait3A_144 : memref<99997x64xf32, #tpu.memory_space<hbm>>) dst(%arg9 : memref<128x64xf32, #tpu.memory_space<vmem>>)
    %mul3A_145 = arith.constant 1 : i32
    %mul3A_146 = arith.muli %add3A, %mul3A_145 : i32
    %mul3A_147 = arith.constant 128 : i32
    %mul3A_148 = arith.muli %mul3A_146, %mul3A_147 : i32
    %add3A_149 = arith.constant 0 : i32
    %add3A_150 = arith.addi %mul3A_148, %add3A_149 : i32
    %dma_start3A_151 = arith.constant 11 : i32
    %dma_start3A_152 = arith.constant 0 : i32
    %dma_start3A_153 = tpu.memref_slice %arg4[%dma_start3A_151, %add3A_150, %dma_start3A_152] : memref<13x4096x64xf32, #tpu.memory_space<hbm>> -> memref<1x128x64xf32, #tpu.memory_space<hbm>>
    %dma_start3A_154 = tpu.memref_squeeze %dma_start3A_153 : memref<1x128x64xf32, #tpu.memory_space<hbm>> -> memref<128x64xf32, #tpu.memory_space<hbm>>
    %dma_start3A_155 = arith.constant 0 : i32
    %dma_start3A_156 = tpu.memref_slice %arg4[%dma_start3A_151, %add3A_150, %dma_start3A_155] : memref<13x4096x64xf32, #tpu.memory_space<hbm>> -> memref<1x128x64xf32, #tpu.memory_space<hbm>>
    %dma_start3A_157 = tpu.memref_squeeze %dma_start3A_156 : memref<1x128x64xf32, #tpu.memory_space<hbm>> -> memref<128x64xf32, #tpu.memory_space<hbm>>
    tpu.enqueue_dma source(%arg9 : memref<128x64xf32, #tpu.memory_space<vmem>>) target(%dma_start3A_157 : memref<128x64xf32, #tpu.memory_space<hbm>>) target_semaphore(%arg17 : memref<!tpu.dma_semaphore, #tpu.memory_space<semaphore_mem>>)
    %mul3A_158 = arith.constant 1 : i32
    %mul3A_159 = arith.muli %add3A, %mul3A_158 : i32
    %mul3A_160 = arith.constant 128 : i32
    %mul3A_161 = arith.muli %mul3A_159, %mul3A_160 : i32
    %add3A_162 = arith.constant 0 : i32
    %add3A_163 = arith.addi %mul3A_161, %add3A_162 : i32
    %dma_wait3A_164 = arith.constant 11 : i32
    %dma_wait3A_165 = arith.constant 0 : i32
    %dma_wait3A_166 = tpu.memref_slice %arg4[%dma_wait3A_164, %add3A_163, %dma_wait3A_165] : memref<13x4096x64xf32, #tpu.memory_space<hbm>> -> memref<1x128x64xf32, #tpu.memory_space<hbm>>
    %dma_wait3A_167 = tpu.memref_squeeze %dma_wait3A_166 : memref<1x128x64xf32, #tpu.memory_space<hbm>> -> memref<128x64xf32, #tpu.memory_space<hbm>>
    %dma_wait3A_168 = arith.constant 0 : i32
    %dma_wait3A_169 = tpu.memref_slice %arg4[%dma_wait3A_164, %add3A_163, %dma_wait3A_168] : memref<13x4096x64xf32, #tpu.memory_space<hbm>> -> memref<1x128x64xf32, #tpu.memory_space<hbm>>
    %dma_wait3A_170 = tpu.memref_squeeze %dma_wait3A_169 : memref<1x128x64xf32, #tpu.memory_space<hbm>> -> memref<128x64xf32, #tpu.memory_space<hbm>>
    tpu.wait_dma2 semaphore(%arg17 : memref<!tpu.dma_semaphore, #tpu.memory_space<semaphore_mem>>) src(%arg9 : memref<128x64xf32, #tpu.memory_space<vmem>>) dst(%dma_wait3A_170 : memref<128x64xf32, #tpu.memory_space<hbm>>)
    %dma_wait3A_171 = arith.constant 12 : i32
    %dma_wait3A_172 = arith.constant 0 : i32
    %dma_wait3A_173 = tpu.memref_slice %arg5[%dma_wait3A_171, %dma_wait3A_172] : memref<13x128xi32, #tpu.memory_space<vmem>> -> memref<1x128xi32, #tpu.memory_space<vmem>>
    %dma_wait3A_174 = tpu.memref_squeeze %dma_wait3A_173 : memref<1x128xi32, #tpu.memory_space<vmem>> -> memref<128xi32, #tpu.memory_space<vmem>>
    %dma_wait3A_175 = arith.constant 0 : i32
    %dma_wait3A_176 = arith.constant 0 : i32
    %dma_wait3A_177 = tpu.memref_slice %arg3[%dma_wait3A_175, %dma_wait3A_176] : memref<99997x64xf32, #tpu.memory_space<hbm>> -> memref<99997x64xf32, #tpu.memory_space<hbm>>
    tpu.wait_indirect_dma semaphore(%arg10 : memref<!tpu.dma_semaphore, #tpu.memory_space<semaphore_mem>>) src(%dma_wait3A_177 : memref<99997x64xf32, #tpu.memory_space<hbm>>) dst(%arg6 : memref<128x64xf32, #tpu.memory_space<vmem>>)
    %mul3A_178 = arith.constant 1 : i32
    %mul3A_179 = arith.muli %add3A, %mul3A_178 : i32
    %mul3A_180 = arith.constant 128 : i32
    %mul3A_181 = arith.muli %mul3A_179, %mul3A_180 : i32
    %add3A_182 = arith.constant 0 : i32
    %add3A_183 = arith.addi %mul3A_181, %add3A_182 : i32
    %dma_start3A_184 = arith.constant 12 : i32
    %dma_start3A_185 = arith.constant 0 : i32
    %dma_start3A_186 = tpu.memref_slice %arg4[%dma_start3A_184, %add3A_183, %dma_start3A_185] : memref<13x4096x64xf32, #tpu.memory_space<hbm>> -> memref<1x128x64xf32, #tpu.memory_space<hbm>>
    %dma_start3A_187 = tpu.memref_squeeze %dma_start3A_186 : memref<1x128x64xf32, #tpu.memory_space<hbm>> -> memref<128x64xf32, #tpu.memory_space<hbm>>
    %dma_start3A_188 = arith.constant 0 : i32
    %dma_start3A_189 = tpu.memref_slice %arg4[%dma_start3A_184, %add3A_183, %dma_start3A_188] : memref<13x4096x64xf32, #tpu.memory_space<hbm>> -> memref<1x128x64xf32, #tpu.memory_space<hbm>>
    %dma_start3A_190 = tpu.memref_squeeze %dma_start3A_189 : memref<1x128x64xf32, #tpu.memory_space<hbm>> -> memref<128x64xf32, #tpu.memory_space<hbm>>
    tpu.enqueue_dma source(%arg6 : memref<128x64xf32, #tpu.memory_space<vmem>>) target(%dma_start3A_190 : memref<128x64xf32, #tpu.memory_space<hbm>>) target_semaphore(%arg14 : memref<!tpu.dma_semaphore, #tpu.memory_space<semaphore_mem>>)
    %mul3A_191 = arith.constant 1 : i32
    %mul3A_192 = arith.muli %add3A, %mul3A_191 : i32
    %mul3A_193 = arith.constant 128 : i32
    %mul3A_194 = arith.muli %mul3A_192, %mul3A_193 : i32
    %add3A_195 = arith.constant 0 : i32
    %add3A_196 = arith.addi %mul3A_194, %add3A_195 : i32
    %dma_wait3A_197 = arith.constant 12 : i32
    %dma_wait3A_198 = arith.constant 0 : i32
    %dma_wait3A_199 = tpu.memref_slice %arg4[%dma_wait3A_197, %add3A_196, %dma_wait3A_198] : memref<13x4096x64xf32, #tpu.memory_space<hbm>> -> memref<1x128x64xf32, #tpu.memory_space<hbm>>
    %dma_wait3A_200 = tpu.memref_squeeze %dma_wait3A_199 : memref<1x128x64xf32, #tpu.memory_space<hbm>> -> memref<128x64xf32, #tpu.memory_space<hbm>>
    %dma_wait3A_201 = arith.constant 0 : i32
    %dma_wait3A_202 = tpu.memref_slice %arg4[%dma_wait3A_197, %add3A_196, %dma_wait3A_201] : memref<13x4096x64xf32, #tpu.memory_space<hbm>> -> memref<1x128x64xf32, #tpu.memory_space<hbm>>
    %dma_wait3A_203 = tpu.memref_squeeze %dma_wait3A_202 : memref<1x128x64xf32, #tpu.memory_space<hbm>> -> memref<128x64xf32, #tpu.memory_space<hbm>>
    tpu.wait_dma2 semaphore(%arg14 : memref<!tpu.dma_semaphore, #tpu.memory_space<semaphore_mem>>) src(%arg6 : memref<128x64xf32, #tpu.memory_space<vmem>>) dst(%dma_wait3A_203 : memref<128x64xf32, #tpu.memory_space<hbm>>)
    return
  }
}

module attributes {stable_mosaic.version = 14 : i64} {
  func.func @mlp_k(%arg0: i32, %arg1: memref<13x512x128xf32, #tpu.memory_space<vmem>>, %arg2: memref<512xf32, #tpu.memory_space<vmem>>, %arg3: memref<1xf32, #tpu.memory_space<smem>>, %arg4: memref<1x1024xf32, #tpu.memory_space<vmem>>, %arg5: memref<1x1024xf32, #tpu.memory_space<vmem>>, %arg6: memref<1x1024xf32, #tpu.memory_space<vmem>>, %arg7: memref<1x512xf32, #tpu.memory_space<vmem>>, %arg8: memref<1x512xf32, #tpu.memory_space<vmem>>, %arg9: memref<1x512xf32, #tpu.memory_space<vmem>>, %arg10: memref<1024x1664xbf16, #tpu.memory_space<vmem>>, %arg11: memref<512x1024xbf16, #tpu.memory_space<vmem>>, %arg12: memref<512xf32, #tpu.memory_space<vmem>>) attributes {dimension_semantics = [#tpu.dimension_semantics<arbitrary>], iteration_bounds = array<i64: 4>, scalar_prefetch = 0 : i64, scratch_operands = 0 : i64, tpu.core_type = #tpu.core_type<tc>, window_params = [{transform_indices = @transform_0, window_bounds = array<i64: 13, 512, 128>}, {transform_indices = @transform_1, window_bounds = array<i64: 512>}, {transform_indices = @transform_2, window_bounds = array<i64: 1>}, {pipeline_mode = #tpu.pipeline_mode<synchronous>, transform_indices = @transform_3, window_bounds = array<i64: 1, 1024>}, {pipeline_mode = #tpu.pipeline_mode<synchronous>, transform_indices = @transform_4, window_bounds = array<i64: 1, 1024>}, {pipeline_mode = #tpu.pipeline_mode<synchronous>, transform_indices = @transform_5, window_bounds = array<i64: 1, 1024>}, {pipeline_mode = #tpu.pipeline_mode<synchronous>, transform_indices = @transform_6, window_bounds = array<i64: 1, 512>}, {pipeline_mode = #tpu.pipeline_mode<synchronous>, transform_indices = @transform_7, window_bounds = array<i64: 1, 512>}, {pipeline_mode = #tpu.pipeline_mode<synchronous>, transform_indices = @transform_8, window_bounds = array<i64: 1, 512>}, {pipeline_mode = #tpu.pipeline_mode<synchronous>, transform_indices = @transform_9, window_bounds = array<i64: 1024, 1664>}, {pipeline_mode = #tpu.pipeline_mode<synchronous>, transform_indices = @transform_10, window_bounds = array<i64: 512, 1024>}, {transform_indices = @transform_11, window_bounds = array<i64: 512>}]} {
    %get3A = arith.constant 0 : index
    %get3A_0 = arith.constant 0 : index
    %get3A_1 = arith.constant 0 : index
    %get3A_2 = vector.load %arg1[%get3A, %get3A_0, %get3A_1] : memref<13x512x128xf32, #tpu.memory_space<vmem>>, vector<1x512x128xf32>
    %get3A_3 = vector.shape_cast %get3A_2 : vector<1x512x128xf32> to vector<512x128xf32>
    %mul3A = arith.mulf %get3A_3, %get3A_3 : vector<512x128xf32>
    %reduce_sum3A = arith.constant dense<0.000000e+00> : vector<512xf32>
    %reduce_sum3A_4 = vector.multi_reduction <add>, %mul3A, %reduce_sum3A [1] : vector<512x128xf32> to vector<512xf32>
    %convert_element_type3A = arith.truncf %get3A_3 : vector<512x128xf32> to vector<512x128xbf16>
    %get3A_5 = arith.constant 0 : index
    %get3A_6 = arith.constant 0 : index
    %get3A_7 = vector.load %arg10[%get3A_5, %get3A_6] : memref<1024x1664xbf16, #tpu.memory_space<vmem>>, vector<1024x128xbf16>
    %dot_general3A = arith.constant dense<0.000000e+00> : vector<512x1024xf32>
    %dot_general3A_8 = tpu.matmul %convert_element_type3A, %get3A_7, %dot_general3A {dimension_numbers = #tpu.dot_dimension_numbers<[1], [1], [0], [0], [0, 0, 1, 0], [], []>, transpose_lhs_hint = false} : vector<512x128xbf16>, vector<1024x128xbf16>, vector<512x1024xf32> -> vector<512x1024xf32>
    %get3A_9 = arith.constant 1 : index
    %get3A_10 = arith.constant 0 : index
    %get3A_11 = arith.constant 0 : index
    %get3A_12 = vector.load %arg1[%get3A_9, %get3A_10, %get3A_11] : memref<13x512x128xf32, #tpu.memory_space<vmem>>, vector<1x512x128xf32>
    %get3A_13 = vector.shape_cast %get3A_12 : vector<1x512x128xf32> to vector<512x128xf32>
    %add3A = arith.addf %get3A_3, %get3A_13 : vector<512x128xf32>
    %mul3A_14 = arith.mulf %get3A_13, %get3A_13 : vector<512x128xf32>
    %reduce_sum3A_15 = arith.constant dense<0.000000e+00> : vector<512xf32>
    %reduce_sum3A_16 = vector.multi_reduction <add>, %mul3A_14, %reduce_sum3A_15 [1] : vector<512x128xf32> to vector<512xf32>
    %add3A_17 = arith.addf %reduce_sum3A_4, %reduce_sum3A_16 : vector<512xf32>
    %convert_element_type3A_18 = arith.truncf %get3A_13 : vector<512x128xf32> to vector<512x128xbf16>
    %get3A_19 = arith.constant 0 : index
    %get3A_20 = arith.constant 128 : index
    %get3A_21 = vector.load %arg10[%get3A_19, %get3A_20] : memref<1024x1664xbf16, #tpu.memory_space<vmem>>, vector<1024x128xbf16>
    %dot_general3A_22 = arith.constant dense<0.000000e+00> : vector<512x1024xf32>
    %dot_general3A_23 = tpu.matmul %convert_element_type3A_18, %get3A_21, %dot_general3A_22 {dimension_numbers = #tpu.dot_dimension_numbers<[1], [1], [0], [0], [0, 0, 1, 0], [], []>, transpose_lhs_hint = false} : vector<512x128xbf16>, vector<1024x128xbf16>, vector<512x1024xf32> -> vector<512x1024xf32>
    %add3A_24 = arith.addf %dot_general3A_8, %dot_general3A_23 : vector<512x1024xf32>
    %get3A_25 = arith.constant 2 : index
    %get3A_26 = arith.constant 0 : index
    %get3A_27 = arith.constant 0 : index
    %get3A_28 = vector.load %arg1[%get3A_25, %get3A_26, %get3A_27] : memref<13x512x128xf32, #tpu.memory_space<vmem>>, vector<1x512x128xf32>
    %get3A_29 = vector.shape_cast %get3A_28 : vector<1x512x128xf32> to vector<512x128xf32>
    %add3A_30 = arith.addf %add3A, %get3A_29 : vector<512x128xf32>
    %mul3A_31 = arith.mulf %get3A_29, %get3A_29 : vector<512x128xf32>
    %reduce_sum3A_32 = arith.constant dense<0.000000e+00> : vector<512xf32>
    %reduce_sum3A_33 = vector.multi_reduction <add>, %mul3A_31, %reduce_sum3A_32 [1] : vector<512x128xf32> to vector<512xf32>
    %add3A_34 = arith.addf %add3A_17, %reduce_sum3A_33 : vector<512xf32>
    %convert_element_type3A_35 = arith.truncf %get3A_29 : vector<512x128xf32> to vector<512x128xbf16>
    %get3A_36 = arith.constant 0 : index
    %get3A_37 = arith.constant 256 : index
    %get3A_38 = vector.load %arg10[%get3A_36, %get3A_37] : memref<1024x1664xbf16, #tpu.memory_space<vmem>>, vector<1024x128xbf16>
    %dot_general3A_39 = arith.constant dense<0.000000e+00> : vector<512x1024xf32>
    %dot_general3A_40 = tpu.matmul %convert_element_type3A_35, %get3A_38, %dot_general3A_39 {dimension_numbers = #tpu.dot_dimension_numbers<[1], [1], [0], [0], [0, 0, 1, 0], [], []>, transpose_lhs_hint = false} : vector<512x128xbf16>, vector<1024x128xbf16>, vector<512x1024xf32> -> vector<512x1024xf32>
    %add3A_41 = arith.addf %add3A_24, %dot_general3A_40 : vector<512x1024xf32>
    %get3A_42 = arith.constant 3 : index
    %get3A_43 = arith.constant 0 : index
    %get3A_44 = arith.constant 0 : index
    %get3A_45 = vector.load %arg1[%get3A_42, %get3A_43, %get3A_44] : memref<13x512x128xf32, #tpu.memory_space<vmem>>, vector<1x512x128xf32>
    %get3A_46 = vector.shape_cast %get3A_45 : vector<1x512x128xf32> to vector<512x128xf32>
    %add3A_47 = arith.addf %add3A_30, %get3A_46 : vector<512x128xf32>
    %mul3A_48 = arith.mulf %get3A_46, %get3A_46 : vector<512x128xf32>
    %reduce_sum3A_49 = arith.constant dense<0.000000e+00> : vector<512xf32>
    %reduce_sum3A_50 = vector.multi_reduction <add>, %mul3A_48, %reduce_sum3A_49 [1] : vector<512x128xf32> to vector<512xf32>
    %add3A_51 = arith.addf %add3A_34, %reduce_sum3A_50 : vector<512xf32>
    %convert_element_type3A_52 = arith.truncf %get3A_46 : vector<512x128xf32> to vector<512x128xbf16>
    %get3A_53 = arith.constant 0 : index
    %get3A_54 = arith.constant 384 : index
    %get3A_55 = vector.load %arg10[%get3A_53, %get3A_54] : memref<1024x1664xbf16, #tpu.memory_space<vmem>>, vector<1024x128xbf16>
    %dot_general3A_56 = arith.constant dense<0.000000e+00> : vector<512x1024xf32>
    %dot_general3A_57 = tpu.matmul %convert_element_type3A_52, %get3A_55, %dot_general3A_56 {dimension_numbers = #tpu.dot_dimension_numbers<[1], [1], [0], [0], [0, 0, 1, 0], [], []>, transpose_lhs_hint = false} : vector<512x128xbf16>, vector<1024x128xbf16>, vector<512x1024xf32> -> vector<512x1024xf32>
    %add3A_58 = arith.addf %add3A_41, %dot_general3A_57 : vector<512x1024xf32>
    %get3A_59 = arith.constant 4 : index
    %get3A_60 = arith.constant 0 : index
    %get3A_61 = arith.constant 0 : index
    %get3A_62 = vector.load %arg1[%get3A_59, %get3A_60, %get3A_61] : memref<13x512x128xf32, #tpu.memory_space<vmem>>, vector<1x512x128xf32>
    %get3A_63 = vector.shape_cast %get3A_62 : vector<1x512x128xf32> to vector<512x128xf32>
    %add3A_64 = arith.addf %add3A_47, %get3A_63 : vector<512x128xf32>
    %mul3A_65 = arith.mulf %get3A_63, %get3A_63 : vector<512x128xf32>
    %reduce_sum3A_66 = arith.constant dense<0.000000e+00> : vector<512xf32>
    %reduce_sum3A_67 = vector.multi_reduction <add>, %mul3A_65, %reduce_sum3A_66 [1] : vector<512x128xf32> to vector<512xf32>
    %add3A_68 = arith.addf %add3A_51, %reduce_sum3A_67 : vector<512xf32>
    %convert_element_type3A_69 = arith.truncf %get3A_63 : vector<512x128xf32> to vector<512x128xbf16>
    %get3A_70 = arith.constant 0 : index
    %get3A_71 = arith.constant 512 : index
    %get3A_72 = vector.load %arg10[%get3A_70, %get3A_71] : memref<1024x1664xbf16, #tpu.memory_space<vmem>>, vector<1024x128xbf16>
    %dot_general3A_73 = arith.constant dense<0.000000e+00> : vector<512x1024xf32>
    %dot_general3A_74 = tpu.matmul %convert_element_type3A_69, %get3A_72, %dot_general3A_73 {dimension_numbers = #tpu.dot_dimension_numbers<[1], [1], [0], [0], [0, 0, 1, 0], [], []>, transpose_lhs_hint = false} : vector<512x128xbf16>, vector<1024x128xbf16>, vector<512x1024xf32> -> vector<512x1024xf32>
    %add3A_75 = arith.addf %add3A_58, %dot_general3A_74 : vector<512x1024xf32>
    %get3A_76 = arith.constant 5 : index
    %get3A_77 = arith.constant 0 : index
    %get3A_78 = arith.constant 0 : index
    %get3A_79 = vector.load %arg1[%get3A_76, %get3A_77, %get3A_78] : memref<13x512x128xf32, #tpu.memory_space<vmem>>, vector<1x512x128xf32>
    %get3A_80 = vector.shape_cast %get3A_79 : vector<1x512x128xf32> to vector<512x128xf32>
    %add3A_81 = arith.addf %add3A_64, %get3A_80 : vector<512x128xf32>
    %mul3A_82 = arith.mulf %get3A_80, %get3A_80 : vector<512x128xf32>
    %reduce_sum3A_83 = arith.constant dense<0.000000e+00> : vector<512xf32>
    %reduce_sum3A_84 = vector.multi_reduction <add>, %mul3A_82, %reduce_sum3A_83 [1] : vector<512x128xf32> to vector<512xf32>
    %add3A_85 = arith.addf %add3A_68, %reduce_sum3A_84 : vector<512xf32>
    %convert_element_type3A_86 = arith.truncf %get3A_80 : vector<512x128xf32> to vector<512x128xbf16>
    %get3A_87 = arith.constant 0 : index
    %get3A_88 = arith.constant 640 : index
    %get3A_89 = vector.load %arg10[%get3A_87, %get3A_88] : memref<1024x1664xbf16, #tpu.memory_space<vmem>>, vector<1024x128xbf16>
    %dot_general3A_90 = arith.constant dense<0.000000e+00> : vector<512x1024xf32>
    %dot_general3A_91 = tpu.matmul %convert_element_type3A_86, %get3A_89, %dot_general3A_90 {dimension_numbers = #tpu.dot_dimension_numbers<[1], [1], [0], [0], [0, 0, 1, 0], [], []>, transpose_lhs_hint = false} : vector<512x128xbf16>, vector<1024x128xbf16>, vector<512x1024xf32> -> vector<512x1024xf32>
    %add3A_92 = arith.addf %add3A_75, %dot_general3A_91 : vector<512x1024xf32>
    %get3A_93 = arith.constant 6 : index
    %get3A_94 = arith.constant 0 : index
    %get3A_95 = arith.constant 0 : index
    %get3A_96 = vector.load %arg1[%get3A_93, %get3A_94, %get3A_95] : memref<13x512x128xf32, #tpu.memory_space<vmem>>, vector<1x512x128xf32>
    %get3A_97 = vector.shape_cast %get3A_96 : vector<1x512x128xf32> to vector<512x128xf32>
    %add3A_98 = arith.addf %add3A_81, %get3A_97 : vector<512x128xf32>
    %mul3A_99 = arith.mulf %get3A_97, %get3A_97 : vector<512x128xf32>
    %reduce_sum3A_100 = arith.constant dense<0.000000e+00> : vector<512xf32>
    %reduce_sum3A_101 = vector.multi_reduction <add>, %mul3A_99, %reduce_sum3A_100 [1] : vector<512x128xf32> to vector<512xf32>
    %add3A_102 = arith.addf %add3A_85, %reduce_sum3A_101 : vector<512xf32>
    %convert_element_type3A_103 = arith.truncf %get3A_97 : vector<512x128xf32> to vector<512x128xbf16>
    %get3A_104 = arith.constant 0 : index
    %get3A_105 = arith.constant 768 : index
    %get3A_106 = vector.load %arg10[%get3A_104, %get3A_105] : memref<1024x1664xbf16, #tpu.memory_space<vmem>>, vector<1024x128xbf16>
    %dot_general3A_107 = arith.constant dense<0.000000e+00> : vector<512x1024xf32>
    %dot_general3A_108 = tpu.matmul %convert_element_type3A_103, %get3A_106, %dot_general3A_107 {dimension_numbers = #tpu.dot_dimension_numbers<[1], [1], [0], [0], [0, 0, 1, 0], [], []>, transpose_lhs_hint = false} : vector<512x128xbf16>, vector<1024x128xbf16>, vector<512x1024xf32> -> vector<512x1024xf32>
    %add3A_109 = arith.addf %add3A_92, %dot_general3A_108 : vector<512x1024xf32>
    %get3A_110 = arith.constant 7 : index
    %get3A_111 = arith.constant 0 : index
    %get3A_112 = arith.constant 0 : index
    %get3A_113 = vector.load %arg1[%get3A_110, %get3A_111, %get3A_112] : memref<13x512x128xf32, #tpu.memory_space<vmem>>, vector<1x512x128xf32>
    %get3A_114 = vector.shape_cast %get3A_113 : vector<1x512x128xf32> to vector<512x128xf32>
    %add3A_115 = arith.addf %add3A_98, %get3A_114 : vector<512x128xf32>
    %mul3A_116 = arith.mulf %get3A_114, %get3A_114 : vector<512x128xf32>
    %reduce_sum3A_117 = arith.constant dense<0.000000e+00> : vector<512xf32>
    %reduce_sum3A_118 = vector.multi_reduction <add>, %mul3A_116, %reduce_sum3A_117 [1] : vector<512x128xf32> to vector<512xf32>
    %add3A_119 = arith.addf %add3A_102, %reduce_sum3A_118 : vector<512xf32>
    %convert_element_type3A_120 = arith.truncf %get3A_114 : vector<512x128xf32> to vector<512x128xbf16>
    %get3A_121 = arith.constant 0 : index
    %get3A_122 = arith.constant 896 : index
    %get3A_123 = vector.load %arg10[%get3A_121, %get3A_122] : memref<1024x1664xbf16, #tpu.memory_space<vmem>>, vector<1024x128xbf16>
    %dot_general3A_124 = arith.constant dense<0.000000e+00> : vector<512x1024xf32>
    %dot_general3A_125 = tpu.matmul %convert_element_type3A_120, %get3A_123, %dot_general3A_124 {dimension_numbers = #tpu.dot_dimension_numbers<[1], [1], [0], [0], [0, 0, 1, 0], [], []>, transpose_lhs_hint = false} : vector<512x128xbf16>, vector<1024x128xbf16>, vector<512x1024xf32> -> vector<512x1024xf32>
    %add3A_126 = arith.addf %add3A_109, %dot_general3A_125 : vector<512x1024xf32>
    %get3A_127 = arith.constant 8 : index
    %get3A_128 = arith.constant 0 : index
    %get3A_129 = arith.constant 0 : index
    %get3A_130 = vector.load %arg1[%get3A_127, %get3A_128, %get3A_129] : memref<13x512x128xf32, #tpu.memory_space<vmem>>, vector<1x512x128xf32>
    %get3A_131 = vector.shape_cast %get3A_130 : vector<1x512x128xf32> to vector<512x128xf32>
    %add3A_132 = arith.addf %add3A_115, %get3A_131 : vector<512x128xf32>
    %mul3A_133 = arith.mulf %get3A_131, %get3A_131 : vector<512x128xf32>
    %reduce_sum3A_134 = arith.constant dense<0.000000e+00> : vector<512xf32>
    %reduce_sum3A_135 = vector.multi_reduction <add>, %mul3A_133, %reduce_sum3A_134 [1] : vector<512x128xf32> to vector<512xf32>
    %add3A_136 = arith.addf %add3A_119, %reduce_sum3A_135 : vector<512xf32>
    %convert_element_type3A_137 = arith.truncf %get3A_131 : vector<512x128xf32> to vector<512x128xbf16>
    %get3A_138 = arith.constant 0 : index
    %get3A_139 = arith.constant 1024 : index
    %get3A_140 = vector.load %arg10[%get3A_138, %get3A_139] : memref<1024x1664xbf16, #tpu.memory_space<vmem>>, vector<1024x128xbf16>
    %dot_general3A_141 = arith.constant dense<0.000000e+00> : vector<512x1024xf32>
    %dot_general3A_142 = tpu.matmul %convert_element_type3A_137, %get3A_140, %dot_general3A_141 {dimension_numbers = #tpu.dot_dimension_numbers<[1], [1], [0], [0], [0, 0, 1, 0], [], []>, transpose_lhs_hint = false} : vector<512x128xbf16>, vector<1024x128xbf16>, vector<512x1024xf32> -> vector<512x1024xf32>
    %add3A_143 = arith.addf %add3A_126, %dot_general3A_142 : vector<512x1024xf32>
    %get3A_144 = arith.constant 9 : index
    %get3A_145 = arith.constant 0 : index
    %get3A_146 = arith.constant 0 : index
    %get3A_147 = vector.load %arg1[%get3A_144, %get3A_145, %get3A_146] : memref<13x512x128xf32, #tpu.memory_space<vmem>>, vector<1x512x128xf32>
    %get3A_148 = vector.shape_cast %get3A_147 : vector<1x512x128xf32> to vector<512x128xf32>
    %add3A_149 = arith.addf %add3A_132, %get3A_148 : vector<512x128xf32>
    %mul3A_150 = arith.mulf %get3A_148, %get3A_148 : vector<512x128xf32>
    %reduce_sum3A_151 = arith.constant dense<0.000000e+00> : vector<512xf32>
    %reduce_sum3A_152 = vector.multi_reduction <add>, %mul3A_150, %reduce_sum3A_151 [1] : vector<512x128xf32> to vector<512xf32>
    %add3A_153 = arith.addf %add3A_136, %reduce_sum3A_152 : vector<512xf32>
    %convert_element_type3A_154 = arith.truncf %get3A_148 : vector<512x128xf32> to vector<512x128xbf16>
    %get3A_155 = arith.constant 0 : index
    %get3A_156 = arith.constant 1152 : index
    %get3A_157 = vector.load %arg10[%get3A_155, %get3A_156] : memref<1024x1664xbf16, #tpu.memory_space<vmem>>, vector<1024x128xbf16>
    %dot_general3A_158 = arith.constant dense<0.000000e+00> : vector<512x1024xf32>
    %dot_general3A_159 = tpu.matmul %convert_element_type3A_154, %get3A_157, %dot_general3A_158 {dimension_numbers = #tpu.dot_dimension_numbers<[1], [1], [0], [0], [0, 0, 1, 0], [], []>, transpose_lhs_hint = false} : vector<512x128xbf16>, vector<1024x128xbf16>, vector<512x1024xf32> -> vector<512x1024xf32>
    %add3A_160 = arith.addf %add3A_143, %dot_general3A_159 : vector<512x1024xf32>
    %get3A_161 = arith.constant 10 : index
    %get3A_162 = arith.constant 0 : index
    %get3A_163 = arith.constant 0 : index
    %get3A_164 = vector.load %arg1[%get3A_161, %get3A_162, %get3A_163] : memref<13x512x128xf32, #tpu.memory_space<vmem>>, vector<1x512x128xf32>
    %get3A_165 = vector.shape_cast %get3A_164 : vector<1x512x128xf32> to vector<512x128xf32>
    %add3A_166 = arith.addf %add3A_149, %get3A_165 : vector<512x128xf32>
    %mul3A_167 = arith.mulf %get3A_165, %get3A_165 : vector<512x128xf32>
    %reduce_sum3A_168 = arith.constant dense<0.000000e+00> : vector<512xf32>
    %reduce_sum3A_169 = vector.multi_reduction <add>, %mul3A_167, %reduce_sum3A_168 [1] : vector<512x128xf32> to vector<512xf32>
    %add3A_170 = arith.addf %add3A_153, %reduce_sum3A_169 : vector<512xf32>
    %convert_element_type3A_171 = arith.truncf %get3A_165 : vector<512x128xf32> to vector<512x128xbf16>
    %get3A_172 = arith.constant 0 : index
    %get3A_173 = arith.constant 1280 : index
    %get3A_174 = vector.load %arg10[%get3A_172, %get3A_173] : memref<1024x1664xbf16, #tpu.memory_space<vmem>>, vector<1024x128xbf16>
    %dot_general3A_175 = arith.constant dense<0.000000e+00> : vector<512x1024xf32>
    %dot_general3A_176 = tpu.matmul %convert_element_type3A_171, %get3A_174, %dot_general3A_175 {dimension_numbers = #tpu.dot_dimension_numbers<[1], [1], [0], [0], [0, 0, 1, 0], [], []>, transpose_lhs_hint = false} : vector<512x128xbf16>, vector<1024x128xbf16>, vector<512x1024xf32> -> vector<512x1024xf32>
    %add3A_177 = arith.addf %add3A_160, %dot_general3A_176 : vector<512x1024xf32>
    %get3A_178 = arith.constant 11 : index
    %get3A_179 = arith.constant 0 : index
    %get3A_180 = arith.constant 0 : index
    %get3A_181 = vector.load %arg1[%get3A_178, %get3A_179, %get3A_180] : memref<13x512x128xf32, #tpu.memory_space<vmem>>, vector<1x512x128xf32>
    %get3A_182 = vector.shape_cast %get3A_181 : vector<1x512x128xf32> to vector<512x128xf32>
    %add3A_183 = arith.addf %add3A_166, %get3A_182 : vector<512x128xf32>
    %mul3A_184 = arith.mulf %get3A_182, %get3A_182 : vector<512x128xf32>
    %reduce_sum3A_185 = arith.constant dense<0.000000e+00> : vector<512xf32>
    %reduce_sum3A_186 = vector.multi_reduction <add>, %mul3A_184, %reduce_sum3A_185 [1] : vector<512x128xf32> to vector<512xf32>
    %add3A_187 = arith.addf %add3A_170, %reduce_sum3A_186 : vector<512xf32>
    %convert_element_type3A_188 = arith.truncf %get3A_182 : vector<512x128xf32> to vector<512x128xbf16>
    %get3A_189 = arith.constant 0 : index
    %get3A_190 = arith.constant 1408 : index
    %get3A_191 = vector.load %arg10[%get3A_189, %get3A_190] : memref<1024x1664xbf16, #tpu.memory_space<vmem>>, vector<1024x128xbf16>
    %dot_general3A_192 = arith.constant dense<0.000000e+00> : vector<512x1024xf32>
    %dot_general3A_193 = tpu.matmul %convert_element_type3A_188, %get3A_191, %dot_general3A_192 {dimension_numbers = #tpu.dot_dimension_numbers<[1], [1], [0], [0], [0, 0, 1, 0], [], []>, transpose_lhs_hint = false} : vector<512x128xbf16>, vector<1024x128xbf16>, vector<512x1024xf32> -> vector<512x1024xf32>
    %add3A_194 = arith.addf %add3A_177, %dot_general3A_193 : vector<512x1024xf32>
    %get3A_195 = arith.constant 12 : index
    %get3A_196 = arith.constant 0 : index
    %get3A_197 = arith.constant 0 : index
    %get3A_198 = vector.load %arg1[%get3A_195, %get3A_196, %get3A_197] : memref<13x512x128xf32, #tpu.memory_space<vmem>>, vector<1x512x128xf32>
    %get3A_199 = vector.shape_cast %get3A_198 : vector<1x512x128xf32> to vector<512x128xf32>
    %add3A_200 = arith.addf %add3A_183, %get3A_199 : vector<512x128xf32>
    %mul3A_201 = arith.mulf %get3A_199, %get3A_199 : vector<512x128xf32>
    %reduce_sum3A_202 = arith.constant dense<0.000000e+00> : vector<512xf32>
    %reduce_sum3A_203 = vector.multi_reduction <add>, %mul3A_201, %reduce_sum3A_202 [1] : vector<512x128xf32> to vector<512xf32>
    %add3A_204 = arith.addf %add3A_187, %reduce_sum3A_203 : vector<512xf32>
    %convert_element_type3A_205 = arith.truncf %get3A_199 : vector<512x128xf32> to vector<512x128xbf16>
    %get3A_206 = arith.constant 0 : index
    %get3A_207 = arith.constant 1536 : index
    %get3A_208 = vector.load %arg10[%get3A_206, %get3A_207] : memref<1024x1664xbf16, #tpu.memory_space<vmem>>, vector<1024x128xbf16>
    %dot_general3A_209 = arith.constant dense<0.000000e+00> : vector<512x1024xf32>
    %dot_general3A_210 = tpu.matmul %convert_element_type3A_205, %get3A_208, %dot_general3A_209 {dimension_numbers = #tpu.dot_dimension_numbers<[1], [1], [0], [0], [0, 0, 1, 0], [], []>, transpose_lhs_hint = false} : vector<512x128xbf16>, vector<1024x128xbf16>, vector<512x1024xf32> -> vector<512x1024xf32>
    %add3A_211 = arith.addf %add3A_194, %dot_general3A_210 : vector<512x1024xf32>
    %slice3A = vector.extract_strided_slice %add3A_200 {offsets = [0, 0], sizes = [512, 64], strides = [1, 1]} : vector<512x128xf32> to vector<512x64xf32>
    %slice3A_212 = vector.extract_strided_slice %add3A_200 {offsets = [0, 64], sizes = [512, 64], strides = [1, 1]} : vector<512x128xf32> to vector<512x64xf32>
    %add3A_213 = arith.addf %slice3A, %slice3A_212 : vector<512x64xf32>
    %mul3A_214 = arith.mulf %add3A_213, %add3A_213 : vector<512x64xf32>
    %reduce_sum3A_215 = arith.constant dense<0.000000e+00> : vector<512xf32>
    %reduce_sum3A_216 = vector.multi_reduction <add>, %mul3A_214, %reduce_sum3A_215 [1] : vector<512x64xf32> to vector<512xf32>
    %sub3A = arith.subf %reduce_sum3A_216, %add3A_204 : vector<512xf32>
    %mul3A_217 = arith.constant 5.000000e-01 : f32
    %mul3A_218 = vector.broadcast %mul3A_217 : f32 to vector<512xf32>
    %mul3A_219 = arith.mulf %mul3A_218, %sub3A : vector<512xf32>
    %get3A_220 = arith.constant 0 : index
    %get3A_221 = arith.constant 0 : index
    %get3A_222 = vector.load %arg4[%get3A_220, %get3A_221] : memref<1x1024xf32, #tpu.memory_space<vmem>>, vector<1x1024xf32>
    %mul3A_223 = arith.constant 0.999994993 : f32
    %mul3A_224 = vector.broadcast %mul3A_223 : f32 to vector<1x1024xf32>
    %mul3A_225 = arith.mulf %get3A_222, %mul3A_224 : vector<1x1024xf32>
    %get3A_226 = arith.constant 0 : index
    %get3A_227 = arith.constant 0 : index
    %get3A_228 = vector.load %arg5[%get3A_226, %get3A_227] : memref<1x1024xf32, #tpu.memory_space<vmem>>, vector<1x1024xf32>
    %mul3A_229 = arith.mulf %get3A_228, %mul3A_225 : vector<1x1024xf32>
    %get3A_230 = arith.constant 0 : index
    %get3A_231 = arith.constant 0 : index
    %get3A_232 = vector.load %arg6[%get3A_230, %get3A_231] : memref<1x1024xf32, #tpu.memory_space<vmem>>, vector<1x1024xf32>
    %add3A_233 = arith.addf %mul3A_229, %get3A_232 : vector<1x1024xf32>
    %mul3A_234 = vector.broadcast %mul3A_225 : vector<1x1024xf32> to vector<512x1024xf32>
    %mul3A_235 = arith.mulf %add3A_211, %mul3A_234 : vector<512x1024xf32>
    %add3A_236 = vector.broadcast %add3A_233 : vector<1x1024xf32> to vector<512x1024xf32>
    %add3A_237 = arith.addf %mul3A_235, %add3A_236 : vector<512x1024xf32>
    %max3A = arith.constant 0.000000e+00 : f32
    %max3A_238 = vector.broadcast %max3A : f32 to vector<512x1024xf32>
    %max3A_239 = arith.maximumf %add3A_237, %max3A_238 : vector<512x1024xf32>
    %get3A_240 = arith.constant 0 : index
    %get3A_241 = arith.constant 0 : index
    %get3A_242 = vector.load %arg7[%get3A_240, %get3A_241] : memref<1x512xf32, #tpu.memory_space<vmem>>, vector<1x512xf32>
    %mul3A_243 = arith.constant 0.999994993 : f32
    %mul3A_244 = vector.broadcast %mul3A_243 : f32 to vector<1x512xf32>
    %mul3A_245 = arith.mulf %get3A_242, %mul3A_244 : vector<1x512xf32>
    %get3A_246 = arith.constant 0 : index
    %get3A_247 = arith.constant 0 : index
    %get3A_248 = vector.load %arg8[%get3A_246, %get3A_247] : memref<1x512xf32, #tpu.memory_space<vmem>>, vector<1x512xf32>
    %mul3A_249 = arith.mulf %get3A_248, %mul3A_245 : vector<1x512xf32>
    %get3A_250 = arith.constant 0 : index
    %get3A_251 = arith.constant 0 : index
    %get3A_252 = vector.load %arg9[%get3A_250, %get3A_251] : memref<1x512xf32, #tpu.memory_space<vmem>>, vector<1x512xf32>
    %add3A_253 = arith.addf %mul3A_249, %get3A_252 : vector<1x512xf32>
    %convert_element_type3A_254 = arith.truncf %max3A_239 : vector<512x1024xf32> to vector<512x1024xbf16>
    %get3A_255 = arith.constant 0 : index
    %get3A_256 = arith.constant 0 : index
    %get3A_257 = vector.load %arg11[%get3A_255, %get3A_256] : memref<512x1024xbf16, #tpu.memory_space<vmem>>, vector<512x1024xbf16>
    %dot_general3A_258 = arith.constant dense<0.000000e+00> : vector<512x512xf32>
    %dot_general3A_259 = tpu.matmul %convert_element_type3A_254, %get3A_257, %dot_general3A_258 {dimension_numbers = #tpu.dot_dimension_numbers<[1], [1], [0], [0], [0, 0, 1, 0], [], []>, transpose_lhs_hint = false} : vector<512x1024xbf16>, vector<512x1024xbf16>, vector<512x512xf32> -> vector<512x512xf32>
    %mul3A_260 = vector.broadcast %mul3A_245 : vector<1x512xf32> to vector<512x512xf32>
    %mul3A_261 = arith.mulf %dot_general3A_259, %mul3A_260 : vector<512x512xf32>
    %add3A_262 = vector.broadcast %add3A_253 : vector<1x512xf32> to vector<512x512xf32>
    %add3A_263 = arith.addf %mul3A_261, %add3A_262 : vector<512x512xf32>
    %max3A_264 = arith.constant 0.000000e+00 : f32
    %max3A_265 = vector.broadcast %max3A_264 : f32 to vector<512x512xf32>
    %max3A_266 = arith.maximumf %add3A_263, %max3A_265 : vector<512x512xf32>
    %get3A_267 = arith.constant 0 : index
    %get3A_268 = vector.load %arg2[%get3A_267] : memref<512xf32, #tpu.memory_space<vmem>>, vector<512xf32>
    %add3A_269 = arith.addf %get3A_268, %mul3A_219 : vector<512xf32>
    %reduce_sum3A_270 = arith.constant dense<0.000000e+00> : vector<512xf32>
    %reduce_sum3A_271 = vector.multi_reduction <add>, %max3A_266, %reduce_sum3A_270 [1] : vector<512x512xf32> to vector<512xf32>
    %add3A_272 = arith.addf %add3A_269, %reduce_sum3A_271 : vector<512xf32>
    %get3A_273 = arith.constant 0 : index
    %get3A_274 = memref.load %arg3[%get3A_273] : memref<1xf32, #tpu.memory_space<smem>>
    %add3A_275 = vector.broadcast %get3A_274 : f32 to vector<512xf32>
    %add3A_276 = arith.addf %add3A_272, %add3A_275 : vector<512xf32>
    %swap3A = arith.constant 0 : index
    %swap3A_277 = vector.load %arg12[%swap3A] : memref<512xf32, #tpu.memory_space<vmem>>, vector<512xf32>
    tpu.vector_store %arg12[%swap3A], %add3A_276 {strides = array<i32>} : memref<512xf32, #tpu.memory_space<vmem>>, vector<512xf32>,
    return
  }
  func.func @transform_0(%arg0: i32) -> (i32, i32, i32) {
    %c0_i32 = arith.constant 0 : i32
    %c0_i32_0 = arith.constant 0 : i32
    %c0_i32_1 = arith.constant 0 : i32
    return %c0_i32, %arg0, %c0_i32_0 : i32, i32, i32
  }
  func.func @transform_1(%arg0: i32) -> i32 {
    %c0_i32 = arith.constant 0 : i32
    return %arg0 : i32
  }
  func.func @transform_2(%arg0: i32) -> i32 {
    %c0_i32 = arith.constant 0 : i32
    %c0_i32_0 = arith.constant 0 : i32
    return %c0_i32 : i32
  }
  func.func @transform_3(%arg0: i32) -> (i32, i32) {
    %c0_i32 = arith.constant 0 : i32
    %c0_i32_0 = arith.constant 0 : i32
    %c0_i32_1 = arith.constant 0 : i32
    return %c0_i32, %c0_i32_0 : i32, i32
  }
  func.func @transform_4(%arg0: i32) -> (i32, i32) {
    %c0_i32 = arith.constant 0 : i32
    %c0_i32_0 = arith.constant 0 : i32
    %c0_i32_1 = arith.constant 0 : i32
    return %c0_i32, %c0_i32_0 : i32, i32
  }
  func.func @transform_5(%arg0: i32) -> (i32, i32) {
    %c0_i32 = arith.constant 0 : i32
    %c0_i32_0 = arith.constant 0 : i32
    %c0_i32_1 = arith.constant 0 : i32
    return %c0_i32, %c0_i32_0 : i32, i32
  }
  func.func @transform_6(%arg0: i32) -> (i32, i32) {
    %c0_i32 = arith.constant 0 : i32
    %c0_i32_0 = arith.constant 0 : i32
    %c0_i32_1 = arith.constant 0 : i32
    return %c0_i32, %c0_i32_0 : i32, i32
  }
  func.func @transform_7(%arg0: i32) -> (i32, i32) {
    %c0_i32 = arith.constant 0 : i32
    %c0_i32_0 = arith.constant 0 : i32
    %c0_i32_1 = arith.constant 0 : i32
    return %c0_i32, %c0_i32_0 : i32, i32
  }
  func.func @transform_8(%arg0: i32) -> (i32, i32) {
    %c0_i32 = arith.constant 0 : i32
    %c0_i32_0 = arith.constant 0 : i32
    %c0_i32_1 = arith.constant 0 : i32
    return %c0_i32, %c0_i32_0 : i32, i32
  }
  func.func @transform_9(%arg0: i32) -> (i32, i32) {
    %c0_i32 = arith.constant 0 : i32
    %c0_i32_0 = arith.constant 0 : i32
    %c0_i32_1 = arith.constant 0 : i32
    return %c0_i32, %c0_i32_0 : i32, i32
  }
  func.func @transform_10(%arg0: i32) -> (i32, i32) {
    %c0_i32 = arith.constant 0 : i32
    %c0_i32_0 = arith.constant 0 : i32
    %c0_i32_1 = arith.constant 0 : i32
    return %c0_i32, %c0_i32_0 : i32, i32
  }
  func.func @transform_11(%arg0: i32) -> i32 {
    %c0_i32 = arith.constant 0 : i32
    return %arg0 : i32
  }
}

</mosaic_0001>

<sc_bundles>
// kernel: kernel.11.cloned.1.call-start
scs
__scs_entry_jumppad:
0x0: {  	(pc) =	sbr.rel $0x88, $3  }
0x1: {  	(tag) =	ssettag $0x0;
	lr =	simm.s32 $0x1  }
0x2: {  	[smem:$0x3F95] =	sst lr;
	_ =	strace $0xD0000000  }
0x3: {  	_ = 	snop  }
0x4: {  	_ = 	snop  }
0x5: {  	_ = 	snop  }
0x6: {  	_ = 	snop  }
0x7: {  	_ = 	snop  }
__scs_overlays_trampoline_lowered:
0x8: {  	[smem:$0x3FA4] =	sst s0  }
0x9: {  	[smem:$0x3FA5] =	sst s1  }
0xa: {  	[smem:$0x3FA6] =	sst s2  }
0xb: {  	[smem:$0x3FA7] =	sst s3  }
0xc: {  	[smem:$0x3FA8] =	sst s4  }
0xd: {  	[smem:$0x3FA9] =	sst s5  }
0xe: {  	[smem:$0x3FAA] =	sst s6  }
0xf: {  	[smem:$0x3FAB] =	sst s7  }
0x10: {  	[smem:$0x3FAC] =	sst s8  }
0x11: {  	[smem:$0x3FAD] =	sst s9;
	s0 =	simm.s32 @!p0 $0x0  }
0x12: {  	s1 =	sld [smem:$0x3F93];
	s0 =	simm.s32 @p0 $0x1  }
0x13: {  	[smem:$0x3FAE] =	sst s0;
	s0 =	simm.s32 @!p1 $0x0  }
0x14: {  	s2 =	sld [smem:$0x3F92];
	s0 =	simm.s32 @p1 $0x1  }
0x15: {  	[smem:$0x3FAF] =	sst s0;
	s0 =	simm.s32 @!p2 $0x0  }
0x16: {  	s3 =	sld [smem:$0x3FDB];
	s0 =	simm.s32 @p2 $0x1  }
0x17: {  	s4 =	simm.s32 $0x1BF5;
	[smem:$0x3FB1] =	sst s0  }
0x18: {  	s0 =	sld [smem:$0x3F94];
	_ =	swait.ge [sflag:s4], $0x0  }
0x19: {  	s7 =	sld [smem:$0x3F95]  }
0x1a: {  	s8 =	sadd.s32 $0xFFFFE003, lr  }
0x1b: {  	s9 =	sadd.s32 $0xFFFFFEF7, lr;
	s5 =	simm.s32 $0xFFFFFFFF;
	p2 =	slt.u32 s8, $0xFFFFF086  }
0x1c: {  	p1 =	slt.u32 s9, $0xF7A;
	s5 =	simm.s32 @!p2 $0x0  }
0x1d: {  	s5 =	simm.s32 @p1 $0x1;
	p0 =	seq.s32 s7, s2  }
0x1e: {  	s7 =	smul.u32 @!p0 $0xF7A, s2;
	p2 =	seq.s32 @!p0 s5, $0x0  }
0x1f: {  	s9 =	smul.u32 $0xF7A, s1;
	s8 =	simm.s32 @!p0 $0x1BF5;
	p2 =	por !p2, p0  }
0x20: {  	[sflag:s8] =	ssyncset.s32 @!p0 $0xFFFFF086;
	s6 =	sadd.s32 @!p0 s3, s7;
	s7 =	simm.s32 @!p0 $0x108  }
0x21: {  	s3 =	sadd.s32 s3, s9;
	s6 =	sadd.s32 @!p0 $0x88, s6;
	s7 =	simm.s32 @p2 $0x1082  }
0x22: {  	[simem:s7], [sflag:s8] =	dma.local @!p0 [hbm:s6], $0xF7A  }
0x23: {  	s9 =	sor.u32 $0xD0000000, s2;
	s6 =	simm.s32 $0x108;
	_ =	swait.ge @!p0 [sflag:s8], $0x0  }
0x24: {  	s3 =	sadd.s32 $0x88, s3;
	s6 =	simm.s32 @!p1 $0x1082;
	[sflag:s4] =	ssyncset.s32 $0xFFFFF086  }
0x25: {  	[simem:s6], [sflag:s4] =	dma.local [hbm:s3], $0xF7A  }
0x26: {  	[smem:$0x3F95] =	sst s1;
	(tag) =	ssettag s2;
	_ =	strace s9  }
0x27: {  	s1 =	sld [smem:$0x3FA5]  }
0x28: {  	s2 =	sld [smem:$0x3FA6]  }
0x29: {  	s4 =	sld [smem:$0x3FA8]  }
0x2a: {  	p0 =	seq.s32 s5, $0x0;
	s5 =	sld [smem:$0x3FA9]  }
0x2b: {  	s6 =	sld [smem:$0x3FAA]  }
0x2c: {  	s7 =	sld [smem:$0x3FAB]  }
0x2d: {  	s3 =	simm.s32 $0x108;
	s8 =	sld [smem:$0x3FAC]  }
0x2e: {  	s3 =	simm.s32 @!p0 $0x1082;
	s9 =	sld [smem:$0x3FAD]  }
0x2f: {  	lr =	sadd.s32 s0, s3;
	s0 =	sld [smem:$0x3FA4]  }
0x30: {  	s3 =	sld [smem:$0x3FA7]  }
0x31: {  	[smem:$0x3FB0] =	sst s10  }
0x32: {  	s10 =	sld [smem:$0x3FAE];
	_ =	sdelay $0x3  }
0x33: {  	p0 =	seq.s32 s10, $0x1;
	s10 =	sld [smem:$0x3FB0];
	_ =	sdelay $0x3  }
0x34: {  	[smem:$0x3FB0] =	sst s10  }
0x35: {  	s10 =	sld [smem:$0x3FAF];
	_ =	sdelay $0x3  }
0x36: {  	p1 =	seq.s32 s10, $0x1;
	s10 =	sld [smem:$0x3FB0];
	_ =	sdelay $0x3  }
0x37: {  	[smem:$0x3FB0] =	sst s10  }
0x38: {  	s10 =	sld [smem:$0x3FB1]  }
0x39: {  	_ = 	snop;
	(pc) =	sbr.ind lr, $3  }
0x3a: {  	_ = 	snop  }
0x3b: {  	_ = 	snop  }
0x3c: {  	p2 =	seq.s32 s10, $0x1;
	s10 =	sld [smem:$0x3FB0]  }
0x3d: {  	_ =	shalt  }
0x3e: {  	_ =	shalt  }
0x3f: {  	_ =	shalt  }
0x40: {  	_ =	shalt  }
0x41: {  	_ =	shalt  }
0x42: {  	_ =	shalt  }
0x43: {  	_ =	shalt  }
0x44: {  	_ =	shalt  }
0x45: {  	_ =	shalt  }
0x46: {  	_ =	shalt  }
0x47: {  	_ =	shalt  }
0x48: {  	_ =	shalt  }
0x49: {  	_ =	shalt  }
0x4a: {  	_ =	shalt  }
0x4b: {  	_ =	shalt  }
0x4c: {  	_ =	shalt  }
0x4d: {  	_ =	shalt  }
0x4e: {  	_ =	shalt  }
0x4f: {  	_ =	shalt  }
0x50: {  	_ =	shalt  }
0x51: {  	_ =	shalt  }
0x52: {  	_ =	shalt  }
0x53: {  	_ =	shalt  }
0x54: {  	_ =	shalt  }
0x55: {  	_ =	shalt  }
0x56: {  	_ =	shalt  }
0x57: {  	_ =	shalt  }
0x58: {  	_ =	shalt  }
0x59: {  	_ =	shalt  }
0x5a: {  	_ =	shalt  }
0x5b: {  	_ =	shalt  }
0x5c: {  	_ =	shalt  }
0x5d: {  	_ =	shalt  }
0x5e: {  	_ =	shalt  }
0x5f: {  	_ =	shalt  }
0x60: {  	_ =	shalt  }
0x61: {  	_ =	shalt  }
0x62: {  	_ =	shalt  }
0x63: {  	_ =	shalt  }
0x64: {  	_ =	shalt  }
0x65: {  	_ =	shalt  }
0x66: {  	_ =	shalt  }
0x67: {  	_ =	shalt  }
0x68: {  	_ =	shalt  }
0x69: {  	_ =	shalt  }
0x6a: {  	_ =	shalt  }
0x6b: {  	_ =	shalt  }
0x6c: {  	_ =	shalt  }
0x6d: {  	_ =	shalt  }
0x6e: {  	_ =	shalt  }
0x6f: {  	_ =	shalt  }
0x70: {  	_ =	shalt  }
0x71: {  	_ =	shalt  }
0x72: {  	_ =	shalt  }
0x73: {  	_ =	shalt  }
0x74: {  	_ =	shalt  }
0x75: {  	_ =	shalt  }
0x76: {  	_ =	shalt  }
0x77: {  	_ =	shalt  }
0x78: {  	_ =	shalt  }
0x79: {  	_ =	shalt  }
0x7a: {  	_ =	shalt  }
0x7b: {  	_ =	shalt  }
0x7c: {  	_ =	shalt  }
0x7d: {  	_ =	shalt  }
0x7e: {  	_ =	shalt  }
0x7f: {  	_ =	shalt  }
0x80: {  	_ =	shalt  }
0x81: {  	_ =	shalt  }
0x82: {  	_ =	shalt  }
0x83: {  	_ =	shalt  }
0x84: {  	_ =	shalt  }
0x85: {  	_ =	shalt  }
0x86: {  	_ =	shalt  }
0x87: {  	_ =	shalt  }
.Lfunc_end0:
.L_simem_size_0:
called_computation.1_lowered:
.L_overlay_start_0:
0x88: {  	s2 =	sld [smem:$0x3FD9]  }
0x89: {  	s3 =	sld [smem:$0x3FFE];
	_ =	sdelay $0x1  }
0x8a: {  	s1 =	srdreg.scid  }
0x8b: {  	s0 =	sand.u32 $0x1, s1  }
0x8c: {  	s17 =	sshll.u32 s0, $0xA;
	s2 =	sadd.s32 s3, s2  }
0x8d: {  	s2 =	sadd.s32 s2, s17  }
0x8e: {  	[smem:$0x3FBC] =	sst s2  }
0x8f: {  	_ = 	snop  }
0x90: {  	s18 =	sld [smem:$0x3FD0];
	(tm) =	ssettm $0x1  }
0x91: {  	s19 =	sld [smem:$0x3FFB];
	_ =	sdelay $0x3  }
0x92: {  	_ =	strace s19  }
0x93: {  	s2 =	sld [smem:$0x3FFC];
	_ =	sdelay $0x3  }
0x94: {  	_ =	strace s2  }
0x95: {  	s2 =	sld [smem:$0x3FFD];
	_ =	sdelay $0x3  }
0x96: {  	_ =	strace s2  }
0x97: {  	_ =	strace $0x8FFFFFFF  }
0x98: {  	s20 =	sld [smem:$0x3FDB];
	_ =	sdelay $0x1  }
0x99: {  	s4 =	simm.s32 $_scs_section_size  }
0x9a: {  	s5 =	simm.s32 $_size__tile_overlayer_lowered;
	s6 =	simm.s32 $_tile_overlayer_lowered  }
0x9b: {  	s7 =	simm.s32 $0x1BFF;
	s21 =	sshll.u32 s6, $0x1;
	s4 =	sadd.s32 s4, s20  }
0x9c: {  	s22 =	simm.s32 $0x0;
	s5 =	sshll.u32 s5, $0x1;
	s6 =	sadd.s32 s21, s4  }
0x9d: {  	[timem:s22], [sflag:s7] =	dma.local [hbm:s6], s5  }
0x9e: {  	_ =	swait.ge [sflag:s7], s5  }
0x9f: {  	s5 =	ssub.s32 $0x0, s5;
	[sflag:s7] =	ssyncset.done $0x0  }
0xa0: {  	[sflag:s7] =	ssyncadd.s32 s5;
	_ =	sdelay $0x1  }
0xa1: {  	s23 =	simm.s32 $0x1B8B  }
0xa2: {  	_ =	swait.ge [sflag:s23], $0x1  }
0xa3: {  	[sflag:s23] =	ssyncset.done $0x0  }
0xa4: {  	[sflag:s23] =	ssyncadd.s32 $0xFFFFFFFF  }
0xa5: {  	s5 =	sld [smem:$0x0]  }
0xa6: {  	s6 =	sand.u32 $0xFFFFFFFE, s1  }
0xa7: {  	p0 =	sne.s32 s1, s6  }
0xa8: {  	s6 =	sshll.u32 @p0 s6, $0xE  }
0xa9: {  	s6 =	sadd.s32 @p0 $0x11B8D, s6;
	s7 =	sshll.u32 @p0 s5, $0x11  }
0xaa: {  	s6 =	sor.u32 @p0 s7, s6  }
0xab: {  	[sflag:s6] =	ssyncadd.remote.s32 @p0 $0x1;
	_ =	sdelay $0x1  }
0xac: {  	s6 =	simm.s32 @p0 $0x1B8D  }
0xad: {  	_ =	swait.eq @p0 [sflag:s6], $0x1  }
0xae: {  	[sflag:s6] =	ssyncadd.s32 @p0 $0xFFFFFFFF  }
0xaf: {  	s7 =	sshll.u32 @!p0 s1, $0xE  }
0xb0: {  	s7 =	sor.u32 @!p0 $0x4000, s7;
	s6 =	simm.s32 @!p0 $0x1B8D  }
0xb1: {  	s5 =	sshll.u32 @!p0 s5, $0x11;
	s7 =	sadd.s32 @!p0 $0x11B8D, s7;
	_ =	swait.eq @!p0 [sflag:s6], $0x1  }
0xb2: {  	s5 =	sor.u32 @!p0 s5, s7;
	[sflag:s6] =	ssyncadd.s32 @!p0 $0xFFFFFFFF  }
0xb3: {  	s25 =	simm.s32 $0x1B8E;
	s24 =	sld [smem:$0x3FFE];
	[sflag:s5] =	ssyncadd.remote.s32 @!p0 $0x1  }
0xb4: {  	s26 =	simm.s32 $execute0_lowered;
	[smem:$0x3FD2] =	sst s25  }
0xb5: {  	s6 =	sshll.u32 s26, $0x1;
	_ =	strace $0x8000004F;
	[dreg:$0x1] =	wrdreg $0xFFFFFFFF  }
0xb6: {  	s28 =	simm.s32 $_size_execute0_lowered;
	s4 =	sadd.s32 s4, s6;
	[dreg:$0x0] =	wrdreg $0x0  }
0xb7: {  	s6 =	sshll.u32 s28, $0x1;
	[dreg:$0x2] =	wrdreg s4  }
0xb8: {  	[dreg:$0x3] =	wrdreg s6  }
0xb9: {  	[dreg:$0x4] =	wrdreg $0xC0  }
0xba: {  	_ =	task [dreg:s22], $0x5FFFF  }
0xbb: {  	[dreg:$0x1] =	wrdreg $0xFFFFFFFF  }
0xbc: {  	[dreg:$0x0] =	wrdreg $0x60  }
0xbd: {  	[dreg:$0x2] =	wrdreg s24  }
0xbe: {  	[dreg:$0x3] =	wrdreg s18  }
0xbf: {  	[dreg:$0x4] =	wrdreg $0xA  }
0xc0: {  	_ =	task.clear_ibuf [dreg:s22], $0x5FFFF;
	_ =	strace $0x9000004F  }
0xc1: {  	s29 =	simm.s32 $0xA;
	_ =	strace $0x80000051  }
0xc2: {  	_ =	swait.ge [sflag:s29], $0x1  }
0xc3: {  	[sflag:s29] =	ssyncadd.s32 $0xFFFFFFFF  }
0xc4: {  	_ =	strace $0x90000051  }
0xc5: {  	_ =	sfence  }
0xc6: {  	s30 =	sld [smem:$0x0];
	_ =	sdelay $0x2  }
0xc7: {  	s31 =	sshll.u32 s1, $0xD;
	s1 =	sshrl.u32 s1, $0x2  }
0xc8: {  	s4 =	sand.u32 $0x4000, s31;
	s1 =	sadd.s32 s1, s30  }
0xc9: {  	s0 =	sor.u32 s4, s0;
	s1 =	sshll.u32 s1, $0x11  }
0xca: {  	s0 =	sor.u32 s1, s0  }
0xcb: {  	s0 =	sadd.s32 $0x8F2B, s0  }
0xcc: {  	[sflag:s0] =	ssyncadd.remote.s32 $0x1  }
0xcd: {  	_ =	sfence.sel $0xFFFF  }
0xce: {  	[dreg:$0x0] =	wrdreg $0xFFFFFFFF;
	(pc) =	sbr.abs _section_cstart, $3  }
0xcf: {  	[dreg:$0x1] =	wrdreg $0xFFFFFFFF  }
0xd0: {  	_ =	task.clear_ibuf [dreg:s22], $0x2FFFF;
	_ =	strace $0x9FFFFFFF  }
0xd1: {  	(tm) =	ssettm $0x7FFFFFFF  }
tec
execute0_lowered:
.L_overlay_start_1:
0x0: {  	(tag) =	ssettag $0x1  }
0x1: {  	s1 =	srdreg.scid;
	s0 =	stileid.u32  }
0x2: {  	s3 =	rddreg [dreg:$0x0];
	s1 =	sand.u32 $0x1, s1;
	s2 =	sshll.u32 s0, $0x1  }
0x3: {  	s5 =	rddreg [dreg:$0x1];
	s4 =	sor.u32 s1, s2;
	s2 =	simm.s32 $0x0  }
0x4: {  	s22 =	simm.s32 $0x680;
	[smem:$0x7FF] =	sst s2  }
0x5: {  	s23 =	simm.s32 $0x6C0;
	_ =	strace $0x80000050;
	[dreg:$0x5] =	wrdreg s22  }
0x6: {  	s24 =	simm.s32 $0x80;
	[dreg:$0x6] =	wrdreg s23  }
0x7: {  	s25 =	simm.s32 $0x700;
	[dreg:$0x7] =	wrdreg s24  }
0x8: {  	s26 =	simm.s32 $0xC0;
	[dreg:$0x8] =	wrdreg s25  }
0x9: {  	s0 =	simm.s32 $0x740;
	[dreg:$0x9] =	wrdreg s26  }
0xa: {  	s7 =	simm.s32 $0x140;
	[dreg:$0xa] =	wrdreg s0  }
0xb: {  	s8 =	simm.s32 $0x7C0;
	[dreg:$0xd] =	wrdreg s7  }
0xc: {  	s9 =	simm.s32 $0x180;
	[dreg:$0xe] =	wrdreg s8  }
0xd: {  	s10 =	simm.s32 $0x800;
	[dreg:$0xf] =	wrdreg s9  }
0xe: {  	s11 =	simm.s32 $0x1C0;
	[dreg:$0x10] =	wrdreg s10  }
0xf: {  	s12 =	simm.s32 $0x840;
	s13 =	simm.s32 $0x200;
	[dreg:$0x11] =	wrdreg s11  }
0x10: {  	s14 =	simm.s32 $0x880;
	s15 =	simm.s32 $0x240;
	[dreg:$0x12] =	wrdreg s12  }
0x11: {  	s16 =	simm.s32 $0x8C0;
	s17 =	simm.s32 $0x280;
	[dreg:$0x13] =	wrdreg s13  }
0x12: {  	s18 =	simm.s32 $0x900;
	s19 =	simm.s32 $0x2C0;
	[dreg:$0x14] =	wrdreg s14  }
0x13: {  	s20 =	simm.s32 $0x940;
	s21 =	simm.s32 $0x300;
	[dreg:$0x15] =	wrdreg s15  }
0x14: {  	s28 =	simm.s32 $0xC80;
	s29 =	simm.s32 $0x640;
	[dreg:$0x16] =	wrdreg s16  }
0x15: {  	s30 =	simm.s32 $0xCC0;
	s31 =	simm.s32 $0x1;
	[dreg:$0x17] =	wrdreg s17  }
0x16: {  	s6 =	smul.u32 $0xD0, s4;
	s4 =	sshll.u32 s4, $0x3;
	[dreg:$0x18] =	wrdreg s18  }
0x17: {  	s1 =	ssub.s32 $0x2, s1;
	s4 =	sadd.s32 s5, s4;
	[dreg:$0x19] =	wrdreg s19  }
0x18: {  	s5 =	simm.s32 $0x100;
	[dreg:$0x1a] =	wrdreg s20;
	s22 =	sshrl.u32 s1, $0x1  }
0x19: {  	[dreg:$0x1b] =	wrdreg s21;
	s23 =	simm.s32 $0x980;
	s24 =	simm.s32 $0x340  }
0x1a: {  	s25 =	simm.s32 $0x9C0;
	s26 =	simm.s32 $0x380;
	s10 =	simm.s32 $0x400  }
0x1b: {  	s11 =	simm.s32 $0xA80;
	s12 =	simm.s32 $0x440;
	s13 =	simm.s32 $0xAC0  }
0x1c: {  	s14 =	simm.s32 $0x480;
	s15 =	simm.s32 $0xB00;
	[dreg:$0x4] =	wrdreg s4  }
0x1d: {  	s16 =	simm.s32 $0x4C0;
	s17 =	simm.s32 $0xB40;
	[dreg:$0xb] =	wrdreg s5  }
0x1e: {  	s18 =	simm.s32 $0x500;
	s19 =	simm.s32 $0xB80;
	[dreg:$0x1c] =	wrdreg s23  }
0x1f: {  	s20 =	simm.s32 $0x540;
	s21 =	simm.s32 $0xBC0;
	[dreg:$0x1d] =	wrdreg s24  }
0x20: {  	s6 =	sadd.s32 s6, s3;
	s3 =	sadd.s32 $0x6E200, s3;
	[dreg:$0x1e] =	wrdreg s25  }
0x21: {  	s1 =	ssub.s32 s1, s22;
	s5 =	simm.s32 $0x2;
	[dreg:$0x1f] =	wrdreg s26  }
0x22: {  	s22 =	simm.s32 $0x580;
	s23 =	simm.s32 $0xC00;
	s24 =	simm.s32 $0x5C0  }
0x23: {  	s25 =	simm.s32 $0xC40;
	s26 =	simm.s32 $0x600;
	s6 =	sadd.s32 $0xDB000, s6  }
0x24: {  	s4 =	smax.u32 s1, $0x1;
	[dreg:$0x3] =	wrdreg s6;
	s6 =	simm.s32 $0x780  }
0x25: {  	s1 =	simm.s32 $0xD00;
	[dreg:$0xc] =	wrdreg s6;
	s6 =	simm.s32 $0x40  }
.LBB2_1:
0x26: {  	s0 =	rddreg [dreg:$0x3]  }
0x27: {  	[tilespmem:s2], [sflag:$0x2] =	stream.linear.gather [hbm4b:s0+s2], $0x680, $0x38;
	[tilespmem:$0xD40] =	vst v63  }
0x28: {  	_ =	swait.ge [sflag:s5], $0x680  }
0x29: {  	s9 =	rddreg [dreg:$0x5]  }
0x2a: {  	s7 =	rddreg [dreg:$0x6]  }
0x2b: {  	[sflag:s5] =	ssyncset.done $0x0;
	s0 =	rddreg [dreg:$0x7]  }
0x2c: {  	s8 =	rddreg [dreg:$0x9];
	[sflag:s5] =	ssyncadd.s32 $0xFFFFF980  }
0x2d: {  	[tilespmem:s9], [sflag:$0x1] =	stream.indirect.gather [hbm4b:s3+s6], $0x1, s2, s6, $0xb8;
	[tilespmem:$0xD40] =	vst v63  }
0x2e: {  	s9 =	rddreg [dreg:$0xa]  }
0x2f: {  	[tilespmem:s7], [sflag:$0x1] =	stream.indirect.gather [hbm4b:s3+s6], $0x1, s6, s6, $0xb8;
	[tilespmem:$0xD40] =	vst v63  }
0x30: {  	s7 =	rddreg [dreg:$0x8]  }
0x31: {  	[tilespmem:s7], [sflag:$0x1] =	stream.indirect.gather [hbm4b:s3+s6], $0x1, s0, s6, $0xb8;
	[tilespmem:$0xD40] =	vst v63  }
0x32: {  	s0 =	rddreg [dreg:$0xb]  }
0x33: {  	s7 =	rddreg [dreg:$0xc]  }
0x34: {  	[tilespmem:s9], [sflag:$0x1] =	stream.indirect.gather [hbm4b:s3+s6], $0x1, s8, s6, $0xb8;
	[tilespmem:$0xD40] =	vst v63  }
0x35: {  	s8 =	rddreg [dreg:$0xd]  }
0x36: {  	s9 =	rddreg [dreg:$0xe]  }
0x37: {  	[tilespmem:s7], [sflag:$0x1] =	stream.indirect.gather [hbm4b:s3+s6], $0x1, s0, s6, $0xb8;
	[tilespmem:$0xD40] =	vst v63  }
0x38: {  	s0 =	rddreg [dreg:$0xf]  }
0x39: {  	s7 =	rddreg [dreg:$0x10]  }
0x3a: {  	[tilespmem:s9], [sflag:$0x1] =	stream.indirect.gather [hbm4b:s3+s6], $0x1, s8, s6, $0xb8;
	[tilespmem:$0xD40] =	vst v63  }
0x3b: {  	s8 =	rddreg [dreg:$0x11]  }
0x3c: {  	s9 =	rddreg [dreg:$0x12]  }
0x3d: {  	[tilespmem:s7], [sflag:$0x1] =	stream.indirect.gather [hbm4b:s3+s6], $0x1, s0, s6, $0xb8;
	[tilespmem:$0xD40] =	vst v63  }
0x3e: {  	s0 =	rddreg [dreg:$0x13]  }
0x3f: {  	s7 =	rddreg [dreg:$0x14]  }
0x40: {  	[tilespmem:s9], [sflag:$0x1] =	stream.indirect.gather [hbm4b:s3+s6], $0x1, s8, s6, $0xb8;
	[tilespmem:$0xD40] =	vst v63  }
0x41: {  	s8 =	rddreg [dreg:$0x15]  }
0x42: {  	s9 =	rddreg [dreg:$0x16]  }
0x43: {  	[tilespmem:s7], [sflag:$0x1] =	stream.indirect.gather [hbm4b:s3+s6], $0x1, s0, s6, $0xb8;
	[tilespmem:$0xD40] =	vst v63  }
0x44: {  	s0 =	rddreg [dreg:$0x17]  }
0x45: {  	s7 =	rddreg [dreg:$0x18]  }
0x46: {  	[tilespmem:s9], [sflag:$0x1] =	stream.indirect.gather [hbm4b:s3+s6], $0x1, s8, s6, $0xb8;
	[tilespmem:$0xD40] =	vst v63  }
0x47: {  	s8 =	rddreg [dreg:$0x19]  }
0x48: {  	s9 =	rddreg [dreg:$0x1a]  }
0x49: {  	[tilespmem:s7], [sflag:$0x1] =	stream.indirect.gather [hbm4b:s3+s6], $0x1, s0, s6, $0xb8;
	[tilespmem:$0xD40] =	vst v63  }
0x4a: {  	s0 =	rddreg [dreg:$0x1b]  }
0x4b: {  	s7 =	rddreg [dreg:$0x1c]  }
0x4c: {  	[tilespmem:s9], [sflag:$0x1] =	stream.indirect.gather [hbm4b:s3+s6], $0x1, s8, s6, $0xb8;
	[tilespmem:$0xD40] =	vst v63  }
0x4d: {  	s8 =	rddreg [dreg:$0x1d]  }
0x4e: {  	[tilespmem:s7], [sflag:$0x1] =	stream.indirect.gather [hbm4b:s3+s6], $0x1, s0, s6, $0xb8;
	[tilespmem:$0xD40] =	vst v63  }
0x4f: {  	s9 =	rddreg [dreg:$0x1e]  }
0x50: {  	[tilespmem:s9], [sflag:$0x1] =	stream.indirect.gather [hbm4b:s3+s6], $0x1, s8, s6, $0xb8;
	[tilespmem:$0xD40] =	vst v63  }
0x51: {  	s7 =	rddreg [dreg:$0x1f];
	s9 =	simm.s32 $0xA00  }
0x52: {  	[tilespmem:s9], [sflag:$0x1] =	stream.indirect.gather [hbm4b:s3+s6], $0x1, s7, s6, $0xb8;
	[tilespmem:$0xD40] =	vst v63  }
0x53: {  	s8 =	simm.s32 $0xA40;
	s7 =	simm.s32 $0x3C0  }
0x54: {  	[tilespmem:s8], [sflag:$0x1] =	stream.indirect.gather [hbm4b:s3+s6], $0x1, s7, s6, $0xb8;
	[tilespmem:$0xD40] =	vst v63  }
0x55: {  	_ = 	snop  }
0x56: {  	[tilespmem:s11], [sflag:$0x1] =	stream.indirect.gather [hbm4b:s3+s6], $0x1, s10, s6, $0xb8;
	[tilespmem:$0xD40] =	vst v63  }
0x57: {  	_ = 	snop  }
0x58: {  	[tilespmem:s13], [sflag:$0x1] =	stream.indirect.gather [hbm4b:s3+s6], $0x1, s12, s6, $0xb8;
	[tilespmem:$0xD40] =	vst v63  }
0x59: {  	_ = 	snop  }
0x5a: {  	[tilespmem:s15], [sflag:$0x1] =	stream.indirect.gather [hbm4b:s3+s6], $0x1, s14, s6, $0xb8;
	[tilespmem:$0xD40] =	vst v63  }
0x5b: {  	_ = 	snop  }
0x5c: {  	[tilespmem:s17], [sflag:$0x1] =	stream.indirect.gather [hbm4b:s3+s6], $0x1, s16, s6, $0xb8;
	[tilespmem:$0xD40] =	vst v63  }
0x5d: {  	_ = 	snop  }
0x5e: {  	[tilespmem:s19], [sflag:$0x1] =	stream.indirect.gather [hbm4b:s3+s6], $0x1, s18, s6, $0xb8;
	[tilespmem:$0xD40] =	vst v63  }
0x5f: {  	_ = 	snop  }
0x60: {  	[tilespmem:s21], [sflag:$0x1] =	stream.indirect.gather [hbm4b:s3+s6], $0x1, s20, s6, $0xb8;
	[tilespmem:$0xD40] =	vst v63  }
0x61: {  	_ = 	snop  }
0x62: {  	[tilespmem:s23], [sflag:$0x1] =	stream.indirect.gather [hbm4b:s3+s6], $0x1, s22, s6, $0xb8;
	[tilespmem:$0xD40] =	vst v63  }
0x63: {  	_ = 	snop  }
0x64: {  	[tilespmem:s25], [sflag:$0x1] =	stream.indirect.gather [hbm4b:s3+s6], $0x1, s24, s6, $0xb8;
	[tilespmem:$0xD40] =	vst v63  }
0x65: {  	_ = 	snop  }
0x66: {  	[tilespmem:s28], [sflag:$0x1] =	stream.indirect.gather [hbm4b:s3+s6], $0x1, s26, s6, $0xb8;
	[tilespmem:$0xD40] =	vst v63  }
0x67: {  	_ = 	snop  }
0x68: {  	[tilespmem:s30], [sflag:$0x1] =	stream.indirect.gather [hbm4b:s3+s6], $0x1, s29, s6, $0xb8;
	[tilespmem:$0xD40] =	vst v63  }
0x69: {  	_ =	swait.ge [sflag:s31], $0x40  }
0x6a: {  	[sflag:s31] =	ssyncset.done $0x0  }
0x6b: {  	[sflag:s31] =	ssyncadd.s32 $0xFFFFFFC0  }
0x6c: {  	_ =	swait.ge [sflag:s31], $0x40  }
0x6d: {  	[sflag:s31] =	ssyncset.done $0x0  }
0x6e: {  	[sflag:s31] =	ssyncadd.s32 $0xFFFFFFC0  }
0x6f: {  	_ =	swait.ge [sflag:s31], $0x40  }
0x70: {  	[sflag:s31] =	ssyncset.done $0x0  }
0x71: {  	[sflag:s31] =	ssyncadd.s32 $0xFFFFFFC0  }
0x72: {  	_ =	swait.ge [sflag:s31], $0x40  }
0x73: {  	[sflag:s31] =	ssyncset.done $0x0  }
0x74: {  	[sflag:s31] =	ssyncadd.s32 $0xFFFFFFC0  }
0x75: {  	_ =	swait.ge [sflag:s31], $0x40  }
0x76: {  	[sflag:s31] =	ssyncset.done $0x0  }
0x77: {  	[sflag:s31] =	ssyncadd.s32 $0xFFFFFFC0  }
0x78: {  	_ =	swait.ge [sflag:s31], $0x40  }
0x79: {  	[sflag:s31] =	ssyncset.done $0x0  }
0x7a: {  	[sflag:s31] =	ssyncadd.s32 $0xFFFFFFC0  }
0x7b: {  	_ =	swait.ge [sflag:s31], $0x40  }
0x7c: {  	[sflag:s31] =	ssyncset.done $0x0  }
0x7d: {  	[sflag:s31] =	ssyncadd.s32 $0xFFFFFFC0  }
0x7e: {  	_ =	swait.ge [sflag:s31], $0x40  }
0x7f: {  	[sflag:s31] =	ssyncset.done $0x0  }
0x80: {  	[sflag:s31] =	ssyncadd.s32 $0xFFFFFFC0  }
0x81: {  	_ =	swait.ge [sflag:s31], $0x40  }
0x82: {  	[sflag:s31] =	ssyncset.done $0x0  }
0x83: {  	[sflag:s31] =	ssyncadd.s32 $0xFFFFFFC0  }
0x84: {  	_ =	swait.ge [sflag:s31], $0x40  }
0x85: {  	[sflag:s31] =	ssyncset.done $0x0  }
0x86: {  	[sflag:s31] =	ssyncadd.s32 $0xFFFFFFC0  }
0x87: {  	_ =	swait.ge [sflag:s31], $0x40  }
0x88: {  	[sflag:s31] =	ssyncset.done $0x0  }
0x89: {  	[sflag:s31] =	ssyncadd.s32 $0xFFFFFFC0  }
0x8a: {  	_ =	swait.ge [sflag:s31], $0x40  }
0x8b: {  	[sflag:s31] =	ssyncset.done $0x0  }
0x8c: {  	[sflag:s31] =	ssyncadd.s32 $0xFFFFFFC0  }
0x8d: {  	_ =	swait.ge [sflag:s31], $0x40  }
0x8e: {  	[sflag:s31] =	ssyncset.done $0x0  }
0x8f: {  	[sflag:s31] =	ssyncadd.s32 $0xFFFFFFC0  }
0x90: {  	_ =	swait.ge [sflag:s31], $0x40  }
0x91: {  	[sflag:s31] =	ssyncset.done $0x0  }
0x92: {  	[sflag:s31] =	ssyncadd.s32 $0xFFFFFFC0  }
0x93: {  	_ =	swait.ge [sflag:s31], $0x40  }
0x94: {  	[sflag:s31] =	ssyncset.done $0x0  }
0x95: {  	[sflag:s31] =	ssyncadd.s32 $0xFFFFFFC0  }
0x96: {  	_ =	swait.ge [sflag:s31], $0x40  }
0x97: {  	[sflag:s31] =	ssyncset.done $0x0  }
0x98: {  	[sflag:s31] =	ssyncadd.s32 $0xFFFFFFC0  }
0x99: {  	_ =	swait.ge [sflag:s31], $0x40  }
0x9a: {  	[sflag:s31] =	ssyncset.done $0x0  }
0x9b: {  	[sflag:s31] =	ssyncadd.s32 $0xFFFFFFC0  }
0x9c: {  	_ =	swait.ge [sflag:s31], $0x40  }
0x9d: {  	[sflag:s31] =	ssyncset.done $0x0  }
0x9e: {  	[sflag:s31] =	ssyncadd.s32 $0xFFFFFFC0  }
0x9f: {  	_ =	swait.ge [sflag:s31], $0x40  }
0xa0: {  	[sflag:s31] =	ssyncset.done $0x0  }
0xa1: {  	[sflag:s31] =	ssyncadd.s32 $0xFFFFFFC0  }
0xa2: {  	_ =	swait.ge [sflag:s31], $0x40  }
0xa3: {  	[sflag:s31] =	ssyncset.done $0x0  }
0xa4: {  	[sflag:s31] =	ssyncadd.s32 $0xFFFFFFC0  }
0xa5: {  	_ =	swait.ge [sflag:s31], $0x40  }
0xa6: {  	[sflag:s31] =	ssyncset.done $0x0  }
0xa7: {  	[sflag:s31] =	ssyncadd.s32 $0xFFFFFFC0  }
0xa8: {  	_ =	swait.ge [sflag:s31], $0x40  }
0xa9: {  	[sflag:s31] =	ssyncset.done $0x0  }
0xaa: {  	[sflag:s31] =	ssyncadd.s32 $0xFFFFFFC0  }
0xab: {  	_ =	swait.ge [sflag:s31], $0x40  }
0xac: {  	[sflag:s31] =	ssyncset.done $0x0  }
0xad: {  	[sflag:s31] =	ssyncadd.s32 $0xFFFFFFC0  }
0xae: {  	_ =	swait.ge [sflag:s31], $0x40  }
0xaf: {  	[sflag:s31] =	ssyncset.done $0x0  }
0xb0: {  	[sflag:s31] =	ssyncadd.s32 $0xFFFFFFC0  }
0xb1: {  	_ =	swait.ge [sflag:s31], $0x40  }
0xb2: {  	[sflag:s31] =	ssyncset.done $0x0  }
0xb3: {  	[sflag:s31] =	ssyncadd.s32 $0xFFFFFFC0  }
0xb4: {  	_ =	swait.ge [sflag:s31], $0x40  }
0xb5: {  	[sflag:s31] =	ssyncset.done $0x0  }
0xb6: {  	[sflag:s31] =	ssyncadd.s32 $0xFFFFFFC0  }
0xb7: {  	v15 =	vld [tilespmem:$0x680]  }
0xb8: {  	v16 =	vld [tilespmem:$0x6C0]  }
0xb9: {  	v17 =	vld [tilespmem:$0x700]  }
0xba: {  	v18 =	vld [tilespmem:$0x740]  }
0xbb: {  	v19 =	vld [tilespmem:$0x780]  }
0xbc: {  	v20 =	vld [tilespmem:$0x7C0]  }
0xbd: {  	v21 =	vld [tilespmem:$0x800]  }
0xbe: {  	v22 =	vld [tilespmem:$0x840]  }
0xbf: {  	v23 =	vld [tilespmem:$0x880]  }
0xc0: {  	v24 =	vld [tilespmem:$0x8C0]  }
0xc1: {  	v25 =	vld [tilespmem:$0x900]  }
0xc2: {  	v26 =	vld [tilespmem:$0x940]  }
0xc3: {  	v27 =	vld [tilespmem:$0x980]  }
0xc4: {  	v28 =	vld [tilespmem:$0x9C0]  }
0xc5: {  	v29 =	vld [tilespmem:$0xA00]  }
0xc6: {  	v30 =	vld [tilespmem:$0xA40]  }
0xc7: {  	v14 =	vld [tilespmem:$0xA80]  }
0xc8: {  	v12 =	vld [tilespmem:$0xAC0]  }
0xc9: {  	v10 =	vld [tilespmem:$0xB00]  }
0xca: {  	v8 =	vld [tilespmem:$0xB40]  }
0xcb: {  	v5 =	vld [tilespmem:$0xB80]  }
0xcc: {  	v4 =	vld [tilespmem:$0xBC0]  }
0xcd: {  	v3 =	vld [tilespmem:$0xC00]  }
0xce: {  	v2 =	vld [tilespmem:$0xC40]  }
0xcf: {  	v1 =	vld [tilespmem:$0xC80]  }
0xd0: {  	v0 =	vld [tilespmem:$0xCC0]  }
0xd1: {  	v31 =	vld [tilespmem:$0x690]  }
0xd2: {  	v32 =	vld [tilespmem:$0x6D0]  }
0xd3: {  	v33 =	vld [tilespmem:$0x710]  }
0xd4: {  	v34 =	vld [tilespmem:$0x750]  }
0xd5: {  	v35 =	vld [tilespmem:$0x790]  }
0xd6: {  	v36 =	vld [tilespmem:$0x7D0]  }
0xd7: {  	v37 =	vld [tilespmem:$0x810]  }
0xd8: {  	v38 =	vld [tilespmem:$0x850]  }
0xd9: {  	v39 =	vld [tilespmem:$0x890]  }
0xda: {  	v40 =	vld [tilespmem:$0x8D0]  }
0xdb: {  	v41 =	vld [tilespmem:$0x910]  }
0xdc: {  	v42 =	vld [tilespmem:$0x950]  }
0xdd: {  	v43 =	vld [tilespmem:$0x990]  }
0xde: {  	v44 =	vld [tilespmem:$0x9D0]  }
0xdf: {  	v45 =	vld [tilespmem:$0xA10]  }
0xe0: {  	v46 =	vld [tilespmem:$0xA50]  }
0xe1: {  	v47 =	vld [tilespmem:$0xA90]  }
0xe2: {  	v48 =	vld [tilespmem:$0xAD0]  }
0xe3: {  	v49 =	vld [tilespmem:$0xB10]  }
0xe4: {  	v50 =	vld [tilespmem:$0xB50]  }
0xe5: {  	v51 =	vld [tilespmem:$0xB90]  }
0xe6: {  	v13 =	vld [tilespmem:$0xBD0]  }
0xe7: {  	v11 =	vld [tilespmem:$0xC10]  }
0xe8: {  	v9 =	vld [tilespmem:$0xC50]  }
0xe9: {  	v7 =	vld [tilespmem:$0xC90]  }
0xea: {  	v6 =	vld [tilespmem:$0xCD0]  }
0xeb: {  	v52 =	vld [tilespmem:$0x6A0]  }
0xec: {  	v53 =	vld [tilespmem:$0x6E0]  }
0xed: {  	v54 =	vld [tilespmem:$0x6B0]  }
0xee: {  	v55 =	vld [tilespmem:$0x6F0]  }
0xef: {  	v56 =	vld [tilespmem:$0x720]  }
0xf0: {  	v61 =	vld [tilespmem:$0x730];
	v15 =	vadd.f32 v16, v15  }
0xf1: {  	v62 =	vld [tilespmem:$0x760];
	v31 =	vadd.f32 v32, v31  }
0xf2: {  	v57 =	vld [tilespmem:$0x770];
	v63 =	vadd.f32 v53, v52;
	v15 =	vadd.f32 v17, v15  }
0xf3: {  	v59 =	vld [tilespmem:$0x7A0];
	v58 =	vadd.f32 v55, v54;
	v31 =	vadd.f32 v33, v31  }
0xf4: {  	v60 =	vld [tilespmem:$0x7B0];
	v17 =	vadd.f32 v56, v63;
	v15 =	vadd.f32 v18, v15  }
0xf5: {  	v16 =	vadd.f32 v61, v58;
	v61 =	vld [tilespmem:$0x7E0];
	v31 =	vadd.f32 v34, v31  }
0xf6: {  	v17 =	vadd.f32 v62, v17;
	v62 =	vld [tilespmem:$0x7F0];
	v15 =	vadd.f32 v19, v15  }
0xf7: {  	v63 =	vld [tilespmem:$0x820];
	v16 =	vadd.f32 v57, v16;
	v31 =	vadd.f32 v35, v31  }
0xf8: {  	v34 =	vld [tilespmem:$0x830];
	v17 =	vadd.f32 v59, v17;
	v15 =	vadd.f32 v20, v15  }
0xf9: {  	v16 =	vadd.f32 v60, v16;
	v35 =	vld [tilespmem:$0x860];
	v31 =	vadd.f32 v36, v31  }
0xfa: {  	v17 =	vadd.f32 v61, v17;
	v36 =	vld [tilespmem:$0x870];
	v15 =	vadd.f32 v21, v15  }
0xfb: {  	v52 =	vld [tilespmem:$0x8A0];
	v16 =	vadd.f32 v62, v16;
	v31 =	vadd.f32 v37, v31  }
0xfc: {  	v53 =	vld [tilespmem:$0x8B0];
	v17 =	vadd.f32 v63, v17;
	v15 =	vadd.f32 v22, v15  }
0xfd: {  	v54 =	vld [tilespmem:$0x8E0];
	v16 =	vadd.f32 v34, v16;
	v31 =	vadd.f32 v38, v31  }
0xfe: {  	v55 =	vld [tilespmem:$0x8F0];
	v17 =	vadd.f32 v35, v17;
	v15 =	vadd.f32 v23, v15  }
0xff: {  	v57 =	vld [tilespmem:$0x920];
	v16 =	vadd.f32 v36, v16;
	v56 =	vadd.f32 v39, v31  }
0x100: {  	v58 =	vld [tilespmem:$0x930];
	v17 =	vadd.f32 v52, v17;
	v15 =	vadd.f32 v24, v15  }
0x101: {  	v59 =	vld [tilespmem:$0x960];
	v16 =	vadd.f32 v53, v16;
	v23 =	vadd.f32 v40, v56  }
0x102: {  	v60 =	vld [tilespmem:$0x970];
	v17 =	vadd.f32 v54, v17;
	v15 =	vadd.f32 v25, v15  }
0x103: {  	v61 =	vld [tilespmem:$0x9A0];
	v16 =	vadd.f32 v55, v16;
	v23 =	vadd.f32 v41, v23  }
0x104: {  	v62 =	vld [tilespmem:$0x9B0];
	v17 =	vadd.f32 v57, v17;
	v15 =	vadd.f32 v26, v15  }
0x105: {  	v63 =	vld [tilespmem:$0x9E0];
	v16 =	vadd.f32 v58, v16;
	v23 =	vadd.f32 v42, v23  }
0x106: {  	v24 =	vld [tilespmem:$0x9F0];
	v17 =	vadd.f32 v59, v17;
	v15 =	vadd.f32 v27, v15  }
0x107: {  	v25 =	vld [tilespmem:$0xA20];
	v16 =	vadd.f32 v60, v16;
	v23 =	vadd.f32 v43, v23  }
0x108: {  	v26 =	vld [tilespmem:$0xA30];
	v17 =	vadd.f32 v61, v17;
	v15 =	vadd.f32 v28, v15  }
0x109: {  	v27 =	vld [tilespmem:$0xA60];
	v16 =	vadd.f32 v62, v16;
	v23 =	vadd.f32 v44, v23  }
0x10a: {  	v17 =	vadd.f32 v63, v17;
	v28 =	vld [tilespmem:$0xA70];
	v15 =	vadd.f32 v29, v15  }
0x10b: {  	v16 =	vadd.f32 v24, v16;
	v23 =	vadd.f32 v45, v23;
	v29 =	vld [tilespmem:$0xAA0]  }
0x10c: {  	v17 =	vadd.f32 v25, v17;
	v15 =	vadd.f32 v30, v15;
	v30 =	vld [tilespmem:$0xAB0]  }
0x10d: {  	v31 =	vld [tilespmem:$0xAE0];
	v16 =	vadd.f32 v26, v16;
	v23 =	vadd.f32 v46, v23  }
0x10e: {  	v33 =	vld [tilespmem:$0xAF0];
	v32 =	vadd.f32 v27, v17;
	v14 =	vadd.f32 v14, v15  }
0x10f: {  	v35 =	vld [tilespmem:$0xB20];
	v16 =	vadd.f32 v28, v16;
	v34 =	vadd.f32 v47, v23  }
0x110: {  	v37 =	vld [tilespmem:$0xB30];
	v36 =	vadd.f32 v29, v32;
	v12 =	vadd.f32 v12, v14  }
0x111: {  	v38 =	vld [tilespmem:$0xB60];
	v21 =	vadd.f32 v48, v34;
	v16 =	vadd.f32 v30, v16  }
0x112: {  	v40 =	vld [tilespmem:$0xB70];
	v39 =	vadd.f32 v31, v36;
	v10 =	vadd.f32 v10, v12  }
0x113: {  	v42 =	vld [tilespmem:$0xBA0];
	v41 =	vadd.f32 v49, v21;
	v16 =	vadd.f32 v33, v16  }
0x114: {  	v44 =	vld [tilespmem:$0xBB0];
	v43 =	vadd.f32 v35, v39;
	v8 =	vadd.f32 v8, v10  }
0x115: {  	v45 =	vld [tilespmem:$0xBE0];
	v18 =	vadd.f32 v50, v41;
	v15 =	vadd.f32 v37, v16  }
0x116: {  	v47 =	vld [tilespmem:$0xBF0];
	v46 =	vadd.f32 v38, v43;
	v5 =	vadd.f32 v5, v8  }
0x117: {  	v48 =	vld [tilespmem:$0xC20];
	v18 =	vadd.f32 v51, v18;
	v14 =	vadd.f32 v40, v15  }
0x118: {  	v50 =	vld [tilespmem:$0xC30];
	v49 =	vadd.f32 v42, v46;
	v4 =	vadd.f32 v4, v5  }
0x119: {  	v51 =	vld [tilespmem:$0xC60];
	v13 =	vadd.f32 v13, v18;
	v12 =	vadd.f32 v44, v14  }
0x11a: {  	v53 =	vld [tilespmem:$0xC70];
	v52 =	vadd.f32 v45, v49;
	v3 =	vadd.f32 v3, v4  }
0x11b: {  	v54 =	vld [tilespmem:$0xCA0];
	v11 =	vadd.f32 v11, v13;
	v10 =	vadd.f32 v47, v12  }
0x11c: {  	v56 =	vld [tilespmem:$0xCB0];
	v55 =	vadd.f32 v48, v52;
	v2 =	vadd.f32 v2, v3  }
0x11d: {  	v57 =	vld [tilespmem:$0xCE0];
	v9 =	vadd.f32 v9, v11;
	v8 =	vadd.f32 v50, v10  }
0x11e: {  	v59 =	vld [tilespmem:$0xCF0];
	v58 =	vadd.f32 v51, v55;
	v1 =	vadd.f32 v1, v2  }
0x11f: {  	v7 =	vadd.f32 v7, v9;
	v5 =	vadd.f32 v53, v8  }
0x120: {  	v60 =	vadd.f32 v54, v58;
	v0 =	vadd.f32 v0, v1  }
0x121: {  	v61 =	vadd.f32 v6, v7;
	v4 =	vadd.f32 v56, v5  }
0x122: {  	v62 =	vadd.f32 v57, v60;
	[tilespmem:$0xD00] =	vst v0  }
0x123: {  	[tilespmem:$0xD10] =	vst v61;
	v63 =	vadd.f32 v59, v4  }
0x124: {  	p0 =	sne.s32 s4, $0x1;
	[tilespmem:$0xD20] =	vst v62  }
.Ltmp0:
0x125: {  	s9 =	rddreg [dreg:$0x4];
	[tilespmem:$0xD30] =	vst v63;
	(pc) =	sbr.rel @p0 .LBB2_1-.Ltmp0, $4  }
0x126: {  	[hbm4b:s9+s2] =	stream.linear.scatter [tilespmem:s1], [sflag:$0x2], $0x40, $0x38;
	[tilespmem:$0xD40] =	vst v63  }
0x127: {  	_ =	swait.ge [sflag:s5], $0x40  }
0x128: {  	[sflag:s5] =	ssyncset.done $0x0  }
0x129: {  	s4 =	sadd.s32 $0xFFFFFFFF, s4;
	[sflag:s5] =	ssyncadd.s32 $0xFFFFFFC0  }
0x12a: {  	_ =	sfence.sel $0x180000  }
0x12b: {  	[bflag:$0x0] =	sbarrier.arrive $0xFFFF  }
0x12c: {  	_ =	strace $0x90000050  }
0x12d: {  	s0 =	stileid.u32;
	[bflag:$0x2] =	sbarrier.arrive $0xFFFF  }
0x12e: {  	p0 =	sne.s32 s0, $0x0;
	s0 =	rddreg [dreg:$0x2]  }
0x12f: {  	s0 =	sadd.s32 @!p0 $0x100000, s0  }
0x130: {  	[sflag:s0] =	ssyncadd.tile.s32 @!p0 $0x1;
	_ =	shalt  }
.Lfunc_end2:
_tile_overlayer_lowered:
.L_overlay_start_2:
0x131: {  	(tag) =	ssettag $0x2  }
0x132: {  	s0 =	rddreg [dreg:$0x0];
	s2 =	stileid.u32  }
0x133: {  	s1 =	rddreg [dreg:$0x1];
	p0 =	sne.s32 s2, $0x0  }
0x134: {  	s3 =	rddreg [dreg:$0x2];
	[bflag:$0x3] =	sbarrier.arrive $0xFFFF;
	s2 =	simm.s32 @!p0 $0x1C02  }
0x135: {  	[timem:s3], [sflag:s2] =	dma.local @!p0 [hbm:s0], s1  }
0x136: {  	s0 =	simm.s32 @!p0 $0x2  }
0x137: {  	_ =	swait.ge @!p0 [sflag:s0], s1  }
0x138: {  	s1 =	ssub.s32 @!p0 $0x0, s1;
	[sflag:s0] =	ssyncset.done @!p0 $0x0  }
0x139: {  	[sflag:s0] =	ssyncadd.s32 @!p0 s1  }
0x13a: {  	[bflag:$0x3] =	sbarrier.arrive $0xFFFF  }
0x13b: {  	_ =	shalt  }

// kernel: kernel.14.cloned.1.call-start
scs
__scs_entry_jumppad:
0x0: {  	(pc) =	sbr.rel $0x88, $3  }
0x1: {  	(tag) =	ssettag $0x0;
	lr =	simm.s32 $0x1  }
0x2: {  	[smem:$0x3F95] =	sst lr;
	_ =	strace $0xD0000000  }
0x3: {  	_ = 	snop  }
0x4: {  	_ = 	snop  }
0x5: {  	_ = 	snop  }
0x6: {  	_ = 	snop  }
0x7: {  	_ = 	snop  }
__scs_overlays_trampoline_lowered:
0x8: {  	[smem:$0x3FA4] =	sst s0  }
0x9: {  	[smem:$0x3FA5] =	sst s1  }
0xa: {  	[smem:$0x3FA6] =	sst s2  }
0xb: {  	[smem:$0x3FA7] =	sst s3  }
0xc: {  	[smem:$0x3FA8] =	sst s4  }
0xd: {  	[smem:$0x3FA9] =	sst s5  }
0xe: {  	[smem:$0x3FAA] =	sst s6  }
0xf: {  	[smem:$0x3FAB] =	sst s7  }
0x10: {  	[smem:$0x3FAC] =	sst s8  }
0x11: {  	[smem:$0x3FAD] =	sst s9;
	s0 =	simm.s32 @!p0 $0x0  }
0x12: {  	s1 =	sld [smem:$0x3F93];
	s0 =	simm.s32 @p0 $0x1  }
0x13: {  	[smem:$0x3FAE] =	sst s0;
	s0 =	simm.s32 @!p1 $0x0  }
0x14: {  	s2 =	sld [smem:$0x3F92];
	s0 =	simm.s32 @p1 $0x1  }
0x15: {  	[smem:$0x3FAF] =	sst s0;
	s0 =	simm.s32 @!p2 $0x0  }
0x16: {  	s3 =	sld [smem:$0x3FDB];
	s0 =	simm.s32 @p2 $0x1  }
0x17: {  	s4 =	simm.s32 $0x1BF5;
	[smem:$0x3FB1] =	sst s0  }
0x18: {  	s0 =	sld [smem:$0x3F94];
	_ =	swait.ge [sflag:s4], $0x0  }
0x19: {  	s7 =	sld [smem:$0x3F95]  }
0x1a: {  	s8 =	sadd.s32 $0xFFFFE003, lr  }
0x1b: {  	s9 =	sadd.s32 $0xFFFFFEF7, lr;
	s5 =	simm.s32 $0xFFFFFFFF;
	p2 =	slt.u32 s8, $0xFFFFF086  }
0x1c: {  	p1 =	slt.u32 s9, $0xF7A;
	s5 =	simm.s32 @!p2 $0x0  }
0x1d: {  	s5 =	simm.s32 @p1 $0x1;
	p0 =	seq.s32 s7, s2  }
0x1e: {  	s7 =	smul.u32 @!p0 $0xF7A, s2;
	p2 =	seq.s32 @!p0 s5, $0x0  }
0x1f: {  	s9 =	smul.u32 $0xF7A, s1;
	s8 =	simm.s32 @!p0 $0x1BF5;
	p2 =	por !p2, p0  }
0x20: {  	[sflag:s8] =	ssyncset.s32 @!p0 $0xFFFFF086;
	s6 =	sadd.s32 @!p0 s3, s7;
	s7 =	simm.s32 @!p0 $0x108  }
0x21: {  	s3 =	sadd.s32 s3, s9;
	s6 =	sadd.s32 @!p0 $0x88, s6;
	s7 =	simm.s32 @p2 $0x1082  }
0x22: {  	[simem:s7], [sflag:s8] =	dma.local @!p0 [hbm:s6], $0xF7A  }
0x23: {  	s9 =	sor.u32 $0xD0000000, s2;
	s6 =	simm.s32 $0x108;
	_ =	swait.ge @!p0 [sflag:s8], $0x0  }
0x24: {  	s3 =	sadd.s32 $0x88, s3;
	s6 =	simm.s32 @!p1 $0x1082;
	[sflag:s4] =	ssyncset.s32 $0xFFFFF086  }
0x25: {  	[simem:s6], [sflag:s4] =	dma.local [hbm:s3], $0xF7A  }
0x26: {  	[smem:$0x3F95] =	sst s1;
	(tag) =	ssettag s2;
	_ =	strace s9  }
0x27: {  	s1 =	sld [smem:$0x3FA5]  }
0x28: {  	s2 =	sld [smem:$0x3FA6]  }
0x29: {  	s4 =	sld [smem:$0x3FA8]  }
0x2a: {  	p0 =	seq.s32 s5, $0x0;
	s5 =	sld [smem:$0x3FA9]  }
0x2b: {  	s6 =	sld [smem:$0x3FAA]  }
0x2c: {  	s7 =	sld [smem:$0x3FAB]  }
0x2d: {  	s3 =	simm.s32 $0x108;
	s8 =	sld [smem:$0x3FAC]  }
0x2e: {  	s3 =	simm.s32 @!p0 $0x1082;
	s9 =	sld [smem:$0x3FAD]  }
0x2f: {  	lr =	sadd.s32 s0, s3;
	s0 =	sld [smem:$0x3FA4]  }
0x30: {  	s3 =	sld [smem:$0x3FA7]  }
0x31: {  	[smem:$0x3FB0] =	sst s10  }
0x32: {  	s10 =	sld [smem:$0x3FAE];
	_ =	sdelay $0x3  }
0x33: {  	p0 =	seq.s32 s10, $0x1;
	s10 =	sld [smem:$0x3FB0];
	_ =	sdelay $0x3  }
0x34: {  	[smem:$0x3FB0] =	sst s10  }
0x35: {  	s10 =	sld [smem:$0x3FAF];
	_ =	sdelay $0x3  }
0x36: {  	p1 =	seq.s32 s10, $0x1;
	s10 =	sld [smem:$0x3FB0];
	_ =	sdelay $0x3  }
0x37: {  	[smem:$0x3FB0] =	sst s10  }
0x38: {  	s10 =	sld [smem:$0x3FB1]  }
0x39: {  	_ = 	snop;
	(pc) =	sbr.ind lr, $3  }
0x3a: {  	_ = 	snop  }
0x3b: {  	_ = 	snop  }
0x3c: {  	p2 =	seq.s32 s10, $0x1;
	s10 =	sld [smem:$0x3FB0]  }
0x3d: {  	_ =	shalt  }
0x3e: {  	_ =	shalt  }
0x3f: {  	_ =	shalt  }
0x40: {  	_ =	shalt  }
0x41: {  	_ =	shalt  }
0x42: {  	_ =	shalt  }
0x43: {  	_ =	shalt  }
0x44: {  	_ =	shalt  }
0x45: {  	_ =	shalt  }
0x46: {  	_ =	shalt  }
0x47: {  	_ =	shalt  }
0x48: {  	_ =	shalt  }
0x49: {  	_ =	shalt  }
0x4a: {  	_ =	shalt  }
0x4b: {  	_ =	shalt  }
0x4c: {  	_ =	shalt  }
0x4d: {  	_ =	shalt  }
0x4e: {  	_ =	shalt  }
0x4f: {  	_ =	shalt  }
0x50: {  	_ =	shalt  }
0x51: {  	_ =	shalt  }
0x52: {  	_ =	shalt  }
0x53: {  	_ =	shalt  }
0x54: {  	_ =	shalt  }
0x55: {  	_ =	shalt  }
0x56: {  	_ =	shalt  }
0x57: {  	_ =	shalt  }
0x58: {  	_ =	shalt  }
0x59: {  	_ =	shalt  }
0x5a: {  	_ =	shalt  }
0x5b: {  	_ =	shalt  }
0x5c: {  	_ =	shalt  }
0x5d: {  	_ =	shalt  }
0x5e: {  	_ =	shalt  }
0x5f: {  	_ =	shalt  }
0x60: {  	_ =	shalt  }
0x61: {  	_ =	shalt  }
0x62: {  	_ =	shalt  }
0x63: {  	_ =	shalt  }
0x64: {  	_ =	shalt  }
0x65: {  	_ =	shalt  }
0x66: {  	_ =	shalt  }
0x67: {  	_ =	shalt  }
0x68: {  	_ =	shalt  }
0x69: {  	_ =	shalt  }
0x6a: {  	_ =	shalt  }
0x6b: {  	_ =	shalt  }
0x6c: {  	_ =	shalt  }
0x6d: {  	_ =	shalt  }
0x6e: {  	_ =	shalt  }
0x6f: {  	_ =	shalt  }
0x70: {  	_ =	shalt  }
0x71: {  	_ =	shalt  }
0x72: {  	_ =	shalt  }
0x73: {  	_ =	shalt  }
0x74: {  	_ =	shalt  }
0x75: {  	_ =	shalt  }
0x76: {  	_ =	shalt  }
0x77: {  	_ =	shalt  }
0x78: {  	_ =	shalt  }
0x79: {  	_ =	shalt  }
0x7a: {  	_ =	shalt  }
0x7b: {  	_ =	shalt  }
0x7c: {  	_ =	shalt  }
0x7d: {  	_ =	shalt  }
0x7e: {  	_ =	shalt  }
0x7f: {  	_ =	shalt  }
0x80: {  	_ =	shalt  }
0x81: {  	_ =	shalt  }
0x82: {  	_ =	shalt  }
0x83: {  	_ =	shalt  }
0x84: {  	_ =	shalt  }
0x85: {  	_ =	shalt  }
0x86: {  	_ =	shalt  }
0x87: {  	_ =	shalt  }
.Lfunc_end0:
.L_simem_size_0:
called_computation.2_lowered:
.L_overlay_start_0:
0x88: {  	s2 =	sld [smem:$0x3FD9]  }
0x89: {  	s3 =	sld [smem:$0x3FFE];
	_ =	sdelay $0x1  }
0x8a: {  	s1 =	srdreg.scid  }
0x8b: {  	s0 =	sand.u32 $0x1, s1  }
0x8c: {  	s16 =	sshll.u32 s0, $0xA;
	s2 =	sadd.s32 s3, s2  }
0x8d: {  	s2 =	sadd.s32 s2, s16  }
0x8e: {  	[smem:$0x3FBC] =	sst s2  }
0x8f: {  	_ = 	snop  }
0x90: {  	(tm) =	ssettm $0x1  }
0x91: {  	s17 =	sld [smem:$0x3FFB];
	_ =	sdelay $0x3  }
0x92: {  	_ =	strace s17  }
0x93: {  	s2 =	sld [smem:$0x3FFC];
	_ =	sdelay $0x3  }
0x94: {  	_ =	strace s2  }
0x95: {  	s2 =	sld [smem:$0x3FFD];
	_ =	sdelay $0x3  }
0x96: {  	_ =	strace s2  }
0x97: {  	_ =	strace $0x8FFFFFFF  }
0x98: {  	s18 =	sld [smem:$0x3FDB];
	_ =	sdelay $0x1  }
0x99: {  	s19 =	simm.s32 $_scs_section_size  }
0x9a: {  	s4 =	simm.s32 $_size__tile_overlayer_lowered;
	s5 =	simm.s32 $_tile_overlayer_lowered  }
0x9b: {  	s22 =	simm.s32 $0x1BFF;
	s21 =	sshll.u32 s5, $0x1;
	s2 =	sadd.s32 s19, s18  }
0x9c: {  	s6 =	simm.s32 $0x0;
	s20 =	sshll.u32 s4, $0x1;
	s4 =	sadd.s32 s21, s2  }
0x9d: {  	[timem:s6], [sflag:s22] =	dma.local [hbm:s4], s20  }
0x9e: {  	_ =	swait.ge [sflag:s22], s20  }
0x9f: {  	s3 =	ssub.s32 $0x0, s20;
	[sflag:s22] =	ssyncset.done $0x0  }
0xa0: {  	[sflag:s22] =	ssyncadd.s32 s3;
	_ =	sdelay $0x1  }
0xa1: {  	s23 =	simm.s32 $0x1B8B  }
0xa2: {  	_ =	swait.ge [sflag:s23], $0x1  }
0xa3: {  	[sflag:s23] =	ssyncset.done $0x0  }
0xa4: {  	s25 =	simm.s32 $0x1B8E;
	s24 =	sld [smem:$0x3FFE];
	[sflag:s23] =	ssyncadd.s32 $0xFFFFFFFF  }
0xa5: {  	s26 =	simm.s32 $execute0_lowered;
	[smem:$0x3FD2] =	sst s25  }
0xa6: {  	s4 =	sshll.u32 s26, $0x1;
	_ =	strace $0x80000046;
	[dreg:$0x1] =	wrdreg $0xFFFFFFFF  }
0xa7: {  	s28 =	simm.s32 $_size_execute0_lowered;
	s2 =	sadd.s32 s2, s4;
	[dreg:$0x0] =	wrdreg $0x0  }
0xa8: {  	s4 =	sshll.u32 s28, $0x1;
	[dreg:$0x2] =	wrdreg s2  }
0xa9: {  	[dreg:$0x3] =	wrdreg s4  }
0xaa: {  	[dreg:$0x4] =	wrdreg $0xC0  }
0xab: {  	_ =	task [dreg:s6], $0x5FFFF  }
0xac: {  	[dreg:$0x1] =	wrdreg $0xFFFFFFFF  }
0xad: {  	[dreg:$0x0] =	wrdreg $0x60  }
0xae: {  	[dreg:$0x2] =	wrdreg s24  }
0xaf: {  	[dreg:$0x3] =	wrdreg $0xB  }
0xb0: {  	_ =	task.clear_ibuf [dreg:s6], $0x4FFFF;
	_ =	strace $0x90000046  }
0xb1: {  	s29 =	simm.s32 $0xB;
	_ =	strace $0x80000048  }
0xb2: {  	_ =	swait.ge [sflag:s29], $0x1  }
0xb3: {  	[sflag:s29] =	ssyncadd.s32 $0xFFFFFFFF  }
0xb4: {  	_ =	strace $0x90000048  }
0xb5: {  	_ =	sfence  }
0xb6: {  	s30 =	sld [smem:$0x0];
	_ =	sdelay $0x2  }
0xb7: {  	s31 =	sshll.u32 s1, $0xD;
	s1 =	sshrl.u32 s1, $0x2  }
0xb8: {  	s3 =	sand.u32 $0x4000, s31;
	s1 =	sadd.s32 s1, s30  }
0xb9: {  	s0 =	sor.u32 s3, s0;
	s1 =	sshll.u32 s1, $0x11  }
0xba: {  	s0 =	sor.u32 s1, s0  }
0xbb: {  	s0 =	sadd.s32 $0x8F2B, s0  }
0xbc: {  	[sflag:s0] =	ssyncadd.remote.s32 $0x1  }
0xbd: {  	_ =	sfence.sel $0xFFFF  }
0xbe: {  	[dreg:$0x0] =	wrdreg $0xFFFFFFFF;
	(pc) =	sbr.abs _section_cstart, $3  }
0xbf: {  	[dreg:$0x1] =	wrdreg $0xFFFFFFFF  }
0xc0: {  	_ =	task.clear_ibuf [dreg:s6], $0x2FFFF;
	_ =	strace $0x9FFFFFFF  }
0xc1: {  	(tm) =	ssettm $0x7FFFFFFF  }
tec
execute0_lowered:
.L_overlay_start_1:
0x0: {  	(tag) =	ssettag $0x1  }
0x1: {  	s0 =	srdreg.scid  }
0x2: {  	s1 =	stileid.u32;
	s3 =	rddreg [dreg:$0x0]  }
0x3: {  	s2 =	simm.s32 $0x0;
	s29 =	simm.s32 $0x9;
	s13 =	simm.s32 $0x80  }
0x4: {  	s11 =	simm.s32 $0x2680;
	s30 =	simm.s32 $0x100;
	s31 =	simm.s32 $0x180  }
0x5: {  	s28 =	simm.s32 $0x200;
	s12 =	simm.s32 $0x7;
	s10 =	simm.s32 $0x4  }
0x6: {  	p0 =	por $0x0, $0x0;
	s0 =	sand.u32 $0x1, s0;
	s1 =	sshll.u32 s1, $0x1  }
0x7: {  	[smem:$0x7FF] =	sst s2;
	s5 =	sadd.s32 $0x4800, s3;
	s6 =	sadd.s32 $0xC800, s3  }
0x8: {  	s7 =	sadd.s32 $0x14800, s3;
	s8 =	sadd.s32 $0x1C800, s3;
	s9 =	sadd.s32 $0x18B200, s3  }
0x9: {  	s1 =	sor.u32 s0, s1;
	_ =	strace $0x80000047;
	s0 =	ssub.s32 $0x2, s0  }
0xa: {  	s4 =	smul.u32 $0xD0, s1;
	s1 =	sshll.u32 s1, $0xA;
	s24 =	sshrl.u32 s0, $0x1  }
0xb: {  	s20 =	sadd.s32 s5, s1;
	s19 =	sadd.s32 s1, s6;
	s21 =	sadd.s32 s1, s7  }
0xc: {  	s22 =	sadd.s32 s1, s8;
	s1 =	sor.u32 $0x20000, s1;
	s0 =	ssub.s32 s0, s24  }
0xd: {  	s24 =	simm.s32 $0x380;
	s4 =	sadd.s32 s4, s3;
	[dreg:$0x8] =	wrdreg s19  }
0xe: {  	s14 =	sadd.s32 $0x40000, s20;
	s15 =	sadd.s32 $0x48000, s20;
	[dreg:$0x9] =	wrdreg s21  }
0xf: {  	s16 =	sadd.s32 $0x50000, s20;
	s17 =	sadd.s32 $0x58000, s20;
	[dreg:$0xa] =	wrdreg s22  }
0x10: {  	s18 =	sadd.s32 $0x60000, s20;
	s23 =	sadd.s32 s5, s1;
	[dreg:$0x3] =	wrdreg s14  }
0x11: {  	s25 =	sadd.s32 s1, s6;
	s26 =	sadd.s32 s1, s7;
	[dreg:$0x4] =	wrdreg s15  }
0x12: {  	s0 =	smax.u32 s0, $0x1;
	s3 =	simm.s32 $0x680;
	[dreg:$0x5] =	wrdreg s16  }
0x13: {  	s7 =	simm.s32 $0x4680;
	s6 =	simm.s32 $0x6680;
	[dreg:$0x6] =	wrdreg s17  }
0x14: {  	s5 =	simm.s32 $0x1;
	s22 =	simm.s32 $0x480;
	[dreg:$0x7] =	wrdreg s18  }
0x15: {  	s21 =	simm.s32 $0x500;
	s19 =	simm.s32 $0x580;
	[dreg:$0xb] =	wrdreg s23  }
0x16: {  	s4 =	sadd.s32 $0x2E00, s4;
	[dreg:$0xc] =	wrdreg s25;
	p1 =	sne.s32 s0, $0x1  }
.Ltmp0:
0x17: {  	[dreg:$0xd] =	wrdreg s26;
	s17 =	sadd.s32 s1, s8;
	(pc) =	sbr.rel @!p1 .LBB2_3-.Ltmp0, $4  }
0x18: {  	s16 =	simm.s32 $0x2;
	s15 =	simm.s32 $0x6;
	s26 =	simm.s32 $0x280  }
0x19: {  	s14 =	simm.s32 $0x3;
	s25 =	simm.s32 $0x300;
	s8 =	simm.s32 $0x8  }
0x1a: {  	s1 =	sadd.s32 $0xFFFFFFFF, s0;
	s23 =	simm.s32 $0x400;
	[dreg:$0x2] =	wrdreg s4  }
0x1b: {  	s18 =	simm.s32 $0x600;
	s4 =	simm.s32 $0x5;
	s0 =	rddreg [dreg:$0x2]  }
0x1c: {  	[tilespmem:s2], [sflag:$0x9] =	stream.linear.gather [hbm4b:s0+s2], $0x680, $0x38;
	[tilespmem:$0x8680] =	vst v63  }
0x1d: {  	_ =	swait.ge [sflag:s29], $0x680  }
0x1e: {  	[sflag:s29] =	ssyncset.done $0x0  }
0x1f: {  	[sflag:s29] =	ssyncadd.s32 $0xFFFFF980  }
0x20: {  	[tilespmem:s3], [sflag:$0x1] =	stream.indirect.gather [hbm4b:s9+s13], $0x40, s2, s13, $0xb8;
	[tilespmem:$0x8680] =	vst v63  }
0x21: {  	_ = 	snop  }
0x22: {  	[tilespmem:s11], [sflag:$0x2] =	stream.indirect.gather [hbm4b:s9+s13], $0x40, s13, s13, $0xb8;
	[tilespmem:$0x8680] =	vst v63  }
0x23: {  	_ = 	snop  }
0x24: {  	[tilespmem:s7], [sflag:$0x3] =	stream.indirect.gather [hbm4b:s9+s13], $0x40, s30, s13, $0xb8;
	[tilespmem:$0x8680] =	vst v63  }
0x25: {  	_ = 	snop  }
0x26: {  	[tilespmem:s6], [sflag:$0x4] =	stream.indirect.gather [hbm4b:s9+s13], $0x40, s31, s13, $0xb8;
	[tilespmem:$0x8680] =	vst v63  }
0x27: {  	_ =	swait.ge [sflag:s5], $0x2000  }
0x28: {  	[sflag:s5] =	ssyncset.done $0x0  }
0x29: {  	[sflag:s5] =	ssyncadd.s32 $0xFFFFE000  }
0x2a: {  	[hbm4b:s20+s2] =	stream.linear.scatter [tilespmem:s3], [sflag:$0x5], $0x2000, $0x38;
	[tilespmem:$0x8680] =	vst v63  }
0x2b: {  	_ =	swait.ge [sflag:s4], $0x2000  }
0x2c: {  	[sflag:s4] =	ssyncset.done $0x0  }
0x2d: {  	[sflag:s4] =	ssyncadd.s32 $0xFFFFE000  }
0x2e: {  	[tilespmem:s3], [sflag:$0x1] =	stream.indirect.gather [hbm4b:s9+s13], $0x40, s28, s13, $0xb8;
	[tilespmem:$0x8680] =	vst v63  }
0x2f: {  	_ =	swait.ge [sflag:s16], $0x2000  }
0x30: {  	[sflag:s16] =	ssyncset.done $0x0  }
0x31: {  	s0 =	rddreg [dreg:$0x8];
	[sflag:s16] =	ssyncadd.s32 $0xFFFFE000  }
0x32: {  	[hbm4b:s0+s2] =	stream.linear.scatter [tilespmem:s11], [sflag:$0x6], $0x2000, $0x38;
	[tilespmem:$0x8680] =	vst v63  }
0x33: {  	_ =	swait.ge [sflag:s15], $0x2000  }
0x34: {  	[sflag:s15] =	ssyncset.done $0x0  }
0x35: {  	[sflag:s15] =	ssyncadd.s32 $0xFFFFE000  }
0x36: {  	[tilespmem:s11], [sflag:$0x2] =	stream.indirect.gather [hbm4b:s9+s13], $0x40, s26, s13, $0xb8;
	[tilespmem:$0x8680] =	vst v63  }
0x37: {  	_ =	swait.ge [sflag:s14], $0x2000  }
0x38: {  	[sflag:s14] =	ssyncset.done $0x0  }
0x39: {  	s0 =	rddreg [dreg:$0x9];
	[sflag:s14] =	ssyncadd.s32 $0xFFFFE000  }
0x3a: {  	[hbm4b:s0+s2] =	stream.linear.scatter [tilespmem:s7], [sflag:$0x7], $0x2000, $0x38;
	[tilespmem:$0x8680] =	vst v63  }
0x3b: {  	_ =	swait.ge [sflag:s12], $0x2000  }
0x3c: {  	[sflag:s12] =	ssyncset.done $0x0  }
0x3d: {  	[sflag:s12] =	ssyncadd.s32 $0xFFFFE000  }
0x3e: {  	[tilespmem:s7], [sflag:$0x3] =	stream.indirect.gather [hbm4b:s9+s13], $0x40, s25, s13, $0xb8;
	[tilespmem:$0x8680] =	vst v63  }
0x3f: {  	_ =	swait.ge [sflag:s10], $0x2000  }
0x40: {  	[sflag:s10] =	ssyncset.done $0x0  }
0x41: {  	s0 =	rddreg [dreg:$0xa];
	[sflag:s10] =	ssyncadd.s32 $0xFFFFE000  }
0x42: {  	[hbm4b:s0+s2] =	stream.linear.scatter [tilespmem:s6], [sflag:$0x8], $0x2000, $0x38;
	[tilespmem:$0x8680] =	vst v63  }
0x43: {  	_ =	swait.ge [sflag:s8], $0x2000  }
0x44: {  	[sflag:s8] =	ssyncset.done $0x0  }
0x45: {  	[sflag:s8] =	ssyncadd.s32 $0xFFFFE000  }
0x46: {  	[tilespmem:s6], [sflag:$0x4] =	stream.indirect.gather [hbm4b:s9+s13], $0x40, s24, s13, $0xb8;
	[tilespmem:$0x8680] =	vst v63  }
0x47: {  	_ =	swait.ge [sflag:s5], $0x2000  }
0x48: {  	[sflag:s5] =	ssyncset.done $0x0  }
0x49: {  	s0 =	rddreg [dreg:$0xb];
	[sflag:s5] =	ssyncadd.s32 $0xFFFFE000  }
0x4a: {  	[hbm4b:s0+s2] =	stream.linear.scatter [tilespmem:s3], [sflag:$0x5], $0x2000, $0x38;
	[tilespmem:$0x8680] =	vst v63  }
0x4b: {  	_ =	swait.ge [sflag:s4], $0x2000  }
0x4c: {  	[sflag:s4] =	ssyncset.done $0x0  }
0x4d: {  	[sflag:s4] =	ssyncadd.s32 $0xFFFFE000  }
0x4e: {  	[tilespmem:s3], [sflag:$0x1] =	stream.indirect.gather [hbm4b:s9+s13], $0x40, s23, s13, $0xb8;
	[tilespmem:$0x8680] =	vst v63  }
0x4f: {  	_ =	swait.ge [sflag:s16], $0x2000  }
0x50: {  	[sflag:s16] =	ssyncset.done $0x0  }
0x51: {  	s0 =	rddreg [dreg:$0xc];
	[sflag:s16] =	ssyncadd.s32 $0xFFFFE000  }
0x52: {  	[hbm4b:s0+s2] =	stream.linear.scatter [tilespmem:s11], [sflag:$0x6], $0x2000, $0x38;
	[tilespmem:$0x8680] =	vst v63  }
0x53: {  	_ =	swait.ge [sflag:s15], $0x2000  }
0x54: {  	[sflag:s15] =	ssyncset.done $0x0  }
0x55: {  	[sflag:s15] =	ssyncadd.s32 $0xFFFFE000  }
0x56: {  	[tilespmem:s11], [sflag:$0x2] =	stream.indirect.gather [hbm4b:s9+s13], $0x40, s22, s13, $0xb8;
	[tilespmem:$0x8680] =	vst v63  }
0x57: {  	_ =	swait.ge [sflag:s14], $0x2000  }
0x58: {  	[sflag:s14] =	ssyncset.done $0x0  }
0x59: {  	s0 =	rddreg [dreg:$0xd];
	[sflag:s14] =	ssyncadd.s32 $0xFFFFE000  }
0x5a: {  	[hbm4b:s0+s2] =	stream.linear.scatter [tilespmem:s7], [sflag:$0x7], $0x2000, $0x38;
	[tilespmem:$0x8680] =	vst v63  }
0x5b: {  	_ =	swait.ge [sflag:s12], $0x2000  }
0x5c: {  	[sflag:s12] =	ssyncset.done $0x0  }
0x5d: {  	[sflag:s12] =	ssyncadd.s32 $0xFFFFE000  }
0x5e: {  	[tilespmem:s7], [sflag:$0x3] =	stream.indirect.gather [hbm4b:s9+s13], $0x40, s21, s13, $0xb8;
	[tilespmem:$0x8680] =	vst v63  }
0x5f: {  	_ =	swait.ge [sflag:s10], $0x2000  }
0x60: {  	[sflag:s10] =	ssyncset.done $0x0  }
0x61: {  	[sflag:s10] =	ssyncadd.s32 $0xFFFFE000  }
0x62: {  	[hbm4b:s17+s2] =	stream.linear.scatter [tilespmem:s6], [sflag:$0x8], $0x2000, $0x38;
	[tilespmem:$0x8680] =	vst v63  }
0x63: {  	_ =	swait.ge [sflag:s8], $0x2000  }
0x64: {  	[sflag:s8] =	ssyncset.done $0x0  }
0x65: {  	[sflag:s8] =	ssyncadd.s32 $0xFFFFE000  }
0x66: {  	[tilespmem:s6], [sflag:$0x4] =	stream.indirect.gather [hbm4b:s9+s13], $0x40, s19, s13, $0xb8;
	[tilespmem:$0x8680] =	vst v63  }
0x67: {  	_ =	swait.ge [sflag:s5], $0x2000  }
0x68: {  	[sflag:s5] =	ssyncset.done $0x0  }
0x69: {  	s0 =	rddreg [dreg:$0x3];
	[sflag:s5] =	ssyncadd.s32 $0xFFFFE000  }
0x6a: {  	[hbm4b:s0+s2] =	stream.linear.scatter [tilespmem:s3], [sflag:$0x5], $0x2000, $0x38;
	[tilespmem:$0x8680] =	vst v63  }
0x6b: {  	_ =	swait.ge [sflag:s4], $0x2000  }
0x6c: {  	[sflag:s4] =	ssyncset.done $0x0  }
0x6d: {  	[sflag:s4] =	ssyncadd.s32 $0xFFFFE000  }
0x6e: {  	[tilespmem:s3], [sflag:$0x1] =	stream.indirect.gather [hbm4b:s9+s13], $0x40, s18, s13, $0xb8;
	[tilespmem:$0x8680] =	vst v63  }
0x6f: {  	_ =	swait.ge [sflag:s16], $0x2000  }
0x70: {  	[sflag:s16] =	ssyncset.done $0x0  }
0x71: {  	s0 =	rddreg [dreg:$0x4];
	[sflag:s16] =	ssyncadd.s32 $0xFFFFE000  }
0x72: {  	[hbm4b:s0+s2] =	stream.linear.scatter [tilespmem:s11], [sflag:$0x6], $0x2000, $0x38;
	[tilespmem:$0x8680] =	vst v63  }
0x73: {  	_ =	swait.ge [sflag:s15], $0x2000  }
0x74: {  	[sflag:s15] =	ssyncset.done $0x0  }
0x75: {  	[sflag:s15] =	ssyncadd.s32 $0xFFFFE000  }
0x76: {  	_ =	swait.ge [sflag:s14], $0x2000  }
0x77: {  	[sflag:s14] =	ssyncset.done $0x0  }
0x78: {  	s0 =	rddreg [dreg:$0x5];
	[sflag:s14] =	ssyncadd.s32 $0xFFFFE000  }
0x79: {  	[hbm4b:s0+s2] =	stream.linear.scatter [tilespmem:s7], [sflag:$0x7], $0x2000, $0x38;
	[tilespmem:$0x8680] =	vst v63  }
0x7a: {  	_ =	swait.ge [sflag:s12], $0x2000  }
0x7b: {  	[sflag:s12] =	ssyncset.done $0x0  }
0x7c: {  	[sflag:s12] =	ssyncadd.s32 $0xFFFFE000  }
0x7d: {  	_ =	swait.ge [sflag:s10], $0x2000  }
0x7e: {  	[sflag:s10] =	ssyncset.done $0x0  }
0x7f: {  	s0 =	rddreg [dreg:$0x6];
	[sflag:s10] =	ssyncadd.s32 $0xFFFFE000  }
0x80: {  	[hbm4b:s0+s2] =	stream.linear.scatter [tilespmem:s6], [sflag:$0x8], $0x2000, $0x38;
	[tilespmem:$0x8680] =	vst v63  }
0x81: {  	_ =	swait.ge [sflag:s8], $0x2000  }
0x82: {  	[sflag:s8] =	ssyncset.done $0x0  }
0x83: {  	[sflag:s8] =	ssyncadd.s32 $0xFFFFE000  }
0x84: {  	p1 =	sne.s32 s1, $0x1;
	_ =	swait.ge [sflag:s5], $0x2000  }
.Ltmp1:
0x85: {  	[sflag:s5] =	ssyncset.done $0x0;
	(pc) =	sbr.rel @!p1 .LBB2_3-.Ltmp1, $4  }
0x86: {  	s0 =	rddreg [dreg:$0x7];
	[sflag:s5] =	ssyncadd.s32 $0xFFFFE000  }
0x87: {  	[hbm4b:s0+s2] =	stream.linear.scatter [tilespmem:s3], [sflag:$0x5], $0x2000, $0x38;
	[tilespmem:$0x8680] =	vst v63  }
0x88: {  	s1 =	sadd.s32 $0xFFFFFFFF, s1;
	_ =	swait.ge [sflag:s4], $0x2000  }
0x89: {  	p0 =	por $0x1, $0x1;
	s0 =	rddreg [dreg:$0x2];
	[sflag:s4] =	ssyncset.done $0x0  }
.LBB2_2:
0x8a: {  	[sflag:s4] =	ssyncadd.s32 $0xFFFFE000  }
0x8b: {  	[tilespmem:s2], [sflag:$0x9] =	stream.linear.gather [hbm4b:s0+s2], $0x680, $0x38;
	[tilespmem:$0x8680] =	vst v63  }
0x8c: {  	_ =	swait.ge [sflag:s29], $0x680  }
0x8d: {  	[sflag:s29] =	ssyncset.done $0x0  }
0x8e: {  	[sflag:s29] =	ssyncadd.s32 $0xFFFFF980  }
0x8f: {  	[tilespmem:s3], [sflag:$0x1] =	stream.indirect.gather [hbm4b:s9+s13], $0x40, s2, s13, $0xb8;
	[tilespmem:$0x8680] =	vst v63  }
0x90: {  	_ = 	snop  }
0x91: {  	[tilespmem:s11], [sflag:$0x2] =	stream.indirect.gather [hbm4b:s9+s13], $0x40, s13, s13, $0xb8;
	[tilespmem:$0x8680] =	vst v63  }
0x92: {  	_ = 	snop  }
0x93: {  	[tilespmem:s7], [sflag:$0x3] =	stream.indirect.gather [hbm4b:s9+s13], $0x40, s30, s13, $0xb8;
	[tilespmem:$0x8680] =	vst v63  }
0x94: {  	_ = 	snop  }
0x95: {  	[tilespmem:s6], [sflag:$0x4] =	stream.indirect.gather [hbm4b:s9+s13], $0x40, s31, s13, $0xb8;
	[tilespmem:$0x8680] =	vst v63  }
0x96: {  	_ =	swait.ge [sflag:s5], $0x2000  }
0x97: {  	[sflag:s5] =	ssyncset.done $0x0  }
0x98: {  	[sflag:s5] =	ssyncadd.s32 $0xFFFFE000  }
0x99: {  	[hbm4b:s20+s2] =	stream.linear.scatter [tilespmem:s3], [sflag:$0x5], $0x2000, $0x38;
	[tilespmem:$0x8680] =	vst v63  }
0x9a: {  	_ =	swait.ge [sflag:s4], $0x2000  }
0x9b: {  	[sflag:s4] =	ssyncset.done $0x0  }
0x9c: {  	[sflag:s4] =	ssyncadd.s32 $0xFFFFE000  }
0x9d: {  	[tilespmem:s3], [sflag:$0x1] =	stream.indirect.gather [hbm4b:s9+s13], $0x40, s28, s13, $0xb8;
	[tilespmem:$0x8680] =	vst v63  }
0x9e: {  	_ =	swait.ge [sflag:s16], $0x2000  }
0x9f: {  	[sflag:s16] =	ssyncset.done $0x0  }
0xa0: {  	s0 =	rddreg [dreg:$0x8];
	[sflag:s16] =	ssyncadd.s32 $0xFFFFE000  }
0xa1: {  	[hbm4b:s0+s2] =	stream.linear.scatter [tilespmem:s11], [sflag:$0x6], $0x2000, $0x38;
	[tilespmem:$0x8680] =	vst v63  }
0xa2: {  	_ =	swait.ge [sflag:s15], $0x2000  }
0xa3: {  	[sflag:s15] =	ssyncset.done $0x0  }
0xa4: {  	[sflag:s15] =	ssyncadd.s32 $0xFFFFE000  }
0xa5: {  	[tilespmem:s11], [sflag:$0x2] =	stream.indirect.gather [hbm4b:s9+s13], $0x40, s26, s13, $0xb8;
	[tilespmem:$0x8680] =	vst v63  }
0xa6: {  	_ =	swait.ge [sflag:s14], $0x2000  }
0xa7: {  	[sflag:s14] =	ssyncset.done $0x0  }
0xa8: {  	s0 =	rddreg [dreg:$0x9];
	[sflag:s14] =	ssyncadd.s32 $0xFFFFE000  }
0xa9: {  	[hbm4b:s0+s2] =	stream.linear.scatter [tilespmem:s7], [sflag:$0x7], $0x2000, $0x38;
	[tilespmem:$0x8680] =	vst v63  }
0xaa: {  	_ =	swait.ge [sflag:s12], $0x2000  }
0xab: {  	[sflag:s12] =	ssyncset.done $0x0  }
0xac: {  	[sflag:s12] =	ssyncadd.s32 $0xFFFFE000  }
0xad: {  	[tilespmem:s7], [sflag:$0x3] =	stream.indirect.gather [hbm4b:s9+s13], $0x40, s25, s13, $0xb8;
	[tilespmem:$0x8680] =	vst v63  }
0xae: {  	_ =	swait.ge [sflag:s10], $0x2000  }
0xaf: {  	[sflag:s10] =	ssyncset.done $0x0  }
0xb0: {  	s0 =	rddreg [dreg:$0xa];
	[sflag:s10] =	ssyncadd.s32 $0xFFFFE000  }
0xb1: {  	[hbm4b:s0+s2] =	stream.linear.scatter [tilespmem:s6], [sflag:$0x8], $0x2000, $0x38;
	[tilespmem:$0x8680] =	vst v63  }
0xb2: {  	_ =	swait.ge [sflag:s8], $0x2000  }
0xb3: {  	[sflag:s8] =	ssyncset.done $0x0  }
0xb4: {  	[sflag:s8] =	ssyncadd.s32 $0xFFFFE000  }
0xb5: {  	[tilespmem:s6], [sflag:$0x4] =	stream.indirect.gather [hbm4b:s9+s13], $0x40, s24, s13, $0xb8;
	[tilespmem:$0x8680] =	vst v63  }
0xb6: {  	_ =	swait.ge [sflag:s5], $0x2000  }
0xb7: {  	[sflag:s5] =	ssyncset.done $0x0  }
0xb8: {  	s0 =	rddreg [dreg:$0xb];
	[sflag:s5] =	ssyncadd.s32 $0xFFFFE000  }
0xb9: {  	[hbm4b:s0+s2] =	stream.linear.scatter [tilespmem:s3], [sflag:$0x5], $0x2000, $0x38;
	[tilespmem:$0x8680] =	vst v63  }
0xba: {  	_ =	swait.ge [sflag:s4], $0x2000  }
0xbb: {  	[sflag:s4] =	ssyncset.done $0x0  }
0xbc: {  	[sflag:s4] =	ssyncadd.s32 $0xFFFFE000  }
0xbd: {  	[tilespmem:s3], [sflag:$0x1] =	stream.indirect.gather [hbm4b:s9+s13], $0x40, s23, s13, $0xb8;
	[tilespmem:$0x8680] =	vst v63  }
0xbe: {  	_ =	swait.ge [sflag:s16], $0x2000  }
0xbf: {  	[sflag:s16] =	ssyncset.done $0x0  }
0xc0: {  	s0 =	rddreg [dreg:$0xc];
	[sflag:s16] =	ssyncadd.s32 $0xFFFFE000  }
0xc1: {  	[hbm4b:s0+s2] =	stream.linear.scatter [tilespmem:s11], [sflag:$0x6], $0x2000, $0x38;
	[tilespmem:$0x8680] =	vst v63  }
0xc2: {  	_ =	swait.ge [sflag:s15], $0x2000  }
0xc3: {  	[sflag:s15] =	ssyncset.done $0x0  }
0xc4: {  	[sflag:s15] =	ssyncadd.s32 $0xFFFFE000  }
0xc5: {  	[tilespmem:s11], [sflag:$0x2] =	stream.indirect.gather [hbm4b:s9+s13], $0x40, s22, s13, $0xb8;
	[tilespmem:$0x8680] =	vst v63  }
0xc6: {  	_ =	swait.ge [sflag:s14], $0x2000  }
0xc7: {  	[sflag:s14] =	ssyncset.done $0x0  }
0xc8: {  	s0 =	rddreg [dreg:$0xd];
	[sflag:s14] =	ssyncadd.s32 $0xFFFFE000  }
0xc9: {  	[hbm4b:s0+s2] =	stream.linear.scatter [tilespmem:s7], [sflag:$0x7], $0x2000, $0x38;
	[tilespmem:$0x8680] =	vst v63  }
0xca: {  	_ =	swait.ge [sflag:s12], $0x2000  }
0xcb: {  	[sflag:s12] =	ssyncset.done $0x0  }
0xcc: {  	[sflag:s12] =	ssyncadd.s32 $0xFFFFE000  }
0xcd: {  	[tilespmem:s7], [sflag:$0x3] =	stream.indirect.gather [hbm4b:s9+s13], $0x40, s21, s13, $0xb8;
	[tilespmem:$0x8680] =	vst v63  }
0xce: {  	_ =	swait.ge [sflag:s10], $0x2000  }
0xcf: {  	[sflag:s10] =	ssyncset.done $0x0  }
0xd0: {  	[sflag:s10] =	ssyncadd.s32 $0xFFFFE000  }
0xd1: {  	[hbm4b:s17+s2] =	stream.linear.scatter [tilespmem:s6], [sflag:$0x8], $0x2000, $0x38;
	[tilespmem:$0x8680] =	vst v63  }
0xd2: {  	_ =	swait.ge [sflag:s8], $0x2000  }
0xd3: {  	[sflag:s8] =	ssyncset.done $0x0  }
0xd4: {  	[sflag:s8] =	ssyncadd.s32 $0xFFFFE000  }
0xd5: {  	[tilespmem:s6], [sflag:$0x4] =	stream.indirect.gather [hbm4b:s9+s13], $0x40, s19, s13, $0xb8;
	[tilespmem:$0x8680] =	vst v63  }
0xd6: {  	_ =	swait.ge [sflag:s5], $0x2000  }
0xd7: {  	[sflag:s5] =	ssyncset.done $0x0  }
0xd8: {  	s0 =	rddreg [dreg:$0x3];
	[sflag:s5] =	ssyncadd.s32 $0xFFFFE000  }
0xd9: {  	[hbm4b:s0+s2] =	stream.linear.scatter [tilespmem:s3], [sflag:$0x5], $0x2000, $0x38;
	[tilespmem:$0x8680] =	vst v63  }
0xda: {  	_ =	swait.ge [sflag:s4], $0x2000  }
0xdb: {  	[sflag:s4] =	ssyncset.done $0x0  }
0xdc: {  	[sflag:s4] =	ssyncadd.s32 $0xFFFFE000  }
0xdd: {  	[tilespmem:s3], [sflag:$0x1] =	stream.indirect.gather [hbm4b:s9+s13], $0x40, s18, s13, $0xb8;
	[tilespmem:$0x8680] =	vst v63  }
0xde: {  	_ =	swait.ge [sflag:s16], $0x2000  }
0xdf: {  	[sflag:s16] =	ssyncset.done $0x0  }
0xe0: {  	s0 =	rddreg [dreg:$0x4];
	[sflag:s16] =	ssyncadd.s32 $0xFFFFE000  }
0xe1: {  	[hbm4b:s0+s2] =	stream.linear.scatter [tilespmem:s11], [sflag:$0x6], $0x2000, $0x38;
	[tilespmem:$0x8680] =	vst v63  }
0xe2: {  	_ =	swait.ge [sflag:s15], $0x2000  }
0xe3: {  	[sflag:s15] =	ssyncset.done $0x0  }
0xe4: {  	[sflag:s15] =	ssyncadd.s32 $0xFFFFE000  }
0xe5: {  	_ =	swait.ge [sflag:s14], $0x2000  }
0xe6: {  	[sflag:s14] =	ssyncset.done $0x0  }
0xe7: {  	s0 =	rddreg [dreg:$0x5];
	[sflag:s14] =	ssyncadd.s32 $0xFFFFE000  }
0xe8: {  	[hbm4b:s0+s2] =	stream.linear.scatter [tilespmem:s7], [sflag:$0x7], $0x2000, $0x38;
	[tilespmem:$0x8680] =	vst v63  }
0xe9: {  	_ =	swait.ge [sflag:s12], $0x2000  }
0xea: {  	[sflag:s12] =	ssyncset.done $0x0  }
0xeb: {  	[sflag:s12] =	ssyncadd.s32 $0xFFFFE000  }
0xec: {  	_ =	swait.ge [sflag:s10], $0x2000  }
0xed: {  	[sflag:s10] =	ssyncset.done $0x0  }
0xee: {  	s0 =	rddreg [dreg:$0x6];
	[sflag:s10] =	ssyncadd.s32 $0xFFFFE000  }
0xef: {  	[hbm4b:s0+s2] =	stream.linear.scatter [tilespmem:s6], [sflag:$0x8], $0x2000, $0x38;
	[tilespmem:$0x8680] =	vst v63  }
0xf0: {  	_ =	swait.ge [sflag:s8], $0x2000  }
0xf1: {  	[sflag:s8] =	ssyncset.done $0x0  }
0xf2: {  	[sflag:s8] =	ssyncadd.s32 $0xFFFFE000  }
0xf3: {  	p1 =	sne.s32 s1, $0x1;
	_ =	swait.ge [sflag:s5], $0x2000  }
.Ltmp2:
0xf4: {  	[sflag:s5] =	ssyncset.done $0x0;
	(pc) =	sbr.rel @p1 .LBB2_2-.Ltmp2, $4  }
0xf5: {  	s0 =	rddreg [dreg:$0x7];
	[sflag:s5] =	ssyncadd.s32 $0xFFFFE000  }
0xf6: {  	[hbm4b:s0+s2] =	stream.linear.scatter [tilespmem:s3], [sflag:$0x5], $0x2000, $0x38;
	[tilespmem:$0x8680] =	vst v63  }
0xf7: {  	_ =	swait.ge [sflag:s4], $0x2000  }
0xf8: {  	s1 =	sadd.s32 $0xFFFFFFFF, s1;
	s0 =	rddreg [dreg:$0x2];
	[sflag:s4] =	ssyncset.done $0x0  }
.LBB2_3:
0xf9: {  	[sflag:s4] =	ssyncadd.s32 @p0 $0xFFFFE000  }
0xfa: {  	[tilespmem:s2], [sflag:$0x9] =	stream.linear.gather [hbm4b:s0+s2], $0x680, $0x38;
	[tilespmem:$0x8680] =	vst v63  }
0xfb: {  	_ =	swait.ge [sflag:s29], $0x680  }
0xfc: {  	[sflag:s29] =	ssyncset.done $0x0  }
0xfd: {  	[sflag:s29] =	ssyncadd.s32 $0xFFFFF980  }
0xfe: {  	[tilespmem:s3], [sflag:$0x1] =	stream.indirect.gather [hbm4b:s9+s13], $0x40, s2, s13, $0xb8;
	[tilespmem:$0x8680] =	vst v63  }
0xff: {  	_ = 	snop  }
0x100: {  	[tilespmem:s11], [sflag:$0x2] =	stream.indirect.gather [hbm4b:s9+s13], $0x40, s13, s13, $0xb8;
	[tilespmem:$0x8680] =	vst v63  }
0x101: {  	_ = 	snop  }
0x102: {  	[tilespmem:s7], [sflag:$0x3] =	stream.indirect.gather [hbm4b:s9+s13], $0x40, s30, s13, $0xb8;
	[tilespmem:$0x8680] =	vst v63  }
0x103: {  	_ = 	snop  }
0x104: {  	[tilespmem:s6], [sflag:$0x4] =	stream.indirect.gather [hbm4b:s9+s13], $0x40, s31, s13, $0xb8;
	[tilespmem:$0x8680] =	vst v63  }
0x105: {  	_ =	swait.ge [sflag:s5], $0x2000  }
0x106: {  	[sflag:s5] =	ssyncset.done $0x0  }
0x107: {  	[sflag:s5] =	ssyncadd.s32 $0xFFFFE000  }
0x108: {  	[hbm4b:s20+s2] =	stream.linear.scatter [tilespmem:s3], [sflag:$0x5], $0x2000, $0x38;
	[tilespmem:$0x8680] =	vst v63  }
0x109: {  	_ =	swait.ge [sflag:s4], $0x2000  }
0x10a: {  	[sflag:s4] =	ssyncset.done $0x0  }
0x10b: {  	[sflag:s4] =	ssyncadd.s32 $0xFFFFE000  }
0x10c: {  	[tilespmem:s3], [sflag:$0x1] =	stream.indirect.gather [hbm4b:s9+s13], $0x40, s28, s13, $0xb8;
	[tilespmem:$0x8680] =	vst v63  }
0x10d: {  	_ =	swait.ge [sflag:s16], $0x2000  }
0x10e: {  	[sflag:s16] =	ssyncset.done $0x0  }
0x10f: {  	s30 =	rddreg [dreg:$0x8];
	[sflag:s16] =	ssyncadd.s32 $0xFFFFE000  }
0x110: {  	[hbm4b:s30+s2] =	stream.linear.scatter [tilespmem:s11], [sflag:$0x6], $0x2000, $0x38;
	[tilespmem:$0x8680] =	vst v63  }
0x111: {  	_ =	swait.ge [sflag:s15], $0x2000  }
0x112: {  	[sflag:s15] =	ssyncset.done $0x0  }
0x113: {  	[sflag:s15] =	ssyncadd.s32 $0xFFFFE000  }
0x114: {  	[tilespmem:s11], [sflag:$0x2] =	stream.indirect.gather [hbm4b:s9+s13], $0x40, s26, s13, $0xb8;
	[tilespmem:$0x8680] =	vst v63  }
0x115: {  	_ =	swait.ge [sflag:s14], $0x2000  }
0x116: {  	[sflag:s14] =	ssyncset.done $0x0  }
0x117: {  	s31 =	rddreg [dreg:$0x9];
	[sflag:s14] =	ssyncadd.s32 $0xFFFFE000  }
0x118: {  	[hbm4b:s31+s2] =	stream.linear.scatter [tilespmem:s7], [sflag:$0x7], $0x2000, $0x38;
	[tilespmem:$0x8680] =	vst v63  }
0x119: {  	_ =	swait.ge [sflag:s12], $0x2000  }
0x11a: {  	[sflag:s12] =	ssyncset.done $0x0  }
0x11b: {  	[sflag:s12] =	ssyncadd.s32 $0xFFFFE000  }
0x11c: {  	[tilespmem:s7], [sflag:$0x3] =	stream.indirect.gather [hbm4b:s9+s13], $0x40, s25, s13, $0xb8;
	[tilespmem:$0x8680] =	vst v63  }
0x11d: {  	_ =	swait.ge [sflag:s10], $0x2000  }
0x11e: {  	[sflag:s10] =	ssyncset.done $0x0  }
0x11f: {  	s1 =	rddreg [dreg:$0xa];
	[sflag:s10] =	ssyncadd.s32 $0xFFFFE000  }
0x120: {  	[hbm4b:s1+s2] =	stream.linear.scatter [tilespmem:s6], [sflag:$0x8], $0x2000, $0x38;
	[tilespmem:$0x8680] =	vst v63  }
0x121: {  	_ =	swait.ge [sflag:s8], $0x2000  }
0x122: {  	[sflag:s8] =	ssyncset.done $0x0  }
0x123: {  	[sflag:s8] =	ssyncadd.s32 $0xFFFFE000  }
0x124: {  	[tilespmem:s6], [sflag:$0x4] =	stream.indirect.gather [hbm4b:s9+s13], $0x40, s24, s13, $0xb8;
	[tilespmem:$0x8680] =	vst v63  }
0x125: {  	_ =	swait.ge [sflag:s5], $0x2000  }
0x126: {  	[sflag:s5] =	ssyncset.done $0x0  }
0x127: {  	s20 =	rddreg [dreg:$0xb];
	[sflag:s5] =	ssyncadd.s32 $0xFFFFE000  }
0x128: {  	[hbm4b:s20+s2] =	stream.linear.scatter [tilespmem:s3], [sflag:$0x5], $0x2000, $0x38;
	[tilespmem:$0x8680] =	vst v63  }
0x129: {  	_ =	swait.ge [sflag:s4], $0x2000  }
0x12a: {  	[sflag:s4] =	ssyncset.done $0x0  }
0x12b: {  	[sflag:s4] =	ssyncadd.s32 $0xFFFFE000  }
0x12c: {  	[tilespmem:s3], [sflag:$0x1] =	stream.indirect.gather [hbm4b:s9+s13], $0x40, s23, s13, $0xb8;
	[tilespmem:$0x8680] =	vst v63  }
0x12d: {  	_ =	swait.ge [sflag:s16], $0x2000  }
0x12e: {  	[sflag:s16] =	ssyncset.done $0x0  }
0x12f: {  	s23 =	rddreg [dreg:$0xc];
	[sflag:s16] =	ssyncadd.s32 $0xFFFFE000  }
0x130: {  	[hbm4b:s23+s2] =	stream.linear.scatter [tilespmem:s11], [sflag:$0x6], $0x2000, $0x38;
	[tilespmem:$0x8680] =	vst v63  }
0x131: {  	_ =	swait.ge [sflag:s15], $0x2000  }
0x132: {  	[sflag:s15] =	ssyncset.done $0x0  }
0x133: {  	[sflag:s15] =	ssyncadd.s32 $0xFFFFE000  }
0x134: {  	[tilespmem:s11], [sflag:$0x2] =	stream.indirect.gather [hbm4b:s9+s13], $0x40, s22, s13, $0xb8;
	[tilespmem:$0x8680] =	vst v63  }
0x135: {  	_ =	swait.ge [sflag:s14], $0x2000  }
0x136: {  	[sflag:s14] =	ssyncset.done $0x0  }
0x137: {  	s24 =	rddreg [dreg:$0xd];
	[sflag:s14] =	ssyncadd.s32 $0xFFFFE000  }
0x138: {  	[hbm4b:s24+s2] =	stream.linear.scatter [tilespmem:s7], [sflag:$0x7], $0x2000, $0x38;
	[tilespmem:$0x8680] =	vst v63  }
0x139: {  	_ =	swait.ge [sflag:s12], $0x2000  }
0x13a: {  	[sflag:s12] =	ssyncset.done $0x0  }
0x13b: {  	[sflag:s12] =	ssyncadd.s32 $0xFFFFE000  }
0x13c: {  	[tilespmem:s7], [sflag:$0x3] =	stream.indirect.gather [hbm4b:s9+s13], $0x40, s21, s13, $0xb8;
	[tilespmem:$0x8680] =	vst v63  }
0x13d: {  	_ =	swait.ge [sflag:s10], $0x2000  }
0x13e: {  	[sflag:s10] =	ssyncset.done $0x0  }
0x13f: {  	[sflag:s10] =	ssyncadd.s32 $0xFFFFE000  }
0x140: {  	[hbm4b:s17+s2] =	stream.linear.scatter [tilespmem:s6], [sflag:$0x8], $0x2000, $0x38;
	[tilespmem:$0x8680] =	vst v63  }
0x141: {  	_ =	swait.ge [sflag:s8], $0x2000  }
0x142: {  	[sflag:s8] =	ssyncset.done $0x0  }
0x143: {  	[sflag:s8] =	ssyncadd.s32 $0xFFFFE000  }
0x144: {  	[tilespmem:s6], [sflag:$0x4] =	stream.indirect.gather [hbm4b:s9+s13], $0x40, s19, s13, $0xb8;
	[tilespmem:$0x8680] =	vst v63  }
0x145: {  	_ =	swait.ge [sflag:s5], $0x2000  }
0x146: {  	[sflag:s5] =	ssyncset.done $0x0  }
0x147: {  	s25 =	rddreg [dreg:$0x3];
	[sflag:s5] =	ssyncadd.s32 $0xFFFFE000  }
0x148: {  	[hbm4b:s25+s2] =	stream.linear.scatter [tilespmem:s3], [sflag:$0x5], $0x2000, $0x38;
	[tilespmem:$0x8680] =	vst v63  }
0x149: {  	_ =	swait.ge [sflag:s4], $0x2000  }
0x14a: {  	[sflag:s4] =	ssyncset.done $0x0  }
0x14b: {  	[sflag:s4] =	ssyncadd.s32 $0xFFFFE000  }
0x14c: {  	[tilespmem:s3], [sflag:$0x1] =	stream.indirect.gather [hbm4b:s9+s13], $0x40, s18, s13, $0xb8;
	[tilespmem:$0x8680] =	vst v63  }
0x14d: {  	_ =	swait.ge [sflag:s16], $0x2000  }
0x14e: {  	[sflag:s16] =	ssyncset.done $0x0  }
0x14f: {  	s26 =	rddreg [dreg:$0x4];
	[sflag:s16] =	ssyncadd.s32 $0xFFFFE000  }
0x150: {  	[hbm4b:s26+s2] =	stream.linear.scatter [tilespmem:s11], [sflag:$0x6], $0x2000, $0x38;
	[tilespmem:$0x8680] =	vst v63  }
0x151: {  	_ =	swait.ge [sflag:s15], $0x2000  }
0x152: {  	[sflag:s15] =	ssyncset.done $0x0  }
0x153: {  	[sflag:s15] =	ssyncadd.s32 $0xFFFFE000  }
0x154: {  	_ =	swait.ge [sflag:s14], $0x2000  }
0x155: {  	[sflag:s14] =	ssyncset.done $0x0  }
0x156: {  	s28 =	rddreg [dreg:$0x5];
	[sflag:s14] =	ssyncadd.s32 $0xFFFFE000  }
0x157: {  	[hbm4b:s28+s2] =	stream.linear.scatter [tilespmem:s7], [sflag:$0x7], $0x2000, $0x38;
	[tilespmem:$0x8680] =	vst v63  }
0x158: {  	_ =	swait.ge [sflag:s12], $0x2000  }
0x159: {  	[sflag:s12] =	ssyncset.done $0x0  }
0x15a: {  	[sflag:s12] =	ssyncadd.s32 $0xFFFFE000  }
0x15b: {  	_ =	swait.ge [sflag:s10], $0x2000  }
0x15c: {  	[sflag:s10] =	ssyncset.done $0x0  }
0x15d: {  	s29 =	rddreg [dreg:$0x6];
	[sflag:s10] =	ssyncadd.s32 $0xFFFFE000  }
0x15e: {  	[hbm4b:s29+s2] =	stream.linear.scatter [tilespmem:s6], [sflag:$0x8], $0x2000, $0x38;
	[tilespmem:$0x8680] =	vst v63  }
0x15f: {  	_ =	swait.ge [sflag:s8], $0x2000  }
0x160: {  	[sflag:s8] =	ssyncset.done $0x0  }
0x161: {  	[sflag:s8] =	ssyncadd.s32 $0xFFFFE000  }
0x162: {  	_ =	swait.ge [sflag:s5], $0x2000  }
0x163: {  	[sflag:s5] =	ssyncset.done $0x0  }
0x164: {  	s30 =	rddreg [dreg:$0x7];
	[sflag:s5] =	ssyncadd.s32 $0xFFFFE000  }
0x165: {  	[hbm4b:s30+s2] =	stream.linear.scatter [tilespmem:s3], [sflag:$0x5], $0x2000, $0x38;
	[tilespmem:$0x8680] =	vst v63  }
0x166: {  	_ =	swait.ge [sflag:s4], $0x2000  }
0x167: {  	[sflag:s4] =	ssyncset.done $0x0  }
0x168: {  	[sflag:s4] =	ssyncadd.s32 $0xFFFFE000  }
0x169: {  	_ =	sfence.sel $0x180000  }
0x16a: {  	[bflag:$0x0] =	sbarrier.arrive $0xFFFF  }
0x16b: {  	_ =	strace $0x90000047  }
0x16c: {  	s31 =	stileid.u32;
	[bflag:$0x2] =	sbarrier.arrive $0xFFFF  }
0x16d: {  	p0 =	sne.s32 s31, $0x0;
	s0 =	rddreg [dreg:$0x1]  }
0x16e: {  	s0 =	sadd.s32 @!p0 $0x100000, s0  }
0x16f: {  	[sflag:s0] =	ssyncadd.tile.s32 @!p0 $0x1;
	_ =	shalt  }
.Lfunc_end2:
_tile_overlayer_lowered:
.L_overlay_start_2:
0x170: {  	(tag) =	ssettag $0x2  }
0x171: {  	s0 =	rddreg [dreg:$0x0];
	s2 =	stileid.u32  }
0x172: {  	s1 =	rddreg [dreg:$0x1];
	p0 =	sne.s32 s2, $0x0  }
0x173: {  	s3 =	rddreg [dreg:$0x2];
	[bflag:$0x3] =	sbarrier.arrive $0xFFFF;
	s2 =	simm.s32 @!p0 $0x1C09  }
0x174: {  	[timem:s3], [sflag:s2] =	dma.local @!p0 [hbm:s0], s1  }
0x175: {  	s0 =	simm.s32 @!p0 $0x9  }
0x176: {  	_ =	swait.ge @!p0 [sflag:s0], s1  }
0x177: {  	s1 =	ssub.s32 @!p0 $0x0, s1;
	[sflag:s0] =	ssyncset.done @!p0 $0x0  }
0x178: {  	[sflag:s0] =	ssyncadd.s32 @!p0 s1  }
0x179: {  	[bflag:$0x3] =	sbarrier.arrive $0xFFFF  }
0x17a: {  	_ =	shalt  }

// kernel: kernel.17.cloned.1.call-start
scs
__scs_entry_jumppad:
0x0: {  	(pc) =	sbr.rel $0x88, $3  }
0x1: {  	(tag) =	ssettag $0x0;
	lr =	simm.s32 $0x1  }
0x2: {  	[smem:$0x3F95] =	sst lr;
	_ =	strace $0xD0000000  }
0x3: {  	_ = 	snop  }
0x4: {  	_ = 	snop  }
0x5: {  	_ = 	snop  }
0x6: {  	_ = 	snop  }
0x7: {  	_ = 	snop  }
__scs_overlays_trampoline_lowered:
0x8: {  	[smem:$0x3FA4] =	sst s0  }
0x9: {  	[smem:$0x3FA5] =	sst s1  }
0xa: {  	[smem:$0x3FA6] =	sst s2  }
0xb: {  	[smem:$0x3FA7] =	sst s3  }
0xc: {  	[smem:$0x3FA8] =	sst s4  }
0xd: {  	[smem:$0x3FA9] =	sst s5  }
0xe: {  	[smem:$0x3FAA] =	sst s6  }
0xf: {  	[smem:$0x3FAB] =	sst s7  }
0x10: {  	[smem:$0x3FAC] =	sst s8  }
0x11: {  	[smem:$0x3FAD] =	sst s9;
	s0 =	simm.s32 @!p0 $0x0  }
0x12: {  	s1 =	sld [smem:$0x3F93];
	s0 =	simm.s32 @p0 $0x1  }
0x13: {  	[smem:$0x3FAE] =	sst s0;
	s0 =	simm.s32 @!p1 $0x0  }
0x14: {  	s2 =	sld [smem:$0x3F92];
	s0 =	simm.s32 @p1 $0x1  }
0x15: {  	[smem:$0x3FAF] =	sst s0;
	s0 =	simm.s32 @!p2 $0x0  }
0x16: {  	s3 =	sld [smem:$0x3FDB];
	s0 =	simm.s32 @p2 $0x1  }
0x17: {  	s4 =	simm.s32 $0x1BF5;
	[smem:$0x3FB1] =	sst s0  }
0x18: {  	s0 =	sld [smem:$0x3F94];
	_ =	swait.ge [sflag:s4], $0x0  }
0x19: {  	s7 =	sld [smem:$0x3F95]  }
0x1a: {  	s8 =	sadd.s32 $0xFFFFE003, lr  }
0x1b: {  	s9 =	sadd.s32 $0xFFFFFEF7, lr;
	s5 =	simm.s32 $0xFFFFFFFF;
	p2 =	slt.u32 s8, $0xFFFFF086  }
0x1c: {  	p1 =	slt.u32 s9, $0xF7A;
	s5 =	simm.s32 @!p2 $0x0  }
0x1d: {  	s5 =	simm.s32 @p1 $0x1;
	p0 =	seq.s32 s7, s2  }
0x1e: {  	s7 =	smul.u32 @!p0 $0xF7A, s2;
	p2 =	seq.s32 @!p0 s5, $0x0  }
0x1f: {  	s9 =	smul.u32 $0xF7A, s1;
	s8 =	simm.s32 @!p0 $0x1BF5;
	p2 =	por !p2, p0  }
0x20: {  	[sflag:s8] =	ssyncset.s32 @!p0 $0xFFFFF086;
	s6 =	sadd.s32 @!p0 s3, s7;
	s7 =	simm.s32 @!p0 $0x108  }
0x21: {  	s3 =	sadd.s32 s3, s9;
	s6 =	sadd.s32 @!p0 $0x88, s6;
	s7 =	simm.s32 @p2 $0x1082  }
0x22: {  	[simem:s7], [sflag:s8] =	dma.local @!p0 [hbm:s6], $0xF7A  }
0x23: {  	s9 =	sor.u32 $0xD0000000, s2;
	s6 =	simm.s32 $0x108;
	_ =	swait.ge @!p0 [sflag:s8], $0x0  }
0x24: {  	s3 =	sadd.s32 $0x88, s3;
	s6 =	simm.s32 @!p1 $0x1082;
	[sflag:s4] =	ssyncset.s32 $0xFFFFF086  }
0x25: {  	[simem:s6], [sflag:s4] =	dma.local [hbm:s3], $0xF7A  }
0x26: {  	[smem:$0x3F95] =	sst s1;
	(tag) =	ssettag s2;
	_ =	strace s9  }
0x27: {  	s1 =	sld [smem:$0x3FA5]  }
0x28: {  	s2 =	sld [smem:$0x3FA6]  }
0x29: {  	s4 =	sld [smem:$0x3FA8]  }
0x2a: {  	p0 =	seq.s32 s5, $0x0;
	s5 =	sld [smem:$0x3FA9]  }
0x2b: {  	s6 =	sld [smem:$0x3FAA]  }
0x2c: {  	s7 =	sld [smem:$0x3FAB]  }
0x2d: {  	s3 =	simm.s32 $0x108;
	s8 =	sld [smem:$0x3FAC]  }
0x2e: {  	s3 =	simm.s32 @!p0 $0x1082;
	s9 =	sld [smem:$0x3FAD]  }
0x2f: {  	lr =	sadd.s32 s0, s3;
	s0 =	sld [smem:$0x3FA4]  }
0x30: {  	s3 =	sld [smem:$0x3FA7]  }
0x31: {  	[smem:$0x3FB0] =	sst s10  }
0x32: {  	s10 =	sld [smem:$0x3FAE];
	_ =	sdelay $0x3  }
0x33: {  	p0 =	seq.s32 s10, $0x1;
	s10 =	sld [smem:$0x3FB0];
	_ =	sdelay $0x3  }
0x34: {  	[smem:$0x3FB0] =	sst s10  }
0x35: {  	s10 =	sld [smem:$0x3FAF];
	_ =	sdelay $0x3  }
0x36: {  	p1 =	seq.s32 s10, $0x1;
	s10 =	sld [smem:$0x3FB0];
	_ =	sdelay $0x3  }
0x37: {  	[smem:$0x3FB0] =	sst s10  }
0x38: {  	s10 =	sld [smem:$0x3FB1]  }
0x39: {  	_ = 	snop;
	(pc) =	sbr.ind lr, $3  }
0x3a: {  	_ = 	snop  }
0x3b: {  	_ = 	snop  }
0x3c: {  	p2 =	seq.s32 s10, $0x1;
	s10 =	sld [smem:$0x3FB0]  }
0x3d: {  	_ =	shalt  }
0x3e: {  	_ =	shalt  }
0x3f: {  	_ =	shalt  }
0x40: {  	_ =	shalt  }
0x41: {  	_ =	shalt  }
0x42: {  	_ =	shalt  }
0x43: {  	_ =	shalt  }
0x44: {  	_ =	shalt  }
0x45: {  	_ =	shalt  }
0x46: {  	_ =	shalt  }
0x47: {  	_ =	shalt  }
0x48: {  	_ =	shalt  }
0x49: {  	_ =	shalt  }
0x4a: {  	_ =	shalt  }
0x4b: {  	_ =	shalt  }
0x4c: {  	_ =	shalt  }
0x4d: {  	_ =	shalt  }
0x4e: {  	_ =	shalt  }
0x4f: {  	_ =	shalt  }
0x50: {  	_ =	shalt  }
0x51: {  	_ =	shalt  }
0x52: {  	_ =	shalt  }
0x53: {  	_ =	shalt  }
0x54: {  	_ =	shalt  }
0x55: {  	_ =	shalt  }
0x56: {  	_ =	shalt  }
0x57: {  	_ =	shalt  }
0x58: {  	_ =	shalt  }
0x59: {  	_ =	shalt  }
0x5a: {  	_ =	shalt  }
0x5b: {  	_ =	shalt  }
0x5c: {  	_ =	shalt  }
0x5d: {  	_ =	shalt  }
0x5e: {  	_ =	shalt  }
0x5f: {  	_ =	shalt  }
0x60: {  	_ =	shalt  }
0x61: {  	_ =	shalt  }
0x62: {  	_ =	shalt  }
0x63: {  	_ =	shalt  }
0x64: {  	_ =	shalt  }
0x65: {  	_ =	shalt  }
0x66: {  	_ =	shalt  }
0x67: {  	_ =	shalt  }
0x68: {  	_ =	shalt  }
0x69: {  	_ =	shalt  }
0x6a: {  	_ =	shalt  }
0x6b: {  	_ =	shalt  }
0x6c: {  	_ =	shalt  }
0x6d: {  	_ =	shalt  }
0x6e: {  	_ =	shalt  }
0x6f: {  	_ =	shalt  }
0x70: {  	_ =	shalt  }
0x71: {  	_ =	shalt  }
0x72: {  	_ =	shalt  }
0x73: {  	_ =	shalt  }
0x74: {  	_ =	shalt  }
0x75: {  	_ =	shalt  }
0x76: {  	_ =	shalt  }
0x77: {  	_ =	shalt  }
0x78: {  	_ =	shalt  }
0x79: {  	_ =	shalt  }
0x7a: {  	_ =	shalt  }
0x7b: {  	_ =	shalt  }
0x7c: {  	_ =	shalt  }
0x7d: {  	_ =	shalt  }
0x7e: {  	_ =	shalt  }
0x7f: {  	_ =	shalt  }
0x80: {  	_ =	shalt  }
0x81: {  	_ =	shalt  }
0x82: {  	_ =	shalt  }
0x83: {  	_ =	shalt  }
0x84: {  	_ =	shalt  }
0x85: {  	_ =	shalt  }
0x86: {  	_ =	shalt  }
0x87: {  	_ =	shalt  }
.Lfunc_end0:
.L_simem_size_0:
called_computation.3_lowered:
.L_overlay_start_0:
0x88: {  	s2 =	sld [smem:$0x3FD9]  }
0x89: {  	s3 =	sld [smem:$0x3FFE];
	_ =	sdelay $0x1  }
0x8a: {  	s1 =	srdreg.scid  }
0x8b: {  	s0 =	sand.u32 $0x1, s1  }
0x8c: {  	s17 =	sshll.u32 s0, $0xA;
	s2 =	sadd.s32 s3, s2  }
0x8d: {  	s2 =	sadd.s32 s2, s17  }
0x8e: {  	[smem:$0x3FBC] =	sst s2  }
0x8f: {  	_ = 	snop  }
0x90: {  	(tm) =	ssettm $0x1  }
0x91: {  	s18 =	sld [smem:$0x3FFB];
	_ =	sdelay $0x3  }
0x92: {  	_ =	strace s18  }
0x93: {  	s2 =	sld [smem:$0x3FFC];
	_ =	sdelay $0x3  }
0x94: {  	_ =	strace s2  }
0x95: {  	s2 =	sld [smem:$0x3FFD];
	_ =	sdelay $0x3  }
0x96: {  	_ =	strace s2  }
0x97: {  	_ =	strace $0x8FFFFFFF  }
0x98: {  	s19 =	sld [smem:$0x3FDB];
	_ =	sdelay $0x1  }
0x99: {  	s20 =	simm.s32 $_scs_section_size  }
0x9a: {  	s4 =	simm.s32 $_size__tile_overlayer_lowered;
	s5 =	simm.s32 $_tile_overlayer_lowered  }
0x9b: {  	s6 =	simm.s32 $0x1BFF;
	s21 =	sshll.u32 s5, $0x1;
	s3 =	sadd.s32 s20, s19  }
0x9c: {  	s22 =	simm.s32 $0x0;
	s4 =	sshll.u32 s4, $0x1;
	s5 =	sadd.s32 s21, s3  }
0x9d: {  	[timem:s22], [sflag:s6] =	dma.local [hbm:s5], s4  }
0x9e: {  	_ =	swait.ge [sflag:s6], s4  }
0x9f: {  	s4 =	ssub.s32 $0x0, s4;
	[sflag:s6] =	ssyncset.done $0x0  }
0xa0: {  	[sflag:s6] =	ssyncadd.s32 s4;
	_ =	sdelay $0x1  }
0xa1: {  	s23 =	simm.s32 $0x1B8B  }
0xa2: {  	_ =	swait.ge [sflag:s23], $0x1  }
0xa3: {  	[sflag:s23] =	ssyncset.done $0x0  }
0xa4: {  	[sflag:s23] =	ssyncadd.s32 $0xFFFFFFFF  }
0xa5: {  	s4 =	sld [smem:$0x0]  }
0xa6: {  	s5 =	sand.u32 $0xFFFFFFFE, s1  }
0xa7: {  	p0 =	sne.s32 s1, s5  }
0xa8: {  	s5 =	sshll.u32 @p0 s5, $0xE  }
0xa9: {  	s5 =	sadd.s32 @p0 $0x11B8D, s5;
	s6 =	sshll.u32 @p0 s4, $0x11  }
0xaa: {  	s5 =	sor.u32 @p0 s6, s5  }
0xab: {  	[sflag:s5] =	ssyncadd.remote.s32 @p0 $0x1;
	_ =	sdelay $0x1  }
0xac: {  	s5 =	simm.s32 @p0 $0x1B8D  }
0xad: {  	_ =	swait.eq @p0 [sflag:s5], $0x1  }
0xae: {  	[sflag:s5] =	ssyncadd.s32 @p0 $0xFFFFFFFF  }
0xaf: {  	s6 =	sshll.u32 @!p0 s1, $0xE  }
0xb0: {  	s6 =	sor.u32 @!p0 $0x4000, s6;
	s5 =	simm.s32 @!p0 $0x1B8D  }
0xb1: {  	s4 =	sshll.u32 @!p0 s4, $0x11;
	s6 =	sadd.s32 @!p0 $0x11B8D, s6;
	_ =	swait.eq @!p0 [sflag:s5], $0x1  }
0xb2: {  	s4 =	sor.u32 @!p0 s4, s6;
	[sflag:s5] =	ssyncadd.s32 @!p0 $0xFFFFFFFF  }
0xb3: {  	s25 =	simm.s32 $0x1B8E;
	s24 =	sld [smem:$0x3FFE];
	[sflag:s4] =	ssyncadd.remote.s32 @!p0 $0x1  }
0xb4: {  	s26 =	simm.s32 $execute0_lowered;
	[smem:$0x3FD2] =	sst s25  }
0xb5: {  	s5 =	sshll.u32 s26, $0x1;
	_ =	strace $0x8000004C;
	[dreg:$0x1] =	wrdreg $0xFFFFFFFF  }
0xb6: {  	s28 =	simm.s32 $_size_execute0_lowered;
	s3 =	sadd.s32 s3, s5;
	[dreg:$0x0] =	wrdreg $0x0  }
0xb7: {  	s5 =	sshll.u32 s28, $0x1;
	[dreg:$0x2] =	wrdreg s3  }
0xb8: {  	[dreg:$0x3] =	wrdreg s5  }
0xb9: {  	[dreg:$0x4] =	wrdreg $0xC0  }
0xba: {  	_ =	task [dreg:s22], $0x5FFFF  }
0xbb: {  	[dreg:$0x1] =	wrdreg $0xFFFFFFFF  }
0xbc: {  	[dreg:$0x0] =	wrdreg $0x60  }
0xbd: {  	[dreg:$0x2] =	wrdreg s24  }
0xbe: {  	[dreg:$0x3] =	wrdreg $0xC  }
0xbf: {  	_ =	task.clear_ibuf [dreg:s22], $0x4FFFF;
	_ =	strace $0x9000004C  }
0xc0: {  	s29 =	simm.s32 $0xC;
	_ =	strace $0x8000004E  }
0xc1: {  	_ =	swait.ge [sflag:s29], $0x1  }
0xc2: {  	[sflag:s29] =	ssyncadd.s32 $0xFFFFFFFF  }
0xc3: {  	_ =	strace $0x9000004E  }
0xc4: {  	_ =	sfence  }
0xc5: {  	s30 =	sld [smem:$0x0];
	_ =	sdelay $0x2  }
0xc6: {  	s31 =	sshll.u32 s1, $0xD;
	s1 =	sshrl.u32 s1, $0x2  }
0xc7: {  	s4 =	sand.u32 $0x4000, s31;
	s1 =	sadd.s32 s1, s30  }
0xc8: {  	s0 =	sor.u32 s4, s0;
	s1 =	sshll.u32 s1, $0x11  }
0xc9: {  	s0 =	sor.u32 s1, s0  }
0xca: {  	s0 =	sadd.s32 $0x8F2B, s0  }
0xcb: {  	[sflag:s0] =	ssyncadd.remote.s32 $0x1  }
0xcc: {  	_ =	sfence.sel $0xFFFF  }
0xcd: {  	[dreg:$0x0] =	wrdreg $0xFFFFFFFF;
	(pc) =	sbr.abs _section_cstart, $3  }
0xce: {  	[dreg:$0x1] =	wrdreg $0xFFFFFFFF  }
0xcf: {  	_ =	task.clear_ibuf [dreg:s22], $0x2FFFF;
	_ =	strace $0x9FFFFFFF  }
0xd0: {  	(tm) =	ssettm $0x7FFFFFFF  }
0xd1: {  	_ =	shalt  }
tec
execute0_lowered:
.L_overlay_start_1:
0x0: {  	(tag) =	ssettag $0x1  }
0x1: {  	s0 =	srdreg.scid  }
0x2: {  	s1 =	stileid.u32;
	s3 =	rddreg [dreg:$0x0]  }
0x3: {  	s2 =	simm.s32 $0x0;
	s29 =	simm.s32 $0x9;
	s13 =	simm.s32 $0x80  }
0x4: {  	s11 =	simm.s32 $0x2680;
	s30 =	simm.s32 $0x100;
	s31 =	simm.s32 $0x180  }
0x5: {  	s28 =	simm.s32 $0x200;
	s12 =	simm.s32 $0x7;
	s10 =	simm.s32 $0x4  }
0x6: {  	p0 =	por $0x0, $0x0;
	s0 =	sand.u32 $0x1, s0;
	s1 =	sshll.u32 s1, $0x1  }
0x7: {  	[smem:$0x7FF] =	sst s2;
	s5 =	sadd.s32 $0x73000, s3;
	s6 =	sadd.s32 $0x7B000, s3  }
0x8: {  	s7 =	sadd.s32 $0x83000, s3;
	s8 =	sadd.s32 $0x8B000, s3;
	s9 =	sadd.s32 $0x18B200, s3  }
0x9: {  	s1 =	sor.u32 s0, s1;
	_ =	strace $0x8000004D;
	s0 =	ssub.s32 $0x2, s0  }
0xa: {  	s4 =	smul.u32 $0xD0, s1;
	s1 =	sshll.u32 s1, $0xA;
	s24 =	sshrl.u32 s0, $0x1  }
0xb: {  	s20 =	sadd.s32 s5, s1;
	s19 =	sadd.s32 s1, s6;
	s21 =	sadd.s32 s1, s7  }
0xc: {  	s22 =	sadd.s32 s1, s8;
	s1 =	sor.u32 $0x20000, s1;
	s0 =	ssub.s32 s0, s24  }
0xd: {  	s24 =	simm.s32 $0x380;
	s4 =	sadd.s32 s4, s3;
	[dreg:$0x8] =	wrdreg s19  }
0xe: {  	s14 =	sadd.s32 $0x40000, s20;
	s15 =	sadd.s32 $0x48000, s20;
	[dreg:$0x9] =	wrdreg s21  }
0xf: {  	s16 =	sadd.s32 $0x50000, s20;
	s17 =	sadd.s32 $0x58000, s20;
	[dreg:$0xa] =	wrdreg s22  }
0x10: {  	s18 =	sadd.s32 $0x60000, s20;
	s23 =	sadd.s32 s5, s1;
	[dreg:$0x3] =	wrdreg s14  }
0x11: {  	s25 =	sadd.s32 s1, s6;
	s26 =	sadd.s32 s1, s7;
	[dreg:$0x4] =	wrdreg s15  }
0x12: {  	s0 =	smax.u32 s0, $0x1;
	s3 =	simm.s32 $0x680;
	[dreg:$0x5] =	wrdreg s16  }
0x13: {  	s7 =	simm.s32 $0x4680;
	s6 =	simm.s32 $0x6680;
	[dreg:$0x6] =	wrdreg s17  }
0x14: {  	s5 =	simm.s32 $0x1;
	s22 =	simm.s32 $0x480;
	[dreg:$0x7] =	wrdreg s18  }
0x15: {  	s21 =	simm.s32 $0x500;
	s19 =	simm.s32 $0x580;
	[dreg:$0xb] =	wrdreg s23  }
0x16: {  	s4 =	sadd.s32 $0x71600, s4;
	[dreg:$0xc] =	wrdreg s25;
	p1 =	sne.s32 s0, $0x1  }
.Ltmp0:
0x17: {  	[dreg:$0xd] =	wrdreg s26;
	s17 =	sadd.s32 s1, s8;
	(pc) =	sbr.rel @!p1 .LBB2_3-.Ltmp0, $4  }
0x18: {  	s16 =	simm.s32 $0x2;
	s15 =	simm.s32 $0x6;
	s26 =	simm.s32 $0x280  }
0x19: {  	s14 =	simm.s32 $0x3;
	s25 =	simm.s32 $0x300;
	s8 =	simm.s32 $0x8  }
0x1a: {  	s1 =	sadd.s32 $0xFFFFFFFF, s0;
	s23 =	simm.s32 $0x400;
	[dreg:$0x2] =	wrdreg s4  }
0x1b: {  	s18 =	simm.s32 $0x600;
	s4 =	simm.s32 $0x5;
	s0 =	rddreg [dreg:$0x2]  }
0x1c: {  	[tilespmem:s2], [sflag:$0x9] =	stream.linear.gather [hbm4b:s0+s2], $0x680, $0x38;
	[tilespmem:$0x8680] =	vst v63  }
0x1d: {  	_ =	swait.ge [sflag:s29], $0x680  }
0x1e: {  	[sflag:s29] =	ssyncset.done $0x0  }
0x1f: {  	[sflag:s29] =	ssyncadd.s32 $0xFFFFF980  }
0x20: {  	[tilespmem:s3], [sflag:$0x1] =	stream.indirect.gather [hbm4b:s9+s13], $0x40, s2, s13, $0xb8;
	[tilespmem:$0x8680] =	vst v63  }
0x21: {  	_ = 	snop  }
0x22: {  	[tilespmem:s11], [sflag:$0x2] =	stream.indirect.gather [hbm4b:s9+s13], $0x40, s13, s13, $0xb8;
	[tilespmem:$0x8680] =	vst v63  }
0x23: {  	_ = 	snop  }
0x24: {  	[tilespmem:s7], [sflag:$0x3] =	stream.indirect.gather [hbm4b:s9+s13], $0x40, s30, s13, $0xb8;
	[tilespmem:$0x8680] =	vst v63  }
0x25: {  	_ = 	snop  }
0x26: {  	[tilespmem:s6], [sflag:$0x4] =	stream.indirect.gather [hbm4b:s9+s13], $0x40, s31, s13, $0xb8;
	[tilespmem:$0x8680] =	vst v63  }
0x27: {  	_ =	swait.ge [sflag:s5], $0x2000  }
0x28: {  	[sflag:s5] =	ssyncset.done $0x0  }
0x29: {  	[sflag:s5] =	ssyncadd.s32 $0xFFFFE000  }
0x2a: {  	[hbm4b:s20+s2] =	stream.linear.scatter [tilespmem:s3], [sflag:$0x5], $0x2000, $0x38;
	[tilespmem:$0x8680] =	vst v63  }
0x2b: {  	_ =	swait.ge [sflag:s4], $0x2000  }
0x2c: {  	[sflag:s4] =	ssyncset.done $0x0  }
0x2d: {  	[sflag:s4] =	ssyncadd.s32 $0xFFFFE000  }
0x2e: {  	[tilespmem:s3], [sflag:$0x1] =	stream.indirect.gather [hbm4b:s9+s13], $0x40, s28, s13, $0xb8;
	[tilespmem:$0x8680] =	vst v63  }
0x2f: {  	_ =	swait.ge [sflag:s16], $0x2000  }
0x30: {  	[sflag:s16] =	ssyncset.done $0x0  }
0x31: {  	s0 =	rddreg [dreg:$0x8];
	[sflag:s16] =	ssyncadd.s32 $0xFFFFE000  }
0x32: {  	[hbm4b:s0+s2] =	stream.linear.scatter [tilespmem:s11], [sflag:$0x6], $0x2000, $0x38;
	[tilespmem:$0x8680] =	vst v63  }
0x33: {  	_ =	swait.ge [sflag:s15], $0x2000  }
0x34: {  	[sflag:s15] =	ssyncset.done $0x0  }
0x35: {  	[sflag:s15] =	ssyncadd.s32 $0xFFFFE000  }
0x36: {  	[tilespmem:s11], [sflag:$0x2] =	stream.indirect.gather [hbm4b:s9+s13], $0x40, s26, s13, $0xb8;
	[tilespmem:$0x8680] =	vst v63  }
0x37: {  	_ =	swait.ge [sflag:s14], $0x2000  }
0x38: {  	[sflag:s14] =	ssyncset.done $0x0  }
0x39: {  	s0 =	rddreg [dreg:$0x9];
	[sflag:s14] =	ssyncadd.s32 $0xFFFFE000  }
0x3a: {  	[hbm4b:s0+s2] =	stream.linear.scatter [tilespmem:s7], [sflag:$0x7], $0x2000, $0x38;
	[tilespmem:$0x8680] =	vst v63  }
0x3b: {  	_ =	swait.ge [sflag:s12], $0x2000  }
0x3c: {  	[sflag:s12] =	ssyncset.done $0x0  }
0x3d: {  	[sflag:s12] =	ssyncadd.s32 $0xFFFFE000  }
0x3e: {  	[tilespmem:s7], [sflag:$0x3] =	stream.indirect.gather [hbm4b:s9+s13], $0x40, s25, s13, $0xb8;
	[tilespmem:$0x8680] =	vst v63  }
0x3f: {  	_ =	swait.ge [sflag:s10], $0x2000  }
0x40: {  	[sflag:s10] =	ssyncset.done $0x0  }
0x41: {  	s0 =	rddreg [dreg:$0xa];
	[sflag:s10] =	ssyncadd.s32 $0xFFFFE000  }
0x42: {  	[hbm4b:s0+s2] =	stream.linear.scatter [tilespmem:s6], [sflag:$0x8], $0x2000, $0x38;
	[tilespmem:$0x8680] =	vst v63  }
0x43: {  	_ =	swait.ge [sflag:s8], $0x2000  }
0x44: {  	[sflag:s8] =	ssyncset.done $0x0  }
0x45: {  	[sflag:s8] =	ssyncadd.s32 $0xFFFFE000  }
0x46: {  	[tilespmem:s6], [sflag:$0x4] =	stream.indirect.gather [hbm4b:s9+s13], $0x40, s24, s13, $0xb8;
	[tilespmem:$0x8680] =	vst v63  }
0x47: {  	_ =	swait.ge [sflag:s5], $0x2000  }
0x48: {  	[sflag:s5] =	ssyncset.done $0x0  }
0x49: {  	s0 =	rddreg [dreg:$0xb];
	[sflag:s5] =	ssyncadd.s32 $0xFFFFE000  }
0x4a: {  	[hbm4b:s0+s2] =	stream.linear.scatter [tilespmem:s3], [sflag:$0x5], $0x2000, $0x38;
	[tilespmem:$0x8680] =	vst v63  }
0x4b: {  	_ =	swait.ge [sflag:s4], $0x2000  }
0x4c: {  	[sflag:s4] =	ssyncset.done $0x0  }
0x4d: {  	[sflag:s4] =	ssyncadd.s32 $0xFFFFE000  }
0x4e: {  	[tilespmem:s3], [sflag:$0x1] =	stream.indirect.gather [hbm4b:s9+s13], $0x40, s23, s13, $0xb8;
	[tilespmem:$0x8680] =	vst v63  }
0x4f: {  	_ =	swait.ge [sflag:s16], $0x2000  }
0x50: {  	[sflag:s16] =	ssyncset.done $0x0  }
0x51: {  	s0 =	rddreg [dreg:$0xc];
	[sflag:s16] =	ssyncadd.s32 $0xFFFFE000  }
0x52: {  	[hbm4b:s0+s2] =	stream.linear.scatter [tilespmem:s11], [sflag:$0x6], $0x2000, $0x38;
	[tilespmem:$0x8680] =	vst v63  }
0x53: {  	_ =	swait.ge [sflag:s15], $0x2000  }
0x54: {  	[sflag:s15] =	ssyncset.done $0x0  }
0x55: {  	[sflag:s15] =	ssyncadd.s32 $0xFFFFE000  }
0x56: {  	[tilespmem:s11], [sflag:$0x2] =	stream.indirect.gather [hbm4b:s9+s13], $0x40, s22, s13, $0xb8;
	[tilespmem:$0x8680] =	vst v63  }
0x57: {  	_ =	swait.ge [sflag:s14], $0x2000  }
0x58: {  	[sflag:s14] =	ssyncset.done $0x0  }
0x59: {  	s0 =	rddreg [dreg:$0xd];
	[sflag:s14] =	ssyncadd.s32 $0xFFFFE000  }
0x5a: {  	[hbm4b:s0+s2] =	stream.linear.scatter [tilespmem:s7], [sflag:$0x7], $0x2000, $0x38;
	[tilespmem:$0x8680] =	vst v63  }
0x5b: {  	_ =	swait.ge [sflag:s12], $0x2000  }
0x5c: {  	[sflag:s12] =	ssyncset.done $0x0  }
0x5d: {  	[sflag:s12] =	ssyncadd.s32 $0xFFFFE000  }
0x5e: {  	[tilespmem:s7], [sflag:$0x3] =	stream.indirect.gather [hbm4b:s9+s13], $0x40, s21, s13, $0xb8;
	[tilespmem:$0x8680] =	vst v63  }
0x5f: {  	_ =	swait.ge [sflag:s10], $0x2000  }
0x60: {  	[sflag:s10] =	ssyncset.done $0x0  }
0x61: {  	[sflag:s10] =	ssyncadd.s32 $0xFFFFE000  }
0x62: {  	[hbm4b:s17+s2] =	stream.linear.scatter [tilespmem:s6], [sflag:$0x8], $0x2000, $0x38;
	[tilespmem:$0x8680] =	vst v63  }
0x63: {  	_ =	swait.ge [sflag:s8], $0x2000  }
0x64: {  	[sflag:s8] =	ssyncset.done $0x0  }
0x65: {  	[sflag:s8] =	ssyncadd.s32 $0xFFFFE000  }
0x66: {  	[tilespmem:s6], [sflag:$0x4] =	stream.indirect.gather [hbm4b:s9+s13], $0x40, s19, s13, $0xb8;
	[tilespmem:$0x8680] =	vst v63  }
0x67: {  	_ =	swait.ge [sflag:s5], $0x2000  }
0x68: {  	[sflag:s5] =	ssyncset.done $0x0  }
0x69: {  	s0 =	rddreg [dreg:$0x3];
	[sflag:s5] =	ssyncadd.s32 $0xFFFFE000  }
0x6a: {  	[hbm4b:s0+s2] =	stream.linear.scatter [tilespmem:s3], [sflag:$0x5], $0x2000, $0x38;
	[tilespmem:$0x8680] =	vst v63  }
0x6b: {  	_ =	swait.ge [sflag:s4], $0x2000  }
0x6c: {  	[sflag:s4] =	ssyncset.done $0x0  }
0x6d: {  	[sflag:s4] =	ssyncadd.s32 $0xFFFFE000  }
0x6e: {  	[tilespmem:s3], [sflag:$0x1] =	stream.indirect.gather [hbm4b:s9+s13], $0x40, s18, s13, $0xb8;
	[tilespmem:$0x8680] =	vst v63  }
0x6f: {  	_ =	swait.ge [sflag:s16], $0x2000  }
0x70: {  	[sflag:s16] =	ssyncset.done $0x0  }
0x71: {  	s0 =	rddreg [dreg:$0x4];
	[sflag:s16] =	ssyncadd.s32 $0xFFFFE000  }
0x72: {  	[hbm4b:s0+s2] =	stream.linear.scatter [tilespmem:s11], [sflag:$0x6], $0x2000, $0x38;
	[tilespmem:$0x8680] =	vst v63  }
0x73: {  	_ =	swait.ge [sflag:s15], $0x2000  }
0x74: {  	[sflag:s15] =	ssyncset.done $0x0  }
0x75: {  	[sflag:s15] =	ssyncadd.s32 $0xFFFFE000  }
0x76: {  	_ =	swait.ge [sflag:s14], $0x2000  }
0x77: {  	[sflag:s14] =	ssyncset.done $0x0  }
0x78: {  	s0 =	rddreg [dreg:$0x5];
	[sflag:s14] =	ssyncadd.s32 $0xFFFFE000  }
0x79: {  	[hbm4b:s0+s2] =	stream.linear.scatter [tilespmem:s7], [sflag:$0x7], $0x2000, $0x38;
	[tilespmem:$0x8680] =	vst v63  }
0x7a: {  	_ =	swait.ge [sflag:s12], $0x2000  }
0x7b: {  	[sflag:s12] =	ssyncset.done $0x0  }
0x7c: {  	[sflag:s12] =	ssyncadd.s32 $0xFFFFE000  }
0x7d: {  	_ =	swait.ge [sflag:s10], $0x2000  }
0x7e: {  	[sflag:s10] =	ssyncset.done $0x0  }
0x7f: {  	s0 =	rddreg [dreg:$0x6];
	[sflag:s10] =	ssyncadd.s32 $0xFFFFE000  }
0x80: {  	[hbm4b:s0+s2] =	stream.linear.scatter [tilespmem:s6], [sflag:$0x8], $0x2000, $0x38;
	[tilespmem:$0x8680] =	vst v63  }
0x81: {  	_ =	swait.ge [sflag:s8], $0x2000  }
0x82: {  	[sflag:s8] =	ssyncset.done $0x0  }
0x83: {  	[sflag:s8] =	ssyncadd.s32 $0xFFFFE000  }
0x84: {  	p1 =	sne.s32 s1, $0x1;
	_ =	swait.ge [sflag:s5], $0x2000  }
.Ltmp1:
0x85: {  	[sflag:s5] =	ssyncset.done $0x0;
	(pc) =	sbr.rel @!p1 .LBB2_3-.Ltmp1, $4  }
0x86: {  	s0 =	rddreg [dreg:$0x7];
	[sflag:s5] =	ssyncadd.s32 $0xFFFFE000  }
0x87: {  	[hbm4b:s0+s2] =	stream.linear.scatter [tilespmem:s3], [sflag:$0x5], $0x2000, $0x38;
	[tilespmem:$0x8680] =	vst v63  }
0x88: {  	s1 =	sadd.s32 $0xFFFFFFFF, s1;
	_ =	swait.ge [sflag:s4], $0x2000  }
0x89: {  	p0 =	por $0x1, $0x1;
	s0 =	rddreg [dreg:$0x2];
	[sflag:s4] =	ssyncset.done $0x0  }
.LBB2_2:
0x8a: {  	[sflag:s4] =	ssyncadd.s32 $0xFFFFE000  }
0x8b: {  	[tilespmem:s2], [sflag:$0x9] =	stream.linear.gather [hbm4b:s0+s2], $0x680, $0x38;
	[tilespmem:$0x8680] =	vst v63  }
0x8c: {  	_ =	swait.ge [sflag:s29], $0x680  }
0x8d: {  	[sflag:s29] =	ssyncset.done $0x0  }
0x8e: {  	[sflag:s29] =	ssyncadd.s32 $0xFFFFF980  }
0x8f: {  	[tilespmem:s3], [sflag:$0x1] =	stream.indirect.gather [hbm4b:s9+s13], $0x40, s2, s13, $0xb8;
	[tilespmem:$0x8680] =	vst v63  }
0x90: {  	_ = 	snop  }
0x91: {  	[tilespmem:s11], [sflag:$0x2] =	stream.indirect.gather [hbm4b:s9+s13], $0x40, s13, s13, $0xb8;
	[tilespmem:$0x8680] =	vst v63  }
0x92: {  	_ = 	snop  }
0x93: {  	[tilespmem:s7], [sflag:$0x3] =	stream.indirect.gather [hbm4b:s9+s13], $0x40, s30, s13, $0xb8;
	[tilespmem:$0x8680] =	vst v63  }
0x94: {  	_ = 	snop  }
0x95: {  	[tilespmem:s6], [sflag:$0x4] =	stream.indirect.gather [hbm4b:s9+s13], $0x40, s31, s13, $0xb8;
	[tilespmem:$0x8680] =	vst v63  }
0x96: {  	_ =	swait.ge [sflag:s5], $0x2000  }
0x97: {  	[sflag:s5] =	ssyncset.done $0x0  }
0x98: {  	[sflag:s5] =	ssyncadd.s32 $0xFFFFE000  }
0x99: {  	[hbm4b:s20+s2] =	stream.linear.scatter [tilespmem:s3], [sflag:$0x5], $0x2000, $0x38;
	[tilespmem:$0x8680] =	vst v63  }
0x9a: {  	_ =	swait.ge [sflag:s4], $0x2000  }
0x9b: {  	[sflag:s4] =	ssyncset.done $0x0  }
0x9c: {  	[sflag:s4] =	ssyncadd.s32 $0xFFFFE000  }
0x9d: {  	[tilespmem:s3], [sflag:$0x1] =	stream.indirect.gather [hbm4b:s9+s13], $0x40, s28, s13, $0xb8;
	[tilespmem:$0x8680] =	vst v63  }
0x9e: {  	_ =	swait.ge [sflag:s16], $0x2000  }
0x9f: {  	[sflag:s16] =	ssyncset.done $0x0  }
0xa0: {  	s0 =	rddreg [dreg:$0x8];
	[sflag:s16] =	ssyncadd.s32 $0xFFFFE000  }
0xa1: {  	[hbm4b:s0+s2] =	stream.linear.scatter [tilespmem:s11], [sflag:$0x6], $0x2000, $0x38;
	[tilespmem:$0x8680] =	vst v63  }
0xa2: {  	_ =	swait.ge [sflag:s15], $0x2000  }
0xa3: {  	[sflag:s15] =	ssyncset.done $0x0  }
0xa4: {  	[sflag:s15] =	ssyncadd.s32 $0xFFFFE000  }
0xa5: {  	[tilespmem:s11], [sflag:$0x2] =	stream.indirect.gather [hbm4b:s9+s13], $0x40, s26, s13, $0xb8;
	[tilespmem:$0x8680] =	vst v63  }
0xa6: {  	_ =	swait.ge [sflag:s14], $0x2000  }
0xa7: {  	[sflag:s14] =	ssyncset.done $0x0  }
0xa8: {  	s0 =	rddreg [dreg:$0x9];
	[sflag:s14] =	ssyncadd.s32 $0xFFFFE000  }
0xa9: {  	[hbm4b:s0+s2] =	stream.linear.scatter [tilespmem:s7], [sflag:$0x7], $0x2000, $0x38;
	[tilespmem:$0x8680] =	vst v63  }
0xaa: {  	_ =	swait.ge [sflag:s12], $0x2000  }
0xab: {  	[sflag:s12] =	ssyncset.done $0x0  }
0xac: {  	[sflag:s12] =	ssyncadd.s32 $0xFFFFE000  }
0xad: {  	[tilespmem:s7], [sflag:$0x3] =	stream.indirect.gather [hbm4b:s9+s13], $0x40, s25, s13, $0xb8;
	[tilespmem:$0x8680] =	vst v63  }
0xae: {  	_ =	swait.ge [sflag:s10], $0x2000  }
0xaf: {  	[sflag:s10] =	ssyncset.done $0x0  }
0xb0: {  	s0 =	rddreg [dreg:$0xa];
	[sflag:s10] =	ssyncadd.s32 $0xFFFFE000  }
0xb1: {  	[hbm4b:s0+s2] =	stream.linear.scatter [tilespmem:s6], [sflag:$0x8], $0x2000, $0x38;
	[tilespmem:$0x8680] =	vst v63  }
0xb2: {  	_ =	swait.ge [sflag:s8], $0x2000  }
0xb3: {  	[sflag:s8] =	ssyncset.done $0x0  }
0xb4: {  	[sflag:s8] =	ssyncadd.s32 $0xFFFFE000  }
0xb5: {  	[tilespmem:s6], [sflag:$0x4] =	stream.indirect.gather [hbm4b:s9+s13], $0x40, s24, s13, $0xb8;
	[tilespmem:$0x8680] =	vst v63  }
0xb6: {  	_ =	swait.ge [sflag:s5], $0x2000  }
0xb7: {  	[sflag:s5] =	ssyncset.done $0x0  }
0xb8: {  	s0 =	rddreg [dreg:$0xb];
	[sflag:s5] =	ssyncadd.s32 $0xFFFFE000  }
0xb9: {  	[hbm4b:s0+s2] =	stream.linear.scatter [tilespmem:s3], [sflag:$0x5], $0x2000, $0x38;
	[tilespmem:$0x8680] =	vst v63  }
0xba: {  	_ =	swait.ge [sflag:s4], $0x2000  }
0xbb: {  	[sflag:s4] =	ssyncset.done $0x0  }
0xbc: {  	[sflag:s4] =	ssyncadd.s32 $0xFFFFE000  }
0xbd: {  	[tilespmem:s3], [sflag:$0x1] =	stream.indirect.gather [hbm4b:s9+s13], $0x40, s23, s13, $0xb8;
	[tilespmem:$0x8680] =	vst v63  }
0xbe: {  	_ =	swait.ge [sflag:s16], $0x2000  }
0xbf: {  	[sflag:s16] =	ssyncset.done $0x0  }
0xc0: {  	s0 =	rddreg [dreg:$0xc];
	[sflag:s16] =	ssyncadd.s32 $0xFFFFE000  }
0xc1: {  	[hbm4b:s0+s2] =	stream.linear.scatter [tilespmem:s11], [sflag:$0x6], $0x2000, $0x38;
	[tilespmem:$0x8680] =	vst v63  }
0xc2: {  	_ =	swait.ge [sflag:s15], $0x2000  }
0xc3: {  	[sflag:s15] =	ssyncset.done $0x0  }
0xc4: {  	[sflag:s15] =	ssyncadd.s32 $0xFFFFE000  }
0xc5: {  	[tilespmem:s11], [sflag:$0x2] =	stream.indirect.gather [hbm4b:s9+s13], $0x40, s22, s13, $0xb8;
	[tilespmem:$0x8680] =	vst v63  }
0xc6: {  	_ =	swait.ge [sflag:s14], $0x2000  }
0xc7: {  	[sflag:s14] =	ssyncset.done $0x0  }
0xc8: {  	s0 =	rddreg [dreg:$0xd];
	[sflag:s14] =	ssyncadd.s32 $0xFFFFE000  }
0xc9: {  	[hbm4b:s0+s2] =	stream.linear.scatter [tilespmem:s7], [sflag:$0x7], $0x2000, $0x38;
	[tilespmem:$0x8680] =	vst v63  }
0xca: {  	_ =	swait.ge [sflag:s12], $0x2000  }
0xcb: {  	[sflag:s12] =	ssyncset.done $0x0  }
0xcc: {  	[sflag:s12] =	ssyncadd.s32 $0xFFFFE000  }
0xcd: {  	[tilespmem:s7], [sflag:$0x3] =	stream.indirect.gather [hbm4b:s9+s13], $0x40, s21, s13, $0xb8;
	[tilespmem:$0x8680] =	vst v63  }
0xce: {  	_ =	swait.ge [sflag:s10], $0x2000  }
0xcf: {  	[sflag:s10] =	ssyncset.done $0x0  }
0xd0: {  	[sflag:s10] =	ssyncadd.s32 $0xFFFFE000  }
0xd1: {  	[hbm4b:s17+s2] =	stream.linear.scatter [tilespmem:s6], [sflag:$0x8], $0x2000, $0x38;
	[tilespmem:$0x8680] =	vst v63  }
0xd2: {  	_ =	swait.ge [sflag:s8], $0x2000  }
0xd3: {  	[sflag:s8] =	ssyncset.done $0x0  }
0xd4: {  	[sflag:s8] =	ssyncadd.s32 $0xFFFFE000  }
0xd5: {  	[tilespmem:s6], [sflag:$0x4] =	stream.indirect.gather [hbm4b:s9+s13], $0x40, s19, s13, $0xb8;
	[tilespmem:$0x8680] =	vst v63  }
0xd6: {  	_ =	swait.ge [sflag:s5], $0x2000  }
0xd7: {  	[sflag:s5] =	ssyncset.done $0x0  }
0xd8: {  	s0 =	rddreg [dreg:$0x3];
	[sflag:s5] =	ssyncadd.s32 $0xFFFFE000  }
0xd9: {  	[hbm4b:s0+s2] =	stream.linear.scatter [tilespmem:s3], [sflag:$0x5], $0x2000, $0x38;
	[tilespmem:$0x8680] =	vst v63  }
0xda: {  	_ =	swait.ge [sflag:s4], $0x2000  }
0xdb: {  	[sflag:s4] =	ssyncset.done $0x0  }
0xdc: {  	[sflag:s4] =	ssyncadd.s32 $0xFFFFE000  }
0xdd: {  	[tilespmem:s3], [sflag:$0x1] =	stream.indirect.gather [hbm4b:s9+s13], $0x40, s18, s13, $0xb8;
	[tilespmem:$0x8680] =	vst v63  }
0xde: {  	_ =	swait.ge [sflag:s16], $0x2000  }
0xdf: {  	[sflag:s16] =	ssyncset.done $0x0  }
0xe0: {  	s0 =	rddreg [dreg:$0x4];
	[sflag:s16] =	ssyncadd.s32 $0xFFFFE000  }
0xe1: {  	[hbm4b:s0+s2] =	stream.linear.scatter [tilespmem:s11], [sflag:$0x6], $0x2000, $0x38;
	[tilespmem:$0x8680] =	vst v63  }
0xe2: {  	_ =	swait.ge [sflag:s15], $0x2000  }
0xe3: {  	[sflag:s15] =	ssyncset.done $0x0  }
0xe4: {  	[sflag:s15] =	ssyncadd.s32 $0xFFFFE000  }
0xe5: {  	_ =	swait.ge [sflag:s14], $0x2000  }
0xe6: {  	[sflag:s14] =	ssyncset.done $0x0  }
0xe7: {  	s0 =	rddreg [dreg:$0x5];
	[sflag:s14] =	ssyncadd.s32 $0xFFFFE000  }
0xe8: {  	[hbm4b:s0+s2] =	stream.linear.scatter [tilespmem:s7], [sflag:$0x7], $0x2000, $0x38;
	[tilespmem:$0x8680] =	vst v63  }
0xe9: {  	_ =	swait.ge [sflag:s12], $0x2000  }
0xea: {  	[sflag:s12] =	ssyncset.done $0x0  }
0xeb: {  	[sflag:s12] =	ssyncadd.s32 $0xFFFFE000  }
0xec: {  	_ =	swait.ge [sflag:s10], $0x2000  }
0xed: {  	[sflag:s10] =	ssyncset.done $0x0  }
0xee: {  	s0 =	rddreg [dreg:$0x6];
	[sflag:s10] =	ssyncadd.s32 $0xFFFFE000  }
0xef: {  	[hbm4b:s0+s2] =	stream.linear.scatter [tilespmem:s6], [sflag:$0x8], $0x2000, $0x38;
	[tilespmem:$0x8680] =	vst v63  }
0xf0: {  	_ =	swait.ge [sflag:s8], $0x2000  }
0xf1: {  	[sflag:s8] =	ssyncset.done $0x0  }
0xf2: {  	[sflag:s8] =	ssyncadd.s32 $0xFFFFE000  }
0xf3: {  	p1 =	sne.s32 s1, $0x1;
	_ =	swait.ge [sflag:s5], $0x2000  }
.Ltmp2:
0xf4: {  	[sflag:s5] =	ssyncset.done $0x0;
	(pc) =	sbr.rel @p1 .LBB2_2-.Ltmp2, $4  }
0xf5: {  	s0 =	rddreg [dreg:$0x7];
	[sflag:s5] =	ssyncadd.s32 $0xFFFFE000  }
0xf6: {  	[hbm4b:s0+s2] =	stream.linear.scatter [tilespmem:s3], [sflag:$0x5], $0x2000, $0x38;
	[tilespmem:$0x8680] =	vst v63  }
0xf7: {  	_ =	swait.ge [sflag:s4], $0x2000  }
0xf8: {  	s1 =	sadd.s32 $0xFFFFFFFF, s1;
	s0 =	rddreg [dreg:$0x2];
	[sflag:s4] =	ssyncset.done $0x0  }
.LBB2_3:
0xf9: {  	[sflag:s4] =	ssyncadd.s32 @p0 $0xFFFFE000  }
0xfa: {  	[tilespmem:s2], [sflag:$0x9] =	stream.linear.gather [hbm4b:s0+s2], $0x680, $0x38;
	[tilespmem:$0x8680] =	vst v63  }
0xfb: {  	_ =	swait.ge [sflag:s29], $0x680  }
0xfc: {  	[sflag:s29] =	ssyncset.done $0x0  }
0xfd: {  	[sflag:s29] =	ssyncadd.s32 $0xFFFFF980  }
0xfe: {  	[tilespmem:s3], [sflag:$0x1] =	stream.indirect.gather [hbm4b:s9+s13], $0x40, s2, s13, $0xb8;
	[tilespmem:$0x8680] =	vst v63  }
0xff: {  	_ = 	snop  }
0x100: {  	[tilespmem:s11], [sflag:$0x2] =	stream.indirect.gather [hbm4b:s9+s13], $0x40, s13, s13, $0xb8;
	[tilespmem:$0x8680] =	vst v63  }
0x101: {  	_ = 	snop  }
0x102: {  	[tilespmem:s7], [sflag:$0x3] =	stream.indirect.gather [hbm4b:s9+s13], $0x40, s30, s13, $0xb8;
	[tilespmem:$0x8680] =	vst v63  }
0x103: {  	_ = 	snop  }
0x104: {  	[tilespmem:s6], [sflag:$0x4] =	stream.indirect.gather [hbm4b:s9+s13], $0x40, s31, s13, $0xb8;
	[tilespmem:$0x8680] =	vst v63  }
0x105: {  	_ =	swait.ge [sflag:s5], $0x2000  }
0x106: {  	[sflag:s5] =	ssyncset.done $0x0  }
0x107: {  	[sflag:s5] =	ssyncadd.s32 $0xFFFFE000  }
0x108: {  	[hbm4b:s20+s2] =	stream.linear.scatter [tilespmem:s3], [sflag:$0x5], $0x2000, $0x38;
	[tilespmem:$0x8680] =	vst v63  }
0x109: {  	_ =	swait.ge [sflag:s4], $0x2000  }
0x10a: {  	[sflag:s4] =	ssyncset.done $0x0  }
0x10b: {  	[sflag:s4] =	ssyncadd.s32 $0xFFFFE000  }
0x10c: {  	[tilespmem:s3], [sflag:$0x1] =	stream.indirect.gather [hbm4b:s9+s13], $0x40, s28, s13, $0xb8;
	[tilespmem:$0x8680] =	vst v63  }
0x10d: {  	_ =	swait.ge [sflag:s16], $0x2000  }
0x10e: {  	[sflag:s16] =	ssyncset.done $0x0  }
0x10f: {  	s30 =	rddreg [dreg:$0x8];
	[sflag:s16] =	ssyncadd.s32 $0xFFFFE000  }
0x110: {  	[hbm4b:s30+s2] =	stream.linear.scatter [tilespmem:s11], [sflag:$0x6], $0x2000, $0x38;
	[tilespmem:$0x8680] =	vst v63  }
0x111: {  	_ =	swait.ge [sflag:s15], $0x2000  }
0x112: {  	[sflag:s15] =	ssyncset.done $0x0  }
0x113: {  	[sflag:s15] =	ssyncadd.s32 $0xFFFFE000  }
0x114: {  	[tilespmem:s11], [sflag:$0x2] =	stream.indirect.gather [hbm4b:s9+s13], $0x40, s26, s13, $0xb8;
	[tilespmem:$0x8680] =	vst v63  }
0x115: {  	_ =	swait.ge [sflag:s14], $0x2000  }
0x116: {  	[sflag:s14] =	ssyncset.done $0x0  }
0x117: {  	s31 =	rddreg [dreg:$0x9];
	[sflag:s14] =	ssyncadd.s32 $0xFFFFE000  }
0x118: {  	[hbm4b:s31+s2] =	stream.linear.scatter [tilespmem:s7], [sflag:$0x7], $0x2000, $0x38;
	[tilespmem:$0x8680] =	vst v63  }
0x119: {  	_ =	swait.ge [sflag:s12], $0x2000  }
0x11a: {  	[sflag:s12] =	ssyncset.done $0x0  }
0x11b: {  	[sflag:s12] =	ssyncadd.s32 $0xFFFFE000  }
0x11c: {  	[tilespmem:s7], [sflag:$0x3] =	stream.indirect.gather [hbm4b:s9+s13], $0x40, s25, s13, $0xb8;
	[tilespmem:$0x8680] =	vst v63  }
0x11d: {  	_ =	swait.ge [sflag:s10], $0x2000  }
0x11e: {  	[sflag:s10] =	ssyncset.done $0x0  }
0x11f: {  	s1 =	rddreg [dreg:$0xa];
	[sflag:s10] =	ssyncadd.s32 $0xFFFFE000  }
0x120: {  	[hbm4b:s1+s2] =	stream.linear.scatter [tilespmem:s6], [sflag:$0x8], $0x2000, $0x38;
	[tilespmem:$0x8680] =	vst v63  }
0x121: {  	_ =	swait.ge [sflag:s8], $0x2000  }
0x122: {  	[sflag:s8] =	ssyncset.done $0x0  }
0x123: {  	[sflag:s8] =	ssyncadd.s32 $0xFFFFE000  }
0x124: {  	[tilespmem:s6], [sflag:$0x4] =	stream.indirect.gather [hbm4b:s9+s13], $0x40, s24, s13, $0xb8;
	[tilespmem:$0x8680] =	vst v63  }
0x125: {  	_ =	swait.ge [sflag:s5], $0x2000  }
0x126: {  	[sflag:s5] =	ssyncset.done $0x0  }
0x127: {  	s20 =	rddreg [dreg:$0xb];
	[sflag:s5] =	ssyncadd.s32 $0xFFFFE000  }
0x128: {  	[hbm4b:s20+s2] =	stream.linear.scatter [tilespmem:s3], [sflag:$0x5], $0x2000, $0x38;
	[tilespmem:$0x8680] =	vst v63  }
0x129: {  	_ =	swait.ge [sflag:s4], $0x2000  }
0x12a: {  	[sflag:s4] =	ssyncset.done $0x0  }
0x12b: {  	[sflag:s4] =	ssyncadd.s32 $0xFFFFE000  }
0x12c: {  	[tilespmem:s3], [sflag:$0x1] =	stream.indirect.gather [hbm4b:s9+s13], $0x40, s23, s13, $0xb8;
	[tilespmem:$0x8680] =	vst v63  }
0x12d: {  	_ =	swait.ge [sflag:s16], $0x2000  }
0x12e: {  	[sflag:s16] =	ssyncset.done $0x0  }
0x12f: {  	s23 =	rddreg [dreg:$0xc];
	[sflag:s16] =	ssyncadd.s32 $0xFFFFE000  }
0x130: {  	[hbm4b:s23+s2] =	stream.linear.scatter [tilespmem:s11], [sflag:$0x6], $0x2000, $0x38;
	[tilespmem:$0x8680] =	vst v63  }
0x131: {  	_ =	swait.ge [sflag:s15], $0x2000  }
0x132: {  	[sflag:s15] =	ssyncset.done $0x0  }
0x133: {  	[sflag:s15] =	ssyncadd.s32 $0xFFFFE000  }
0x134: {  	[tilespmem:s11], [sflag:$0x2] =	stream.indirect.gather [hbm4b:s9+s13], $0x40, s22, s13, $0xb8;
	[tilespmem:$0x8680] =	vst v63  }
0x135: {  	_ =	swait.ge [sflag:s14], $0x2000  }
0x136: {  	[sflag:s14] =	ssyncset.done $0x0  }
0x137: {  	s24 =	rddreg [dreg:$0xd];
	[sflag:s14] =	ssyncadd.s32 $0xFFFFE000  }
0x138: {  	[hbm4b:s24+s2] =	stream.linear.scatter [tilespmem:s7], [sflag:$0x7], $0x2000, $0x38;
	[tilespmem:$0x8680] =	vst v63  }
0x139: {  	_ =	swait.ge [sflag:s12], $0x2000  }
0x13a: {  	[sflag:s12] =	ssyncset.done $0x0  }
0x13b: {  	[sflag:s12] =	ssyncadd.s32 $0xFFFFE000  }
0x13c: {  	[tilespmem:s7], [sflag:$0x3] =	stream.indirect.gather [hbm4b:s9+s13], $0x40, s21, s13, $0xb8;
	[tilespmem:$0x8680] =	vst v63  }
0x13d: {  	_ =	swait.ge [sflag:s10], $0x2000  }
0x13e: {  	[sflag:s10] =	ssyncset.done $0x0  }
0x13f: {  	[sflag:s10] =	ssyncadd.s32 $0xFFFFE000  }
0x140: {  	[hbm4b:s17+s2] =	stream.linear.scatter [tilespmem:s6], [sflag:$0x8], $0x2000, $0x38;
	[tilespmem:$0x8680] =	vst v63  }
0x141: {  	_ =	swait.ge [sflag:s8], $0x2000  }
0x142: {  	[sflag:s8] =	ssyncset.done $0x0  }
0x143: {  	[sflag:s8] =	ssyncadd.s32 $0xFFFFE000  }
0x144: {  	[tilespmem:s6], [sflag:$0x4] =	stream.indirect.gather [hbm4b:s9+s13], $0x40, s19, s13, $0xb8;
	[tilespmem:$0x8680] =	vst v63  }
0x145: {  	_ =	swait.ge [sflag:s5], $0x2000  }
0x146: {  	[sflag:s5] =	ssyncset.done $0x0  }
0x147: {  	s25 =	rddreg [dreg:$0x3];
	[sflag:s5] =	ssyncadd.s32 $0xFFFFE000  }
0x148: {  	[hbm4b:s25+s2] =	stream.linear.scatter [tilespmem:s3], [sflag:$0x5], $0x2000, $0x38;
	[tilespmem:$0x8680] =	vst v63  }
0x149: {  	_ =	swait.ge [sflag:s4], $0x2000  }
0x14a: {  	[sflag:s4] =	ssyncset.done $0x0  }
0x14b: {  	[sflag:s4] =	ssyncadd.s32 $0xFFFFE000  }
0x14c: {  	[tilespmem:s3], [sflag:$0x1] =	stream.indirect.gather [hbm4b:s9+s13], $0x40, s18, s13, $0xb8;
	[tilespmem:$0x8680] =	vst v63  }
0x14d: {  	_ =	swait.ge [sflag:s16], $0x2000  }
0x14e: {  	[sflag:s16] =	ssyncset.done $0x0  }
0x14f: {  	s26 =	rddreg [dreg:$0x4];
	[sflag:s16] =	ssyncadd.s32 $0xFFFFE000  }
0x150: {  	[hbm4b:s26+s2] =	stream.linear.scatter [tilespmem:s11], [sflag:$0x6], $0x2000, $0x38;
	[tilespmem:$0x8680] =	vst v63  }
0x151: {  	_ =	swait.ge [sflag:s15], $0x2000  }
0x152: {  	[sflag:s15] =	ssyncset.done $0x0  }
0x153: {  	[sflag:s15] =	ssyncadd.s32 $0xFFFFE000  }
0x154: {  	_ =	swait.ge [sflag:s14], $0x2000  }
0x155: {  	[sflag:s14] =	ssyncset.done $0x0  }
0x156: {  	s28 =	rddreg [dreg:$0x5];
	[sflag:s14] =	ssyncadd.s32 $0xFFFFE000  }
0x157: {  	[hbm4b:s28+s2] =	stream.linear.scatter [tilespmem:s7], [sflag:$0x7], $0x2000, $0x38;
	[tilespmem:$0x8680] =	vst v63  }
0x158: {  	_ =	swait.ge [sflag:s12], $0x2000  }
0x159: {  	[sflag:s12] =	ssyncset.done $0x0  }
0x15a: {  	[sflag:s12] =	ssyncadd.s32 $0xFFFFE000  }
0x15b: {  	_ =	swait.ge [sflag:s10], $0x2000  }
0x15c: {  	[sflag:s10] =	ssyncset.done $0x0  }
0x15d: {  	s29 =	rddreg [dreg:$0x6];
	[sflag:s10] =	ssyncadd.s32 $0xFFFFE000  }
0x15e: {  	[hbm4b:s29+s2] =	stream.linear.scatter [tilespmem:s6], [sflag:$0x8], $0x2000, $0x38;
	[tilespmem:$0x8680] =	vst v63  }
0x15f: {  	_ =	swait.ge [sflag:s8], $0x2000  }
0x160: {  	[sflag:s8] =	ssyncset.done $0x0  }
0x161: {  	[sflag:s8] =	ssyncadd.s32 $0xFFFFE000  }
0x162: {  	_ =	swait.ge [sflag:s5], $0x2000  }
0x163: {  	[sflag:s5] =	ssyncset.done $0x0  }
0x164: {  	s30 =	rddreg [dreg:$0x7];
	[sflag:s5] =	ssyncadd.s32 $0xFFFFE000  }
0x165: {  	[hbm4b:s30+s2] =	stream.linear.scatter [tilespmem:s3], [sflag:$0x5], $0x2000, $0x38;
	[tilespmem:$0x8680] =	vst v63  }
0x166: {  	_ =	swait.ge [sflag:s4], $0x2000  }
0x167: {  	[sflag:s4] =	ssyncset.done $0x0  }
0x168: {  	[sflag:s4] =	ssyncadd.s32 $0xFFFFE000  }
0x169: {  	_ =	sfence.sel $0x180000  }
0x16a: {  	[bflag:$0x0] =	sbarrier.arrive $0xFFFF  }
0x16b: {  	_ =	strace $0x9000004D  }
0x16c: {  	s31 =	stileid.u32;
	[bflag:$0x2] =	sbarrier.arrive $0xFFFF  }
0x16d: {  	p0 =	sne.s32 s31, $0x0;
	s0 =	rddreg [dreg:$0x1]  }
0x16e: {  	s0 =	sadd.s32 @!p0 $0x100000, s0  }
0x16f: {  	[sflag:s0] =	ssyncadd.tile.s32 @!p0 $0x1;
	_ =	shalt  }
.Lfunc_end2:
_tile_overlayer_lowered:
.L_overlay_start_2:
0x170: {  	(tag) =	ssettag $0x2  }
0x171: {  	s0 =	rddreg [dreg:$0x0];
	s2 =	stileid.u32  }
0x172: {  	s1 =	rddreg [dreg:$0x1];
	p0 =	sne.s32 s2, $0x0  }
0x173: {  	s3 =	rddreg [dreg:$0x2];
	[bflag:$0x3] =	sbarrier.arrive $0xFFFF;
	s2 =	simm.s32 @!p0 $0x1C09  }
0x174: {  	[timem:s3], [sflag:s2] =	dma.local @!p0 [hbm:s0], s1  }
0x175: {  	s0 =	simm.s32 @!p0 $0x9  }
0x176: {  	_ =	swait.ge @!p0 [sflag:s0], s1  }
0x177: {  	s1 =	ssub.s32 @!p0 $0x0, s1;
	[sflag:s0] =	ssyncset.done @!p0 $0x0  }
0x178: {  	[sflag:s0] =	ssyncadd.s32 @!p0 s1  }
0x179: {  	[bflag:$0x3] =	sbarrier.arrive $0xFFFF  }
0x17a: {  	_ =	shalt  }

// kernel: kernel.8.cloned.1.call-start
scs
__scs_entry_jumppad:
0x0: {  	(pc) =	sbr.rel $0x88, $3  }
0x1: {  	(tag) =	ssettag $0x0;
	lr =	simm.s32 $0x1  }
0x2: {  	[smem:$0x3F95] =	sst lr;
	_ =	strace $0xD0000000  }
0x3: {  	_ = 	snop  }
0x4: {  	_ = 	snop  }
0x5: {  	_ = 	snop  }
0x6: {  	_ = 	snop  }
0x7: {  	_ = 	snop  }
__scs_overlays_trampoline_lowered:
0x8: {  	[smem:$0x3FA4] =	sst s0  }
0x9: {  	[smem:$0x3FA5] =	sst s1  }
0xa: {  	[smem:$0x3FA6] =	sst s2  }
0xb: {  	[smem:$0x3FA7] =	sst s3  }
0xc: {  	[smem:$0x3FA8] =	sst s4  }
0xd: {  	[smem:$0x3FA9] =	sst s5  }
0xe: {  	[smem:$0x3FAA] =	sst s6  }
0xf: {  	[smem:$0x3FAB] =	sst s7  }
0x10: {  	[smem:$0x3FAC] =	sst s8  }
0x11: {  	[smem:$0x3FAD] =	sst s9;
	s0 =	simm.s32 @!p0 $0x0  }
0x12: {  	s1 =	sld [smem:$0x3F93];
	s0 =	simm.s32 @p0 $0x1  }
0x13: {  	[smem:$0x3FAE] =	sst s0;
	s0 =	simm.s32 @!p1 $0x0  }
0x14: {  	s2 =	sld [smem:$0x3F92];
	s0 =	simm.s32 @p1 $0x1  }
0x15: {  	[smem:$0x3FAF] =	sst s0;
	s0 =	simm.s32 @!p2 $0x0  }
0x16: {  	s3 =	sld [smem:$0x3FDB];
	s0 =	simm.s32 @p2 $0x1  }
0x17: {  	s4 =	simm.s32 $0x1BF5;
	[smem:$0x3FB1] =	sst s0  }
0x18: {  	s0 =	sld [smem:$0x3F94];
	_ =	swait.ge [sflag:s4], $0x0  }
0x19: {  	s7 =	sld [smem:$0x3F95]  }
0x1a: {  	s8 =	sadd.s32 $0xFFFFE003, lr  }
0x1b: {  	s9 =	sadd.s32 $0xFFFFFEF7, lr;
	s5 =	simm.s32 $0xFFFFFFFF;
	p2 =	slt.u32 s8, $0xFFFFF086  }
0x1c: {  	p1 =	slt.u32 s9, $0xF7A;
	s5 =	simm.s32 @!p2 $0x0  }
0x1d: {  	s5 =	simm.s32 @p1 $0x1;
	p0 =	seq.s32 s7, s2  }
0x1e: {  	s7 =	smul.u32 @!p0 $0xF7A, s2;
	p2 =	seq.s32 @!p0 s5, $0x0  }
0x1f: {  	s9 =	smul.u32 $0xF7A, s1;
	s8 =	simm.s32 @!p0 $0x1BF5;
	p2 =	por !p2, p0  }
0x20: {  	[sflag:s8] =	ssyncset.s32 @!p0 $0xFFFFF086;
	s6 =	sadd.s32 @!p0 s3, s7;
	s7 =	simm.s32 @!p0 $0x108  }
0x21: {  	s3 =	sadd.s32 s3, s9;
	s6 =	sadd.s32 @!p0 $0x88, s6;
	s7 =	simm.s32 @p2 $0x1082  }
0x22: {  	[simem:s7], [sflag:s8] =	dma.local @!p0 [hbm:s6], $0xF7A  }
0x23: {  	s9 =	sor.u32 $0xD0000000, s2;
	s6 =	simm.s32 $0x108;
	_ =	swait.ge @!p0 [sflag:s8], $0x0  }
0x24: {  	s3 =	sadd.s32 $0x88, s3;
	s6 =	simm.s32 @!p1 $0x1082;
	[sflag:s4] =	ssyncset.s32 $0xFFFFF086  }
0x25: {  	[simem:s6], [sflag:s4] =	dma.local [hbm:s3], $0xF7A  }
0x26: {  	[smem:$0x3F95] =	sst s1;
	(tag) =	ssettag s2;
	_ =	strace s9  }
0x27: {  	s1 =	sld [smem:$0x3FA5]  }
0x28: {  	s2 =	sld [smem:$0x3FA6]  }
0x29: {  	s4 =	sld [smem:$0x3FA8]  }
0x2a: {  	p0 =	seq.s32 s5, $0x0;
	s5 =	sld [smem:$0x3FA9]  }
0x2b: {  	s6 =	sld [smem:$0x3FAA]  }
0x2c: {  	s7 =	sld [smem:$0x3FAB]  }
0x2d: {  	s3 =	simm.s32 $0x108;
	s8 =	sld [smem:$0x3FAC]  }
0x2e: {  	s3 =	simm.s32 @!p0 $0x1082;
	s9 =	sld [smem:$0x3FAD]  }
0x2f: {  	lr =	sadd.s32 s0, s3;
	s0 =	sld [smem:$0x3FA4]  }
0x30: {  	s3 =	sld [smem:$0x3FA7]  }
0x31: {  	[smem:$0x3FB0] =	sst s10  }
0x32: {  	s10 =	sld [smem:$0x3FAE];
	_ =	sdelay $0x3  }
0x33: {  	p0 =	seq.s32 s10, $0x1;
	s10 =	sld [smem:$0x3FB0];
	_ =	sdelay $0x3  }
0x34: {  	[smem:$0x3FB0] =	sst s10  }
0x35: {  	s10 =	sld [smem:$0x3FAF];
	_ =	sdelay $0x3  }
0x36: {  	p1 =	seq.s32 s10, $0x1;
	s10 =	sld [smem:$0x3FB0];
	_ =	sdelay $0x3  }
0x37: {  	[smem:$0x3FB0] =	sst s10  }
0x38: {  	s10 =	sld [smem:$0x3FB1]  }
0x39: {  	_ = 	snop;
	(pc) =	sbr.ind lr, $3  }
0x3a: {  	_ = 	snop  }
0x3b: {  	_ = 	snop  }
0x3c: {  	p2 =	seq.s32 s10, $0x1;
	s10 =	sld [smem:$0x3FB0]  }
0x3d: {  	_ =	shalt  }
0x3e: {  	_ =	shalt  }
0x3f: {  	_ =	shalt  }
0x40: {  	_ =	shalt  }
0x41: {  	_ =	shalt  }
0x42: {  	_ =	shalt  }
0x43: {  	_ =	shalt  }
0x44: {  	_ =	shalt  }
0x45: {  	_ =	shalt  }
0x46: {  	_ =	shalt  }
0x47: {  	_ =	shalt  }
0x48: {  	_ =	shalt  }
0x49: {  	_ =	shalt  }
0x4a: {  	_ =	shalt  }
0x4b: {  	_ =	shalt  }
0x4c: {  	_ =	shalt  }
0x4d: {  	_ =	shalt  }
0x4e: {  	_ =	shalt  }
0x4f: {  	_ =	shalt  }
0x50: {  	_ =	shalt  }
0x51: {  	_ =	shalt  }
0x52: {  	_ =	shalt  }
0x53: {  	_ =	shalt  }
0x54: {  	_ =	shalt  }
0x55: {  	_ =	shalt  }
0x56: {  	_ =	shalt  }
0x57: {  	_ =	shalt  }
0x58: {  	_ =	shalt  }
0x59: {  	_ =	shalt  }
0x5a: {  	_ =	shalt  }
0x5b: {  	_ =	shalt  }
0x5c: {  	_ =	shalt  }
0x5d: {  	_ =	shalt  }
0x5e: {  	_ =	shalt  }
0x5f: {  	_ =	shalt  }
0x60: {  	_ =	shalt  }
0x61: {  	_ =	shalt  }
0x62: {  	_ =	shalt  }
0x63: {  	_ =	shalt  }
0x64: {  	_ =	shalt  }
0x65: {  	_ =	shalt  }
0x66: {  	_ =	shalt  }
0x67: {  	_ =	shalt  }
0x68: {  	_ =	shalt  }
0x69: {  	_ =	shalt  }
0x6a: {  	_ =	shalt  }
0x6b: {  	_ =	shalt  }
0x6c: {  	_ =	shalt  }
0x6d: {  	_ =	shalt  }
0x6e: {  	_ =	shalt  }
0x6f: {  	_ =	shalt  }
0x70: {  	_ =	shalt  }
0x71: {  	_ =	shalt  }
0x72: {  	_ =	shalt  }
0x73: {  	_ =	shalt  }
0x74: {  	_ =	shalt  }
0x75: {  	_ =	shalt  }
0x76: {  	_ =	shalt  }
0x77: {  	_ =	shalt  }
0x78: {  	_ =	shalt  }
0x79: {  	_ =	shalt  }
0x7a: {  	_ =	shalt  }
0x7b: {  	_ =	shalt  }
0x7c: {  	_ =	shalt  }
0x7d: {  	_ =	shalt  }
0x7e: {  	_ =	shalt  }
0x7f: {  	_ =	shalt  }
0x80: {  	_ =	shalt  }
0x81: {  	_ =	shalt  }
0x82: {  	_ =	shalt  }
0x83: {  	_ =	shalt  }
0x84: {  	_ =	shalt  }
0x85: {  	_ =	shalt  }
0x86: {  	_ =	shalt  }
0x87: {  	_ =	shalt  }
.Lfunc_end0:
.L_simem_size_0:
called_computation_lowered:
.L_overlay_start_0:
0x88: {  	s2 =	sld [smem:$0x3FD9]  }
0x89: {  	s3 =	sld [smem:$0x3FFE];
	_ =	sdelay $0x1  }
0x8a: {  	s1 =	srdreg.scid  }
0x8b: {  	s0 =	sand.u32 $0x1, s1  }
0x8c: {  	s17 =	sshll.u32 s0, $0xA;
	s2 =	sadd.s32 s3, s2  }
0x8d: {  	s2 =	sadd.s32 s2, s17  }
0x8e: {  	[smem:$0x3FBC] =	sst s2  }
0x8f: {  	_ = 	snop  }
0x90: {  	(tm) =	ssettm $0x1  }
0x91: {  	s18 =	sld [smem:$0x3FFB];
	_ =	sdelay $0x3  }
0x92: {  	_ =	strace s18  }
0x93: {  	s2 =	sld [smem:$0x3FFC];
	_ =	sdelay $0x3  }
0x94: {  	_ =	strace s2  }
0x95: {  	s2 =	sld [smem:$0x3FFD];
	_ =	sdelay $0x3  }
0x96: {  	_ =	strace s2  }
0x97: {  	_ =	strace $0x8FFFFFFF  }
0x98: {  	s19 =	sld [smem:$0x3FDB];
	_ =	sdelay $0x1  }
0x99: {  	s20 =	simm.s32 $_scs_section_size  }
0x9a: {  	s4 =	simm.s32 $_size__tile_overlayer_lowered;
	s5 =	simm.s32 $_tile_overlayer_lowered  }
0x9b: {  	s6 =	simm.s32 $0x1BFF;
	s21 =	sshll.u32 s5, $0x1;
	s3 =	sadd.s32 s20, s19  }
0x9c: {  	s22 =	simm.s32 $0x0;
	s4 =	sshll.u32 s4, $0x1;
	s5 =	sadd.s32 s21, s3  }
0x9d: {  	[timem:s22], [sflag:s6] =	dma.local [hbm:s5], s4  }
0x9e: {  	_ =	swait.ge [sflag:s6], s4  }
0x9f: {  	s4 =	ssub.s32 $0x0, s4;
	[sflag:s6] =	ssyncset.done $0x0  }
0xa0: {  	[sflag:s6] =	ssyncadd.s32 s4;
	_ =	sdelay $0x1  }
0xa1: {  	s23 =	simm.s32 $0x1B8B  }
0xa2: {  	_ =	swait.ge [sflag:s23], $0x1  }
0xa3: {  	[sflag:s23] =	ssyncset.done $0x0  }
0xa4: {  	[sflag:s23] =	ssyncadd.s32 $0xFFFFFFFF  }
0xa5: {  	s4 =	sld [smem:$0x0]  }
0xa6: {  	s5 =	sand.u32 $0xFFFFFFFE, s1  }
0xa7: {  	p0 =	sne.s32 s1, s5  }
0xa8: {  	s5 =	sshll.u32 @p0 s5, $0xE  }
0xa9: {  	s5 =	sadd.s32 @p0 $0x11B8D, s5;
	s6 =	sshll.u32 @p0 s4, $0x11  }
0xaa: {  	s5 =	sor.u32 @p0 s6, s5  }
0xab: {  	[sflag:s5] =	ssyncadd.remote.s32 @p0 $0x1;
	_ =	sdelay $0x1  }
0xac: {  	s5 =	simm.s32 @p0 $0x1B8D  }
0xad: {  	_ =	swait.eq @p0 [sflag:s5], $0x1  }
0xae: {  	[sflag:s5] =	ssyncadd.s32 @p0 $0xFFFFFFFF  }
0xaf: {  	s6 =	sshll.u32 @!p0 s1, $0xE  }
0xb0: {  	s6 =	sor.u32 @!p0 $0x4000, s6;
	s5 =	simm.s32 @!p0 $0x1B8D  }
0xb1: {  	s4 =	sshll.u32 @!p0 s4, $0x11;
	s6 =	sadd.s32 @!p0 $0x11B8D, s6;
	_ =	swait.eq @!p0 [sflag:s5], $0x1  }
0xb2: {  	s4 =	sor.u32 @!p0 s4, s6;
	[sflag:s5] =	ssyncadd.s32 @!p0 $0xFFFFFFFF  }
0xb3: {  	s25 =	simm.s32 $0x1B8E;
	s24 =	sld [smem:$0x3FFE];
	[sflag:s4] =	ssyncadd.remote.s32 @!p0 $0x1  }
0xb4: {  	s26 =	simm.s32 $execute0_lowered;
	[smem:$0x3FD2] =	sst s25  }
0xb5: {  	s5 =	sshll.u32 s26, $0x1;
	_ =	strace $0x80000049;
	[dreg:$0x1] =	wrdreg $0xFFFFFFFF  }
0xb6: {  	s28 =	simm.s32 $_size_execute0_lowered;
	s3 =	sadd.s32 s3, s5;
	[dreg:$0x0] =	wrdreg $0x0  }
0xb7: {  	s5 =	sshll.u32 s28, $0x1;
	[dreg:$0x2] =	wrdreg s3  }
0xb8: {  	[dreg:$0x3] =	wrdreg s5  }
0xb9: {  	[dreg:$0x4] =	wrdreg $0xC0  }
0xba: {  	_ =	task [dreg:s22], $0x5FFFF  }
0xbb: {  	[dreg:$0x1] =	wrdreg $0xFFFFFFFF  }
0xbc: {  	[dreg:$0x0] =	wrdreg $0x60  }
0xbd: {  	[dreg:$0x2] =	wrdreg s24  }
0xbe: {  	[dreg:$0x3] =	wrdreg $0x9  }
0xbf: {  	_ =	task.clear_ibuf [dreg:s22], $0x4FFFF;
	_ =	strace $0x90000049  }
0xc0: {  	s29 =	simm.s32 $0x9;
	_ =	strace $0x8000004B  }
0xc1: {  	_ =	swait.ge [sflag:s29], $0x1  }
0xc2: {  	[sflag:s29] =	ssyncadd.s32 $0xFFFFFFFF  }
0xc3: {  	_ =	strace $0x9000004B  }
0xc4: {  	_ =	sfence  }
0xc5: {  	s30 =	sld [smem:$0x0];
	_ =	sdelay $0x2  }
0xc6: {  	s31 =	sshll.u32 s1, $0xD;
	s1 =	sshrl.u32 s1, $0x2  }
0xc7: {  	s4 =	sand.u32 $0x4000, s31;
	s1 =	sadd.s32 s1, s30  }
0xc8: {  	s0 =	sor.u32 s4, s0;
	s1 =	sshll.u32 s1, $0x11  }
0xc9: {  	s0 =	sor.u32 s1, s0  }
0xca: {  	s0 =	sadd.s32 $0x8F2B, s0  }
0xcb: {  	[sflag:s0] =	ssyncadd.remote.s32 $0x1  }
0xcc: {  	_ =	sfence.sel $0xFFFF  }
0xcd: {  	[dreg:$0x0] =	wrdreg $0xFFFFFFFF;
	(pc) =	sbr.abs _section_cstart, $3  }
0xce: {  	[dreg:$0x1] =	wrdreg $0xFFFFFFFF  }
0xcf: {  	_ =	task.clear_ibuf [dreg:s22], $0x2FFFF;
	_ =	strace $0x9FFFFFFF  }
0xd0: {  	(tm) =	ssettm $0x7FFFFFFF  }
0xd1: {  	_ =	shalt  }
tec
execute0_lowered:
.L_overlay_start_1:
0x0: {  	(tag) =	ssettag $0x1  }
0x1: {  	s1 =	srdreg.scid;
	s0 =	stileid.u32  }
0x2: {  	s1 =	sand.u32 $0x1, s1;
	s2 =	sshll.u32 s0, $0x1  }
0x3: {  	s4 =	rddreg [dreg:$0x0];
	s3 =	sor.u32 s1, s2;
	s2 =	simm.s32 $0x0  }
0x4: {  	s22 =	simm.s32 $0x680;
	[smem:$0x7FF] =	sst s2  }
0x5: {  	s23 =	simm.s32 $0x6C0;
	_ =	strace $0x8000004A;
	[dreg:$0x4] =	wrdreg s22  }
0x6: {  	s24 =	simm.s32 $0x80;
	[dreg:$0x5] =	wrdreg s23  }
0x7: {  	s25 =	simm.s32 $0x700;
	[dreg:$0x6] =	wrdreg s24  }
0x8: {  	s26 =	simm.s32 $0xC0;
	[dreg:$0x7] =	wrdreg s25  }
0x9: {  	s0 =	simm.s32 $0x740;
	[dreg:$0x8] =	wrdreg s26  }
0xa: {  	s6 =	simm.s32 $0x780;
	[dreg:$0x9] =	wrdreg s0  }
0xb: {  	s7 =	simm.s32 $0x140;
	[dreg:$0xb] =	wrdreg s6  }
0xc: {  	s8 =	simm.s32 $0x7C0;
	[dreg:$0xc] =	wrdreg s7  }
0xd: {  	s9 =	simm.s32 $0x180;
	[dreg:$0xd] =	wrdreg s8  }
0xe: {  	s10 =	simm.s32 $0x800;
	[dreg:$0xe] =	wrdreg s9  }
0xf: {  	s11 =	simm.s32 $0x1C0;
	[dreg:$0xf] =	wrdreg s10  }
0x10: {  	s12 =	simm.s32 $0x840;
	[dreg:$0x10] =	wrdreg s11  }
0x11: {  	s13 =	simm.s32 $0x200;
	s14 =	simm.s32 $0x880;
	[dreg:$0x11] =	wrdreg s12  }
0x12: {  	s15 =	simm.s32 $0x240;
	s16 =	simm.s32 $0x8C0;
	[dreg:$0x12] =	wrdreg s13  }
0x13: {  	s17 =	simm.s32 $0x280;
	s18 =	simm.s32 $0x900;
	[dreg:$0x13] =	wrdreg s14  }
0x14: {  	s19 =	simm.s32 $0x2C0;
	s20 =	simm.s32 $0x940;
	[dreg:$0x14] =	wrdreg s15  }
0x15: {  	s21 =	simm.s32 $0x300;
	s28 =	simm.s32 $0xC80;
	[dreg:$0x15] =	wrdreg s16  }
0x16: {  	s29 =	simm.s32 $0x640;
	s30 =	simm.s32 $0xCC0;
	[dreg:$0x16] =	wrdreg s17  }
0x17: {  	s31 =	simm.s32 $0x1;
	s1 =	ssub.s32 $0x2, s1;
	[dreg:$0x17] =	wrdreg s18  }
0x18: {  	s5 =	smul.u32 $0xD0, s3;
	s3 =	sshll.u32 s3, $0x3;
	[dreg:$0x18] =	wrdreg s19  }
0x19: {  	s3 =	sadd.s32 s3, s4;
	[dreg:$0x19] =	wrdreg s20;
	s22 =	sshrl.u32 s1, $0x1  }
0x1a: {  	[dreg:$0x1a] =	wrdreg s21;
	s23 =	simm.s32 $0x980;
	s24 =	simm.s32 $0x340  }
0x1b: {  	s25 =	simm.s32 $0x9C0;
	s26 =	simm.s32 $0x380;
	s6 =	simm.s32 $0x40  }
0x1c: {  	s10 =	simm.s32 $0x400;
	s11 =	simm.s32 $0xA80;
	s12 =	simm.s32 $0x440  }
0x1d: {  	s13 =	simm.s32 $0xAC0;
	s14 =	simm.s32 $0x480;
	s15 =	simm.s32 $0xB00  }
0x1e: {  	s16 =	simm.s32 $0x4C0;
	s17 =	simm.s32 $0xB40;
	s18 =	simm.s32 $0x500  }
0x1f: {  	s19 =	simm.s32 $0xB80;
	s20 =	simm.s32 $0x540;
	[dreg:$0x1b] =	wrdreg s23  }
0x20: {  	s21 =	simm.s32 $0xBC0;
	s5 =	sadd.s32 s5, s4;
	[dreg:$0x1c] =	wrdreg s24  }
0x21: {  	s3 =	sadd.s32 $0x71400, s3;
	s1 =	ssub.s32 s1, s22;
	[dreg:$0x1d] =	wrdreg s25  }
0x22: {  	[dreg:$0x1e] =	wrdreg s26;
	s22 =	simm.s32 $0x580;
	s23 =	simm.s32 $0xC00  }
0x23: {  	s24 =	simm.s32 $0x5C0;
	s25 =	simm.s32 $0xC40;
	s26 =	simm.s32 $0x600  }
0x24: {  	s5 =	sadd.s32 $0x6C800, s5;
	[dreg:$0x3] =	wrdreg s3;
	s3 =	sadd.s32 $0x6E200, s4  }
0x25: {  	s4 =	smax.u32 s1, $0x1;
	[dreg:$0x2] =	wrdreg s5;
	s5 =	simm.s32 $0x100  }
0x26: {  	s1 =	simm.s32 $0xD00;
	[dreg:$0xa] =	wrdreg s5;
	s5 =	simm.s32 $0x2  }
.LBB2_1:
0x27: {  	s0 =	rddreg [dreg:$0x2]  }
0x28: {  	[tilespmem:s2], [sflag:$0x2] =	stream.linear.gather [hbm4b:s0+s2], $0x680, $0x38;
	[tilespmem:$0xD40] =	vst v63  }
0x29: {  	_ =	swait.ge [sflag:s5], $0x680  }
0x2a: {  	s9 =	rddreg [dreg:$0x4]  }
0x2b: {  	s7 =	rddreg [dreg:$0x5]  }
0x2c: {  	[sflag:s5] =	ssyncset.done $0x0;
	s0 =	rddreg [dreg:$0x6]  }
0x2d: {  	s8 =	rddreg [dreg:$0x8];
	[sflag:s5] =	ssyncadd.s32 $0xFFFFF980  }
0x2e: {  	[tilespmem:s9], [sflag:$0x1] =	stream.indirect.gather [hbm4b:s3+s6], $0x1, s2, s6, $0xb8;
	[tilespmem:$0xD40] =	vst v63  }
0x2f: {  	s9 =	rddreg [dreg:$0x9]  }
0x30: {  	[tilespmem:s7], [sflag:$0x1] =	stream.indirect.gather [hbm4b:s3+s6], $0x1, s6, s6, $0xb8;
	[tilespmem:$0xD40] =	vst v63  }
0x31: {  	s7 =	rddreg [dreg:$0x7]  }
0x32: {  	[tilespmem:s7], [sflag:$0x1] =	stream.indirect.gather [hbm4b:s3+s6], $0x1, s0, s6, $0xb8;
	[tilespmem:$0xD40] =	vst v63  }
0x33: {  	s0 =	rddreg [dreg:$0xa]  }
0x34: {  	s7 =	rddreg [dreg:$0xb]  }
0x35: {  	[tilespmem:s9], [sflag:$0x1] =	stream.indirect.gather [hbm4b:s3+s6], $0x1, s8, s6, $0xb8;
	[tilespmem:$0xD40] =	vst v63  }
0x36: {  	s8 =	rddreg [dreg:$0xc]  }
0x37: {  	s9 =	rddreg [dreg:$0xd]  }
0x38: {  	[tilespmem:s7], [sflag:$0x1] =	stream.indirect.gather [hbm4b:s3+s6], $0x1, s0, s6, $0xb8;
	[tilespmem:$0xD40] =	vst v63  }
0x39: {  	s0 =	rddreg [dreg:$0xe]  }
0x3a: {  	s7 =	rddreg [dreg:$0xf]  }
0x3b: {  	[tilespmem:s9], [sflag:$0x1] =	stream.indirect.gather [hbm4b:s3+s6], $0x1, s8, s6, $0xb8;
	[tilespmem:$0xD40] =	vst v63  }
0x3c: {  	s8 =	rddreg [dreg:$0x10]  }
0x3d: {  	s9 =	rddreg [dreg:$0x11]  }
0x3e: {  	[tilespmem:s7], [sflag:$0x1] =	stream.indirect.gather [hbm4b:s3+s6], $0x1, s0, s6, $0xb8;
	[tilespmem:$0xD40] =	vst v63  }
0x3f: {  	s0 =	rddreg [dreg:$0x12]  }
0x40: {  	s7 =	rddreg [dreg:$0x13]  }
0x41: {  	[tilespmem:s9], [sflag:$0x1] =	stream.indirect.gather [hbm4b:s3+s6], $0x1, s8, s6, $0xb8;
	[tilespmem:$0xD40] =	vst v63  }
0x42: {  	s8 =	rddreg [dreg:$0x14]  }
0x43: {  	s9 =	rddreg [dreg:$0x15]  }
0x44: {  	[tilespmem:s7], [sflag:$0x1] =	stream.indirect.gather [hbm4b:s3+s6], $0x1, s0, s6, $0xb8;
	[tilespmem:$0xD40] =	vst v63  }
0x45: {  	s0 =	rddreg [dreg:$0x16]  }
0x46: {  	s7 =	rddreg [dreg:$0x17]  }
0x47: {  	[tilespmem:s9], [sflag:$0x1] =	stream.indirect.gather [hbm4b:s3+s6], $0x1, s8, s6, $0xb8;
	[tilespmem:$0xD40] =	vst v63  }
0x48: {  	s8 =	rddreg [dreg:$0x18]  }
0x49: {  	s9 =	rddreg [dreg:$0x19]  }
0x4a: {  	[tilespmem:s7], [sflag:$0x1] =	stream.indirect.gather [hbm4b:s3+s6], $0x1, s0, s6, $0xb8;
	[tilespmem:$0xD40] =	vst v63  }
0x4b: {  	s0 =	rddreg [dreg:$0x1a]  }
0x4c: {  	s7 =	rddreg [dreg:$0x1b]  }
0x4d: {  	[tilespmem:s9], [sflag:$0x1] =	stream.indirect.gather [hbm4b:s3+s6], $0x1, s8, s6, $0xb8;
	[tilespmem:$0xD40] =	vst v63  }
0x4e: {  	s8 =	rddreg [dreg:$0x1c]  }
0x4f: {  	[tilespmem:s7], [sflag:$0x1] =	stream.indirect.gather [hbm4b:s3+s6], $0x1, s0, s6, $0xb8;
	[tilespmem:$0xD40] =	vst v63  }
0x50: {  	s9 =	rddreg [dreg:$0x1d]  }
0x51: {  	[tilespmem:s9], [sflag:$0x1] =	stream.indirect.gather [hbm4b:s3+s6], $0x1, s8, s6, $0xb8;
	[tilespmem:$0xD40] =	vst v63  }
0x52: {  	s7 =	rddreg [dreg:$0x1e];
	s9 =	simm.s32 $0xA00  }
0x53: {  	[tilespmem:s9], [sflag:$0x1] =	stream.indirect.gather [hbm4b:s3+s6], $0x1, s7, s6, $0xb8;
	[tilespmem:$0xD40] =	vst v63  }
0x54: {  	s8 =	simm.s32 $0xA40;
	s7 =	simm.s32 $0x3C0  }
0x55: {  	[tilespmem:s8], [sflag:$0x1] =	stream.indirect.gather [hbm4b:s3+s6], $0x1, s7, s6, $0xb8;
	[tilespmem:$0xD40] =	vst v63  }
0x56: {  	_ = 	snop  }
0x57: {  	[tilespmem:s11], [sflag:$0x1] =	stream.indirect.gather [hbm4b:s3+s6], $0x1, s10, s6, $0xb8;
	[tilespmem:$0xD40] =	vst v63  }
0x58: {  	_ = 	snop  }
0x59: {  	[tilespmem:s13], [sflag:$0x1] =	stream.indirect.gather [hbm4b:s3+s6], $0x1, s12, s6, $0xb8;
	[tilespmem:$0xD40] =	vst v63  }
0x5a: {  	_ = 	snop  }
0x5b: {  	[tilespmem:s15], [sflag:$0x1] =	stream.indirect.gather [hbm4b:s3+s6], $0x1, s14, s6, $0xb8;
	[tilespmem:$0xD40] =	vst v63  }
0x5c: {  	_ = 	snop  }
0x5d: {  	[tilespmem:s17], [sflag:$0x1] =	stream.indirect.gather [hbm4b:s3+s6], $0x1, s16, s6, $0xb8;
	[tilespmem:$0xD40] =	vst v63  }
0x5e: {  	_ = 	snop  }
0x5f: {  	[tilespmem:s19], [sflag:$0x1] =	stream.indirect.gather [hbm4b:s3+s6], $0x1, s18, s6, $0xb8;
	[tilespmem:$0xD40] =	vst v63  }
0x60: {  	_ = 	snop  }
0x61: {  	[tilespmem:s21], [sflag:$0x1] =	stream.indirect.gather [hbm4b:s3+s6], $0x1, s20, s6, $0xb8;
	[tilespmem:$0xD40] =	vst v63  }
0x62: {  	_ = 	snop  }
0x63: {  	[tilespmem:s23], [sflag:$0x1] =	stream.indirect.gather [hbm4b:s3+s6], $0x1, s22, s6, $0xb8;
	[tilespmem:$0xD40] =	vst v63  }
0x64: {  	_ = 	snop  }
0x65: {  	[tilespmem:s25], [sflag:$0x1] =	stream.indirect.gather [hbm4b:s3+s6], $0x1, s24, s6, $0xb8;
	[tilespmem:$0xD40] =	vst v63  }
0x66: {  	_ = 	snop  }
0x67: {  	[tilespmem:s28], [sflag:$0x1] =	stream.indirect.gather [hbm4b:s3+s6], $0x1, s26, s6, $0xb8;
	[tilespmem:$0xD40] =	vst v63  }
0x68: {  	_ = 	snop  }
0x69: {  	[tilespmem:s30], [sflag:$0x1] =	stream.indirect.gather [hbm4b:s3+s6], $0x1, s29, s6, $0xb8;
	[tilespmem:$0xD40] =	vst v63  }
0x6a: {  	_ =	swait.ge [sflag:s31], $0x40  }
0x6b: {  	[sflag:s31] =	ssyncset.done $0x0  }
0x6c: {  	[sflag:s31] =	ssyncadd.s32 $0xFFFFFFC0  }
0x6d: {  	_ =	swait.ge [sflag:s31], $0x40  }
0x6e: {  	[sflag:s31] =	ssyncset.done $0x0  }
0x6f: {  	[sflag:s31] =	ssyncadd.s32 $0xFFFFFFC0  }
0x70: {  	_ =	swait.ge [sflag:s31], $0x40  }
0x71: {  	[sflag:s31] =	ssyncset.done $0x0  }
0x72: {  	[sflag:s31] =	ssyncadd.s32 $0xFFFFFFC0  }
0x73: {  	_ =	swait.ge [sflag:s31], $0x40  }
0x74: {  	[sflag:s31] =	ssyncset.done $0x0  }
0x75: {  	[sflag:s31] =	ssyncadd.s32 $0xFFFFFFC0  }
0x76: {  	_ =	swait.ge [sflag:s31], $0x40  }
0x77: {  	[sflag:s31] =	ssyncset.done $0x0  }
0x78: {  	[sflag:s31] =	ssyncadd.s32 $0xFFFFFFC0  }
0x79: {  	_ =	swait.ge [sflag:s31], $0x40  }
0x7a: {  	[sflag:s31] =	ssyncset.done $0x0  }
0x7b: {  	[sflag:s31] =	ssyncadd.s32 $0xFFFFFFC0  }
0x7c: {  	_ =	swait.ge [sflag:s31], $0x40  }
0x7d: {  	[sflag:s31] =	ssyncset.done $0x0  }
0x7e: {  	[sflag:s31] =	ssyncadd.s32 $0xFFFFFFC0  }
0x7f: {  	_ =	swait.ge [sflag:s31], $0x40  }
0x80: {  	[sflag:s31] =	ssyncset.done $0x0  }
0x81: {  	[sflag:s31] =	ssyncadd.s32 $0xFFFFFFC0  }
0x82: {  	_ =	swait.ge [sflag:s31], $0x40  }
0x83: {  	[sflag:s31] =	ssyncset.done $0x0  }
0x84: {  	[sflag:s31] =	ssyncadd.s32 $0xFFFFFFC0  }
0x85: {  	_ =	swait.ge [sflag:s31], $0x40  }
0x86: {  	[sflag:s31] =	ssyncset.done $0x0  }
0x87: {  	[sflag:s31] =	ssyncadd.s32 $0xFFFFFFC0  }
0x88: {  	_ =	swait.ge [sflag:s31], $0x40  }
0x89: {  	[sflag:s31] =	ssyncset.done $0x0  }
0x8a: {  	[sflag:s31] =	ssyncadd.s32 $0xFFFFFFC0  }
0x8b: {  	_ =	swait.ge [sflag:s31], $0x40  }
0x8c: {  	[sflag:s31] =	ssyncset.done $0x0  }
0x8d: {  	[sflag:s31] =	ssyncadd.s32 $0xFFFFFFC0  }
0x8e: {  	_ =	swait.ge [sflag:s31], $0x40  }
0x8f: {  	[sflag:s31] =	ssyncset.done $0x0  }
0x90: {  	[sflag:s31] =	ssyncadd.s32 $0xFFFFFFC0  }
0x91: {  	_ =	swait.ge [sflag:s31], $0x40  }
0x92: {  	[sflag:s31] =	ssyncset.done $0x0  }
0x93: {  	[sflag:s31] =	ssyncadd.s32 $0xFFFFFFC0  }
0x94: {  	_ =	swait.ge [sflag:s31], $0x40  }
0x95: {  	[sflag:s31] =	ssyncset.done $0x0  }
0x96: {  	[sflag:s31] =	ssyncadd.s32 $0xFFFFFFC0  }
0x97: {  	_ =	swait.ge [sflag:s31], $0x40  }
0x98: {  	[sflag:s31] =	ssyncset.done $0x0  }
0x99: {  	[sflag:s31] =	ssyncadd.s32 $0xFFFFFFC0  }
0x9a: {  	_ =	swait.ge [sflag:s31], $0x40  }
0x9b: {  	[sflag:s31] =	ssyncset.done $0x0  }
0x9c: {  	[sflag:s31] =	ssyncadd.s32 $0xFFFFFFC0  }
0x9d: {  	_ =	swait.ge [sflag:s31], $0x40  }
0x9e: {  	[sflag:s31] =	ssyncset.done $0x0  }
0x9f: {  	[sflag:s31] =	ssyncadd.s32 $0xFFFFFFC0  }
0xa0: {  	_ =	swait.ge [sflag:s31], $0x40  }
0xa1: {  	[sflag:s31] =	ssyncset.done $0x0  }
0xa2: {  	[sflag:s31] =	ssyncadd.s32 $0xFFFFFFC0  }
0xa3: {  	_ =	swait.ge [sflag:s31], $0x40  }
0xa4: {  	[sflag:s31] =	ssyncset.done $0x0  }
0xa5: {  	[sflag:s31] =	ssyncadd.s32 $0xFFFFFFC0  }
0xa6: {  	_ =	swait.ge [sflag:s31], $0x40  }
0xa7: {  	[sflag:s31] =	ssyncset.done $0x0  }
0xa8: {  	[sflag:s31] =	ssyncadd.s32 $0xFFFFFFC0  }
0xa9: {  	_ =	swait.ge [sflag:s31], $0x40  }
0xaa: {  	[sflag:s31] =	ssyncset.done $0x0  }
0xab: {  	[sflag:s31] =	ssyncadd.s32 $0xFFFFFFC0  }
0xac: {  	_ =	swait.ge [sflag:s31], $0x40  }
0xad: {  	[sflag:s31] =	ssyncset.done $0x0  }
0xae: {  	[sflag:s31] =	ssyncadd.s32 $0xFFFFFFC0  }
0xaf: {  	_ =	swait.ge [sflag:s31], $0x40  }
0xb0: {  	[sflag:s31] =	ssyncset.done $0x0  }
0xb1: {  	[sflag:s31] =	ssyncadd.s32 $0xFFFFFFC0  }
0xb2: {  	_ =	swait.ge [sflag:s31], $0x40  }
0xb3: {  	[sflag:s31] =	ssyncset.done $0x0  }
0xb4: {  	[sflag:s31] =	ssyncadd.s32 $0xFFFFFFC0  }
0xb5: {  	_ =	swait.ge [sflag:s31], $0x40  }
0xb6: {  	[sflag:s31] =	ssyncset.done $0x0  }
0xb7: {  	[sflag:s31] =	ssyncadd.s32 $0xFFFFFFC0  }
0xb8: {  	v15 =	vld [tilespmem:$0x680]  }
0xb9: {  	v16 =	vld [tilespmem:$0x6C0]  }
0xba: {  	v17 =	vld [tilespmem:$0x700]  }
0xbb: {  	v18 =	vld [tilespmem:$0x740]  }
0xbc: {  	v19 =	vld [tilespmem:$0x780]  }
0xbd: {  	v20 =	vld [tilespmem:$0x7C0]  }
0xbe: {  	v21 =	vld [tilespmem:$0x800]  }
0xbf: {  	v22 =	vld [tilespmem:$0x840]  }
0xc0: {  	v23 =	vld [tilespmem:$0x880]  }
0xc1: {  	v24 =	vld [tilespmem:$0x8C0]  }
0xc2: {  	v25 =	vld [tilespmem:$0x900]  }
0xc3: {  	v26 =	vld [tilespmem:$0x940]  }
0xc4: {  	v27 =	vld [tilespmem:$0x980]  }
0xc5: {  	v28 =	vld [tilespmem:$0x9C0]  }
0xc6: {  	v29 =	vld [tilespmem:$0xA00]  }
0xc7: {  	v30 =	vld [tilespmem:$0xA40]  }
0xc8: {  	v14 =	vld [tilespmem:$0xA80]  }
0xc9: {  	v12 =	vld [tilespmem:$0xAC0]  }
0xca: {  	v10 =	vld [tilespmem:$0xB00]  }
0xcb: {  	v8 =	vld [tilespmem:$0xB40]  }
0xcc: {  	v5 =	vld [tilespmem:$0xB80]  }
0xcd: {  	v4 =	vld [tilespmem:$0xBC0]  }
0xce: {  	v3 =	vld [tilespmem:$0xC00]  }
0xcf: {  	v2 =	vld [tilespmem:$0xC40]  }
0xd0: {  	v1 =	vld [tilespmem:$0xC80]  }
0xd1: {  	v0 =	vld [tilespmem:$0xCC0]  }
0xd2: {  	v31 =	vld [tilespmem:$0x690]  }
0xd3: {  	v32 =	vld [tilespmem:$0x6D0]  }
0xd4: {  	v33 =	vld [tilespmem:$0x710]  }
0xd5: {  	v34 =	vld [tilespmem:$0x750]  }
0xd6: {  	v35 =	vld [tilespmem:$0x790]  }
0xd7: {  	v36 =	vld [tilespmem:$0x7D0]  }
0xd8: {  	v37 =	vld [tilespmem:$0x810]  }
0xd9: {  	v38 =	vld [tilespmem:$0x850]  }
0xda: {  	v39 =	vld [tilespmem:$0x890]  }
0xdb: {  	v40 =	vld [tilespmem:$0x8D0]  }
0xdc: {  	v41 =	vld [tilespmem:$0x910]  }
0xdd: {  	v42 =	vld [tilespmem:$0x950]  }
0xde: {  	v43 =	vld [tilespmem:$0x990]  }
0xdf: {  	v44 =	vld [tilespmem:$0x9D0]  }
0xe0: {  	v45 =	vld [tilespmem:$0xA10]  }
0xe1: {  	v46 =	vld [tilespmem:$0xA50]  }
0xe2: {  	v47 =	vld [tilespmem:$0xA90]  }
0xe3: {  	v48 =	vld [tilespmem:$0xAD0]  }
0xe4: {  	v49 =	vld [tilespmem:$0xB10]  }
0xe5: {  	v50 =	vld [tilespmem:$0xB50]  }
0xe6: {  	v51 =	vld [tilespmem:$0xB90]  }
0xe7: {  	v13 =	vld [tilespmem:$0xBD0]  }
0xe8: {  	v11 =	vld [tilespmem:$0xC10]  }
0xe9: {  	v9 =	vld [tilespmem:$0xC50]  }
0xea: {  	v7 =	vld [tilespmem:$0xC90]  }
0xeb: {  	v6 =	vld [tilespmem:$0xCD0]  }
0xec: {  	v52 =	vld [tilespmem:$0x6A0]  }
0xed: {  	v53 =	vld [tilespmem:$0x6E0]  }
0xee: {  	v54 =	vld [tilespmem:$0x6B0]  }
0xef: {  	v55 =	vld [tilespmem:$0x6F0]  }
0xf0: {  	v56 =	vld [tilespmem:$0x720]  }
0xf1: {  	v61 =	vld [tilespmem:$0x730];
	v15 =	vadd.f32 v16, v15  }
0xf2: {  	v62 =	vld [tilespmem:$0x760];
	v31 =	vadd.f32 v32, v31  }
0xf3: {  	v57 =	vld [tilespmem:$0x770];
	v63 =	vadd.f32 v53, v52;
	v15 =	vadd.f32 v17, v15  }
0xf4: {  	v59 =	vld [tilespmem:$0x7A0];
	v58 =	vadd.f32 v55, v54;
	v31 =	vadd.f32 v33, v31  }
0xf5: {  	v60 =	vld [tilespmem:$0x7B0];
	v17 =	vadd.f32 v56, v63;
	v15 =	vadd.f32 v18, v15  }
0xf6: {  	v16 =	vadd.f32 v61, v58;
	v61 =	vld [tilespmem:$0x7E0];
	v31 =	vadd.f32 v34, v31  }
0xf7: {  	v17 =	vadd.f32 v62, v17;
	v62 =	vld [tilespmem:$0x7F0];
	v15 =	vadd.f32 v19, v15  }
0xf8: {  	v63 =	vld [tilespmem:$0x820];
	v16 =	vadd.f32 v57, v16;
	v31 =	vadd.f32 v35, v31  }
0xf9: {  	v34 =	vld [tilespmem:$0x830];
	v17 =	vadd.f32 v59, v17;
	v15 =	vadd.f32 v20, v15  }
0xfa: {  	v16 =	vadd.f32 v60, v16;
	v35 =	vld [tilespmem:$0x860];
	v31 =	vadd.f32 v36, v31  }
0xfb: {  	v17 =	vadd.f32 v61, v17;
	v36 =	vld [tilespmem:$0x870];
	v15 =	vadd.f32 v21, v15  }
0xfc: {  	v52 =	vld [tilespmem:$0x8A0];
	v16 =	vadd.f32 v62, v16;
	v31 =	vadd.f32 v37, v31  }
0xfd: {  	v53 =	vld [tilespmem:$0x8B0];
	v17 =	vadd.f32 v63, v17;
	v15 =	vadd.f32 v22, v15  }
0xfe: {  	v54 =	vld [tilespmem:$0x8E0];
	v16 =	vadd.f32 v34, v16;
	v31 =	vadd.f32 v38, v31  }
0xff: {  	v55 =	vld [tilespmem:$0x8F0];
	v17 =	vadd.f32 v35, v17;
	v15 =	vadd.f32 v23, v15  }
0x100: {  	v57 =	vld [tilespmem:$0x920];
	v16 =	vadd.f32 v36, v16;
	v56 =	vadd.f32 v39, v31  }
0x101: {  	v58 =	vld [tilespmem:$0x930];
	v17 =	vadd.f32 v52, v17;
	v15 =	vadd.f32 v24, v15  }
0x102: {  	v59 =	vld [tilespmem:$0x960];
	v16 =	vadd.f32 v53, v16;
	v23 =	vadd.f32 v40, v56  }
0x103: {  	v60 =	vld [tilespmem:$0x970];
	v17 =	vadd.f32 v54, v17;
	v15 =	vadd.f32 v25, v15  }
0x104: {  	v61 =	vld [tilespmem:$0x9A0];
	v16 =	vadd.f32 v55, v16;
	v23 =	vadd.f32 v41, v23  }
0x105: {  	v62 =	vld [tilespmem:$0x9B0];
	v17 =	vadd.f32 v57, v17;
	v15 =	vadd.f32 v26, v15  }
0x106: {  	v63 =	vld [tilespmem:$0x9E0];
	v16 =	vadd.f32 v58, v16;
	v23 =	vadd.f32 v42, v23  }
0x107: {  	v24 =	vld [tilespmem:$0x9F0];
	v17 =	vadd.f32 v59, v17;
	v15 =	vadd.f32 v27, v15  }
0x108: {  	v25 =	vld [tilespmem:$0xA20];
	v16 =	vadd.f32 v60, v16;
	v23 =	vadd.f32 v43, v23  }
0x109: {  	v26 =	vld [tilespmem:$0xA30];
	v17 =	vadd.f32 v61, v17;
	v15 =	vadd.f32 v28, v15  }
0x10a: {  	v27 =	vld [tilespmem:$0xA60];
	v16 =	vadd.f32 v62, v16;
	v23 =	vadd.f32 v44, v23  }
0x10b: {  	v17 =	vadd.f32 v63, v17;
	v28 =	vld [tilespmem:$0xA70];
	v15 =	vadd.f32 v29, v15  }
0x10c: {  	v16 =	vadd.f32 v24, v16;
	v23 =	vadd.f32 v45, v23;
	v29 =	vld [tilespmem:$0xAA0]  }
0x10d: {  	v17 =	vadd.f32 v25, v17;
	v15 =	vadd.f32 v30, v15;
	v30 =	vld [tilespmem:$0xAB0]  }
0x10e: {  	v31 =	vld [tilespmem:$0xAE0];
	v16 =	vadd.f32 v26, v16;
	v23 =	vadd.f32 v46, v23  }
0x10f: {  	v33 =	vld [tilespmem:$0xAF0];
	v32 =	vadd.f32 v27, v17;
	v14 =	vadd.f32 v14, v15  }
0x110: {  	v35 =	vld [tilespmem:$0xB20];
	v16 =	vadd.f32 v28, v16;
	v34 =	vadd.f32 v47, v23  }
0x111: {  	v37 =	vld [tilespmem:$0xB30];
	v36 =	vadd.f32 v29, v32;
	v12 =	vadd.f32 v12, v14  }
0x112: {  	v38 =	vld [tilespmem:$0xB60];
	v21 =	vadd.f32 v48, v34;
	v16 =	vadd.f32 v30, v16  }
0x113: {  	v40 =	vld [tilespmem:$0xB70];
	v39 =	vadd.f32 v31, v36;
	v10 =	vadd.f32 v10, v12  }
0x114: {  	v42 =	vld [tilespmem:$0xBA0];
	v41 =	vadd.f32 v49, v21;
	v16 =	vadd.f32 v33, v16  }
0x115: {  	v44 =	vld [tilespmem:$0xBB0];
	v43 =	vadd.f32 v35, v39;
	v8 =	vadd.f32 v8, v10  }
0x116: {  	v45 =	vld [tilespmem:$0xBE0];
	v18 =	vadd.f32 v50, v41;
	v15 =	vadd.f32 v37, v16  }
0x117: {  	v47 =	vld [tilespmem:$0xBF0];
	v46 =	vadd.f32 v38, v43;
	v5 =	vadd.f32 v5, v8  }
0x118: {  	v48 =	vld [tilespmem:$0xC20];
	v18 =	vadd.f32 v51, v18;
	v14 =	vadd.f32 v40, v15  }
0x119: {  	v50 =	vld [tilespmem:$0xC30];
	v49 =	vadd.f32 v42, v46;
	v4 =	vadd.f32 v4, v5  }
0x11a: {  	v51 =	vld [tilespmem:$0xC60];
	v13 =	vadd.f32 v13, v18;
	v12 =	vadd.f32 v44, v14  }
0x11b: {  	v53 =	vld [tilespmem:$0xC70];
	v52 =	vadd.f32 v45, v49;
	v3 =	vadd.f32 v3, v4  }
0x11c: {  	v54 =	vld [tilespmem:$0xCA0];
	v11 =	vadd.f32 v11, v13;
	v10 =	vadd.f32 v47, v12  }
0x11d: {  	v56 =	vld [tilespmem:$0xCB0];
	v55 =	vadd.f32 v48, v52;
	v2 =	vadd.f32 v2, v3  }
0x11e: {  	v57 =	vld [tilespmem:$0xCE0];
	v9 =	vadd.f32 v9, v11;
	v8 =	vadd.f32 v50, v10  }
0x11f: {  	v59 =	vld [tilespmem:$0xCF0];
	v58 =	vadd.f32 v51, v55;
	v1 =	vadd.f32 v1, v2  }
0x120: {  	v7 =	vadd.f32 v7, v9;
	v5 =	vadd.f32 v53, v8  }
0x121: {  	v60 =	vadd.f32 v54, v58;
	v0 =	vadd.f32 v0, v1  }
0x122: {  	v61 =	vadd.f32 v6, v7;
	v4 =	vadd.f32 v56, v5  }
0x123: {  	v62 =	vadd.f32 v57, v60;
	[tilespmem:$0xD00] =	vst v0  }
0x124: {  	[tilespmem:$0xD10] =	vst v61;
	v63 =	vadd.f32 v59, v4  }
0x125: {  	p0 =	sne.s32 s4, $0x1;
	[tilespmem:$0xD20] =	vst v62  }
.Ltmp0:
0x126: {  	s9 =	rddreg [dreg:$0x3];
	[tilespmem:$0xD30] =	vst v63;
	(pc) =	sbr.rel @p0 .LBB2_1-.Ltmp0, $4  }
0x127: {  	[hbm4b:s9+s2] =	stream.linear.scatter [tilespmem:s1], [sflag:$0x2], $0x40, $0x38;
	[tilespmem:$0xD40] =	vst v63  }
0x128: {  	_ =	swait.ge [sflag:s5], $0x40  }
0x129: {  	[sflag:s5] =	ssyncset.done $0x0  }
0x12a: {  	s4 =	sadd.s32 $0xFFFFFFFF, s4;
	[sflag:s5] =	ssyncadd.s32 $0xFFFFFFC0  }
0x12b: {  	_ =	sfence.sel $0x180000  }
0x12c: {  	[bflag:$0x0] =	sbarrier.arrive $0xFFFF  }
0x12d: {  	_ =	strace $0x9000004A  }
0x12e: {  	s0 =	stileid.u32;
	[bflag:$0x2] =	sbarrier.arrive $0xFFFF  }
0x12f: {  	p0 =	sne.s32 s0, $0x0;
	s0 =	rddreg [dreg:$0x1]  }
0x130: {  	s0 =	sadd.s32 @!p0 $0x100000, s0  }
0x131: {  	[sflag:s0] =	ssyncadd.tile.s32 @!p0 $0x1;
	_ =	shalt  }
.Lfunc_end2:
_tile_overlayer_lowered:
.L_overlay_start_2:
0x132: {  	(tag) =	ssettag $0x2  }
0x133: {  	s0 =	rddreg [dreg:$0x0];
	s2 =	stileid.u32  }
0x134: {  	s1 =	rddreg [dreg:$0x1];
	p0 =	sne.s32 s2, $0x0  }
0x135: {  	s3 =	rddreg [dreg:$0x2];
	[bflag:$0x3] =	sbarrier.arrive $0xFFFF;
	s2 =	simm.s32 @!p0 $0x1C02  }
0x136: {  	[timem:s3], [sflag:s2] =	dma.local @!p0 [hbm:s0], s1  }
0x137: {  	s0 =	simm.s32 @!p0 $0x2  }
0x138: {  	_ =	swait.ge @!p0 [sflag:s0], s1  }
0x139: {  	s1 =	ssub.s32 @!p0 $0x0, s1;
	[sflag:s0] =	ssyncset.done @!p0 $0x0  }
0x13a: {  	[sflag:s0] =	ssyncadd.s32 @!p0 s1  }
0x13b: {  	[bflag:$0x3] =	sbarrier.arrive $0xFFFF  }
0x13c: {  	_ =	shalt  }

</sc_bundles>
